<compile_context>
chip_gen: v7x
topology: tpu7x:2x2x1
jax: 0.10.2.dev20260603
libtpu: 0.0.44.dev20260713+nightly
codegen_flags: <defaults>
</compile_context>

<pallas_src>
import math

import jax
import jax.numpy as jnp
from jax import lax
from jax.experimental import pallas as pl
from jax.experimental.pallas import tpu as pltpu
from jax.experimental.pallas import tpu_sc as plsc

N_NODES = 10000
N_EDGES = 320000
D = 128
BN_EPS = 1e-5

NC = 2
NS = 16
NW = NC * NS
EPW = N_EDGES // NW
CH = 40
NCHUNK = EPW // CH
NBUF = 5
ROUNDS = NCHUNK // NBUF
CNT_W = 128
STRIPE = 624
TAIL = N_NODES - NS * STRIPE

_BN_SCALE = 1.0 / math.sqrt(1.0 + BN_EPS)


def _mesh():
    return plsc.VectorSubcoreMesh(core_axis_name="c", subcore_axis_name="s",
                                  num_cores=NC, num_subcores=NS)


def _make_sc_seg():

    def body(y_hbm, src_hbm, dst_hbm, zrow_hbm, seg_out, acc, *bufs):
        rows = bufs[:NBUF]
        si = (bufs[NBUF:2 * NBUF], bufs[2 * NBUF:3 * NBUF])
        di = (bufs[3 * NBUF:4 * NBUF], bufs[4 * NBUF:5 * NBUF])
        gsem = bufs[5 * NBUF:6 * NBUF]
        ssem = bufs[6 * NBUF:7 * NBUF]
        isem = (bufs[7 * NBUF:8 * NBUF], bufs[8 * NBUF:9 * NBUF])
        c = lax.axis_index("c")
        s = lax.axis_index("s")
        w = s * NC + c

        base = s * STRIPE
        pltpu.sync_copy(zrow_hbm.at[pl.ds(base, STRIPE)],
                        acc.at[pl.ds(base, STRIPE)])

        @pl.when(s == NS - 1)
        def _():
            pltpu.sync_copy(zrow_hbm.at[pl.ds(NS * STRIPE, TAIL)],
                            acc.at[pl.ds(NS * STRIPE, TAIL)])

        plsc.subcore_barrier()

        def istart(k, b, q):
            pltpu.async_copy(src_hbm.at[w, k], si[q][b], isem[q][b])
            pltpu.async_copy(dst_hbm.at[w, k], di[q][b], isem[q][b])

        def iwait(b, q):
            pltpu.make_async_copy(src_hbm.at[w, 0], si[q][b],
                                  isem[q][b]).wait()
            pltpu.make_async_copy(dst_hbm.at[w, 0], di[q][b],
                                  isem[q][b]).wait()

        def gstart(b, q):
            pltpu.async_copy(y_hbm.at[si[q][b]], rows[b], gsem[b])

        def gwait(b, q):
            pltpu.make_async_copy(y_hbm.at[si[q][b]], rows[b],
                                  gsem[b]).wait()

        def sstart(b, q):
            pltpu.async_copy(rows[b], acc.at[di[q][b]], ssem[b], add=True)

        def swait(b, q):
            pltpu.make_async_copy(rows[b], acc.at[di[q][b]],
                                  ssem[b]).wait()

        for b in range(NBUF):
            istart(b, b, 0)
        for b in range(NBUF):
            istart(NBUF + b, b, 1)
        for b in range(NBUF):
            iwait(b, 0)
            gstart(b, 0)

        def do_round(r, p):
            for b in range(NBUF):
                gwait(b, p)
                sstart(b, p)
            for b in range(NBUF):
                swait(b, p)

                @pl.when(r < ROUNDS - 2)
                def _(b=b, p=p, r=r):
                    istart(r * NBUF + 2 * NBUF + b, b, p)

                @pl.when(r < ROUNDS - 1)
                def _(b=b, p=p):
                    iwait(b, 1 - p)
                    gstart(b, 1 - p)

        def pair_body(t, carry):
            do_round(2 * t, 0)
            do_round(2 * t + 1, 1)
            return carry

        lax.fori_loop(0, ROUNDS // 2, pair_body, 0)

        plsc.subcore_barrier()

        pltpu.sync_copy(acc.at[pl.ds(base, STRIPE)],
                        seg_out.at[c, pl.ds(base, STRIPE)])

        @pl.when(s == NS - 1)
        def _():
            pltpu.sync_copy(acc.at[pl.ds(NS * STRIPE, TAIL)],
                            seg_out.at[c, pl.ds(NS * STRIPE, TAIL)])

    return pl.kernel(
        body,
        out_type=jax.ShapeDtypeStruct((NC, N_NODES, D), jnp.float32),
        mesh=_mesh(),
        scratch_types=(
            [pltpu.VMEM_SHARED((N_NODES, D), jnp.float32)]
            + [pltpu.VMEM((CH, D), jnp.float32)] * NBUF
            + [pltpu.VMEM((CH,), jnp.int32)] * (2 * NBUF)
            + [pltpu.VMEM((CH,), jnp.int32)] * (2 * NBUF)
            + [pltpu.SemaphoreType.DMA] * (4 * NBUF)
        ),
    )


def _make_sc_cnt():

    def body(dst_hbm, zrow_hbm, ones_hbm, cnt_out, acc, ones_v, *bufs):
        di = bufs[:NBUF]
        isem = bufs[NBUF:2 * NBUF]
        ssem = bufs[2 * NBUF:3 * NBUF]
        c = lax.axis_index("c")
        s = lax.axis_index("s")
        w = s * NC + c
        base = s * STRIPE

        pltpu.sync_copy(zrow_hbm.at[pl.ds(base, STRIPE)],
                        acc.at[pl.ds(base, STRIPE)])

        @pl.when(s == NS - 1)
        def _():
            pltpu.sync_copy(zrow_hbm.at[pl.ds(NS * STRIPE, TAIL)],
                            acc.at[pl.ds(NS * STRIPE, TAIL)])

        pltpu.sync_copy(ones_hbm, ones_v)
        plsc.subcore_barrier()

        def istart(k, b):
            pltpu.async_copy(dst_hbm.at[w, k], di[b], isem[b])

        def iwait(b):
            pltpu.make_async_copy(dst_hbm.at[w, 0], di[b], isem[b]).wait()

        def sstart(b):
            pltpu.async_copy(ones_v, acc.at[di[b]], ssem[b], add=True)

        def swait(b):
            pltpu.make_async_copy(ones_v, acc.at[di[b]], ssem[b]).wait()

        for b in range(NBUF):
            istart(b, b)

        def do_round(r, carry):
            for b in range(NBUF):
                iwait(b)
                sstart(b)
            for b in range(NBUF):
                swait(b)

                @pl.when(r < ROUNDS - 1)
                def _(b=b, r=r):
                    istart((r + 1) * NBUF + b, b)

            return carry

        lax.fori_loop(0, ROUNDS, do_round, 0)

        plsc.subcore_barrier()

        pltpu.sync_copy(acc.at[pl.ds(base, STRIPE)],
                        cnt_out.at[c, pl.ds(base, STRIPE)])

        @pl.when(s == NS - 1)
        def _():
            pltpu.sync_copy(acc.at[pl.ds(NS * STRIPE, TAIL)],
                            cnt_out.at[c, pl.ds(NS * STRIPE, TAIL)])

    return pl.kernel(
        body,
        out_type=jax.ShapeDtypeStruct((NC, N_NODES, CNT_W), jnp.float32),
        mesh=_mesh(),
        scratch_types=(
            [
                pltpu.VMEM_SHARED((N_NODES, CNT_W), jnp.float32),
                pltpu.VMEM((CH, CNT_W), jnp.float32),
            ]
            + [pltpu.VMEM((CH,), jnp.int32)] * NBUF
            + [pltpu.SemaphoreType.DMA] * (2 * NBUF)
        ),
    )


_SC_CACHE = {}


def _sc_kernel(name):
    if name not in _SC_CACHE:
        _SC_CACHE[name] = _make_sc_seg() if name == "seg" else _make_sc_cnt()
    return _SC_CACHE[name]


_BM = 1000
_GRID = (N_NODES // _BM,)
_DOT = (((1,), (1,)), ((), ()))


def _row_spec(i):
    return (i, 0)


def _const_spec(i):
    return (0, 0)


def _plane_spec(i):
    return (0, i, 0)


def _dense1(x, W1l, W1r, b1l_row):
    def body(x_ref, wl_ref, wr_ref, b_ref, y_ref, z_ref):
        xb = x_ref[...]
        y_ref[...] = lax.dot_general(xb, wl_ref[...], _DOT,
                                     preferred_element_type=jnp.float32)
        z_ref[...] = lax.dot_general(xb, wr_ref[...], _DOT,
                                     preferred_element_type=jnp.float32) + b_ref[...]

    return pl.pallas_call(
        body,
        grid=_GRID,
        in_specs=[
            pl.BlockSpec((_BM, D), _row_spec),
            pl.BlockSpec((D, D), _const_spec),
            pl.BlockSpec((D, D), _const_spec),
            pl.BlockSpec((1, D), _const_spec),
        ],
        out_specs=[pl.BlockSpec((_BM, D), _row_spec)] * 2,
        out_shape=[jax.ShapeDtypeStruct((N_NODES, D), jnp.float32)] * 2,
    )(x, W1l, W1r, b1l_row)


def _dense2(seg1, cntp, z1, gamma_row, beta_row, W2l, W2r, b2l_row):
    def body(seg_ref, cnt_ref, z1_ref, g_ref, be_ref, wl_ref, wr_ref, b2_ref,
             y2_ref, z2_ref):
        cnt = cnt_ref[0] + cnt_ref[1]
        mean = (seg_ref[0] + seg_ref[1]) / jnp.clip(cnt, 1.0, None)
        h = (mean + z1_ref[...]) * (g_ref[...] * _BN_SCALE) + be_ref[...]
        h = jnp.maximum(h, 0.0)
        y2_ref[...] = lax.dot_general(h, wl_ref[...], _DOT,
                                      preferred_element_type=jnp.float32)
        z2_ref[...] = lax.dot_general(h, wr_ref[...], _DOT,
                                      preferred_element_type=jnp.float32) + b2_ref[...]

    return pl.pallas_call(
        body,
        grid=_GRID,
        in_specs=[
            pl.BlockSpec((NC, _BM, D), _plane_spec),
            pl.BlockSpec((NC, _BM, 1), _plane_spec),
            pl.BlockSpec((_BM, D), _row_spec),
            pl.BlockSpec((1, D), _const_spec),
            pl.BlockSpec((1, D), _const_spec),
            pl.BlockSpec((D, D), _const_spec),
            pl.BlockSpec((D, D), _const_spec),
            pl.BlockSpec((1, D), _const_spec),
        ],
        out_specs=[
            pl.BlockSpec((_BM, D), _row_spec),
            pl.BlockSpec((_BM, D), _row_spec),
        ],
        out_shape=[
            jax.ShapeDtypeStruct((N_NODES, D), jnp.float32),
            jax.ShapeDtypeStruct((N_NODES, D), jnp.float32),
        ],
    )(seg1, cntp, z1, gamma_row, beta_row, W2l, W2r, b2l_row)


def _dense3(seg2, z2, cntp):
    def body(seg_ref, z2_ref, cnt_ref, o_ref):
        cnt = cnt_ref[0] + cnt_ref[1]
        out = (seg_ref[0] + seg_ref[1]) / jnp.clip(cnt, 1.0, None) + z2_ref[...]
        m = jnp.max(out, axis=1, keepdims=True)
        e = jnp.exp(out - m)
        lse = jnp.log(jnp.sum(e, axis=1, keepdims=True)) + m
        o_ref[...] = out - lse

    return pl.pallas_call(
        body,
        grid=_GRID,
        in_specs=[
            pl.BlockSpec((NC, _BM, D), _plane_spec),
            pl.BlockSpec((_BM, D), _row_spec),
            pl.BlockSpec((NC, _BM, 1), _plane_spec),
        ],
        out_specs=pl.BlockSpec((_BM, D), _row_spec),
        out_shape=jax.ShapeDtypeStruct((N_NODES, D), jnp.float32),
    )(seg2, z2, cntp)


def kernel(x, edge_index, W1l, b1l, W1r, gamma1, beta1, W2l, b2l, W2r):
    src = edge_index[0].reshape(NW, NCHUNK, CH)
    dst = edge_index[1].reshape(NW, NCHUNK, CH)
    zrow = jnp.zeros((N_NODES, D), jnp.float32)
    zcnt = jnp.zeros((N_NODES, CNT_W), jnp.float32)
    ones_ch = jnp.ones((CH, CNT_W), jnp.float32)

    cntp = _sc_kernel("cnt")(dst, zcnt, ones_ch)
    y1, z1 = _dense1(x, W1l, W1r, b1l.reshape(1, D))
    cnt_bc = cntp[:, :, :1]
    seg1 = _sc_kernel("seg")(y1, src, dst, zrow)
    y2, z2 = _dense2(seg1, cnt_bc, z1, gamma1.reshape(1, D),
                     beta1.reshape(1, D), W2l, W2r, b2l.reshape(1, D))
    seg2 = _sc_kernel("seg")(y2, src, dst, zrow)
    return _dense3(seg2, z2, cnt_bc)

# --- scband reference (transcript-rebuilt; emitter-appended) ---
"""Pipeline reference for scband-graph-sage-90958817394763 (READ-ONLY COPY).

The authoritative reference and input builder live on the scoring server;
editing this copy changes nothing except your own understanding.
"""

import jax, jax.numpy as jnp
import numpy as np

N_NODES = 10000
N_EDGES = 320000
D_IN = 128
D_H = 128
D_OUT = 128
BN_EPS = 1e-5


def setup_inputs(seed: int = 0) -> dict:
    key = jax.random.key(seed)
    ks = jax.random.split(key, 10)
    x = jax.random.normal(ks[0], (N_NODES, D_IN), dtype=jnp.float32)
    edge_index = jax.random.randint(ks[1], (2, N_EDGES), 0, N_NODES, dtype=jnp.int32)
    s = 1.0 / np.sqrt(D_IN)
    W1l = jax.random.uniform(ks[2], (D_H, D_IN), dtype=jnp.float32, minval=-s, maxval=s)
    b1l = jnp.zeros((D_H,), dtype=jnp.float32)
    W1r = jax.random.uniform(ks[3], (D_H, D_IN), dtype=jnp.float32, minval=-s, maxval=s)
    gamma1 = jnp.ones((D_H,), dtype=jnp.float32)
    beta1 = jnp.zeros((D_H,), dtype=jnp.float32)
    s2 = 1.0 / np.sqrt(D_H)
    W2l = jax.random.uniform(ks[4], (D_OUT, D_H), dtype=jnp.float32, minval=-s2, maxval=s2)
    b2l = jnp.zeros((D_OUT,), dtype=jnp.float32)
    W2r = jax.random.uniform(ks[5], (D_OUT, D_H), dtype=jnp.float32, minval=-s2, maxval=s2)
    return {"x": x, "edge_index": edge_index, "W1l": W1l, "b1l": b1l, "W1r": W1r,
            "gamma1": gamma1, "beta1": beta1, "W2l": W2l, "b2l": b2l, "W2r": W2r}


def _sage_conv(x, src, dst, Wl, bl, Wr):
    # SAGEConv (mean aggr): out = lin_l(mean_{j in N(i)} x_j) + lin_r(x_i)
    msg = x[src]
    summed = jax.ops.segment_sum(msg, dst, num_segments=N_NODES)
    cnt = jax.ops.segment_sum(jnp.ones((src.shape[0],), dtype=x.dtype), dst, num_segments=N_NODES)
    mean = summed / jnp.clip(cnt, 1.0, None)[:, None]
    return mean @ Wl.T + bl + x @ Wr.T


def reference(x, edge_index, W1l, b1l, W1r, gamma1, beta1, W2l, b2l, W2r):
    src = edge_index[0]
    dst = edge_index[1]
    h = _sage_conv(x, src, dst, W1l, b1l, W1r)
    # BatchNorm1d in eval mode with fresh running stats (mean=0, var=1)
    h = gamma1 * (h - 0.0) / jnp.sqrt(1.0 + BN_EPS) + beta1
    h = jax.nn.relu(h)
    # dropout is identity in eval mode
    out = _sage_conv(h, src, dst, W2l, b2l, W2r)
    return jax.nn.log_softmax(out, axis=-1)

if __name__ == "__main__":
    import jax
    _d = setup_inputs()
    print(jax.jit(kernel)(*tuple(_d.values())))

</pallas_src>

<mosaic_0001>
#map = affine_map<(d0, d1) -> (0, 0, 0)>
#map1 = affine_map<(d0, d1) -> (0, 0)>
module attributes {stable_mosaic.version = 14 : i64} {
  func.func @body(%arg0: i32, %arg1: i32, %arg2: memref<32x250x40xi32, #tpu.memory_space<hbm>>, %arg3: memref<10000x128xf32, #tpu.memory_space<hbm>>, %arg4: memref<40x128xf32, #tpu.memory_space<hbm>>, %arg5: memref<2x10000x128xf32, #tpu.memory_space<hbm>>, %arg6: memref<10000x128xf32, #tpu.memory_space<vmem_shared>>, %arg7: memref<40x128xf32, #tpu.memory_space<vmem>>, %arg8: memref<40xi32, #tpu.memory_space<vmem>>, %arg9: memref<40xi32, #tpu.memory_space<vmem>>, %arg10: memref<40xi32, #tpu.memory_space<vmem>>, %arg11: memref<40xi32, #tpu.memory_space<vmem>>, %arg12: memref<40xi32, #tpu.memory_space<vmem>>, %arg13: memref<!tpu.dma_semaphore, #tpu.memory_space<semaphore_mem>>, %arg14: memref<!tpu.dma_semaphore, #tpu.memory_space<semaphore_mem>>, %arg15: memref<!tpu.dma_semaphore, #tpu.memory_space<semaphore_mem>>, %arg16: memref<!tpu.dma_semaphore, #tpu.memory_space<semaphore_mem>>, %arg17: memref<!tpu.dma_semaphore, #tpu.memory_space<semaphore_mem>>, %arg18: memref<!tpu.dma_semaphore, #tpu.memory_space<semaphore_mem>>, %arg19: memref<!tpu.dma_semaphore, #tpu.memory_space<semaphore_mem>>, %arg20: memref<!tpu.dma_semaphore, #tpu.memory_space<semaphore_mem>>, %arg21: memref<!tpu.dma_semaphore, #tpu.memory_space<semaphore_mem>>, %arg22: memref<!tpu.dma_semaphore, #tpu.memory_space<semaphore_mem>>) attributes {dimension_semantics = [#tpu.dimension_semantics<core_parallel>, #tpu.dimension_semantics<subcore_parallel>], iteration_bounds = array<i64: 2, 16>, scalar_prefetch = 0 : i64, scratch_operands = 17 : i64, tpu.core_type = #tpu.core_type<sc_vector_subcore>, window_params = [{transform_indices = #map}, {transform_indices = #map1}, {transform_indices = #map1}, {transform_indices = #map}]} {
    %mul3A = arith.constant 2 : i32
    %mul3A_0 = arith.muli %arg1, %mul3A : i32
    %add3A = arith.addi %mul3A_0, %arg0 : i32
    %mul3A_1 = arith.constant 624 : i32
    %mul3A_2 = arith.muli %arg1, %mul3A_1 : i32
    "tpu.region"() ({
      %run_scoped3A = tpu.sem_alloc : memref<!tpu.dma_semaphore, #tpu.memory_space<semaphore_mem>>
      %dma_start3A_50 = arith.constant 0 : i32
      %dma_start3A_51 = tpu.memref_slice %arg6[%mul3A_2, %dma_start3A_50] : memref<10000x128xf32, #tpu.memory_space<vmem_shared>> -> memref<624x128xf32, #tpu.memory_space<vmem_shared>>
      %dma_start3A_52 = arith.constant 0 : i32
      %dma_start3A_53 = tpu.memref_slice %arg3[%mul3A_2, %dma_start3A_52] : memref<10000x128xf32, #tpu.memory_space<hbm>> -> memref<624x128xf32, #tpu.memory_space<hbm>>
      tpu.enqueue_dma source(%dma_start3A_53 : memref<624x128xf32, #tpu.memory_space<hbm>>) target(%dma_start3A_51 : memref<624x128xf32, #tpu.memory_space<vmem_shared>>) target_semaphore(%run_scoped3A : memref<!tpu.dma_semaphore, #tpu.memory_space<semaphore_mem>>)
      %dma_wait3A = arith.constant 0 : i32
      %dma_wait3A_54 = tpu.memref_slice %arg6[%mul3A_2, %dma_wait3A] : memref<10000x128xf32, #tpu.memory_space<vmem_shared>> -> memref<624x128xf32, #tpu.memory_space<vmem_shared>>
      %dma_wait3A_55 = arith.constant 0 : i32
      %dma_wait3A_56 = tpu.memref_slice %arg3[%mul3A_2, %dma_wait3A_55] : memref<10000x128xf32, #tpu.memory_space<hbm>> -> memref<624x128xf32, #tpu.memory_space<hbm>>
      tpu.wait_dma2 semaphore(%run_scoped3A : memref<!tpu.dma_semaphore, #tpu.memory_space<semaphore_mem>>) src(%dma_wait3A_56 : memref<624x128xf32, #tpu.memory_space<hbm>>) dst(%dma_wait3A_54 : memref<624x128xf32, #tpu.memory_space<vmem_shared>>)
      tpu.yield
    }) : () -> ()
    %eq3A = arith.constant 15 : i32
    %eq3A_3 = arith.cmpi eq, %arg1, %eq3A : i32
    %convert_element_type3A = arith.extui %eq3A_3 : i1 to i32
    %cond3A = arith.constant 0 : i32
    %cond3A_4 = arith.cmpi ne, %convert_element_type3A, %cond3A : i32
    scf.if %cond3A_4 {
      "tpu.region"() ({
        %run_scoped3A = tpu.sem_alloc : memref<!tpu.dma_semaphore, #tpu.memory_space<semaphore_mem>>
        %dma_start3A_50 = arith.constant 9984 : i32
        %dma_start3A_51 = arith.constant 0 : i32
        %dma_start3A_52 = tpu.memref_slice %arg6[%dma_start3A_50, %dma_start3A_51] : memref<10000x128xf32, #tpu.memory_space<vmem_shared>> -> memref<16x128xf32, #tpu.memory_space<vmem_shared>>
        %dma_start3A_53 = arith.constant 9984 : i32
        %dma_start3A_54 = arith.constant 0 : i32
        %dma_start3A_55 = tpu.memref_slice %arg3[%dma_start3A_53, %dma_start3A_54] : memref<10000x128xf32, #tpu.memory_space<hbm>> -> memref<16x128xf32, #tpu.memory_space<hbm>>
        tpu.enqueue_dma source(%dma_start3A_55 : memref<16x128xf32, #tpu.memory_space<hbm>>) target(%dma_start3A_52 : memref<16x128xf32, #tpu.memory_space<vmem_shared>>) target_semaphore(%run_scoped3A : memref<!tpu.dma_semaphore, #tpu.memory_space<semaphore_mem>>)
        %dma_wait3A = arith.constant 9984 : i32
        %dma_wait3A_56 = arith.constant 0 : i32
        %dma_wait3A_57 = tpu.memref_slice %arg6[%dma_wait3A, %dma_wait3A_56] : memref<10000x128xf32, #tpu.memory_space<vmem_shared>> -> memref<16x128xf32, #tpu.memory_space<vmem_shared>>
        %dma_wait3A_58 = arith.constant 9984 : i32
        %dma_wait3A_59 = arith.constant 0 : i32
        %dma_wait3A_60 = tpu.memref_slice %arg3[%dma_wait3A_58, %dma_wait3A_59] : memref<10000x128xf32, #tpu.memory_space<hbm>> -> memref<16x128xf32, #tpu.memory_space<hbm>>
        tpu.wait_dma2 semaphore(%run_scoped3A : memref<!tpu.dma_semaphore, #tpu.memory_space<semaphore_mem>>) src(%dma_wait3A_60 : memref<16x128xf32, #tpu.memory_space<hbm>>) dst(%dma_wait3A_57 : memref<16x128xf32, #tpu.memory_space<vmem_shared>>)
        tpu.yield
      }) : () -> ()
    } else {
    }
    "tpu.region"() ({
      %run_scoped3A = tpu.sem_alloc : memref<!tpu.dma_semaphore, #tpu.memory_space<semaphore_mem>>
      tpu.enqueue_dma source(%arg4 : memref<40x128xf32, #tpu.memory_space<hbm>>) target(%arg7 : memref<40x128xf32, #tpu.memory_space<vmem>>) target_semaphore(%run_scoped3A : memref<!tpu.dma_semaphore, #tpu.memory_space<semaphore_mem>>)
      tpu.wait_dma2 semaphore(%run_scoped3A : memref<!tpu.dma_semaphore, #tpu.memory_space<semaphore_mem>>) src(%arg4 : memref<40x128xf32, #tpu.memory_space<hbm>>) dst(%arg7 : memref<40x128xf32, #tpu.memory_space<vmem>>)
      tpu.yield
    }) : () -> ()
    %barrier3A = arith.constant 0 : index
    tpu.barrier barrier_id(%barrier3A)
    %dma_start3A = arith.constant 0 : i32
    %dma_start3A_5 = arith.constant 0 : i32
    %dma_start3A_6 = tpu.memref_slice %arg2[%add3A, %dma_start3A, %dma_start3A_5] : memref<32x250x40xi32, #tpu.memory_space<hbm>> -> memref<1x1x40xi32, #tpu.memory_space<hbm>>
    %dma_start3A_7 = tpu.memref_squeeze %dma_start3A_6 : memref<1x1x40xi32, #tpu.memory_space<hbm>> -> memref<40xi32, #tpu.memory_space<hbm>>
    %dma_start3A_8 = arith.constant 0 : i32
    %dma_start3A_9 = tpu.memref_slice %arg2[%add3A, %dma_start3A, %dma_start3A_8] : memref<32x250x40xi32, #tpu.memory_space<hbm>> -> memref<1x1x40xi32, #tpu.memory_space<hbm>>
    %dma_start3A_10 = tpu.memref_squeeze %dma_start3A_9 : memref<1x1x40xi32, #tpu.memory_space<hbm>> -> memref<40xi32, #tpu.memory_space<hbm>>
    tpu.enqueue_dma source(%dma_start3A_10 : memref<40xi32, #tpu.memory_space<hbm>>) target(%arg8 : memref<40xi32, #tpu.memory_space<vmem>>) target_semaphore(%arg13 : memref<!tpu.dma_semaphore, #tpu.memory_space<semaphore_mem>>)
    %dma_start3A_11 = arith.constant 1 : i32
    %dma_start3A_12 = arith.constant 0 : i32
    %dma_start3A_13 = tpu.memref_slice %arg2[%add3A, %dma_start3A_11, %dma_start3A_12] : memref<32x250x40xi32, #tpu.memory_space<hbm>> -> memref<1x1x40xi32, #tpu.memory_space<hbm>>
    %dma_start3A_14 = tpu.memref_squeeze %dma_start3A_13 : memref<1x1x40xi32, #tpu.memory_space<hbm>> -> memref<40xi32, #tpu.memory_space<hbm>>
    %dma_start3A_15 = arith.constant 0 : i32
    %dma_start3A_16 = tpu.memref_slice %arg2[%add3A, %dma_start3A_11, %dma_start3A_15] : memref<32x250x40xi32, #tpu.memory_space<hbm>> -> memref<1x1x40xi32, #tpu.memory_space<hbm>>
    %dma_start3A_17 = tpu.memref_squeeze %dma_start3A_16 : memref<1x1x40xi32, #tpu.memory_space<hbm>> -> memref<40xi32, #tpu.memory_space<hbm>>
    tpu.enqueue_dma source(%dma_start3A_17 : memref<40xi32, #tpu.memory_space<hbm>>) target(%arg9 : memref<40xi32, #tpu.memory_space<vmem>>) target_semaphore(%arg14 : memref<!tpu.dma_semaphore, #tpu.memory_space<semaphore_mem>>)
    %dma_start3A_18 = arith.constant 2 : i32
    %dma_start3A_19 = arith.constant 0 : i32
    %dma_start3A_20 = tpu.memref_slice %arg2[%add3A, %dma_start3A_18, %dma_start3A_19] : memref<32x250x40xi32, #tpu.memory_space<hbm>> -> memref<1x1x40xi32, #tpu.memory_space<hbm>>
    %dma_start3A_21 = tpu.memref_squeeze %dma_start3A_20 : memref<1x1x40xi32, #tpu.memory_space<hbm>> -> memref<40xi32, #tpu.memory_space<hbm>>
    %dma_start3A_22 = arith.constant 0 : i32
    %dma_start3A_23 = tpu.memref_slice %arg2[%add3A, %dma_start3A_18, %dma_start3A_22] : memref<32x250x40xi32, #tpu.memory_space<hbm>> -> memref<1x1x40xi32, #tpu.memory_space<hbm>>
    %dma_start3A_24 = tpu.memref_squeeze %dma_start3A_23 : memref<1x1x40xi32, #tpu.memory_space<hbm>> -> memref<40xi32, #tpu.memory_space<hbm>>
    tpu.enqueue_dma source(%dma_start3A_24 : memref<40xi32, #tpu.memory_space<hbm>>) target(%arg10 : memref<40xi32, #tpu.memory_space<vmem>>) target_semaphore(%arg15 : memref<!tpu.dma_semaphore, #tpu.memory_space<semaphore_mem>>)
    %dma_start3A_25 = arith.constant 3 : i32
    %dma_start3A_26 = arith.constant 0 : i32
    %dma_start3A_27 = tpu.memref_slice %arg2[%add3A, %dma_start3A_25, %dma_start3A_26] : memref<32x250x40xi32, #tpu.memory_space<hbm>> -> memref<1x1x40xi32, #tpu.memory_space<hbm>>
    %dma_start3A_28 = tpu.memref_squeeze %dma_start3A_27 : memref<1x1x40xi32, #tpu.memory_space<hbm>> -> memref<40xi32, #tpu.memory_space<hbm>>
    %dma_start3A_29 = arith.constant 0 : i32
    %dma_start3A_30 = tpu.memref_slice %arg2[%add3A, %dma_start3A_25, %dma_start3A_29] : memref<32x250x40xi32, #tpu.memory_space<hbm>> -> memref<1x1x40xi32, #tpu.memory_space<hbm>>
    %dma_start3A_31 = tpu.memref_squeeze %dma_start3A_30 : memref<1x1x40xi32, #tpu.memory_space<hbm>> -> memref<40xi32, #tpu.memory_space<hbm>>
    tpu.enqueue_dma source(%dma_start3A_31 : memref<40xi32, #tpu.memory_space<hbm>>) target(%arg11 : memref<40xi32, #tpu.memory_space<vmem>>) target_semaphore(%arg16 : memref<!tpu.dma_semaphore, #tpu.memory_space<semaphore_mem>>)
    %dma_start3A_32 = arith.constant 4 : i32
    %dma_start3A_33 = arith.constant 0 : i32
    %dma_start3A_34 = tpu.memref_slice %arg2[%add3A, %dma_start3A_32, %dma_start3A_33] : memref<32x250x40xi32, #tpu.memory_space<hbm>> -> memref<1x1x40xi32, #tpu.memory_space<hbm>>
    %dma_start3A_35 = tpu.memref_squeeze %dma_start3A_34 : memref<1x1x40xi32, #tpu.memory_space<hbm>> -> memref<40xi32, #tpu.memory_space<hbm>>
    %dma_start3A_36 = arith.constant 0 : i32
    %dma_start3A_37 = tpu.memref_slice %arg2[%add3A, %dma_start3A_32, %dma_start3A_36] : memref<32x250x40xi32, #tpu.memory_space<hbm>> -> memref<1x1x40xi32, #tpu.memory_space<hbm>>
    %dma_start3A_38 = tpu.memref_squeeze %dma_start3A_37 : memref<1x1x40xi32, #tpu.memory_space<hbm>> -> memref<40xi32, #tpu.memory_space<hbm>>
    tpu.enqueue_dma source(%dma_start3A_38 : memref<40xi32, #tpu.memory_space<hbm>>) target(%arg12 : memref<40xi32, #tpu.memory_space<vmem>>) target_semaphore(%arg17 : memref<!tpu.dma_semaphore, #tpu.memory_space<semaphore_mem>>)
    %scan3A = arith.constant 0 : i32
    %scan3A_39 = arith.constant 0 : i32
    %scan3A_40 = arith.constant 50 : i32
    %scan3A_41 = arith.addi %scan3A_39, %scan3A_40 : i32
    %scan3A_42 = arith.constant 1 : i32
    scf.for %scan3A_50 = %scan3A_39 to %scan3A_41 step %scan3A_42  : i32 {
      %dma_wait3A = arith.constant 0 : i32
      %dma_wait3A_51 = arith.constant 0 : i32
      %dma_wait3A_52 = tpu.memref_slice %arg2[%add3A, %dma_wait3A, %dma_wait3A_51] : memref<32x250x40xi32, #tpu.memory_space<hbm>> -> memref<1x1x40xi32, #tpu.memory_space<hbm>>
      %dma_wait3A_53 = tpu.memref_squeeze %dma_wait3A_52 : memref<1x1x40xi32, #tpu.memory_space<hbm>> -> memref<40xi32, #tpu.memory_space<hbm>>
      %dma_wait3A_54 = arith.constant 0 : i32
      %dma_wait3A_55 = tpu.memref_slice %arg2[%add3A, %dma_wait3A, %dma_wait3A_54] : memref<32x250x40xi32, #tpu.memory_space<hbm>> -> memref<1x1x40xi32, #tpu.memory_space<hbm>>
      %dma_wait3A_56 = tpu.memref_squeeze %dma_wait3A_55 : memref<1x1x40xi32, #tpu.memory_space<hbm>> -> memref<40xi32, #tpu.memory_space<hbm>>
      tpu.wait_dma2 semaphore(%arg13 : memref<!tpu.dma_semaphore, #tpu.memory_space<semaphore_mem>>) src(%dma_wait3A_56 : memref<40xi32, #tpu.memory_space<hbm>>) dst(%arg8 : memref<40xi32, #tpu.memory_space<vmem>>)
      %dma_start3A_57 = arith.constant 0 : i32
      %dma_start3A_58 = arith.constant 0 : i32
      %dma_start3A_59 = tpu.memref_slice %arg6[%dma_start3A_57, %dma_start3A_58] : memref<10000x128xf32, #tpu.memory_space<vmem_shared>> -> memref<10000x128xf32, #tpu.memory_space<vmem_shared>>
      tpu.enqueue_indirect_dma source(%arg7 : memref<40x128xf32, #tpu.memory_space<vmem>>) target(%dma_start3A_59 : memref<10000x128xf32, #tpu.memory_space<vmem_shared>>) offsets(%arg8 : memref<40xi32, #tpu.memory_space<vmem>>) semaphore(%arg18 : memref<!tpu.dma_semaphore, #tpu.memory_space<semaphore_mem>>) {add = true}
      %dma_wait3A_60 = arith.constant 0 : i32
      %dma_wait3A_61 = arith.constant 0 : i32
      %dma_wait3A_62 = tpu.memref_slice %arg2[%add3A, %dma_wait3A_60, %dma_wait3A_61] : memref<32x250x40xi32, #tpu.memory_space<hbm>> -> memref<1x1x40xi32, #tpu.memory_space<hbm>>
      %dma_wait3A_63 = tpu.memref_squeeze %dma_wait3A_62 : memref<1x1x40xi32, #tpu.memory_space<hbm>> -> memref<40xi32, #tpu.memory_space<hbm>>
      %dma_wait3A_64 = arith.constant 0 : i32
      %dma_wait3A_65 = tpu.memref_slice %arg2[%add3A, %dma_wait3A_60, %dma_wait3A_64] : memref<32x250x40xi32, #tpu.memory_space<hbm>> -> memref<1x1x40xi32, #tpu.memory_space<hbm>>
      %dma_wait3A_66 = tpu.memref_squeeze %dma_wait3A_65 : memref<1x1x40xi32, #tpu.memory_space<hbm>> -> memref<40xi32, #tpu.memory_space<hbm>>
      tpu.wait_dma2 semaphore(%arg14 : memref<!tpu.dma_semaphore, #tpu.memory_space<semaphore_mem>>) src(%dma_wait3A_66 : memref<40xi32, #tpu.memory_space<hbm>>) dst(%arg9 : memref<40xi32, #tpu.memory_space<vmem>>)
      %dma_start3A_67 = arith.constant 0 : i32
      %dma_start3A_68 = arith.constant 0 : i32
      %dma_start3A_69 = tpu.memref_slice %arg6[%dma_start3A_67, %dma_start3A_68] : memref<10000x128xf32, #tpu.memory_space<vmem_shared>> -> memref<10000x128xf32, #tpu.memory_space<vmem_shared>>
      tpu.enqueue_indirect_dma source(%arg7 : memref<40x128xf32, #tpu.memory_space<vmem>>) target(%dma_start3A_69 : memref<10000x128xf32, #tpu.memory_space<vmem_shared>>) offsets(%arg9 : memref<40xi32, #tpu.memory_space<vmem>>) semaphore(%arg19 : memref<!tpu.dma_semaphore, #tpu.memory_space<semaphore_mem>>) {add = true}
      %dma_wait3A_70 = arith.constant 0 : i32
      %dma_wait3A_71 = arith.constant 0 : i32
      %dma_wait3A_72 = tpu.memref_slice %arg2[%add3A, %dma_wait3A_70, %dma_wait3A_71] : memref<32x250x40xi32, #tpu.memory_space<hbm>> -> memref<1x1x40xi32, #tpu.memory_space<hbm>>
      %dma_wait3A_73 = tpu.memref_squeeze %dma_wait3A_72 : memref<1x1x40xi32, #tpu.memory_space<hbm>> -> memref<40xi32, #tpu.memory_space<hbm>>
      %dma_wait3A_74 = arith.constant 0 : i32
      %dma_wait3A_75 = tpu.memref_slice %arg2[%add3A, %dma_wait3A_70, %dma_wait3A_74] : memref<32x250x40xi32, #tpu.memory_space<hbm>> -> memref<1x1x40xi32, #tpu.memory_space<hbm>>
      %dma_wait3A_76 = tpu.memref_squeeze %dma_wait3A_75 : memref<1x1x40xi32, #tpu.memory_space<hbm>> -> memref<40xi32, #tpu.memory_space<hbm>>
      tpu.wait_dma2 semaphore(%arg15 : memref<!tpu.dma_semaphore, #tpu.memory_space<semaphore_mem>>) src(%dma_wait3A_76 : memref<40xi32, #tpu.memory_space<hbm>>) dst(%arg10 : memref<40xi32, #tpu.memory_space<vmem>>)
      %dma_start3A_77 = arith.constant 0 : i32
      %dma_start3A_78 = arith.constant 0 : i32
      %dma_start3A_79 = tpu.memref_slice %arg6[%dma_start3A_77, %dma_start3A_78] : memref<10000x128xf32, #tpu.memory_space<vmem_shared>> -> memref<10000x128xf32, #tpu.memory_space<vmem_shared>>
      tpu.enqueue_indirect_dma source(%arg7 : memref<40x128xf32, #tpu.memory_space<vmem>>) target(%dma_start3A_79 : memref<10000x128xf32, #tpu.memory_space<vmem_shared>>) offsets(%arg10 : memref<40xi32, #tpu.memory_space<vmem>>) semaphore(%arg20 : memref<!tpu.dma_semaphore, #tpu.memory_space<semaphore_mem>>) {add = true}
      %dma_wait3A_80 = arith.constant 0 : i32
      %dma_wait3A_81 = arith.constant 0 : i32
      %dma_wait3A_82 = tpu.memref_slice %arg2[%add3A, %dma_wait3A_80, %dma_wait3A_81] : memref<32x250x40xi32, #tpu.memory_space<hbm>> -> memref<1x1x40xi32, #tpu.memory_space<hbm>>
      %dma_wait3A_83 = tpu.memref_squeeze %dma_wait3A_82 : memref<1x1x40xi32, #tpu.memory_space<hbm>> -> memref<40xi32, #tpu.memory_space<hbm>>
      %dma_wait3A_84 = arith.constant 0 : i32
      %dma_wait3A_85 = tpu.memref_slice %arg2[%add3A, %dma_wait3A_80, %dma_wait3A_84] : memref<32x250x40xi32, #tpu.memory_space<hbm>> -> memref<1x1x40xi32, #tpu.memory_space<hbm>>
      %dma_wait3A_86 = tpu.memref_squeeze %dma_wait3A_85 : memref<1x1x40xi32, #tpu.memory_space<hbm>> -> memref<40xi32, #tpu.memory_space<hbm>>
      tpu.wait_dma2 semaphore(%arg16 : memref<!tpu.dma_semaphore, #tpu.memory_space<semaphore_mem>>) src(%dma_wait3A_86 : memref<40xi32, #tpu.memory_space<hbm>>) dst(%arg11 : memref<40xi32, #tpu.memory_space<vmem>>)
      %dma_start3A_87 = arith.constant 0 : i32
      %dma_start3A_88 = arith.constant 0 : i32
      %dma_start3A_89 = tpu.memref_slice %arg6[%dma_start3A_87, %dma_start3A_88] : memref<10000x128xf32, #tpu.memory_space<vmem_shared>> -> memref<10000x128xf32, #tpu.memory_space<vmem_shared>>
      tpu.enqueue_indirect_dma source(%arg7 : memref<40x128xf32, #tpu.memory_space<vmem>>) target(%dma_start3A_89 : memref<10000x128xf32, #tpu.memory_space<vmem_shared>>) offsets(%arg11 : memref<40xi32, #tpu.memory_space<vmem>>) semaphore(%arg21 : memref<!tpu.dma_semaphore, #tpu.memory_space<semaphore_mem>>) {add = true}
      %dma_wait3A_90 = arith.constant 0 : i32
      %dma_wait3A_91 = arith.constant 0 : i32
      %dma_wait3A_92 = tpu.memref_slice %arg2[%add3A, %dma_wait3A_90, %dma_wait3A_91] : memref<32x250x40xi32, #tpu.memory_space<hbm>> -> memref<1x1x40xi32, #tpu.memory_space<hbm>>
      %dma_wait3A_93 = tpu.memref_squeeze %dma_wait3A_92 : memref<1x1x40xi32, #tpu.memory_space<hbm>> -> memref<40xi32, #tpu.memory_space<hbm>>
      %dma_wait3A_94 = arith.constant 0 : i32
      %dma_wait3A_95 = tpu.memref_slice %arg2[%add3A, %dma_wait3A_90, %dma_wait3A_94] : memref<32x250x40xi32, #tpu.memory_space<hbm>> -> memref<1x1x40xi32, #tpu.memory_space<hbm>>
      %dma_wait3A_96 = tpu.memref_squeeze %dma_wait3A_95 : memref<1x1x40xi32, #tpu.memory_space<hbm>> -> memref<40xi32, #tpu.memory_space<hbm>>
      tpu.wait_dma2 semaphore(%arg17 : memref<!tpu.dma_semaphore, #tpu.memory_space<semaphore_mem>>) src(%dma_wait3A_96 : memref<40xi32, #tpu.memory_space<hbm>>) dst(%arg12 : memref<40xi32, #tpu.memory_space<vmem>>)
      %dma_start3A_97 = arith.constant 0 : i32
      %dma_start3A_98 = arith.constant 0 : i32
      %dma_start3A_99 = tpu.memref_slice %arg6[%dma_start3A_97, %dma_start3A_98] : memref<10000x128xf32, #tpu.memory_space<vmem_shared>> -> memref<10000x128xf32, #tpu.memory_space<vmem_shared>>
      tpu.enqueue_indirect_dma source(%arg7 : memref<40x128xf32, #tpu.memory_space<vmem>>) target(%dma_start3A_99 : memref<10000x128xf32, #tpu.memory_space<vmem_shared>>) offsets(%arg12 : memref<40xi32, #tpu.memory_space<vmem>>) semaphore(%arg22 : memref<!tpu.dma_semaphore, #tpu.memory_space<semaphore_mem>>) {add = true}
      %dma_wait3A_100 = arith.constant 0 : i32
      %dma_wait3A_101 = arith.constant 0 : i32
      %dma_wait3A_102 = tpu.memref_slice %arg6[%dma_wait3A_100, %dma_wait3A_101] : memref<10000x128xf32, #tpu.memory_space<vmem_shared>> -> memref<10000x128xf32, #tpu.memory_space<vmem_shared>>
      tpu.wait_indirect_dma semaphore(%arg18 : memref<!tpu.dma_semaphore, #tpu.memory_space<semaphore_mem>>) src(%arg7 : memref<40x128xf32, #tpu.memory_space<vmem>>) dst(%dma_wait3A_102 : memref<10000x128xf32, #tpu.memory_space<vmem_shared>>)
      %lt3A = arith.constant 49 : i32
      %lt3A_103 = arith.cmpi slt, %scan3A_50, %lt3A : i32
      %convert_element_type3A_104 = arith.extui %lt3A_103 : i1 to i32
      %cond3A_105 = arith.constant 0 : i32
      %cond3A_106 = arith.cmpi ne, %convert_element_type3A_104, %cond3A_105 : i32
      scf.if %cond3A_106 {
        %add3A_139 = arith.constant 1 : i32
        %add3A_140 = arith.addi %scan3A_50, %add3A_139 : i32
        %mul3A_141 = arith.constant 5 : i32
        %mul3A_142 = arith.muli %add3A_140, %mul3A_141 : i32
        %add3A_143 = arith.constant 0 : i32
        %add3A_144 = arith.addi %mul3A_142, %add3A_143 : i32
        %dma_start3A_145 = arith.constant 0 : i32
        %dma_start3A_146 = tpu.memref_slice %arg2[%add3A, %add3A_144, %dma_start3A_145] : memref<32x250x40xi32, #tpu.memory_space<hbm>> -> memref<1x1x40xi32, #tpu.memory_space<hbm>>
        %dma_start3A_147 = tpu.memref_squeeze %dma_start3A_146 : memref<1x1x40xi32, #tpu.memory_space<hbm>> -> memref<40xi32, #tpu.memory_space<hbm>>
        %dma_start3A_148 = arith.constant 0 : i32
        %dma_start3A_149 = tpu.memref_slice %arg2[%add3A, %add3A_144, %dma_start3A_148] : memref<32x250x40xi32, #tpu.memory_space<hbm>> -> memref<1x1x40xi32, #tpu.memory_space<hbm>>
        %dma_start3A_150 = tpu.memref_squeeze %dma_start3A_149 : memref<1x1x40xi32, #tpu.memory_space<hbm>> -> memref<40xi32, #tpu.memory_space<hbm>>
        tpu.enqueue_dma source(%dma_start3A_150 : memref<40xi32, #tpu.memory_space<hbm>>) target(%arg8 : memref<40xi32, #tpu.memory_space<vmem>>) target_semaphore(%arg13 : memref<!tpu.dma_semaphore, #tpu.memory_space<semaphore_mem>>)
      } else {
      }
      %dma_wait3A_107 = arith.constant 0 : i32
      %dma_wait3A_108 = arith.constant 0 : i32
      %dma_wait3A_109 = tpu.memref_slice %arg6[%dma_wait3A_107, %dma_wait3A_108] : memref<10000x128xf32, #tpu.memory_space<vmem_shared>> -> memref<10000x128xf32, #tpu.memory_space<vmem_shared>>
      tpu.wait_indirect_dma semaphore(%arg19 : memref<!tpu.dma_semaphore, #tpu.memory_space<semaphore_mem>>) src(%arg7 : memref<40x128xf32, #tpu.memory_space<vmem>>) dst(%dma_wait3A_109 : memref<10000x128xf32, #tpu.memory_space<vmem_shared>>)
      %lt3A_110 = arith.constant 49 : i32
      %lt3A_111 = arith.cmpi slt, %scan3A_50, %lt3A_110 : i32
      %convert_element_type3A_112 = arith.extui %lt3A_111 : i1 to i32
      %cond3A_113 = arith.constant 0 : i32
      %cond3A_114 = arith.cmpi ne, %convert_element_type3A_112, %cond3A_113 : i32
      scf.if %cond3A_114 {
        %add3A_139 = arith.constant 1 : i32
        %add3A_140 = arith.addi %scan3A_50, %add3A_139 : i32
        %mul3A_141 = arith.constant 5 : i32
        %mul3A_142 = arith.muli %add3A_140, %mul3A_141 : i32
        %add3A_143 = arith.constant 1 : i32
        %add3A_144 = arith.addi %mul3A_142, %add3A_143 : i32
        %dma_start3A_145 = arith.constant 0 : i32
        %dma_start3A_146 = tpu.memref_slice %arg2[%add3A, %add3A_144, %dma_start3A_145] : memref<32x250x40xi32, #tpu.memory_space<hbm>> -> memref<1x1x40xi32, #tpu.memory_space<hbm>>
        %dma_start3A_147 = tpu.memref_squeeze %dma_start3A_146 : memref<1x1x40xi32, #tpu.memory_space<hbm>> -> memref<40xi32, #tpu.memory_space<hbm>>
        %dma_start3A_148 = arith.constant 0 : i32
        %dma_start3A_149 = tpu.memref_slice %arg2[%add3A, %add3A_144, %dma_start3A_148] : memref<32x250x40xi32, #tpu.memory_space<hbm>> -> memref<1x1x40xi32, #tpu.memory_space<hbm>>
        %dma_start3A_150 = tpu.memref_squeeze %dma_start3A_149 : memref<1x1x40xi32, #tpu.memory_space<hbm>> -> memref<40xi32, #tpu.memory_space<hbm>>
        tpu.enqueue_dma source(%dma_start3A_150 : memref<40xi32, #tpu.memory_space<hbm>>) target(%arg9 : memref<40xi32, #tpu.memory_space<vmem>>) target_semaphore(%arg14 : memref<!tpu.dma_semaphore, #tpu.memory_space<semaphore_mem>>)
      } else {
      }
      %dma_wait3A_115 = arith.constant 0 : i32
      %dma_wait3A_116 = arith.constant 0 : i32
      %dma_wait3A_117 = tpu.memref_slice %arg6[%dma_wait3A_115, %dma_wait3A_116] : memref<10000x128xf32, #tpu.memory_space<vmem_shared>> -> memref<10000x128xf32, #tpu.memory_space<vmem_shared>>
      tpu.wait_indirect_dma semaphore(%arg20 : memref<!tpu.dma_semaphore, #tpu.memory_space<semaphore_mem>>) src(%arg7 : memref<40x128xf32, #tpu.memory_space<vmem>>) dst(%dma_wait3A_117 : memref<10000x128xf32, #tpu.memory_space<vmem_shared>>)
      %lt3A_118 = arith.constant 49 : i32
      %lt3A_119 = arith.cmpi slt, %scan3A_50, %lt3A_118 : i32
      %convert_element_type3A_120 = arith.extui %lt3A_119 : i1 to i32
      %cond3A_121 = arith.constant 0 : i32
      %cond3A_122 = arith.cmpi ne, %convert_element_type3A_120, %cond3A_121 : i32
      scf.if %cond3A_122 {
        %add3A_139 = arith.constant 1 : i32
        %add3A_140 = arith.addi %scan3A_50, %add3A_139 : i32
        %mul3A_141 = arith.constant 5 : i32
        %mul3A_142 = arith.muli %add3A_140, %mul3A_141 : i32
        %add3A_143 = arith.constant 2 : i32
        %add3A_144 = arith.addi %mul3A_142, %add3A_143 : i32
        %dma_start3A_145 = arith.constant 0 : i32
        %dma_start3A_146 = tpu.memref_slice %arg2[%add3A, %add3A_144, %dma_start3A_145] : memref<32x250x40xi32, #tpu.memory_space<hbm>> -> memref<1x1x40xi32, #tpu.memory_space<hbm>>
        %dma_start3A_147 = tpu.memref_squeeze %dma_start3A_146 : memref<1x1x40xi32, #tpu.memory_space<hbm>> -> memref<40xi32, #tpu.memory_space<hbm>>
        %dma_start3A_148 = arith.constant 0 : i32
        %dma_start3A_149 = tpu.memref_slice %arg2[%add3A, %add3A_144, %dma_start3A_148] : memref<32x250x40xi32, #tpu.memory_space<hbm>> -> memref<1x1x40xi32, #tpu.memory_space<hbm>>
        %dma_start3A_150 = tpu.memref_squeeze %dma_start3A_149 : memref<1x1x40xi32, #tpu.memory_space<hbm>> -> memref<40xi32, #tpu.memory_space<hbm>>
        tpu.enqueue_dma source(%dma_start3A_150 : memref<40xi32, #tpu.memory_space<hbm>>) target(%arg10 : memref<40xi32, #tpu.memory_space<vmem>>) target_semaphore(%arg15 : memref<!tpu.dma_semaphore, #tpu.memory_space<semaphore_mem>>)
      } else {
      }
      %dma_wait3A_123 = arith.constant 0 : i32
      %dma_wait3A_124 = arith.constant 0 : i32
      %dma_wait3A_125 = tpu.memref_slice %arg6[%dma_wait3A_123, %dma_wait3A_124] : memref<10000x128xf32, #tpu.memory_space<vmem_shared>> -> memref<10000x128xf32, #tpu.memory_space<vmem_shared>>
      tpu.wait_indirect_dma semaphore(%arg21 : memref<!tpu.dma_semaphore, #tpu.memory_space<semaphore_mem>>) src(%arg7 : memref<40x128xf32, #tpu.memory_space<vmem>>) dst(%dma_wait3A_125 : memref<10000x128xf32, #tpu.memory_space<vmem_shared>>)
      %lt3A_126 = arith.constant 49 : i32
      %lt3A_127 = arith.cmpi slt, %scan3A_50, %lt3A_126 : i32
      %convert_element_type3A_128 = arith.extui %lt3A_127 : i1 to i32
      %cond3A_129 = arith.constant 0 : i32
      %cond3A_130 = arith.cmpi ne, %convert_element_type3A_128, %cond3A_129 : i32
      scf.if %cond3A_130 {
        %add3A_139 = arith.constant 1 : i32
        %add3A_140 = arith.addi %scan3A_50, %add3A_139 : i32
        %mul3A_141 = arith.constant 5 : i32
        %mul3A_142 = arith.muli %add3A_140, %mul3A_141 : i32
        %add3A_143 = arith.constant 3 : i32
        %add3A_144 = arith.addi %mul3A_142, %add3A_143 : i32
        %dma_start3A_145 = arith.constant 0 : i32
        %dma_start3A_146 = tpu.memref_slice %arg2[%add3A, %add3A_144, %dma_start3A_145] : memref<32x250x40xi32, #tpu.memory_space<hbm>> -> memref<1x1x40xi32, #tpu.memory_space<hbm>>
        %dma_start3A_147 = tpu.memref_squeeze %dma_start3A_146 : memref<1x1x40xi32, #tpu.memory_space<hbm>> -> memref<40xi32, #tpu.memory_space<hbm>>
        %dma_start3A_148 = arith.constant 0 : i32
        %dma_start3A_149 = tpu.memref_slice %arg2[%add3A, %add3A_144, %dma_start3A_148] : memref<32x250x40xi32, #tpu.memory_space<hbm>> -> memref<1x1x40xi32, #tpu.memory_space<hbm>>
        %dma_start3A_150 = tpu.memref_squeeze %dma_start3A_149 : memref<1x1x40xi32, #tpu.memory_space<hbm>> -> memref<40xi32, #tpu.memory_space<hbm>>
        tpu.enqueue_dma source(%dma_start3A_150 : memref<40xi32, #tpu.memory_space<hbm>>) target(%arg11 : memref<40xi32, #tpu.memory_space<vmem>>) target_semaphore(%arg16 : memref<!tpu.dma_semaphore, #tpu.memory_space<semaphore_mem>>)
      } else {
      }
      %dma_wait3A_131 = arith.constant 0 : i32
      %dma_wait3A_132 = arith.constant 0 : i32
      %dma_wait3A_133 = tpu.memref_slice %arg6[%dma_wait3A_131, %dma_wait3A_132] : memref<10000x128xf32, #tpu.memory_space<vmem_shared>> -> memref<10000x128xf32, #tpu.memory_space<vmem_shared>>
      tpu.wait_indirect_dma semaphore(%arg22 : memref<!tpu.dma_semaphore, #tpu.memory_space<semaphore_mem>>) src(%arg7 : memref<40x128xf32, #tpu.memory_space<vmem>>) dst(%dma_wait3A_133 : memref<10000x128xf32, #tpu.memory_space<vmem_shared>>)
      %lt3A_134 = arith.constant 49 : i32
      %lt3A_135 = arith.cmpi slt, %scan3A_50, %lt3A_134 : i32
      %convert_element_type3A_136 = arith.extui %lt3A_135 : i1 to i32
      %cond3A_137 = arith.constant 0 : i32
      %cond3A_138 = arith.cmpi ne, %convert_element_type3A_136, %cond3A_137 : i32
      scf.if %cond3A_138 {
        %add3A_139 = arith.constant 1 : i32
        %add3A_140 = arith.addi %scan3A_50, %add3A_139 : i32
        %mul3A_141 = arith.constant 5 : i32
        %mul3A_142 = arith.muli %add3A_140, %mul3A_141 : i32
        %add3A_143 = arith.constant 4 : i32
        %add3A_144 = arith.addi %mul3A_142, %add3A_143 : i32
        %dma_start3A_145 = arith.constant 0 : i32
        %dma_start3A_146 = tpu.memref_slice %arg2[%add3A, %add3A_144, %dma_start3A_145] : memref<32x250x40xi32, #tpu.memory_space<hbm>> -> memref<1x1x40xi32, #tpu.memory_space<hbm>>
        %dma_start3A_147 = tpu.memref_squeeze %dma_start3A_146 : memref<1x1x40xi32, #tpu.memory_space<hbm>> -> memref<40xi32, #tpu.memory_space<hbm>>
        %dma_start3A_148 = arith.constant 0 : i32
        %dma_start3A_149 = tpu.memref_slice %arg2[%add3A, %add3A_144, %dma_start3A_148] : memref<32x250x40xi32, #tpu.memory_space<hbm>> -> memref<1x1x40xi32, #tpu.memory_space<hbm>>
        %dma_start3A_150 = tpu.memref_squeeze %dma_start3A_149 : memref<1x1x40xi32, #tpu.memory_space<hbm>> -> memref<40xi32, #tpu.memory_space<hbm>>
        tpu.enqueue_dma source(%dma_start3A_150 : memref<40xi32, #tpu.memory_space<hbm>>) target(%arg12 : memref<40xi32, #tpu.memory_space<vmem>>) target_semaphore(%arg17 : memref<!tpu.dma_semaphore, #tpu.memory_space<semaphore_mem>>)
      } else {
      }
    }
    %scan3A_43 = arith.constant 50 : i32
    %barrier3A_44 = arith.constant 0 : index
    tpu.barrier barrier_id(%barrier3A_44)
    "tpu.region"() ({
      %run_scoped3A = tpu.sem_alloc : memref<!tpu.dma_semaphore, #tpu.memory_space<semaphore_mem>>
      %dma_start3A_50 = arith.constant 0 : i32
      %dma_start3A_51 = tpu.memref_slice %arg5[%arg0, %mul3A_2, %dma_start3A_50] : memref<2x10000x128xf32, #tpu.memory_space<hbm>> -> memref<1x624x128xf32, #tpu.memory_space<hbm>>
      %dma_start3A_52 = tpu.memref_squeeze %dma_start3A_51 : memref<1x624x128xf32, #tpu.memory_space<hbm>> -> memref<624x128xf32, #tpu.memory_space<hbm>>
      %dma_start3A_53 = arith.constant 0 : i32
      %dma_start3A_54 = tpu.memref_slice %arg6[%mul3A_2, %dma_start3A_53] : memref<10000x128xf32, #tpu.memory_space<vmem_shared>> -> memref<624x128xf32, #tpu.memory_space<vmem_shared>>
      tpu.enqueue_dma source(%dma_start3A_54 : memref<624x128xf32, #tpu.memory_space<vmem_shared>>) target(%dma_start3A_52 : memref<624x128xf32, #tpu.memory_space<hbm>>) target_semaphore(%run_scoped3A : memref<!tpu.dma_semaphore, #tpu.memory_space<semaphore_mem>>)
      %dma_wait3A = arith.constant 0 : i32
      %dma_wait3A_55 = tpu.memref_slice %arg5[%arg0, %mul3A_2, %dma_wait3A] : memref<2x10000x128xf32, #tpu.memory_space<hbm>> -> memref<1x624x128xf32, #tpu.memory_space<hbm>>
      %dma_wait3A_56 = tpu.memref_squeeze %dma_wait3A_55 : memref<1x624x128xf32, #tpu.memory_space<hbm>> -> memref<624x128xf32, #tpu.memory_space<hbm>>
      %dma_wait3A_57 = arith.constant 0 : i32
      %dma_wait3A_58 = tpu.memref_slice %arg6[%mul3A_2, %dma_wait3A_57] : memref<10000x128xf32, #tpu.memory_space<vmem_shared>> -> memref<624x128xf32, #tpu.memory_space<vmem_shared>>
      tpu.wait_dma2 semaphore(%run_scoped3A : memref<!tpu.dma_semaphore, #tpu.memory_space<semaphore_mem>>) src(%dma_wait3A_58 : memref<624x128xf32, #tpu.memory_space<vmem_shared>>) dst(%dma_wait3A_56 : memref<624x128xf32, #tpu.memory_space<hbm>>)
      tpu.yield
    }) : () -> ()
    %eq3A_45 = arith.constant 15 : i32
    %eq3A_46 = arith.cmpi eq, %arg1, %eq3A_45 : i32
    %convert_element_type3A_47 = arith.extui %eq3A_46 : i1 to i32
    %cond3A_48 = arith.constant 0 : i32
    %cond3A_49 = arith.cmpi ne, %convert_element_type3A_47, %cond3A_48 : i32
    scf.if %cond3A_49 {
      "tpu.region"() ({
        %run_scoped3A = tpu.sem_alloc : memref<!tpu.dma_semaphore, #tpu.memory_space<semaphore_mem>>
        %dma_start3A_50 = arith.constant 9984 : i32
        %dma_start3A_51 = arith.constant 0 : i32
        %dma_start3A_52 = tpu.memref_slice %arg5[%arg0, %dma_start3A_50, %dma_start3A_51] : memref<2x10000x128xf32, #tpu.memory_space<hbm>> -> memref<1x16x128xf32, #tpu.memory_space<hbm>>
        %dma_start3A_53 = tpu.memref_squeeze %dma_start3A_52 : memref<1x16x128xf32, #tpu.memory_space<hbm>> -> memref<16x128xf32, #tpu.memory_space<hbm>>
        %dma_start3A_54 = arith.constant 9984 : i32
        %dma_start3A_55 = arith.constant 0 : i32
        %dma_start3A_56 = tpu.memref_slice %arg6[%dma_start3A_54, %dma_start3A_55] : memref<10000x128xf32, #tpu.memory_space<vmem_shared>> -> memref<16x128xf32, #tpu.memory_space<vmem_shared>>
        tpu.enqueue_dma source(%dma_start3A_56 : memref<16x128xf32, #tpu.memory_space<vmem_shared>>) target(%dma_start3A_53 : memref<16x128xf32, #tpu.memory_space<hbm>>) target_semaphore(%run_scoped3A : memref<!tpu.dma_semaphore, #tpu.memory_space<semaphore_mem>>)
        %dma_wait3A = arith.constant 9984 : i32
        %dma_wait3A_57 = arith.constant 0 : i32
        %dma_wait3A_58 = tpu.memref_slice %arg5[%arg0, %dma_wait3A, %dma_wait3A_57] : memref<2x10000x128xf32, #tpu.memory_space<hbm>> -> memref<1x16x128xf32, #tpu.memory_space<hbm>>
        %dma_wait3A_59 = tpu.memref_squeeze %dma_wait3A_58 : memref<1x16x128xf32, #tpu.memory_space<hbm>> -> memref<16x128xf32, #tpu.memory_space<hbm>>
        %dma_wait3A_60 = arith.constant 9984 : i32
        %dma_wait3A_61 = arith.constant 0 : i32
        %dma_wait3A_62 = tpu.memref_slice %arg6[%dma_wait3A_60, %dma_wait3A_61] : memref<10000x128xf32, #tpu.memory_space<vmem_shared>> -> memref<16x128xf32, #tpu.memory_space<vmem_shared>>
        tpu.wait_dma2 semaphore(%run_scoped3A : memref<!tpu.dma_semaphore, #tpu.memory_space<semaphore_mem>>) src(%dma_wait3A_62 : memref<16x128xf32, #tpu.memory_space<vmem_shared>>) dst(%dma_wait3A_59 : memref<16x128xf32, #tpu.memory_space<hbm>>)
        tpu.yield
      }) : () -> ()
    } else {
    }
    return
  }
}

#map = affine_map<(d0, d1) -> (0, 0)>
#map1 = affine_map<(d0, d1) -> (0, 0, 0)>
module attributes {stable_mosaic.version = 14 : i64} {
  func.func @body(%arg0: i32, %arg1: i32, %arg2: memref<10000x128xf32, #tpu.memory_space<hbm>>, %arg3: memref<32x250x40xi32, #tpu.memory_space<hbm>>, %arg4: memref<32x250x40xi32, #tpu.memory_space<hbm>>, %arg5: memref<10000x128xf32, #tpu.memory_space<hbm>>, %arg6: memref<2x10000x128xf32, #tpu.memory_space<hbm>>, %arg7: memref<10000x128xf32, #tpu.memory_space<vmem_shared>>, %arg8: memref<40x128xf32, #tpu.memory_space<vmem>>, %arg9: memref<40x128xf32, #tpu.memory_space<vmem>>, %arg10: memref<40x128xf32, #tpu.memory_space<vmem>>, %arg11: memref<40x128xf32, #tpu.memory_space<vmem>>, %arg12: memref<40x128xf32, #tpu.memory_space<vmem>>, %arg13: memref<40xi32, #tpu.memory_space<vmem>>, %arg14: memref<40xi32, #tpu.memory_space<vmem>>, %arg15: memref<40xi32, #tpu.memory_space<vmem>>, %arg16: memref<40xi32, #tpu.memory_space<vmem>>, %arg17: memref<40xi32, #tpu.memory_space<vmem>>, %arg18: memref<40xi32, #tpu.memory_space<vmem>>, %arg19: memref<40xi32, #tpu.memory_space<vmem>>, %arg20: memref<40xi32, #tpu.memory_space<vmem>>, %arg21: memref<40xi32, #tpu.memory_space<vmem>>, %arg22: memref<40xi32, #tpu.memory_space<vmem>>, %arg23: memref<40xi32, #tpu.memory_space<vmem>>, %arg24: memref<40xi32, #tpu.memory_space<vmem>>, %arg25: memref<40xi32, #tpu.memory_space<vmem>>, %arg26: memref<40xi32, #tpu.memory_space<vmem>>, %arg27: memref<40xi32, #tpu.memory_space<vmem>>, %arg28: memref<40xi32, #tpu.memory_space<vmem>>, %arg29: memref<40xi32, #tpu.memory_space<vmem>>, %arg30: memref<40xi32, #tpu.memory_space<vmem>>, %arg31: memref<40xi32, #tpu.memory_space<vmem>>, %arg32: memref<40xi32, #tpu.memory_space<vmem>>, %arg33: memref<!tpu.dma_semaphore, #tpu.memory_space<semaphore_mem>>, %arg34: memref<!tpu.dma_semaphore, #tpu.memory_space<semaphore_mem>>, %arg35: memref<!tpu.dma_semaphore, #tpu.memory_space<semaphore_mem>>, %arg36: memref<!tpu.dma_semaphore, #tpu.memory_space<semaphore_mem>>, %arg37: memref<!tpu.dma_semaphore, #tpu.memory_space<semaphore_mem>>, %arg38: memref<!tpu.dma_semaphore, #tpu.memory_space<semaphore_mem>>, %arg39: memref<!tpu.dma_semaphore, #tpu.memory_space<semaphore_mem>>, %arg40: memref<!tpu.dma_semaphore, #tpu.memory_space<semaphore_mem>>, %arg41: memref<!tpu.dma_semaphore, #tpu.memory_space<semaphore_mem>>, %arg42: memref<!tpu.dma_semaphore, #tpu.memory_space<semaphore_mem>>, %arg43: memref<!tpu.dma_semaphore, #tpu.memory_space<semaphore_mem>>, %arg44: memref<!tpu.dma_semaphore, #tpu.memory_space<semaphore_mem>>, %arg45: memref<!tpu.dma_semaphore, #tpu.memory_space<semaphore_mem>>, %arg46: memref<!tpu.dma_semaphore, #tpu.memory_space<semaphore_mem>>, %arg47: memref<!tpu.dma_semaphore, #tpu.memory_space<semaphore_mem>>, %arg48: memref<!tpu.dma_semaphore, #tpu.memory_space<semaphore_mem>>, %arg49: memref<!tpu.dma_semaphore, #tpu.memory_space<semaphore_mem>>, %arg50: memref<!tpu.dma_semaphore, #tpu.memory_space<semaphore_mem>>, %arg51: memref<!tpu.dma_semaphore, #tpu.memory_space<semaphore_mem>>, %arg52: memref<!tpu.dma_semaphore, #tpu.memory_space<semaphore_mem>>) attributes {dimension_semantics = [#tpu.dimension_semantics<core_parallel>, #tpu.dimension_semantics<subcore_parallel>], iteration_bounds = array<i64: 2, 16>, scalar_prefetch = 0 : i64, scratch_operands = 46 : i64, tpu.core_type = #tpu.core_type<sc_vector_subcore>, window_params = [{transform_indices = #map}, {transform_indices = #map1}, {transform_indices = #map1}, {transform_indices = #map}, {transform_indices = #map1}]} {
    %mul3A = arith.constant 2 : i32
    %mul3A_0 = arith.muli %arg1, %mul3A : i32
    %add3A = arith.addi %mul3A_0, %arg0 : i32
    %mul3A_1 = arith.constant 624 : i32
    %mul3A_2 = arith.muli %arg1, %mul3A_1 : i32
    "tpu.region"() ({
      %run_scoped3A = tpu.sem_alloc : memref<!tpu.dma_semaphore, #tpu.memory_space<semaphore_mem>>
      %dma_start3A_239 = arith.constant 0 : i32
      %dma_start3A_240 = tpu.memref_slice %arg7[%mul3A_2, %dma_start3A_239] : memref<10000x128xf32, #tpu.memory_space<vmem_shared>> -> memref<624x128xf32, #tpu.memory_space<vmem_shared>>
      %dma_start3A_241 = arith.constant 0 : i32
      %dma_start3A_242 = tpu.memref_slice %arg5[%mul3A_2, %dma_start3A_241] : memref<10000x128xf32, #tpu.memory_space<hbm>> -> memref<624x128xf32, #tpu.memory_space<hbm>>
      tpu.enqueue_dma source(%dma_start3A_242 : memref<624x128xf32, #tpu.memory_space<hbm>>) target(%dma_start3A_240 : memref<624x128xf32, #tpu.memory_space<vmem_shared>>) target_semaphore(%run_scoped3A : memref<!tpu.dma_semaphore, #tpu.memory_space<semaphore_mem>>)
      %dma_wait3A_243 = arith.constant 0 : i32
      %dma_wait3A_244 = tpu.memref_slice %arg7[%mul3A_2, %dma_wait3A_243] : memref<10000x128xf32, #tpu.memory_space<vmem_shared>> -> memref<624x128xf32, #tpu.memory_space<vmem_shared>>
      %dma_wait3A_245 = arith.constant 0 : i32
      %dma_wait3A_246 = tpu.memref_slice %arg5[%mul3A_2, %dma_wait3A_245] : memref<10000x128xf32, #tpu.memory_space<hbm>> -> memref<624x128xf32, #tpu.memory_space<hbm>>
      tpu.wait_dma2 semaphore(%run_scoped3A : memref<!tpu.dma_semaphore, #tpu.memory_space<semaphore_mem>>) src(%dma_wait3A_246 : memref<624x128xf32, #tpu.memory_space<hbm>>) dst(%dma_wait3A_244 : memref<624x128xf32, #tpu.memory_space<vmem_shared>>)
      tpu.yield
    }) : () -> ()
    %eq3A = arith.constant 15 : i32
    %eq3A_3 = arith.cmpi eq, %arg1, %eq3A : i32
    %convert_element_type3A = arith.extui %eq3A_3 : i1 to i32
    %cond3A = arith.constant 0 : i32
    %cond3A_4 = arith.cmpi ne, %convert_element_type3A, %cond3A : i32
    scf.if %cond3A_4 {
      "tpu.region"() ({
        %run_scoped3A = tpu.sem_alloc : memref<!tpu.dma_semaphore, #tpu.memory_space<semaphore_mem>>
        %dma_start3A_239 = arith.constant 9984 : i32
        %dma_start3A_240 = arith.constant 0 : i32
        %dma_start3A_241 = tpu.memref_slice %arg7[%dma_start3A_239, %dma_start3A_240] : memref<10000x128xf32, #tpu.memory_space<vmem_shared>> -> memref<16x128xf32, #tpu.memory_space<vmem_shared>>
        %dma_start3A_242 = arith.constant 9984 : i32
        %dma_start3A_243 = arith.constant 0 : i32
        %dma_start3A_244 = tpu.memref_slice %arg5[%dma_start3A_242, %dma_start3A_243] : memref<10000x128xf32, #tpu.memory_space<hbm>> -> memref<16x128xf32, #tpu.memory_space<hbm>>
        tpu.enqueue_dma source(%dma_start3A_244 : memref<16x128xf32, #tpu.memory_space<hbm>>) target(%dma_start3A_241 : memref<16x128xf32, #tpu.memory_space<vmem_shared>>) target_semaphore(%run_scoped3A : memref<!tpu.dma_semaphore, #tpu.memory_space<semaphore_mem>>)
        %dma_wait3A_245 = arith.constant 9984 : i32
        %dma_wait3A_246 = arith.constant 0 : i32
        %dma_wait3A_247 = tpu.memref_slice %arg7[%dma_wait3A_245, %dma_wait3A_246] : memref<10000x128xf32, #tpu.memory_space<vmem_shared>> -> memref<16x128xf32, #tpu.memory_space<vmem_shared>>
        %dma_wait3A_248 = arith.constant 9984 : i32
        %dma_wait3A_249 = arith.constant 0 : i32
        %dma_wait3A_250 = tpu.memref_slice %arg5[%dma_wait3A_248, %dma_wait3A_249] : memref<10000x128xf32, #tpu.memory_space<hbm>> -> memref<16x128xf32, #tpu.memory_space<hbm>>
        tpu.wait_dma2 semaphore(%run_scoped3A : memref<!tpu.dma_semaphore, #tpu.memory_space<semaphore_mem>>) src(%dma_wait3A_250 : memref<16x128xf32, #tpu.memory_space<hbm>>) dst(%dma_wait3A_247 : memref<16x128xf32, #tpu.memory_space<vmem_shared>>)
        tpu.yield
      }) : () -> ()
    } else {
    }
    %barrier3A = arith.constant 0 : index
    tpu.barrier barrier_id(%barrier3A)
    %dma_start3A = arith.constant 0 : i32
    %dma_start3A_5 = arith.constant 0 : i32
    %dma_start3A_6 = tpu.memref_slice %arg3[%add3A, %dma_start3A, %dma_start3A_5] : memref<32x250x40xi32, #tpu.memory_space<hbm>> -> memref<1x1x40xi32, #tpu.memory_space<hbm>>
    %dma_start3A_7 = tpu.memref_squeeze %dma_start3A_6 : memref<1x1x40xi32, #tpu.memory_space<hbm>> -> memref<40xi32, #tpu.memory_space<hbm>>
    %dma_start3A_8 = arith.constant 0 : i32
    %dma_start3A_9 = tpu.memref_slice %arg3[%add3A, %dma_start3A, %dma_start3A_8] : memref<32x250x40xi32, #tpu.memory_space<hbm>> -> memref<1x1x40xi32, #tpu.memory_space<hbm>>
    %dma_start3A_10 = tpu.memref_squeeze %dma_start3A_9 : memref<1x1x40xi32, #tpu.memory_space<hbm>> -> memref<40xi32, #tpu.memory_space<hbm>>
    tpu.enqueue_dma source(%dma_start3A_10 : memref<40xi32, #tpu.memory_space<hbm>>) target(%arg13 : memref<40xi32, #tpu.memory_space<vmem>>) target_semaphore(%arg43 : memref<!tpu.dma_semaphore, #tpu.memory_space<semaphore_mem>>)
    %dma_start3A_11 = arith.constant 0 : i32
    %dma_start3A_12 = arith.constant 0 : i32
    %dma_start3A_13 = tpu.memref_slice %arg4[%add3A, %dma_start3A_11, %dma_start3A_12] : memref<32x250x40xi32, #tpu.memory_space<hbm>> -> memref<1x1x40xi32, #tpu.memory_space<hbm>>
    %dma_start3A_14 = tpu.memref_squeeze %dma_start3A_13 : memref<1x1x40xi32, #tpu.memory_space<hbm>> -> memref<40xi32, #tpu.memory_space<hbm>>
    %dma_start3A_15 = arith.constant 0 : i32
    %dma_start3A_16 = tpu.memref_slice %arg4[%add3A, %dma_start3A_11, %dma_start3A_15] : memref<32x250x40xi32, #tpu.memory_space<hbm>> -> memref<1x1x40xi32, #tpu.memory_space<hbm>>
    %dma_start3A_17 = tpu.memref_squeeze %dma_start3A_16 : memref<1x1x40xi32, #tpu.memory_space<hbm>> -> memref<40xi32, #tpu.memory_space<hbm>>
    tpu.enqueue_dma source(%dma_start3A_17 : memref<40xi32, #tpu.memory_space<hbm>>) target(%arg23 : memref<40xi32, #tpu.memory_space<vmem>>) target_semaphore(%arg43 : memref<!tpu.dma_semaphore, #tpu.memory_space<semaphore_mem>>)
    %dma_start3A_18 = arith.constant 1 : i32
    %dma_start3A_19 = arith.constant 0 : i32
    %dma_start3A_20 = tpu.memref_slice %arg3[%add3A, %dma_start3A_18, %dma_start3A_19] : memref<32x250x40xi32, #tpu.memory_space<hbm>> -> memref<1x1x40xi32, #tpu.memory_space<hbm>>
    %dma_start3A_21 = tpu.memref_squeeze %dma_start3A_20 : memref<1x1x40xi32, #tpu.memory_space<hbm>> -> memref<40xi32, #tpu.memory_space<hbm>>
    %dma_start3A_22 = arith.constant 0 : i32
    %dma_start3A_23 = tpu.memref_slice %arg3[%add3A, %dma_start3A_18, %dma_start3A_22] : memref<32x250x40xi32, #tpu.memory_space<hbm>> -> memref<1x1x40xi32, #tpu.memory_space<hbm>>
    %dma_start3A_24 = tpu.memref_squeeze %dma_start3A_23 : memref<1x1x40xi32, #tpu.memory_space<hbm>> -> memref<40xi32, #tpu.memory_space<hbm>>
    tpu.enqueue_dma source(%dma_start3A_24 : memref<40xi32, #tpu.memory_space<hbm>>) target(%arg14 : memref<40xi32, #tpu.memory_space<vmem>>) target_semaphore(%arg44 : memref<!tpu.dma_semaphore, #tpu.memory_space<semaphore_mem>>)
    %dma_start3A_25 = arith.constant 1 : i32
    %dma_start3A_26 = arith.constant 0 : i32
    %dma_start3A_27 = tpu.memref_slice %arg4[%add3A, %dma_start3A_25, %dma_start3A_26] : memref<32x250x40xi32, #tpu.memory_space<hbm>> -> memref<1x1x40xi32, #tpu.memory_space<hbm>>
    %dma_start3A_28 = tpu.memref_squeeze %dma_start3A_27 : memref<1x1x40xi32, #tpu.memory_space<hbm>> -> memref<40xi32, #tpu.memory_space<hbm>>
    %dma_start3A_29 = arith.constant 0 : i32
    %dma_start3A_30 = tpu.memref_slice %arg4[%add3A, %dma_start3A_25, %dma_start3A_29] : memref<32x250x40xi32, #tpu.memory_space<hbm>> -> memref<1x1x40xi32, #tpu.memory_space<hbm>>
    %dma_start3A_31 = tpu.memref_squeeze %dma_start3A_30 : memref<1x1x40xi32, #tpu.memory_space<hbm>> -> memref<40xi32, #tpu.memory_space<hbm>>
    tpu.enqueue_dma source(%dma_start3A_31 : memref<40xi32, #tpu.memory_space<hbm>>) target(%arg24 : memref<40xi32, #tpu.memory_space<vmem>>) target_semaphore(%arg44 : memref<!tpu.dma_semaphore, #tpu.memory_space<semaphore_mem>>)
    %dma_start3A_32 = arith.constant 2 : i32
    %dma_start3A_33 = arith.constant 0 : i32
    %dma_start3A_34 = tpu.memref_slice %arg3[%add3A, %dma_start3A_32, %dma_start3A_33] : memref<32x250x40xi32, #tpu.memory_space<hbm>> -> memref<1x1x40xi32, #tpu.memory_space<hbm>>
    %dma_start3A_35 = tpu.memref_squeeze %dma_start3A_34 : memref<1x1x40xi32, #tpu.memory_space<hbm>> -> memref<40xi32, #tpu.memory_space<hbm>>
    %dma_start3A_36 = arith.constant 0 : i32
    %dma_start3A_37 = tpu.memref_slice %arg3[%add3A, %dma_start3A_32, %dma_start3A_36] : memref<32x250x40xi32, #tpu.memory_space<hbm>> -> memref<1x1x40xi32, #tpu.memory_space<hbm>>
    %dma_start3A_38 = tpu.memref_squeeze %dma_start3A_37 : memref<1x1x40xi32, #tpu.memory_space<hbm>> -> memref<40xi32, #tpu.memory_space<hbm>>
    tpu.enqueue_dma source(%dma_start3A_38 : memref<40xi32, #tpu.memory_space<hbm>>) target(%arg15 : memref<40xi32, #tpu.memory_space<vmem>>) target_semaphore(%arg45 : memref<!tpu.dma_semaphore, #tpu.memory_space<semaphore_mem>>)
    %dma_start3A_39 = arith.constant 2 : i32
    %dma_start3A_40 = arith.constant 0 : i32
    %dma_start3A_41 = tpu.memref_slice %arg4[%add3A, %dma_start3A_39, %dma_start3A_40] : memref<32x250x40xi32, #tpu.memory_space<hbm>> -> memref<1x1x40xi32, #tpu.memory_space<hbm>>
    %dma_start3A_42 = tpu.memref_squeeze %dma_start3A_41 : memref<1x1x40xi32, #tpu.memory_space<hbm>> -> memref<40xi32, #tpu.memory_space<hbm>>
    %dma_start3A_43 = arith.constant 0 : i32
    %dma_start3A_44 = tpu.memref_slice %arg4[%add3A, %dma_start3A_39, %dma_start3A_43] : memref<32x250x40xi32, #tpu.memory_space<hbm>> -> memref<1x1x40xi32, #tpu.memory_space<hbm>>
    %dma_start3A_45 = tpu.memref_squeeze %dma_start3A_44 : memref<1x1x40xi32, #tpu.memory_space<hbm>> -> memref<40xi32, #tpu.memory_space<hbm>>
    tpu.enqueue_dma source(%dma_start3A_45 : memref<40xi32, #tpu.memory_space<hbm>>) target(%arg25 : memref<40xi32, #tpu.memory_space<vmem>>) target_semaphore(%arg45 : memref<!tpu.dma_semaphore, #tpu.memory_space<semaphore_mem>>)
    %dma_start3A_46 = arith.constant 3 : i32
    %dma_start3A_47 = arith.constant 0 : i32
    %dma_start3A_48 = tpu.memref_slice %arg3[%add3A, %dma_start3A_46, %dma_start3A_47] : memref<32x250x40xi32, #tpu.memory_space<hbm>> -> memref<1x1x40xi32, #tpu.memory_space<hbm>>
    %dma_start3A_49 = tpu.memref_squeeze %dma_start3A_48 : memref<1x1x40xi32, #tpu.memory_space<hbm>> -> memref<40xi32, #tpu.memory_space<hbm>>
    %dma_start3A_50 = arith.constant 0 : i32
    %dma_start3A_51 = tpu.memref_slice %arg3[%add3A, %dma_start3A_46, %dma_start3A_50] : memref<32x250x40xi32, #tpu.memory_space<hbm>> -> memref<1x1x40xi32, #tpu.memory_space<hbm>>
    %dma_start3A_52 = tpu.memref_squeeze %dma_start3A_51 : memref<1x1x40xi32, #tpu.memory_space<hbm>> -> memref<40xi32, #tpu.memory_space<hbm>>
    tpu.enqueue_dma source(%dma_start3A_52 : memref<40xi32, #tpu.memory_space<hbm>>) target(%arg16 : memref<40xi32, #tpu.memory_space<vmem>>) target_semaphore(%arg46 : memref<!tpu.dma_semaphore, #tpu.memory_space<semaphore_mem>>)
    %dma_start3A_53 = arith.constant 3 : i32
    %dma_start3A_54 = arith.constant 0 : i32
    %dma_start3A_55 = tpu.memref_slice %arg4[%add3A, %dma_start3A_53, %dma_start3A_54] : memref<32x250x40xi32, #tpu.memory_space<hbm>> -> memref<1x1x40xi32, #tpu.memory_space<hbm>>
    %dma_start3A_56 = tpu.memref_squeeze %dma_start3A_55 : memref<1x1x40xi32, #tpu.memory_space<hbm>> -> memref<40xi32, #tpu.memory_space<hbm>>
    %dma_start3A_57 = arith.constant 0 : i32
    %dma_start3A_58 = tpu.memref_slice %arg4[%add3A, %dma_start3A_53, %dma_start3A_57] : memref<32x250x40xi32, #tpu.memory_space<hbm>> -> memref<1x1x40xi32, #tpu.memory_space<hbm>>
    %dma_start3A_59 = tpu.memref_squeeze %dma_start3A_58 : memref<1x1x40xi32, #tpu.memory_space<hbm>> -> memref<40xi32, #tpu.memory_space<hbm>>
    tpu.enqueue_dma source(%dma_start3A_59 : memref<40xi32, #tpu.memory_space<hbm>>) target(%arg26 : memref<40xi32, #tpu.memory_space<vmem>>) target_semaphore(%arg46 : memref<!tpu.dma_semaphore, #tpu.memory_space<semaphore_mem>>)
    %dma_start3A_60 = arith.constant 4 : i32
    %dma_start3A_61 = arith.constant 0 : i32
    %dma_start3A_62 = tpu.memref_slice %arg3[%add3A, %dma_start3A_60, %dma_start3A_61] : memref<32x250x40xi32, #tpu.memory_space<hbm>> -> memref<1x1x40xi32, #tpu.memory_space<hbm>>
    %dma_start3A_63 = tpu.memref_squeeze %dma_start3A_62 : memref<1x1x40xi32, #tpu.memory_space<hbm>> -> memref<40xi32, #tpu.memory_space<hbm>>
    %dma_start3A_64 = arith.constant 0 : i32
    %dma_start3A_65 = tpu.memref_slice %arg3[%add3A, %dma_start3A_60, %dma_start3A_64] : memref<32x250x40xi32, #tpu.memory_space<hbm>> -> memref<1x1x40xi32, #tpu.memory_space<hbm>>
    %dma_start3A_66 = tpu.memref_squeeze %dma_start3A_65 : memref<1x1x40xi32, #tpu.memory_space<hbm>> -> memref<40xi32, #tpu.memory_space<hbm>>
    tpu.enqueue_dma source(%dma_start3A_66 : memref<40xi32, #tpu.memory_space<hbm>>) target(%arg17 : memref<40xi32, #tpu.memory_space<vmem>>) target_semaphore(%arg47 : memref<!tpu.dma_semaphore, #tpu.memory_space<semaphore_mem>>)
    %dma_start3A_67 = arith.constant 4 : i32
    %dma_start3A_68 = arith.constant 0 : i32
    %dma_start3A_69 = tpu.memref_slice %arg4[%add3A, %dma_start3A_67, %dma_start3A_68] : memref<32x250x40xi32, #tpu.memory_space<hbm>> -> memref<1x1x40xi32, #tpu.memory_space<hbm>>
    %dma_start3A_70 = tpu.memref_squeeze %dma_start3A_69 : memref<1x1x40xi32, #tpu.memory_space<hbm>> -> memref<40xi32, #tpu.memory_space<hbm>>
    %dma_start3A_71 = arith.constant 0 : i32
    %dma_start3A_72 = tpu.memref_slice %arg4[%add3A, %dma_start3A_67, %dma_start3A_71] : memref<32x250x40xi32, #tpu.memory_space<hbm>> -> memref<1x1x40xi32, #tpu.memory_space<hbm>>
    %dma_start3A_73 = tpu.memref_squeeze %dma_start3A_72 : memref<1x1x40xi32, #tpu.memory_space<hbm>> -> memref<40xi32, #tpu.memory_space<hbm>>
    tpu.enqueue_dma source(%dma_start3A_73 : memref<40xi32, #tpu.memory_space<hbm>>) target(%arg27 : memref<40xi32, #tpu.memory_space<vmem>>) target_semaphore(%arg47 : memref<!tpu.dma_semaphore, #tpu.memory_space<semaphore_mem>>)
    %dma_start3A_74 = arith.constant 5 : i32
    %dma_start3A_75 = arith.constant 0 : i32
    %dma_start3A_76 = tpu.memref_slice %arg3[%add3A, %dma_start3A_74, %dma_start3A_75] : memref<32x250x40xi32, #tpu.memory_space<hbm>> -> memref<1x1x40xi32, #tpu.memory_space<hbm>>
    %dma_start3A_77 = tpu.memref_squeeze %dma_start3A_76 : memref<1x1x40xi32, #tpu.memory_space<hbm>> -> memref<40xi32, #tpu.memory_space<hbm>>
    %dma_start3A_78 = arith.constant 0 : i32
    %dma_start3A_79 = tpu.memref_slice %arg3[%add3A, %dma_start3A_74, %dma_start3A_78] : memref<32x250x40xi32, #tpu.memory_space<hbm>> -> memref<1x1x40xi32, #tpu.memory_space<hbm>>
    %dma_start3A_80 = tpu.memref_squeeze %dma_start3A_79 : memref<1x1x40xi32, #tpu.memory_space<hbm>> -> memref<40xi32, #tpu.memory_space<hbm>>
    tpu.enqueue_dma source(%dma_start3A_80 : memref<40xi32, #tpu.memory_space<hbm>>) target(%arg18 : memref<40xi32, #tpu.memory_space<vmem>>) target_semaphore(%arg48 : memref<!tpu.dma_semaphore, #tpu.memory_space<semaphore_mem>>)
    %dma_start3A_81 = arith.constant 5 : i32
    %dma_start3A_82 = arith.constant 0 : i32
    %dma_start3A_83 = tpu.memref_slice %arg4[%add3A, %dma_start3A_81, %dma_start3A_82] : memref<32x250x40xi32, #tpu.memory_space<hbm>> -> memref<1x1x40xi32, #tpu.memory_space<hbm>>
    %dma_start3A_84 = tpu.memref_squeeze %dma_start3A_83 : memref<1x1x40xi32, #tpu.memory_space<hbm>> -> memref<40xi32, #tpu.memory_space<hbm>>
    %dma_start3A_85 = arith.constant 0 : i32
    %dma_start3A_86 = tpu.memref_slice %arg4[%add3A, %dma_start3A_81, %dma_start3A_85] : memref<32x250x40xi32, #tpu.memory_space<hbm>> -> memref<1x1x40xi32, #tpu.memory_space<hbm>>
    %dma_start3A_87 = tpu.memref_squeeze %dma_start3A_86 : memref<1x1x40xi32, #tpu.memory_space<hbm>> -> memref<40xi32, #tpu.memory_space<hbm>>
    tpu.enqueue_dma source(%dma_start3A_87 : memref<40xi32, #tpu.memory_space<hbm>>) target(%arg28 : memref<40xi32, #tpu.memory_space<vmem>>) target_semaphore(%arg48 : memref<!tpu.dma_semaphore, #tpu.memory_space<semaphore_mem>>)
    %dma_start3A_88 = arith.constant 6 : i32
    %dma_start3A_89 = arith.constant 0 : i32
    %dma_start3A_90 = tpu.memref_slice %arg3[%add3A, %dma_start3A_88, %dma_start3A_89] : memref<32x250x40xi32, #tpu.memory_space<hbm>> -> memref<1x1x40xi32, #tpu.memory_space<hbm>>
    %dma_start3A_91 = tpu.memref_squeeze %dma_start3A_90 : memref<1x1x40xi32, #tpu.memory_space<hbm>> -> memref<40xi32, #tpu.memory_space<hbm>>
    %dma_start3A_92 = arith.constant 0 : i32
    %dma_start3A_93 = tpu.memref_slice %arg3[%add3A, %dma_start3A_88, %dma_start3A_92] : memref<32x250x40xi32, #tpu.memory_space<hbm>> -> memref<1x1x40xi32, #tpu.memory_space<hbm>>
    %dma_start3A_94 = tpu.memref_squeeze %dma_start3A_93 : memref<1x1x40xi32, #tpu.memory_space<hbm>> -> memref<40xi32, #tpu.memory_space<hbm>>
    tpu.enqueue_dma source(%dma_start3A_94 : memref<40xi32, #tpu.memory_space<hbm>>) target(%arg19 : memref<40xi32, #tpu.memory_space<vmem>>) target_semaphore(%arg49 : memref<!tpu.dma_semaphore, #tpu.memory_space<semaphore_mem>>)
    %dma_start3A_95 = arith.constant 6 : i32
    %dma_start3A_96 = arith.constant 0 : i32
    %dma_start3A_97 = tpu.memref_slice %arg4[%add3A, %dma_start3A_95, %dma_start3A_96] : memref<32x250x40xi32, #tpu.memory_space<hbm>> -> memref<1x1x40xi32, #tpu.memory_space<hbm>>
    %dma_start3A_98 = tpu.memref_squeeze %dma_start3A_97 : memref<1x1x40xi32, #tpu.memory_space<hbm>> -> memref<40xi32, #tpu.memory_space<hbm>>
    %dma_start3A_99 = arith.constant 0 : i32
    %dma_start3A_100 = tpu.memref_slice %arg4[%add3A, %dma_start3A_95, %dma_start3A_99] : memref<32x250x40xi32, #tpu.memory_space<hbm>> -> memref<1x1x40xi32, #tpu.memory_space<hbm>>
    %dma_start3A_101 = tpu.memref_squeeze %dma_start3A_100 : memref<1x1x40xi32, #tpu.memory_space<hbm>> -> memref<40xi32, #tpu.memory_space<hbm>>
    tpu.enqueue_dma source(%dma_start3A_101 : memref<40xi32, #tpu.memory_space<hbm>>) target(%arg29 : memref<40xi32, #tpu.memory_space<vmem>>) target_semaphore(%arg49 : memref<!tpu.dma_semaphore, #tpu.memory_space<semaphore_mem>>)
    %dma_start3A_102 = arith.constant 7 : i32
    %dma_start3A_103 = arith.constant 0 : i32
    %dma_start3A_104 = tpu.memref_slice %arg3[%add3A, %dma_start3A_102, %dma_start3A_103] : memref<32x250x40xi32, #tpu.memory_space<hbm>> -> memref<1x1x40xi32, #tpu.memory_space<hbm>>
    %dma_start3A_105 = tpu.memref_squeeze %dma_start3A_104 : memref<1x1x40xi32, #tpu.memory_space<hbm>> -> memref<40xi32, #tpu.memory_space<hbm>>
    %dma_start3A_106 = arith.constant 0 : i32
    %dma_start3A_107 = tpu.memref_slice %arg3[%add3A, %dma_start3A_102, %dma_start3A_106] : memref<32x250x40xi32, #tpu.memory_space<hbm>> -> memref<1x1x40xi32, #tpu.memory_space<hbm>>
    %dma_start3A_108 = tpu.memref_squeeze %dma_start3A_107 : memref<1x1x40xi32, #tpu.memory_space<hbm>> -> memref<40xi32, #tpu.memory_space<hbm>>
    tpu.enqueue_dma source(%dma_start3A_108 : memref<40xi32, #tpu.memory_space<hbm>>) target(%arg20 : memref<40xi32, #tpu.memory_space<vmem>>) target_semaphore(%arg50 : memref<!tpu.dma_semaphore, #tpu.memory_space<semaphore_mem>>)
    %dma_start3A_109 = arith.constant 7 : i32
    %dma_start3A_110 = arith.constant 0 : i32
    %dma_start3A_111 = tpu.memref_slice %arg4[%add3A, %dma_start3A_109, %dma_start3A_110] : memref<32x250x40xi32, #tpu.memory_space<hbm>> -> memref<1x1x40xi32, #tpu.memory_space<hbm>>
    %dma_start3A_112 = tpu.memref_squeeze %dma_start3A_111 : memref<1x1x40xi32, #tpu.memory_space<hbm>> -> memref<40xi32, #tpu.memory_space<hbm>>
    %dma_start3A_113 = arith.constant 0 : i32
    %dma_start3A_114 = tpu.memref_slice %arg4[%add3A, %dma_start3A_109, %dma_start3A_113] : memref<32x250x40xi32, #tpu.memory_space<hbm>> -> memref<1x1x40xi32, #tpu.memory_space<hbm>>
    %dma_start3A_115 = tpu.memref_squeeze %dma_start3A_114 : memref<1x1x40xi32, #tpu.memory_space<hbm>> -> memref<40xi32, #tpu.memory_space<hbm>>
    tpu.enqueue_dma source(%dma_start3A_115 : memref<40xi32, #tpu.memory_space<hbm>>) target(%arg30 : memref<40xi32, #tpu.memory_space<vmem>>) target_semaphore(%arg50 : memref<!tpu.dma_semaphore, #tpu.memory_space<semaphore_mem>>)
    %dma_start3A_116 = arith.constant 8 : i32
    %dma_start3A_117 = arith.constant 0 : i32
    %dma_start3A_118 = tpu.memref_slice %arg3[%add3A, %dma_start3A_116, %dma_start3A_117] : memref<32x250x40xi32, #tpu.memory_space<hbm>> -> memref<1x1x40xi32, #tpu.memory_space<hbm>>
    %dma_start3A_119 = tpu.memref_squeeze %dma_start3A_118 : memref<1x1x40xi32, #tpu.memory_space<hbm>> -> memref<40xi32, #tpu.memory_space<hbm>>
    %dma_start3A_120 = arith.constant 0 : i32
    %dma_start3A_121 = tpu.memref_slice %arg3[%add3A, %dma_start3A_116, %dma_start3A_120] : memref<32x250x40xi32, #tpu.memory_space<hbm>> -> memref<1x1x40xi32, #tpu.memory_space<hbm>>
    %dma_start3A_122 = tpu.memref_squeeze %dma_start3A_121 : memref<1x1x40xi32, #tpu.memory_space<hbm>> -> memref<40xi32, #tpu.memory_space<hbm>>
    tpu.enqueue_dma source(%dma_start3A_122 : memref<40xi32, #tpu.memory_space<hbm>>) target(%arg21 : memref<40xi32, #tpu.memory_space<vmem>>) target_semaphore(%arg51 : memref<!tpu.dma_semaphore, #tpu.memory_space<semaphore_mem>>)
    %dma_start3A_123 = arith.constant 8 : i32
    %dma_start3A_124 = arith.constant 0 : i32
    %dma_start3A_125 = tpu.memref_slice %arg4[%add3A, %dma_start3A_123, %dma_start3A_124] : memref<32x250x40xi32, #tpu.memory_space<hbm>> -> memref<1x1x40xi32, #tpu.memory_space<hbm>>
    %dma_start3A_126 = tpu.memref_squeeze %dma_start3A_125 : memref<1x1x40xi32, #tpu.memory_space<hbm>> -> memref<40xi32, #tpu.memory_space<hbm>>
    %dma_start3A_127 = arith.constant 0 : i32
    %dma_start3A_128 = tpu.memref_slice %arg4[%add3A, %dma_start3A_123, %dma_start3A_127] : memref<32x250x40xi32, #tpu.memory_space<hbm>> -> memref<1x1x40xi32, #tpu.memory_space<hbm>>
    %dma_start3A_129 = tpu.memref_squeeze %dma_start3A_128 : memref<1x1x40xi32, #tpu.memory_space<hbm>> -> memref<40xi32, #tpu.memory_space<hbm>>
    tpu.enqueue_dma source(%dma_start3A_129 : memref<40xi32, #tpu.memory_space<hbm>>) target(%arg31 : memref<40xi32, #tpu.memory_space<vmem>>) target_semaphore(%arg51 : memref<!tpu.dma_semaphore, #tpu.memory_space<semaphore_mem>>)
    %dma_start3A_130 = arith.constant 9 : i32
    %dma_start3A_131 = arith.constant 0 : i32
    %dma_start3A_132 = tpu.memref_slice %arg3[%add3A, %dma_start3A_130, %dma_start3A_131] : memref<32x250x40xi32, #tpu.memory_space<hbm>> -> memref<1x1x40xi32, #tpu.memory_space<hbm>>
    %dma_start3A_133 = tpu.memref_squeeze %dma_start3A_132 : memref<1x1x40xi32, #tpu.memory_space<hbm>> -> memref<40xi32, #tpu.memory_space<hbm>>
    %dma_start3A_134 = arith.constant 0 : i32
    %dma_start3A_135 = tpu.memref_slice %arg3[%add3A, %dma_start3A_130, %dma_start3A_134] : memref<32x250x40xi32, #tpu.memory_space<hbm>> -> memref<1x1x40xi32, #tpu.memory_space<hbm>>
    %dma_start3A_136 = tpu.memref_squeeze %dma_start3A_135 : memref<1x1x40xi32, #tpu.memory_space<hbm>> -> memref<40xi32, #tpu.memory_space<hbm>>
    tpu.enqueue_dma source(%dma_start3A_136 : memref<40xi32, #tpu.memory_space<hbm>>) target(%arg22 : memref<40xi32, #tpu.memory_space<vmem>>) target_semaphore(%arg52 : memref<!tpu.dma_semaphore, #tpu.memory_space<semaphore_mem>>)
    %dma_start3A_137 = arith.constant 9 : i32
    %dma_start3A_138 = arith.constant 0 : i32
    %dma_start3A_139 = tpu.memref_slice %arg4[%add3A, %dma_start3A_137, %dma_start3A_138] : memref<32x250x40xi32, #tpu.memory_space<hbm>> -> memref<1x1x40xi32, #tpu.memory_space<hbm>>
    %dma_start3A_140 = tpu.memref_squeeze %dma_start3A_139 : memref<1x1x40xi32, #tpu.memory_space<hbm>> -> memref<40xi32, #tpu.memory_space<hbm>>
    %dma_start3A_141 = arith.constant 0 : i32
    %dma_start3A_142 = tpu.memref_slice %arg4[%add3A, %dma_start3A_137, %dma_start3A_141] : memref<32x250x40xi32, #tpu.memory_space<hbm>> -> memref<1x1x40xi32, #tpu.memory_space<hbm>>
    %dma_start3A_143 = tpu.memref_squeeze %dma_start3A_142 : memref<1x1x40xi32, #tpu.memory_space<hbm>> -> memref<40xi32, #tpu.memory_space<hbm>>
    tpu.enqueue_dma source(%dma_start3A_143 : memref<40xi32, #tpu.memory_space<hbm>>) target(%arg32 : memref<40xi32, #tpu.memory_space<vmem>>) target_semaphore(%arg52 : memref<!tpu.dma_semaphore, #tpu.memory_space<semaphore_mem>>)
    %dma_wait3A = arith.constant 0 : i32
    %dma_wait3A_144 = arith.constant 0 : i32
    %dma_wait3A_145 = tpu.memref_slice %arg3[%add3A, %dma_wait3A, %dma_wait3A_144] : memref<32x250x40xi32, #tpu.memory_space<hbm>> -> memref<1x1x40xi32, #tpu.memory_space<hbm>>
    %dma_wait3A_146 = tpu.memref_squeeze %dma_wait3A_145 : memref<1x1x40xi32, #tpu.memory_space<hbm>> -> memref<40xi32, #tpu.memory_space<hbm>>
    %dma_wait3A_147 = arith.constant 0 : i32
    %dma_wait3A_148 = tpu.memref_slice %arg3[%add3A, %dma_wait3A, %dma_wait3A_147] : memref<32x250x40xi32, #tpu.memory_space<hbm>> -> memref<1x1x40xi32, #tpu.memory_space<hbm>>
    %dma_wait3A_149 = tpu.memref_squeeze %dma_wait3A_148 : memref<1x1x40xi32, #tpu.memory_space<hbm>> -> memref<40xi32, #tpu.memory_space<hbm>>
    tpu.wait_dma2 semaphore(%arg43 : memref<!tpu.dma_semaphore, #tpu.memory_space<semaphore_mem>>) src(%dma_wait3A_149 : memref<40xi32, #tpu.memory_space<hbm>>) dst(%arg13 : memref<40xi32, #tpu.memory_space<vmem>>)
    %dma_wait3A_150 = arith.constant 0 : i32
    %dma_wait3A_151 = arith.constant 0 : i32
    %dma_wait3A_152 = tpu.memref_slice %arg4[%add3A, %dma_wait3A_150, %dma_wait3A_151] : memref<32x250x40xi32, #tpu.memory_space<hbm>> -> memref<1x1x40xi32, #tpu.memory_space<hbm>>
    %dma_wait3A_153 = tpu.memref_squeeze %dma_wait3A_152 : memref<1x1x40xi32, #tpu.memory_space<hbm>> -> memref<40xi32, #tpu.memory_space<hbm>>
    %dma_wait3A_154 = arith.constant 0 : i32
    %dma_wait3A_155 = tpu.memref_slice %arg4[%add3A, %dma_wait3A_150, %dma_wait3A_154] : memref<32x250x40xi32, #tpu.memory_space<hbm>> -> memref<1x1x40xi32, #tpu.memory_space<hbm>>
    %dma_wait3A_156 = tpu.memref_squeeze %dma_wait3A_155 : memref<1x1x40xi32, #tpu.memory_space<hbm>> -> memref<40xi32, #tpu.memory_space<hbm>>
    tpu.wait_dma2 semaphore(%arg43 : memref<!tpu.dma_semaphore, #tpu.memory_space<semaphore_mem>>) src(%dma_wait3A_156 : memref<40xi32, #tpu.memory_space<hbm>>) dst(%arg23 : memref<40xi32, #tpu.memory_space<vmem>>)
    %dma_start3A_157 = arith.constant 0 : i32
    %dma_start3A_158 = arith.constant 0 : i32
    %dma_start3A_159 = tpu.memref_slice %arg2[%dma_start3A_157, %dma_start3A_158] : memref<10000x128xf32, #tpu.memory_space<hbm>> -> memref<10000x128xf32, #tpu.memory_space<hbm>>
    tpu.enqueue_indirect_dma source(%dma_start3A_159 : memref<10000x128xf32, #tpu.memory_space<hbm>>) target(%arg8 : memref<40x128xf32, #tpu.memory_space<vmem>>) offsets(%arg13 : memref<40xi32, #tpu.memory_space<vmem>>) semaphore(%arg33 : memref<!tpu.dma_semaphore, #tpu.memory_space<semaphore_mem>>)
    %dma_wait3A_160 = arith.constant 0 : i32
    %dma_wait3A_161 = arith.constant 0 : i32
    %dma_wait3A_162 = tpu.memref_slice %arg3[%add3A, %dma_wait3A_160, %dma_wait3A_161] : memref<32x250x40xi32, #tpu.memory_space<hbm>> -> memref<1x1x40xi32, #tpu.memory_space<hbm>>
    %dma_wait3A_163 = tpu.memref_squeeze %dma_wait3A_162 : memref<1x1x40xi32, #tpu.memory_space<hbm>> -> memref<40xi32, #tpu.memory_space<hbm>>
    %dma_wait3A_164 = arith.constant 0 : i32
    %dma_wait3A_165 = tpu.memref_slice %arg3[%add3A, %dma_wait3A_160, %dma_wait3A_164] : memref<32x250x40xi32, #tpu.memory_space<hbm>> -> memref<1x1x40xi32, #tpu.memory_space<hbm>>
    %dma_wait3A_166 = tpu.memref_squeeze %dma_wait3A_165 : memref<1x1x40xi32, #tpu.memory_space<hbm>> -> memref<40xi32, #tpu.memory_space<hbm>>
    tpu.wait_dma2 semaphore(%arg44 : memref<!tpu.dma_semaphore, #tpu.memory_space<semaphore_mem>>) src(%dma_wait3A_166 : memref<40xi32, #tpu.memory_space<hbm>>) dst(%arg14 : memref<40xi32, #tpu.memory_space<vmem>>)
    %dma_wait3A_167 = arith.constant 0 : i32
    %dma_wait3A_168 = arith.constant 0 : i32
    %dma_wait3A_169 = tpu.memref_slice %arg4[%add3A, %dma_wait3A_167, %dma_wait3A_168] : memref<32x250x40xi32, #tpu.memory_space<hbm>> -> memref<1x1x40xi32, #tpu.memory_space<hbm>>
    %dma_wait3A_170 = tpu.memref_squeeze %dma_wait3A_169 : memref<1x1x40xi32, #tpu.memory_space<hbm>> -> memref<40xi32, #tpu.memory_space<hbm>>
    %dma_wait3A_171 = arith.constant 0 : i32
    %dma_wait3A_172 = tpu.memref_slice %arg4[%add3A, %dma_wait3A_167, %dma_wait3A_171] : memref<32x250x40xi32, #tpu.memory_space<hbm>> -> memref<1x1x40xi32, #tpu.memory_space<hbm>>
    %dma_wait3A_173 = tpu.memref_squeeze %dma_wait3A_172 : memref<1x1x40xi32, #tpu.memory_space<hbm>> -> memref<40xi32, #tpu.memory_space<hbm>>
    tpu.wait_dma2 semaphore(%arg44 : memref<!tpu.dma_semaphore, #tpu.memory_space<semaphore_mem>>) src(%dma_wait3A_173 : memref<40xi32, #tpu.memory_space<hbm>>) dst(%arg24 : memref<40xi32, #tpu.memory_space<vmem>>)
    %dma_start3A_174 = arith.constant 0 : i32
    %dma_start3A_175 = arith.constant 0 : i32
    %dma_start3A_176 = tpu.memref_slice %arg2[%dma_start3A_174, %dma_start3A_175] : memref<10000x128xf32, #tpu.memory_space<hbm>> -> memref<10000x128xf32, #tpu.memory_space<hbm>>
    tpu.enqueue_indirect_dma source(%dma_start3A_176 : memref<10000x128xf32, #tpu.memory_space<hbm>>) target(%arg9 : memref<40x128xf32, #tpu.memory_space<vmem>>) offsets(%arg14 : memref<40xi32, #tpu.memory_space<vmem>>) semaphore(%arg34 : memref<!tpu.dma_semaphore, #tpu.memory_space<semaphore_mem>>)
    %dma_wait3A_177 = arith.constant 0 : i32
    %dma_wait3A_178 = arith.constant 0 : i32
    %dma_wait3A_179 = tpu.memref_slice %arg3[%add3A, %dma_wait3A_177, %dma_wait3A_178] : memref<32x250x40xi32, #tpu.memory_space<hbm>> -> memref<1x1x40xi32, #tpu.memory_space<hbm>>
    %dma_wait3A_180 = tpu.memref_squeeze %dma_wait3A_179 : memref<1x1x40xi32, #tpu.memory_space<hbm>> -> memref<40xi32, #tpu.memory_space<hbm>>
    %dma_wait3A_181 = arith.constant 0 : i32
    %dma_wait3A_182 = tpu.memref_slice %arg3[%add3A, %dma_wait3A_177, %dma_wait3A_181] : memref<32x250x40xi32, #tpu.memory_space<hbm>> -> memref<1x1x40xi32, #tpu.memory_space<hbm>>
    %dma_wait3A_183 = tpu.memref_squeeze %dma_wait3A_182 : memref<1x1x40xi32, #tpu.memory_space<hbm>> -> memref<40xi32, #tpu.memory_space<hbm>>
    tpu.wait_dma2 semaphore(%arg45 : memref<!tpu.dma_semaphore, #tpu.memory_space<semaphore_mem>>) src(%dma_wait3A_183 : memref<40xi32, #tpu.memory_space<hbm>>) dst(%arg15 : memref<40xi32, #tpu.memory_space<vmem>>)
    %dma_wait3A_184 = arith.constant 0 : i32
    %dma_wait3A_185 = arith.constant 0 : i32
    %dma_wait3A_186 = tpu.memref_slice %arg4[%add3A, %dma_wait3A_184, %dma_wait3A_185] : memref<32x250x40xi32, #tpu.memory_space<hbm>> -> memref<1x1x40xi32, #tpu.memory_space<hbm>>
    %dma_wait3A_187 = tpu.memref_squeeze %dma_wait3A_186 : memref<1x1x40xi32, #tpu.memory_space<hbm>> -> memref<40xi32, #tpu.memory_space<hbm>>
    %dma_wait3A_188 = arith.constant 0 : i32
    %dma_wait3A_189 = tpu.memref_slice %arg4[%add3A, %dma_wait3A_184, %dma_wait3A_188] : memref<32x250x40xi32, #tpu.memory_space<hbm>> -> memref<1x1x40xi32, #tpu.memory_space<hbm>>
    %dma_wait3A_190 = tpu.memref_squeeze %dma_wait3A_189 : memref<1x1x40xi32, #tpu.memory_space<hbm>> -> memref<40xi32, #tpu.memory_space<hbm>>
    tpu.wait_dma2 semaphore(%arg45 : memref<!tpu.dma_semaphore, #tpu.memory_space<semaphore_mem>>) src(%dma_wait3A_190 : memref<40xi32, #tpu.memory_space<hbm>>) dst(%arg25 : memref<40xi32, #tpu.memory_space<vmem>>)
    %dma_start3A_191 = arith.constant 0 : i32
    %dma_start3A_192 = arith.constant 0 : i32
    %dma_start3A_193 = tpu.memref_slice %arg2[%dma_start3A_191, %dma_start3A_192] : memref<10000x128xf32, #tpu.memory_space<hbm>> -> memref<10000x128xf32, #tpu.memory_space<hbm>>
    tpu.enqueue_indirect_dma source(%dma_start3A_193 : memref<10000x128xf32, #tpu.memory_space<hbm>>) target(%arg10 : memref<40x128xf32, #tpu.memory_space<vmem>>) offsets(%arg15 : memref<40xi32, #tpu.memory_space<vmem>>) semaphore(%arg35 : memref<!tpu.dma_semaphore, #tpu.memory_space<semaphore_mem>>)
    %dma_wait3A_194 = arith.constant 0 : i32
    %dma_wait3A_195 = arith.constant 0 : i32
    %dma_wait3A_196 = tpu.memref_slice %arg3[%add3A, %dma_wait3A_194, %dma_wait3A_195] : memref<32x250x40xi32, #tpu.memory_space<hbm>> -> memref<1x1x40xi32, #tpu.memory_space<hbm>>
    %dma_wait3A_197 = tpu.memref_squeeze %dma_wait3A_196 : memref<1x1x40xi32, #tpu.memory_space<hbm>> -> memref<40xi32, #tpu.memory_space<hbm>>
    %dma_wait3A_198 = arith.constant 0 : i32
    %dma_wait3A_199 = tpu.memref_slice %arg3[%add3A, %dma_wait3A_194, %dma_wait3A_198] : memref<32x250x40xi32, #tpu.memory_space<hbm>> -> memref<1x1x40xi32, #tpu.memory_space<hbm>>
    %dma_wait3A_200 = tpu.memref_squeeze %dma_wait3A_199 : memref<1x1x40xi32, #tpu.memory_space<hbm>> -> memref<40xi32, #tpu.memory_space<hbm>>
    tpu.wait_dma2 semaphore(%arg46 : memref<!tpu.dma_semaphore, #tpu.memory_space<semaphore_mem>>) src(%dma_wait3A_200 : memref<40xi32, #tpu.memory_space<hbm>>) dst(%arg16 : memref<40xi32, #tpu.memory_space<vmem>>)
    %dma_wait3A_201 = arith.constant 0 : i32
    %dma_wait3A_202 = arith.constant 0 : i32
    %dma_wait3A_203 = tpu.memref_slice %arg4[%add3A, %dma_wait3A_201, %dma_wait3A_202] : memref<32x250x40xi32, #tpu.memory_space<hbm>> -> memref<1x1x40xi32, #tpu.memory_space<hbm>>
    %dma_wait3A_204 = tpu.memref_squeeze %dma_wait3A_203 : memref<1x1x40xi32, #tpu.memory_space<hbm>> -> memref<40xi32, #tpu.memory_space<hbm>>
    %dma_wait3A_205 = arith.constant 0 : i32
    %dma_wait3A_206 = tpu.memref_slice %arg4[%add3A, %dma_wait3A_201, %dma_wait3A_205] : memref<32x250x40xi32, #tpu.memory_space<hbm>> -> memref<1x1x40xi32, #tpu.memory_space<hbm>>
    %dma_wait3A_207 = tpu.memref_squeeze %dma_wait3A_206 : memref<1x1x40xi32, #tpu.memory_space<hbm>> -> memref<40xi32, #tpu.memory_space<hbm>>
    tpu.wait_dma2 semaphore(%arg46 : memref<!tpu.dma_semaphore, #tpu.memory_space<semaphore_mem>>) src(%dma_wait3A_207 : memref<40xi32, #tpu.memory_space<hbm>>) dst(%arg26 : memref<40xi32, #tpu.memory_space<vmem>>)
    %dma_start3A_208 = arith.constant 0 : i32
    %dma_start3A_209 = arith.constant 0 : i32
    %dma_start3A_210 = tpu.memref_slice %arg2[%dma_start3A_208, %dma_start3A_209] : memref<10000x128xf32, #tpu.memory_space<hbm>> -> memref<10000x128xf32, #tpu.memory_space<hbm>>
    tpu.enqueue_indirect_dma source(%dma_start3A_210 : memref<10000x128xf32, #tpu.memory_space<hbm>>) target(%arg11 : memref<40x128xf32, #tpu.memory_space<vmem>>) offsets(%arg16 : memref<40xi32, #tpu.memory_space<vmem>>) semaphore(%arg36 : memref<!tpu.dma_semaphore, #tpu.memory_space<semaphore_mem>>)
    %dma_wait3A_211 = arith.constant 0 : i32
    %dma_wait3A_212 = arith.constant 0 : i32
    %dma_wait3A_213 = tpu.memref_slice %arg3[%add3A, %dma_wait3A_211, %dma_wait3A_212] : memref<32x250x40xi32, #tpu.memory_space<hbm>> -> memref<1x1x40xi32, #tpu.memory_space<hbm>>
    %dma_wait3A_214 = tpu.memref_squeeze %dma_wait3A_213 : memref<1x1x40xi32, #tpu.memory_space<hbm>> -> memref<40xi32, #tpu.memory_space<hbm>>
    %dma_wait3A_215 = arith.constant 0 : i32
    %dma_wait3A_216 = tpu.memref_slice %arg3[%add3A, %dma_wait3A_211, %dma_wait3A_215] : memref<32x250x40xi32, #tpu.memory_space<hbm>> -> memref<1x1x40xi32, #tpu.memory_space<hbm>>
    %dma_wait3A_217 = tpu.memref_squeeze %dma_wait3A_216 : memref<1x1x40xi32, #tpu.memory_space<hbm>> -> memref<40xi32, #tpu.memory_space<hbm>>
    tpu.wait_dma2 semaphore(%arg47 : memref<!tpu.dma_semaphore, #tpu.memory_space<semaphore_mem>>) src(%dma_wait3A_217 : memref<40xi32, #tpu.memory_space<hbm>>) dst(%arg17 : memref<40xi32, #tpu.memory_space<vmem>>)
    %dma_wait3A_218 = arith.constant 0 : i32
    %dma_wait3A_219 = arith.constant 0 : i32
    %dma_wait3A_220 = tpu.memref_slice %arg4[%add3A, %dma_wait3A_218, %dma_wait3A_219] : memref<32x250x40xi32, #tpu.memory_space<hbm>> -> memref<1x1x40xi32, #tpu.memory_space<hbm>>
    %dma_wait3A_221 = tpu.memref_squeeze %dma_wait3A_220 : memref<1x1x40xi32, #tpu.memory_space<hbm>> -> memref<40xi32, #tpu.memory_space<hbm>>
    %dma_wait3A_222 = arith.constant 0 : i32
    %dma_wait3A_223 = tpu.memref_slice %arg4[%add3A, %dma_wait3A_218, %dma_wait3A_222] : memref<32x250x40xi32, #tpu.memory_space<hbm>> -> memref<1x1x40xi32, #tpu.memory_space<hbm>>
    %dma_wait3A_224 = tpu.memref_squeeze %dma_wait3A_223 : memref<1x1x40xi32, #tpu.memory_space<hbm>> -> memref<40xi32, #tpu.memory_space<hbm>>
    tpu.wait_dma2 semaphore(%arg47 : memref<!tpu.dma_semaphore, #tpu.memory_space<semaphore_mem>>) src(%dma_wait3A_224 : memref<40xi32, #tpu.memory_space<hbm>>) dst(%arg27 : memref<40xi32, #tpu.memory_space<vmem>>)
    %dma_start3A_225 = arith.constant 0 : i32
    %dma_start3A_226 = arith.constant 0 : i32
    %dma_start3A_227 = tpu.memref_slice %arg2[%dma_start3A_225, %dma_start3A_226] : memref<10000x128xf32, #tpu.memory_space<hbm>> -> memref<10000x128xf32, #tpu.memory_space<hbm>>
    tpu.enqueue_indirect_dma source(%dma_start3A_227 : memref<10000x128xf32, #tpu.memory_space<hbm>>) target(%arg12 : memref<40x128xf32, #tpu.memory_space<vmem>>) offsets(%arg17 : memref<40xi32, #tpu.memory_space<vmem>>) semaphore(%arg37 : memref<!tpu.dma_semaphore, #tpu.memory_space<semaphore_mem>>)
    %scan3A = arith.constant 0 : i32
    %scan3A_228 = arith.constant 0 : i32
    %scan3A_229 = arith.constant 25 : i32
    %scan3A_230 = arith.addi %scan3A_228, %scan3A_229 : i32
    %scan3A_231 = arith.constant 1 : i32
    scf.for %scan3A_239 = %scan3A_228 to %scan3A_230 step %scan3A_231  : i32 {
      %mul3A_240 = arith.constant 2 : i32
      %mul3A_241 = arith.muli %mul3A_240, %scan3A_239 : i32
      %dma_wait3A_242 = arith.constant 0 : i32
      %dma_wait3A_243 = arith.constant 0 : i32
      %dma_wait3A_244 = tpu.memref_slice %arg2[%dma_wait3A_242, %dma_wait3A_243] : memref<10000x128xf32, #tpu.memory_space<hbm>> -> memref<10000x128xf32, #tpu.memory_space<hbm>>
      tpu.wait_indirect_dma semaphore(%arg33 : memref<!tpu.dma_semaphore, #tpu.memory_space<semaphore_mem>>) src(%dma_wait3A_244 : memref<10000x128xf32, #tpu.memory_space<hbm>>) dst(%arg8 : memref<40x128xf32, #tpu.memory_space<vmem>>)
      %dma_start3A_245 = arith.constant 0 : i32
      %dma_start3A_246 = arith.constant 0 : i32
      %dma_start3A_247 = tpu.memref_slice %arg7[%dma_start3A_245, %dma_start3A_246] : memref<10000x128xf32, #tpu.memory_space<vmem_shared>> -> memref<10000x128xf32, #tpu.memory_space<vmem_shared>>
      tpu.enqueue_indirect_dma source(%arg8 : memref<40x128xf32, #tpu.memory_space<vmem>>) target(%dma_start3A_247 : memref<10000x128xf32, #tpu.memory_space<vmem_shared>>) offsets(%arg23 : memref<40xi32, #tpu.memory_space<vmem>>) semaphore(%arg38 : memref<!tpu.dma_semaphore, #tpu.memory_space<semaphore_mem>>) {add = true}
      %dma_wait3A_248 = arith.constant 0 : i32
      %dma_wait3A_249 = arith.constant 0 : i32
      %dma_wait3A_250 = tpu.memref_slice %arg2[%dma_wait3A_248, %dma_wait3A_249] : memref<10000x128xf32, #tpu.memory_space<hbm>> -> memref<10000x128xf32, #tpu.memory_space<hbm>>
      tpu.wait_indirect_dma semaphore(%arg34 : memref<!tpu.dma_semaphore, #tpu.memory_space<semaphore_mem>>) src(%dma_wait3A_250 : memref<10000x128xf32, #tpu.memory_space<hbm>>) dst(%arg9 : memref<40x128xf32, #tpu.memory_space<vmem>>)
      %dma_start3A_251 = arith.constant 0 : i32
      %dma_start3A_252 = arith.constant 0 : i32
      %dma_start3A_253 = tpu.memref_slice %arg7[%dma_start3A_251, %dma_start3A_252] : memref<10000x128xf32, #tpu.memory_space<vmem_shared>> -> memref<10000x128xf32, #tpu.memory_space<vmem_shared>>
      tpu.enqueue_indirect_dma source(%arg9 : memref<40x128xf32, #tpu.memory_space<vmem>>) target(%dma_start3A_253 : memref<10000x128xf32, #tpu.memory_space<vmem_shared>>) offsets(%arg24 : memref<40xi32, #tpu.memory_space<vmem>>) semaphore(%arg39 : memref<!tpu.dma_semaphore, #tpu.memory_space<semaphore_mem>>) {add = true}
      %dma_wait3A_254 = arith.constant 0 : i32
      %dma_wait3A_255 = arith.constant 0 : i32
      %dma_wait3A_256 = tpu.memref_slice %arg2[%dma_wait3A_254, %dma_wait3A_255] : memref<10000x128xf32, #tpu.memory_space<hbm>> -> memref<10000x128xf32, #tpu.memory_space<hbm>>
      tpu.wait_indirect_dma semaphore(%arg35 : memref<!tpu.dma_semaphore, #tpu.memory_space<semaphore_mem>>) src(%dma_wait3A_256 : memref<10000x128xf32, #tpu.memory_space<hbm>>) dst(%arg10 : memref<40x128xf32, #tpu.memory_space<vmem>>)
      %dma_start3A_257 = arith.constant 0 : i32
      %dma_start3A_258 = arith.constant 0 : i32
      %dma_start3A_259 = tpu.memref_slice %arg7[%dma_start3A_257, %dma_start3A_258] : memref<10000x128xf32, #tpu.memory_space<vmem_shared>> -> memref<10000x128xf32, #tpu.memory_space<vmem_shared>>
      tpu.enqueue_indirect_dma source(%arg10 : memref<40x128xf32, #tpu.memory_space<vmem>>) target(%dma_start3A_259 : memref<10000x128xf32, #tpu.memory_space<vmem_shared>>) offsets(%arg25 : memref<40xi32, #tpu.memory_space<vmem>>) semaphore(%arg40 : memref<!tpu.dma_semaphore, #tpu.memory_space<semaphore_mem>>) {add = true}
      %dma_wait3A_260 = arith.constant 0 : i32
      %dma_wait3A_261 = arith.constant 0 : i32
      %dma_wait3A_262 = tpu.memref_slice %arg2[%dma_wait3A_260, %dma_wait3A_261] : memref<10000x128xf32, #tpu.memory_space<hbm>> -> memref<10000x128xf32, #tpu.memory_space<hbm>>
      tpu.wait_indirect_dma semaphore(%arg36 : memref<!tpu.dma_semaphore, #tpu.memory_space<semaphore_mem>>) src(%dma_wait3A_262 : memref<10000x128xf32, #tpu.memory_space<hbm>>) dst(%arg11 : memref<40x128xf32, #tpu.memory_space<vmem>>)
      %dma_start3A_263 = arith.constant 0 : i32
      %dma_start3A_264 = arith.constant 0 : i32
      %dma_start3A_265 = tpu.memref_slice %arg7[%dma_start3A_263, %dma_start3A_264] : memref<10000x128xf32, #tpu.memory_space<vmem_shared>> -> memref<10000x128xf32, #tpu.memory_space<vmem_shared>>
      tpu.enqueue_indirect_dma source(%arg11 : memref<40x128xf32, #tpu.memory_space<vmem>>) target(%dma_start3A_265 : memref<10000x128xf32, #tpu.memory_space<vmem_shared>>) offsets(%arg26 : memref<40xi32, #tpu.memory_space<vmem>>) semaphore(%arg41 : memref<!tpu.dma_semaphore, #tpu.memory_space<semaphore_mem>>) {add = true}
      %dma_wait3A_266 = arith.constant 0 : i32
      %dma_wait3A_267 = arith.constant 0 : i32
      %dma_wait3A_268 = tpu.memref_slice %arg2[%dma_wait3A_266, %dma_wait3A_267] : memref<10000x128xf32, #tpu.memory_space<hbm>> -> memref<10000x128xf32, #tpu.memory_space<hbm>>
      tpu.wait_indirect_dma semaphore(%arg37 : memref<!tpu.dma_semaphore, #tpu.memory_space<semaphore_mem>>) src(%dma_wait3A_268 : memref<10000x128xf32, #tpu.memory_space<hbm>>) dst(%arg12 : memref<40x128xf32, #tpu.memory_space<vmem>>)
      %dma_start3A_269 = arith.constant 0 : i32
      %dma_start3A_270 = arith.constant 0 : i32
      %dma_start3A_271 = tpu.memref_slice %arg7[%dma_start3A_269, %dma_start3A_270] : memref<10000x128xf32, #tpu.memory_space<vmem_shared>> -> memref<10000x128xf32, #tpu.memory_space<vmem_shared>>
      tpu.enqueue_indirect_dma source(%arg12 : memref<40x128xf32, #tpu.memory_space<vmem>>) target(%dma_start3A_271 : memref<10000x128xf32, #tpu.memory_space<vmem_shared>>) offsets(%arg27 : memref<40xi32, #tpu.memory_space<vmem>>) semaphore(%arg42 : memref<!tpu.dma_semaphore, #tpu.memory_space<semaphore_mem>>) {add = true}
      %dma_wait3A_272 = arith.constant 0 : i32
      %dma_wait3A_273 = arith.constant 0 : i32
      %dma_wait3A_274 = tpu.memref_slice %arg7[%dma_wait3A_272, %dma_wait3A_273] : memref<10000x128xf32, #tpu.memory_space<vmem_shared>> -> memref<10000x128xf32, #tpu.memory_space<vmem_shared>>
      tpu.wait_indirect_dma semaphore(%arg38 : memref<!tpu.dma_semaphore, #tpu.memory_space<semaphore_mem>>) src(%arg8 : memref<40x128xf32, #tpu.memory_space<vmem>>) dst(%dma_wait3A_274 : memref<10000x128xf32, #tpu.memory_space<vmem_shared>>)
      %lt3A = arith.constant 48 : i32
      %lt3A_275 = arith.cmpi slt, %mul3A_241, %lt3A : i32
      %convert_element_type3A_276 = arith.extui %lt3A_275 : i1 to i32
      %cond3A_277 = arith.constant 0 : i32
      %cond3A_278 = arith.cmpi ne, %convert_element_type3A_276, %cond3A_277 : i32
      scf.if %cond3A_278 {
        %mul3A_435 = arith.constant 5 : i32
        %mul3A_436 = arith.muli %mul3A_241, %mul3A_435 : i32
        %add3A_437 = arith.constant 10 : i32
        %add3A_438 = arith.addi %mul3A_436, %add3A_437 : i32
        %add3A_439 = arith.constant 0 : i32
        %add3A_440 = arith.addi %add3A_438, %add3A_439 : i32
        %dma_start3A_441 = arith.constant 0 : i32
        %dma_start3A_442 = tpu.memref_slice %arg3[%add3A, %add3A_440, %dma_start3A_441] : memref<32x250x40xi32, #tpu.memory_space<hbm>> -> memref<1x1x40xi32, #tpu.memory_space<hbm>>
        %dma_start3A_443 = tpu.memref_squeeze %dma_start3A_442 : memref<1x1x40xi32, #tpu.memory_space<hbm>> -> memref<40xi32, #tpu.memory_space<hbm>>
        %dma_start3A_444 = arith.constant 0 : i32
        %dma_start3A_445 = tpu.memref_slice %arg3[%add3A, %add3A_440, %dma_start3A_444] : memref<32x250x40xi32, #tpu.memory_space<hbm>> -> memref<1x1x40xi32, #tpu.memory_space<hbm>>
        %dma_start3A_446 = tpu.memref_squeeze %dma_start3A_445 : memref<1x1x40xi32, #tpu.memory_space<hbm>> -> memref<40xi32, #tpu.memory_space<hbm>>
        tpu.enqueue_dma source(%dma_start3A_446 : memref<40xi32, #tpu.memory_space<hbm>>) target(%arg13 : memref<40xi32, #tpu.memory_space<vmem>>) target_semaphore(%arg43 : memref<!tpu.dma_semaphore, #tpu.memory_space<semaphore_mem>>)
        %dma_start3A_447 = arith.constant 0 : i32
        %dma_start3A_448 = tpu.memref_slice %arg4[%add3A, %add3A_440, %dma_start3A_447] : memref<32x250x40xi32, #tpu.memory_space<hbm>> -> memref<1x1x40xi32, #tpu.memory_space<hbm>>
        %dma_start3A_449 = tpu.memref_squeeze %dma_start3A_448 : memref<1x1x40xi32, #tpu.memory_space<hbm>> -> memref<40xi32, #tpu.memory_space<hbm>>
        %dma_start3A_450 = arith.constant 0 : i32
        %dma_start3A_451 = tpu.memref_slice %arg4[%add3A, %add3A_440, %dma_start3A_450] : memref<32x250x40xi32, #tpu.memory_space<hbm>> -> memref<1x1x40xi32, #tpu.memory_space<hbm>>
        %dma_start3A_452 = tpu.memref_squeeze %dma_start3A_451 : memref<1x1x40xi32, #tpu.memory_space<hbm>> -> memref<40xi32, #tpu.memory_space<hbm>>
        tpu.enqueue_dma source(%dma_start3A_452 : memref<40xi32, #tpu.memory_space<hbm>>) target(%arg23 : memref<40xi32, #tpu.memory_space<vmem>>) target_semaphore(%arg43 : memref<!tpu.dma_semaphore, #tpu.memory_space<semaphore_mem>>)
      } else {
      }
      %lt3A_279 = arith.constant 49 : i32
      %lt3A_280 = arith.cmpi slt, %mul3A_241, %lt3A_279 : i32
      %convert_element_type3A_281 = arith.extui %lt3A_280 : i1 to i32
      %cond3A_282 = arith.constant 0 : i32
      %cond3A_283 = arith.cmpi ne, %convert_element_type3A_281, %cond3A_282 : i32
      scf.if %cond3A_283 {
        %dma_wait3A_435 = arith.constant 0 : i32
        %dma_wait3A_436 = arith.constant 0 : i32
        %dma_wait3A_437 = tpu.memref_slice %arg3[%add3A, %dma_wait3A_435, %dma_wait3A_436] : memref<32x250x40xi32, #tpu.memory_space<hbm>> -> memref<1x1x40xi32, #tpu.memory_space<hbm>>
        %dma_wait3A_438 = tpu.memref_squeeze %dma_wait3A_437 : memref<1x1x40xi32, #tpu.memory_space<hbm>> -> memref<40xi32, #tpu.memory_space<hbm>>
        %dma_wait3A_439 = arith.constant 0 : i32
        %dma_wait3A_440 = tpu.memref_slice %arg3[%add3A, %dma_wait3A_435, %dma_wait3A_439] : memref<32x250x40xi32, #tpu.memory_space<hbm>> -> memref<1x1x40xi32, #tpu.memory_space<hbm>>
        %dma_wait3A_441 = tpu.memref_squeeze %dma_wait3A_440 : memref<1x1x40xi32, #tpu.memory_space<hbm>> -> memref<40xi32, #tpu.memory_space<hbm>>
        tpu.wait_dma2 semaphore(%arg48 : memref<!tpu.dma_semaphore, #tpu.memory_space<semaphore_mem>>) src(%dma_wait3A_441 : memref<40xi32, #tpu.memory_space<hbm>>) dst(%arg18 : memref<40xi32, #tpu.memory_space<vmem>>)
        %dma_wait3A_442 = arith.constant 0 : i32
        %dma_wait3A_443 = arith.constant 0 : i32
        %dma_wait3A_444 = tpu.memref_slice %arg4[%add3A, %dma_wait3A_442, %dma_wait3A_443] : memref<32x250x40xi32, #tpu.memory_space<hbm>> -> memref<1x1x40xi32, #tpu.memory_space<hbm>>
        %dma_wait3A_445 = tpu.memref_squeeze %dma_wait3A_444 : memref<1x1x40xi32, #tpu.memory_space<hbm>> -> memref<40xi32, #tpu.memory_space<hbm>>
        %dma_wait3A_446 = arith.constant 0 : i32
        %dma_wait3A_447 = tpu.memref_slice %arg4[%add3A, %dma_wait3A_442, %dma_wait3A_446] : memref<32x250x40xi32, #tpu.memory_space<hbm>> -> memref<1x1x40xi32, #tpu.memory_space<hbm>>
        %dma_wait3A_448 = tpu.memref_squeeze %dma_wait3A_447 : memref<1x1x40xi32, #tpu.memory_space<hbm>> -> memref<40xi32, #tpu.memory_space<hbm>>
        tpu.wait_dma2 semaphore(%arg48 : memref<!tpu.dma_semaphore, #tpu.memory_space<semaphore_mem>>) src(%dma_wait3A_448 : memref<40xi32, #tpu.memory_space<hbm>>) dst(%arg28 : memref<40xi32, #tpu.memory_space<vmem>>)
        %dma_start3A_449 = arith.constant 0 : i32
        %dma_start3A_450 = arith.constant 0 : i32
        %dma_start3A_451 = tpu.memref_slice %arg2[%dma_start3A_449, %dma_start3A_450] : memref<10000x128xf32, #tpu.memory_space<hbm>> -> memref<10000x128xf32, #tpu.memory_space<hbm>>
        tpu.enqueue_indirect_dma source(%dma_start3A_451 : memref<10000x128xf32, #tpu.memory_space<hbm>>) target(%arg8 : memref<40x128xf32, #tpu.memory_space<vmem>>) offsets(%arg18 : memref<40xi32, #tpu.memory_space<vmem>>) semaphore(%arg33 : memref<!tpu.dma_semaphore, #tpu.memory_space<semaphore_mem>>)
      } else {
      }
      %dma_wait3A_284 = arith.constant 0 : i32
      %dma_wait3A_285 = arith.constant 0 : i32
      %dma_wait3A_286 = tpu.memref_slice %arg7[%dma_wait3A_284, %dma_wait3A_285] : memref<10000x128xf32, #tpu.memory_space<vmem_shared>> -> memref<10000x128xf32, #tpu.memory_space<vmem_shared>>
      tpu.wait_indirect_dma semaphore(%arg39 : memref<!tpu.dma_semaphore, #tpu.memory_space<semaphore_mem>>) src(%arg9 : memref<40x128xf32, #tpu.memory_space<vmem>>) dst(%dma_wait3A_286 : memref<10000x128xf32, #tpu.memory_space<vmem_shared>>)
      %lt3A_287 = arith.constant 48 : i32
      %lt3A_288 = arith.cmpi slt, %mul3A_241, %lt3A_287 : i32
      %convert_element_type3A_289 = arith.extui %lt3A_288 : i1 to i32
      %cond3A_290 = arith.constant 0 : i32
      %cond3A_291 = arith.cmpi ne, %convert_element_type3A_289, %cond3A_290 : i32
      scf.if %cond3A_291 {
        %mul3A_435 = arith.constant 5 : i32
        %mul3A_436 = arith.muli %mul3A_241, %mul3A_435 : i32
        %add3A_437 = arith.constant 10 : i32
        %add3A_438 = arith.addi %mul3A_436, %add3A_437 : i32
        %add3A_439 = arith.constant 1 : i32
        %add3A_440 = arith.addi %add3A_438, %add3A_439 : i32
        %dma_start3A_441 = arith.constant 0 : i32
        %dma_start3A_442 = tpu.memref_slice %arg3[%add3A, %add3A_440, %dma_start3A_441] : memref<32x250x40xi32, #tpu.memory_space<hbm>> -> memref<1x1x40xi32, #tpu.memory_space<hbm>>
        %dma_start3A_443 = tpu.memref_squeeze %dma_start3A_442 : memref<1x1x40xi32, #tpu.memory_space<hbm>> -> memref<40xi32, #tpu.memory_space<hbm>>
        %dma_start3A_444 = arith.constant 0 : i32
        %dma_start3A_445 = tpu.memref_slice %arg3[%add3A, %add3A_440, %dma_start3A_444] : memref<32x250x40xi32, #tpu.memory_space<hbm>> -> memref<1x1x40xi32, #tpu.memory_space<hbm>>
        %dma_start3A_446 = tpu.memref_squeeze %dma_start3A_445 : memref<1x1x40xi32, #tpu.memory_space<hbm>> -> memref<40xi32, #tpu.memory_space<hbm>>
        tpu.enqueue_dma source(%dma_start3A_446 : memref<40xi32, #tpu.memory_space<hbm>>) target(%arg14 : memref<40xi32, #tpu.memory_space<vmem>>) target_semaphore(%arg44 : memref<!tpu.dma_semaphore, #tpu.memory_space<semaphore_mem>>)
        %dma_start3A_447 = arith.constant 0 : i32
        %dma_start3A_448 = tpu.memref_slice %arg4[%add3A, %add3A_440, %dma_start3A_447] : memref<32x250x40xi32, #tpu.memory_space<hbm>> -> memref<1x1x40xi32, #tpu.memory_space<hbm>>
        %dma_start3A_449 = tpu.memref_squeeze %dma_start3A_448 : memref<1x1x40xi32, #tpu.memory_space<hbm>> -> memref<40xi32, #tpu.memory_space<hbm>>
        %dma_start3A_450 = arith.constant 0 : i32
        %dma_start3A_451 = tpu.memref_slice %arg4[%add3A, %add3A_440, %dma_start3A_450] : memref<32x250x40xi32, #tpu.memory_space<hbm>> -> memref<1x1x40xi32, #tpu.memory_space<hbm>>
        %dma_start3A_452 = tpu.memref_squeeze %dma_start3A_451 : memref<1x1x40xi32, #tpu.memory_space<hbm>> -> memref<40xi32, #tpu.memory_space<hbm>>
        tpu.enqueue_dma source(%dma_start3A_452 : memref<40xi32, #tpu.memory_space<hbm>>) target(%arg24 : memref<40xi32, #tpu.memory_space<vmem>>) target_semaphore(%arg44 : memref<!tpu.dma_semaphore, #tpu.memory_space<semaphore_mem>>)
      } else {
      }
      %lt3A_292 = arith.constant 49 : i32
      %lt3A_293 = arith.cmpi slt, %mul3A_241, %lt3A_292 : i32
      %convert_element_type3A_294 = arith.extui %lt3A_293 : i1 to i32
      %cond3A_295 = arith.constant 0 : i32
      %cond3A_296 = arith.cmpi ne, %convert_element_type3A_294, %cond3A_295 : i32
      scf.if %cond3A_296 {
        %dma_wait3A_435 = arith.constant 0 : i32
        %dma_wait3A_436 = arith.constant 0 : i32
        %dma_wait3A_437 = tpu.memref_slice %arg3[%add3A, %dma_wait3A_435, %dma_wait3A_436] : memref<32x250x40xi32, #tpu.memory_space<hbm>> -> memref<1x1x40xi32, #tpu.memory_space<hbm>>
        %dma_wait3A_438 = tpu.memref_squeeze %dma_wait3A_437 : memref<1x1x40xi32, #tpu.memory_space<hbm>> -> memref<40xi32, #tpu.memory_space<hbm>>
        %dma_wait3A_439 = arith.constant 0 : i32
        %dma_wait3A_440 = tpu.memref_slice %arg3[%add3A, %dma_wait3A_435, %dma_wait3A_439] : memref<32x250x40xi32, #tpu.memory_space<hbm>> -> memref<1x1x40xi32, #tpu.memory_space<hbm>>
        %dma_wait3A_441 = tpu.memref_squeeze %dma_wait3A_440 : memref<1x1x40xi32, #tpu.memory_space<hbm>> -> memref<40xi32, #tpu.memory_space<hbm>>
        tpu.wait_dma2 semaphore(%arg49 : memref<!tpu.dma_semaphore, #tpu.memory_space<semaphore_mem>>) src(%dma_wait3A_441 : memref<40xi32, #tpu.memory_space<hbm>>) dst(%arg19 : memref<40xi32, #tpu.memory_space<vmem>>)
        %dma_wait3A_442 = arith.constant 0 : i32
        %dma_wait3A_443 = arith.constant 0 : i32
        %dma_wait3A_444 = tpu.memref_slice %arg4[%add3A, %dma_wait3A_442, %dma_wait3A_443] : memref<32x250x40xi32, #tpu.memory_space<hbm>> -> memref<1x1x40xi32, #tpu.memory_space<hbm>>
        %dma_wait3A_445 = tpu.memref_squeeze %dma_wait3A_444 : memref<1x1x40xi32, #tpu.memory_space<hbm>> -> memref<40xi32, #tpu.memory_space<hbm>>
        %dma_wait3A_446 = arith.constant 0 : i32
        %dma_wait3A_447 = tpu.memref_slice %arg4[%add3A, %dma_wait3A_442, %dma_wait3A_446] : memref<32x250x40xi32, #tpu.memory_space<hbm>> -> memref<1x1x40xi32, #tpu.memory_space<hbm>>
        %dma_wait3A_448 = tpu.memref_squeeze %dma_wait3A_447 : memref<1x1x40xi32, #tpu.memory_space<hbm>> -> memref<40xi32, #tpu.memory_space<hbm>>
        tpu.wait_dma2 semaphore(%arg49 : memref<!tpu.dma_semaphore, #tpu.memory_space<semaphore_mem>>) src(%dma_wait3A_448 : memref<40xi32, #tpu.memory_space<hbm>>) dst(%arg29 : memref<40xi32, #tpu.memory_space<vmem>>)
        %dma_start3A_449 = arith.constant 0 : i32
        %dma_start3A_450 = arith.constant 0 : i32
        %dma_start3A_451 = tpu.memref_slice %arg2[%dma_start3A_449, %dma_start3A_450] : memref<10000x128xf32, #tpu.memory_space<hbm>> -> memref<10000x128xf32, #tpu.memory_space<hbm>>
        tpu.enqueue_indirect_dma source(%dma_start3A_451 : memref<10000x128xf32, #tpu.memory_space<hbm>>) target(%arg9 : memref<40x128xf32, #tpu.memory_space<vmem>>) offsets(%arg19 : memref<40xi32, #tpu.memory_space<vmem>>) semaphore(%arg34 : memref<!tpu.dma_semaphore, #tpu.memory_space<semaphore_mem>>)
      } else {
      }
      %dma_wait3A_297 = arith.constant 0 : i32
      %dma_wait3A_298 = arith.constant 0 : i32
      %dma_wait3A_299 = tpu.memref_slice %arg7[%dma_wait3A_297, %dma_wait3A_298] : memref<10000x128xf32, #tpu.memory_space<vmem_shared>> -> memref<10000x128xf32, #tpu.memory_space<vmem_shared>>
      tpu.wait_indirect_dma semaphore(%arg40 : memref<!tpu.dma_semaphore, #tpu.memory_space<semaphore_mem>>) src(%arg10 : memref<40x128xf32, #tpu.memory_space<vmem>>) dst(%dma_wait3A_299 : memref<10000x128xf32, #tpu.memory_space<vmem_shared>>)
      %lt3A_300 = arith.constant 48 : i32
      %lt3A_301 = arith.cmpi slt, %mul3A_241, %lt3A_300 : i32
      %convert_element_type3A_302 = arith.extui %lt3A_301 : i1 to i32
      %cond3A_303 = arith.constant 0 : i32
      %cond3A_304 = arith.cmpi ne, %convert_element_type3A_302, %cond3A_303 : i32
      scf.if %cond3A_304 {
        %mul3A_435 = arith.constant 5 : i32
        %mul3A_436 = arith.muli %mul3A_241, %mul3A_435 : i32
        %add3A_437 = arith.constant 10 : i32
        %add3A_438 = arith.addi %mul3A_436, %add3A_437 : i32
        %add3A_439 = arith.constant 2 : i32
        %add3A_440 = arith.addi %add3A_438, %add3A_439 : i32
        %dma_start3A_441 = arith.constant 0 : i32
        %dma_start3A_442 = tpu.memref_slice %arg3[%add3A, %add3A_440, %dma_start3A_441] : memref<32x250x40xi32, #tpu.memory_space<hbm>> -> memref<1x1x40xi32, #tpu.memory_space<hbm>>
        %dma_start3A_443 = tpu.memref_squeeze %dma_start3A_442 : memref<1x1x40xi32, #tpu.memory_space<hbm>> -> memref<40xi32, #tpu.memory_space<hbm>>
        %dma_start3A_444 = arith.constant 0 : i32
        %dma_start3A_445 = tpu.memref_slice %arg3[%add3A, %add3A_440, %dma_start3A_444] : memref<32x250x40xi32, #tpu.memory_space<hbm>> -> memref<1x1x40xi32, #tpu.memory_space<hbm>>
        %dma_start3A_446 = tpu.memref_squeeze %dma_start3A_445 : memref<1x1x40xi32, #tpu.memory_space<hbm>> -> memref<40xi32, #tpu.memory_space<hbm>>
        tpu.enqueue_dma source(%dma_start3A_446 : memref<40xi32, #tpu.memory_space<hbm>>) target(%arg15 : memref<40xi32, #tpu.memory_space<vmem>>) target_semaphore(%arg45 : memref<!tpu.dma_semaphore, #tpu.memory_space<semaphore_mem>>)
        %dma_start3A_447 = arith.constant 0 : i32
        %dma_start3A_448 = tpu.memref_slice %arg4[%add3A, %add3A_440, %dma_start3A_447] : memref<32x250x40xi32, #tpu.memory_space<hbm>> -> memref<1x1x40xi32, #tpu.memory_space<hbm>>
        %dma_start3A_449 = tpu.memref_squeeze %dma_start3A_448 : memref<1x1x40xi32, #tpu.memory_space<hbm>> -> memref<40xi32, #tpu.memory_space<hbm>>
        %dma_start3A_450 = arith.constant 0 : i32
        %dma_start3A_451 = tpu.memref_slice %arg4[%add3A, %add3A_440, %dma_start3A_450] : memref<32x250x40xi32, #tpu.memory_space<hbm>> -> memref<1x1x40xi32, #tpu.memory_space<hbm>>
        %dma_start3A_452 = tpu.memref_squeeze %dma_start3A_451 : memref<1x1x40xi32, #tpu.memory_space<hbm>> -> memref<40xi32, #tpu.memory_space<hbm>>
        tpu.enqueue_dma source(%dma_start3A_452 : memref<40xi32, #tpu.memory_space<hbm>>) target(%arg25 : memref<40xi32, #tpu.memory_space<vmem>>) target_semaphore(%arg45 : memref<!tpu.dma_semaphore, #tpu.memory_space<semaphore_mem>>)
      } else {
      }
      %lt3A_305 = arith.constant 49 : i32
      %lt3A_306 = arith.cmpi slt, %mul3A_241, %lt3A_305 : i32
      %convert_element_type3A_307 = arith.extui %lt3A_306 : i1 to i32
      %cond3A_308 = arith.constant 0 : i32
      %cond3A_309 = arith.cmpi ne, %convert_element_type3A_307, %cond3A_308 : i32
      scf.if %cond3A_309 {
        %dma_wait3A_435 = arith.constant 0 : i32
        %dma_wait3A_436 = arith.constant 0 : i32
        %dma_wait3A_437 = tpu.memref_slice %arg3[%add3A, %dma_wait3A_435, %dma_wait3A_436] : memref<32x250x40xi32, #tpu.memory_space<hbm>> -> memref<1x1x40xi32, #tpu.memory_space<hbm>>
        %dma_wait3A_438 = tpu.memref_squeeze %dma_wait3A_437 : memref<1x1x40xi32, #tpu.memory_space<hbm>> -> memref<40xi32, #tpu.memory_space<hbm>>
        %dma_wait3A_439 = arith.constant 0 : i32
        %dma_wait3A_440 = tpu.memref_slice %arg3[%add3A, %dma_wait3A_435, %dma_wait3A_439] : memref<32x250x40xi32, #tpu.memory_space<hbm>> -> memref<1x1x40xi32, #tpu.memory_space<hbm>>
        %dma_wait3A_441 = tpu.memref_squeeze %dma_wait3A_440 : memref<1x1x40xi32, #tpu.memory_space<hbm>> -> memref<40xi32, #tpu.memory_space<hbm>>
        tpu.wait_dma2 semaphore(%arg50 : memref<!tpu.dma_semaphore, #tpu.memory_space<semaphore_mem>>) src(%dma_wait3A_441 : memref<40xi32, #tpu.memory_space<hbm>>) dst(%arg20 : memref<40xi32, #tpu.memory_space<vmem>>)
        %dma_wait3A_442 = arith.constant 0 : i32
        %dma_wait3A_443 = arith.constant 0 : i32
        %dma_wait3A_444 = tpu.memref_slice %arg4[%add3A, %dma_wait3A_442, %dma_wait3A_443] : memref<32x250x40xi32, #tpu.memory_space<hbm>> -> memref<1x1x40xi32, #tpu.memory_space<hbm>>
        %dma_wait3A_445 = tpu.memref_squeeze %dma_wait3A_444 : memref<1x1x40xi32, #tpu.memory_space<hbm>> -> memref<40xi32, #tpu.memory_space<hbm>>
        %dma_wait3A_446 = arith.constant 0 : i32
        %dma_wait3A_447 = tpu.memref_slice %arg4[%add3A, %dma_wait3A_442, %dma_wait3A_446] : memref<32x250x40xi32, #tpu.memory_space<hbm>> -> memref<1x1x40xi32, #tpu.memory_space<hbm>>
        %dma_wait3A_448 = tpu.memref_squeeze %dma_wait3A_447 : memref<1x1x40xi32, #tpu.memory_space<hbm>> -> memref<40xi32, #tpu.memory_space<hbm>>
        tpu.wait_dma2 semaphore(%arg50 : memref<!tpu.dma_semaphore, #tpu.memory_space<semaphore_mem>>) src(%dma_wait3A_448 : memref<40xi32, #tpu.memory_space<hbm>>) dst(%arg30 : memref<40xi32, #tpu.memory_space<vmem>>)
        %dma_start3A_449 = arith.constant 0 : i32
        %dma_start3A_450 = arith.constant 0 : i32
        %dma_start3A_451 = tpu.memref_slice %arg2[%dma_start3A_449, %dma_start3A_450] : memref<10000x128xf32, #tpu.memory_space<hbm>> -> memref<10000x128xf32, #tpu.memory_space<hbm>>
        tpu.enqueue_indirect_dma source(%dma_start3A_451 : memref<10000x128xf32, #tpu.memory_space<hbm>>) target(%arg10 : memref<40x128xf32, #tpu.memory_space<vmem>>) offsets(%arg20 : memref<40xi32, #tpu.memory_space<vmem>>) semaphore(%arg35 : memref<!tpu.dma_semaphore, #tpu.memory_space<semaphore_mem>>)
      } else {
      }
      %dma_wait3A_310 = arith.constant 0 : i32
      %dma_wait3A_311 = arith.constant 0 : i32
      %dma_wait3A_312 = tpu.memref_slice %arg7[%dma_wait3A_310, %dma_wait3A_311] : memref<10000x128xf32, #tpu.memory_space<vmem_shared>> -> memref<10000x128xf32, #tpu.memory_space<vmem_shared>>
      tpu.wait_indirect_dma semaphore(%arg41 : memref<!tpu.dma_semaphore, #tpu.memory_space<semaphore_mem>>) src(%arg11 : memref<40x128xf32, #tpu.memory_space<vmem>>) dst(%dma_wait3A_312 : memref<10000x128xf32, #tpu.memory_space<vmem_shared>>)
      %lt3A_313 = arith.constant 48 : i32
      %lt3A_314 = arith.cmpi slt, %mul3A_241, %lt3A_313 : i32
      %convert_element_type3A_315 = arith.extui %lt3A_314 : i1 to i32
      %cond3A_316 = arith.constant 0 : i32
      %cond3A_317 = arith.cmpi ne, %convert_element_type3A_315, %cond3A_316 : i32
      scf.if %cond3A_317 {
        %mul3A_435 = arith.constant 5 : i32
        %mul3A_436 = arith.muli %mul3A_241, %mul3A_435 : i32
        %add3A_437 = arith.constant 10 : i32
        %add3A_438 = arith.addi %mul3A_436, %add3A_437 : i32
        %add3A_439 = arith.constant 3 : i32
        %add3A_440 = arith.addi %add3A_438, %add3A_439 : i32
        %dma_start3A_441 = arith.constant 0 : i32
        %dma_start3A_442 = tpu.memref_slice %arg3[%add3A, %add3A_440, %dma_start3A_441] : memref<32x250x40xi32, #tpu.memory_space<hbm>> -> memref<1x1x40xi32, #tpu.memory_space<hbm>>
        %dma_start3A_443 = tpu.memref_squeeze %dma_start3A_442 : memref<1x1x40xi32, #tpu.memory_space<hbm>> -> memref<40xi32, #tpu.memory_space<hbm>>
        %dma_start3A_444 = arith.constant 0 : i32
        %dma_start3A_445 = tpu.memref_slice %arg3[%add3A, %add3A_440, %dma_start3A_444] : memref<32x250x40xi32, #tpu.memory_space<hbm>> -> memref<1x1x40xi32, #tpu.memory_space<hbm>>
        %dma_start3A_446 = tpu.memref_squeeze %dma_start3A_445 : memref<1x1x40xi32, #tpu.memory_space<hbm>> -> memref<40xi32, #tpu.memory_space<hbm>>
        tpu.enqueue_dma source(%dma_start3A_446 : memref<40xi32, #tpu.memory_space<hbm>>) target(%arg16 : memref<40xi32, #tpu.memory_space<vmem>>) target_semaphore(%arg46 : memref<!tpu.dma_semaphore, #tpu.memory_space<semaphore_mem>>)
        %dma_start3A_447 = arith.constant 0 : i32
        %dma_start3A_448 = tpu.memref_slice %arg4[%add3A, %add3A_440, %dma_start3A_447] : memref<32x250x40xi32, #tpu.memory_space<hbm>> -> memref<1x1x40xi32, #tpu.memory_space<hbm>>
        %dma_start3A_449 = tpu.memref_squeeze %dma_start3A_448 : memref<1x1x40xi32, #tpu.memory_space<hbm>> -> memref<40xi32, #tpu.memory_space<hbm>>
        %dma_start3A_450 = arith.constant 0 : i32
        %dma_start3A_451 = tpu.memref_slice %arg4[%add3A, %add3A_440, %dma_start3A_450] : memref<32x250x40xi32, #tpu.memory_space<hbm>> -> memref<1x1x40xi32, #tpu.memory_space<hbm>>
        %dma_start3A_452 = tpu.memref_squeeze %dma_start3A_451 : memref<1x1x40xi32, #tpu.memory_space<hbm>> -> memref<40xi32, #tpu.memory_space<hbm>>
        tpu.enqueue_dma source(%dma_start3A_452 : memref<40xi32, #tpu.memory_space<hbm>>) target(%arg26 : memref<40xi32, #tpu.memory_space<vmem>>) target_semaphore(%arg46 : memref<!tpu.dma_semaphore, #tpu.memory_space<semaphore_mem>>)
      } else {
      }
      %lt3A_318 = arith.constant 49 : i32
      %lt3A_319 = arith.cmpi slt, %mul3A_241, %lt3A_318 : i32
      %convert_element_type3A_320 = arith.extui %lt3A_319 : i1 to i32
      %cond3A_321 = arith.constant 0 : i32
      %cond3A_322 = arith.cmpi ne, %convert_element_type3A_320, %cond3A_321 : i32
      scf.if %cond3A_322 {
        %dma_wait3A_435 = arith.constant 0 : i32
        %dma_wait3A_436 = arith.constant 0 : i32
        %dma_wait3A_437 = tpu.memref_slice %arg3[%add3A, %dma_wait3A_435, %dma_wait3A_436] : memref<32x250x40xi32, #tpu.memory_space<hbm>> -> memref<1x1x40xi32, #tpu.memory_space<hbm>>
        %dma_wait3A_438 = tpu.memref_squeeze %dma_wait3A_437 : memref<1x1x40xi32, #tpu.memory_space<hbm>> -> memref<40xi32, #tpu.memory_space<hbm>>
        %dma_wait3A_439 = arith.constant 0 : i32
        %dma_wait3A_440 = tpu.memref_slice %arg3[%add3A, %dma_wait3A_435, %dma_wait3A_439] : memref<32x250x40xi32, #tpu.memory_space<hbm>> -> memref<1x1x40xi32, #tpu.memory_space<hbm>>
        %dma_wait3A_441 = tpu.memref_squeeze %dma_wait3A_440 : memref<1x1x40xi32, #tpu.memory_space<hbm>> -> memref<40xi32, #tpu.memory_space<hbm>>
        tpu.wait_dma2 semaphore(%arg51 : memref<!tpu.dma_semaphore, #tpu.memory_space<semaphore_mem>>) src(%dma_wait3A_441 : memref<40xi32, #tpu.memory_space<hbm>>) dst(%arg21 : memref<40xi32, #tpu.memory_space<vmem>>)
        %dma_wait3A_442 = arith.constant 0 : i32
        %dma_wait3A_443 = arith.constant 0 : i32
        %dma_wait3A_444 = tpu.memref_slice %arg4[%add3A, %dma_wait3A_442, %dma_wait3A_443] : memref<32x250x40xi32, #tpu.memory_space<hbm>> -> memref<1x1x40xi32, #tpu.memory_space<hbm>>
        %dma_wait3A_445 = tpu.memref_squeeze %dma_wait3A_444 : memref<1x1x40xi32, #tpu.memory_space<hbm>> -> memref<40xi32, #tpu.memory_space<hbm>>
        %dma_wait3A_446 = arith.constant 0 : i32
        %dma_wait3A_447 = tpu.memref_slice %arg4[%add3A, %dma_wait3A_442, %dma_wait3A_446] : memref<32x250x40xi32, #tpu.memory_space<hbm>> -> memref<1x1x40xi32, #tpu.memory_space<hbm>>
        %dma_wait3A_448 = tpu.memref_squeeze %dma_wait3A_447 : memref<1x1x40xi32, #tpu.memory_space<hbm>> -> memref<40xi32, #tpu.memory_space<hbm>>
        tpu.wait_dma2 semaphore(%arg51 : memref<!tpu.dma_semaphore, #tpu.memory_space<semaphore_mem>>) src(%dma_wait3A_448 : memref<40xi32, #tpu.memory_space<hbm>>) dst(%arg31 : memref<40xi32, #tpu.memory_space<vmem>>)
        %dma_start3A_449 = arith.constant 0 : i32
        %dma_start3A_450 = arith.constant 0 : i32
        %dma_start3A_451 = tpu.memref_slice %arg2[%dma_start3A_449, %dma_start3A_450] : memref<10000x128xf32, #tpu.memory_space<hbm>> -> memref<10000x128xf32, #tpu.memory_space<hbm>>
        tpu.enqueue_indirect_dma source(%dma_start3A_451 : memref<10000x128xf32, #tpu.memory_space<hbm>>) target(%arg11 : memref<40x128xf32, #tpu.memory_space<vmem>>) offsets(%arg21 : memref<40xi32, #tpu.memory_space<vmem>>) semaphore(%arg36 : memref<!tpu.dma_semaphore, #tpu.memory_space<semaphore_mem>>)
      } else {
      }
      %dma_wait3A_323 = arith.constant 0 : i32
      %dma_wait3A_324 = arith.constant 0 : i32
      %dma_wait3A_325 = tpu.memref_slice %arg7[%dma_wait3A_323, %dma_wait3A_324] : memref<10000x128xf32, #tpu.memory_space<vmem_shared>> -> memref<10000x128xf32, #tpu.memory_space<vmem_shared>>
      tpu.wait_indirect_dma semaphore(%arg42 : memref<!tpu.dma_semaphore, #tpu.memory_space<semaphore_mem>>) src(%arg12 : memref<40x128xf32, #tpu.memory_space<vmem>>) dst(%dma_wait3A_325 : memref<10000x128xf32, #tpu.memory_space<vmem_shared>>)
      %lt3A_326 = arith.constant 48 : i32
      %lt3A_327 = arith.cmpi slt, %mul3A_241, %lt3A_326 : i32
      %convert_element_type3A_328 = arith.extui %lt3A_327 : i1 to i32
      %cond3A_329 = arith.constant 0 : i32
      %cond3A_330 = arith.cmpi ne, %convert_element_type3A_328, %cond3A_329 : i32
      scf.if %cond3A_330 {
        %mul3A_435 = arith.constant 5 : i32
        %mul3A_436 = arith.muli %mul3A_241, %mul3A_435 : i32
        %add3A_437 = arith.constant 10 : i32
        %add3A_438 = arith.addi %mul3A_436, %add3A_437 : i32
        %add3A_439 = arith.constant 4 : i32
        %add3A_440 = arith.addi %add3A_438, %add3A_439 : i32
        %dma_start3A_441 = arith.constant 0 : i32
        %dma_start3A_442 = tpu.memref_slice %arg3[%add3A, %add3A_440, %dma_start3A_441] : memref<32x250x40xi32, #tpu.memory_space<hbm>> -> memref<1x1x40xi32, #tpu.memory_space<hbm>>
        %dma_start3A_443 = tpu.memref_squeeze %dma_start3A_442 : memref<1x1x40xi32, #tpu.memory_space<hbm>> -> memref<40xi32, #tpu.memory_space<hbm>>
        %dma_start3A_444 = arith.constant 0 : i32
        %dma_start3A_445 = tpu.memref_slice %arg3[%add3A, %add3A_440, %dma_start3A_444] : memref<32x250x40xi32, #tpu.memory_space<hbm>> -> memref<1x1x40xi32, #tpu.memory_space<hbm>>
        %dma_start3A_446 = tpu.memref_squeeze %dma_start3A_445 : memref<1x1x40xi32, #tpu.memory_space<hbm>> -> memref<40xi32, #tpu.memory_space<hbm>>
        tpu.enqueue_dma source(%dma_start3A_446 : memref<40xi32, #tpu.memory_space<hbm>>) target(%arg17 : memref<40xi32, #tpu.memory_space<vmem>>) target_semaphore(%arg47 : memref<!tpu.dma_semaphore, #tpu.memory_space<semaphore_mem>>)
        %dma_start3A_447 = arith.constant 0 : i32
        %dma_start3A_448 = tpu.memref_slice %arg4[%add3A, %add3A_440, %dma_start3A_447] : memref<32x250x40xi32, #tpu.memory_space<hbm>> -> memref<1x1x40xi32, #tpu.memory_space<hbm>>
        %dma_start3A_449 = tpu.memref_squeeze %dma_start3A_448 : memref<1x1x40xi32, #tpu.memory_space<hbm>> -> memref<40xi32, #tpu.memory_space<hbm>>
        %dma_start3A_450 = arith.constant 0 : i32
        %dma_start3A_451 = tpu.memref_slice %arg4[%add3A, %add3A_440, %dma_start3A_450] : memref<32x250x40xi32, #tpu.memory_space<hbm>> -> memref<1x1x40xi32, #tpu.memory_space<hbm>>
        %dma_start3A_452 = tpu.memref_squeeze %dma_start3A_451 : memref<1x1x40xi32, #tpu.memory_space<hbm>> -> memref<40xi32, #tpu.memory_space<hbm>>
        tpu.enqueue_dma source(%dma_start3A_452 : memref<40xi32, #tpu.memory_space<hbm>>) target(%arg27 : memref<40xi32, #tpu.memory_space<vmem>>) target_semaphore(%arg47 : memref<!tpu.dma_semaphore, #tpu.memory_space<semaphore_mem>>)
      } else {
      }
      %lt3A_331 = arith.constant 49 : i32
      %lt3A_332 = arith.cmpi slt, %mul3A_241, %lt3A_331 : i32
      %convert_element_type3A_333 = arith.extui %lt3A_332 : i1 to i32
      %cond3A_334 = arith.constant 0 : i32
      %cond3A_335 = arith.cmpi ne, %convert_element_type3A_333, %cond3A_334 : i32
      scf.if %cond3A_335 {
        %dma_wait3A_435 = arith.constant 0 : i32
        %dma_wait3A_436 = arith.constant 0 : i32
        %dma_wait3A_437 = tpu.memref_slice %arg3[%add3A, %dma_wait3A_435, %dma_wait3A_436] : memref<32x250x40xi32, #tpu.memory_space<hbm>> -> memref<1x1x40xi32, #tpu.memory_space<hbm>>
        %dma_wait3A_438 = tpu.memref_squeeze %dma_wait3A_437 : memref<1x1x40xi32, #tpu.memory_space<hbm>> -> memref<40xi32, #tpu.memory_space<hbm>>
        %dma_wait3A_439 = arith.constant 0 : i32
        %dma_wait3A_440 = tpu.memref_slice %arg3[%add3A, %dma_wait3A_435, %dma_wait3A_439] : memref<32x250x40xi32, #tpu.memory_space<hbm>> -> memref<1x1x40xi32, #tpu.memory_space<hbm>>
        %dma_wait3A_441 = tpu.memref_squeeze %dma_wait3A_440 : memref<1x1x40xi32, #tpu.memory_space<hbm>> -> memref<40xi32, #tpu.memory_space<hbm>>
        tpu.wait_dma2 semaphore(%arg52 : memref<!tpu.dma_semaphore, #tpu.memory_space<semaphore_mem>>) src(%dma_wait3A_441 : memref<40xi32, #tpu.memory_space<hbm>>) dst(%arg22 : memref<40xi32, #tpu.memory_space<vmem>>)
        %dma_wait3A_442 = arith.constant 0 : i32
        %dma_wait3A_443 = arith.constant 0 : i32
        %dma_wait3A_444 = tpu.memref_slice %arg4[%add3A, %dma_wait3A_442, %dma_wait3A_443] : memref<32x250x40xi32, #tpu.memory_space<hbm>> -> memref<1x1x40xi32, #tpu.memory_space<hbm>>
        %dma_wait3A_445 = tpu.memref_squeeze %dma_wait3A_444 : memref<1x1x40xi32, #tpu.memory_space<hbm>> -> memref<40xi32, #tpu.memory_space<hbm>>
        %dma_wait3A_446 = arith.constant 0 : i32
        %dma_wait3A_447 = tpu.memref_slice %arg4[%add3A, %dma_wait3A_442, %dma_wait3A_446] : memref<32x250x40xi32, #tpu.memory_space<hbm>> -> memref<1x1x40xi32, #tpu.memory_space<hbm>>
        %dma_wait3A_448 = tpu.memref_squeeze %dma_wait3A_447 : memref<1x1x40xi32, #tpu.memory_space<hbm>> -> memref<40xi32, #tpu.memory_space<hbm>>
        tpu.wait_dma2 semaphore(%arg52 : memref<!tpu.dma_semaphore, #tpu.memory_space<semaphore_mem>>) src(%dma_wait3A_448 : memref<40xi32, #tpu.memory_space<hbm>>) dst(%arg32 : memref<40xi32, #tpu.memory_space<vmem>>)
        %dma_start3A_449 = arith.constant 0 : i32
        %dma_start3A_450 = arith.constant 0 : i32
        %dma_start3A_451 = tpu.memref_slice %arg2[%dma_start3A_449, %dma_start3A_450] : memref<10000x128xf32, #tpu.memory_space<hbm>> -> memref<10000x128xf32, #tpu.memory_space<hbm>>
        tpu.enqueue_indirect_dma source(%dma_start3A_451 : memref<10000x128xf32, #tpu.memory_space<hbm>>) target(%arg12 : memref<40x128xf32, #tpu.memory_space<vmem>>) offsets(%arg22 : memref<40xi32, #tpu.memory_space<vmem>>) semaphore(%arg37 : memref<!tpu.dma_semaphore, #tpu.memory_space<semaphore_mem>>)
      } else {
      }
      %mul3A_336 = arith.constant 2 : i32
      %mul3A_337 = arith.muli %mul3A_336, %scan3A_239 : i32
      %add3A_338 = arith.constant 1 : i32
      %add3A_339 = arith.addi %mul3A_337, %add3A_338 : i32
      %dma_wait3A_340 = arith.constant 0 : i32
      %dma_wait3A_341 = arith.constant 0 : i32
      %dma_wait3A_342 = tpu.memref_slice %arg2[%dma_wait3A_340, %dma_wait3A_341] : memref<10000x128xf32, #tpu.memory_space<hbm>> -> memref<10000x128xf32, #tpu.memory_space<hbm>>
      tpu.wait_indirect_dma semaphore(%arg33 : memref<!tpu.dma_semaphore, #tpu.memory_space<semaphore_mem>>) src(%dma_wait3A_342 : memref<10000x128xf32, #tpu.memory_space<hbm>>) dst(%arg8 : memref<40x128xf32, #tpu.memory_space<vmem>>)
      %dma_start3A_343 = arith.constant 0 : i32
      %dma_start3A_344 = arith.constant 0 : i32
      %dma_start3A_345 = tpu.memref_slice %arg7[%dma_start3A_343, %dma_start3A_344] : memref<10000x128xf32, #tpu.memory_space<vmem_shared>> -> memref<10000x128xf32, #tpu.memory_space<vmem_shared>>
      tpu.enqueue_indirect_dma source(%arg8 : memref<40x128xf32, #tpu.memory_space<vmem>>) target(%dma_start3A_345 : memref<10000x128xf32, #tpu.memory_space<vmem_shared>>) offsets(%arg28 : memref<40xi32, #tpu.memory_space<vmem>>) semaphore(%arg38 : memref<!tpu.dma_semaphore, #tpu.memory_space<semaphore_mem>>) {add = true}
      %dma_wait3A_346 = arith.constant 0 : i32
      %dma_wait3A_347 = arith.constant 0 : i32
      %dma_wait3A_348 = tpu.memref_slice %arg2[%dma_wait3A_346, %dma_wait3A_347] : memref<10000x128xf32, #tpu.memory_space<hbm>> -> memref<10000x128xf32, #tpu.memory_space<hbm>>
      tpu.wait_indirect_dma semaphore(%arg34 : memref<!tpu.dma_semaphore, #tpu.memory_space<semaphore_mem>>) src(%dma_wait3A_348 : memref<10000x128xf32, #tpu.memory_space<hbm>>) dst(%arg9 : memref<40x128xf32, #tpu.memory_space<vmem>>)
      %dma_start3A_349 = arith.constant 0 : i32
      %dma_start3A_350 = arith.constant 0 : i32
      %dma_start3A_351 = tpu.memref_slice %arg7[%dma_start3A_349, %dma_start3A_350] : memref<10000x128xf32, #tpu.memory_space<vmem_shared>> -> memref<10000x128xf32, #tpu.memory_space<vmem_shared>>
      tpu.enqueue_indirect_dma source(%arg9 : memref<40x128xf32, #tpu.memory_space<vmem>>) target(%dma_start3A_351 : memref<10000x128xf32, #tpu.memory_space<vmem_shared>>) offsets(%arg29 : memref<40xi32, #tpu.memory_space<vmem>>) semaphore(%arg39 : memref<!tpu.dma_semaphore, #tpu.memory_space<semaphore_mem>>) {add = true}
      %dma_wait3A_352 = arith.constant 0 : i32
      %dma_wait3A_353 = arith.constant 0 : i32
      %dma_wait3A_354 = tpu.memref_slice %arg2[%dma_wait3A_352, %dma_wait3A_353] : memref<10000x128xf32, #tpu.memory_space<hbm>> -> memref<10000x128xf32, #tpu.memory_space<hbm>>
      tpu.wait_indirect_dma semaphore(%arg35 : memref<!tpu.dma_semaphore, #tpu.memory_space<semaphore_mem>>) src(%dma_wait3A_354 : memref<10000x128xf32, #tpu.memory_space<hbm>>) dst(%arg10 : memref<40x128xf32, #tpu.memory_space<vmem>>)
      %dma_start3A_355 = arith.constant 0 : i32
      %dma_start3A_356 = arith.constant 0 : i32
      %dma_start3A_357 = tpu.memref_slice %arg7[%dma_start3A_355, %dma_start3A_356] : memref<10000x128xf32, #tpu.memory_space<vmem_shared>> -> memref<10000x128xf32, #tpu.memory_space<vmem_shared>>
      tpu.enqueue_indirect_dma source(%arg10 : memref<40x128xf32, #tpu.memory_space<vmem>>) target(%dma_start3A_357 : memref<10000x128xf32, #tpu.memory_space<vmem_shared>>) offsets(%arg30 : memref<40xi32, #tpu.memory_space<vmem>>) semaphore(%arg40 : memref<!tpu.dma_semaphore, #tpu.memory_space<semaphore_mem>>) {add = true}
      %dma_wait3A_358 = arith.constant 0 : i32
      %dma_wait3A_359 = arith.constant 0 : i32
      %dma_wait3A_360 = tpu.memref_slice %arg2[%dma_wait3A_358, %dma_wait3A_359] : memref<10000x128xf32, #tpu.memory_space<hbm>> -> memref<10000x128xf32, #tpu.memory_space<hbm>>
      tpu.wait_indirect_dma semaphore(%arg36 : memref<!tpu.dma_semaphore, #tpu.memory_space<semaphore_mem>>) src(%dma_wait3A_360 : memref<10000x128xf32, #tpu.memory_space<hbm>>) dst(%arg11 : memref<40x128xf32, #tpu.memory_space<vmem>>)
      %dma_start3A_361 = arith.constant 0 : i32
      %dma_start3A_362 = arith.constant 0 : i32
      %dma_start3A_363 = tpu.memref_slice %arg7[%dma_start3A_361, %dma_start3A_362] : memref<10000x128xf32, #tpu.memory_space<vmem_shared>> -> memref<10000x128xf32, #tpu.memory_space<vmem_shared>>
      tpu.enqueue_indirect_dma source(%arg11 : memref<40x128xf32, #tpu.memory_space<vmem>>) target(%dma_start3A_363 : memref<10000x128xf32, #tpu.memory_space<vmem_shared>>) offsets(%arg31 : memref<40xi32, #tpu.memory_space<vmem>>) semaphore(%arg41 : memref<!tpu.dma_semaphore, #tpu.memory_space<semaphore_mem>>) {add = true}
      %dma_wait3A_364 = arith.constant 0 : i32
      %dma_wait3A_365 = arith.constant 0 : i32
      %dma_wait3A_366 = tpu.memref_slice %arg2[%dma_wait3A_364, %dma_wait3A_365] : memref<10000x128xf32, #tpu.memory_space<hbm>> -> memref<10000x128xf32, #tpu.memory_space<hbm>>
      tpu.wait_indirect_dma semaphore(%arg37 : memref<!tpu.dma_semaphore, #tpu.memory_space<semaphore_mem>>) src(%dma_wait3A_366 : memref<10000x128xf32, #tpu.memory_space<hbm>>) dst(%arg12 : memref<40x128xf32, #tpu.memory_space<vmem>>)
      %dma_start3A_367 = arith.constant 0 : i32
      %dma_start3A_368 = arith.constant 0 : i32
      %dma_start3A_369 = tpu.memref_slice %arg7[%dma_start3A_367, %dma_start3A_368] : memref<10000x128xf32, #tpu.memory_space<vmem_shared>> -> memref<10000x128xf32, #tpu.memory_space<vmem_shared>>
      tpu.enqueue_indirect_dma source(%arg12 : memref<40x128xf32, #tpu.memory_space<vmem>>) target(%dma_start3A_369 : memref<10000x128xf32, #tpu.memory_space<vmem_shared>>) offsets(%arg32 : memref<40xi32, #tpu.memory_space<vmem>>) semaphore(%arg42 : memref<!tpu.dma_semaphore, #tpu.memory_space<semaphore_mem>>) {add = true}
      %dma_wait3A_370 = arith.constant 0 : i32
      %dma_wait3A_371 = arith.constant 0 : i32
      %dma_wait3A_372 = tpu.memref_slice %arg7[%dma_wait3A_370, %dma_wait3A_371] : memref<10000x128xf32, #tpu.memory_space<vmem_shared>> -> memref<10000x128xf32, #tpu.memory_space<vmem_shared>>
      tpu.wait_indirect_dma semaphore(%arg38 : memref<!tpu.dma_semaphore, #tpu.memory_space<semaphore_mem>>) src(%arg8 : memref<40x128xf32, #tpu.memory_space<vmem>>) dst(%dma_wait3A_372 : memref<10000x128xf32, #tpu.memory_space<vmem_shared>>)
      %lt3A_373 = arith.constant 48 : i32
      %lt3A_374 = arith.cmpi slt, %add3A_339, %lt3A_373 : i32
      %convert_element_type3A_375 = arith.extui %lt3A_374 : i1 to i32
      %cond3A_376 = arith.constant 0 : i32
      %cond3A_377 = arith.cmpi ne, %convert_element_type3A_375, %cond3A_376 : i32
      scf.if %cond3A_377 {
        %mul3A_435 = arith.constant 5 : i32
        %mul3A_436 = arith.muli %add3A_339, %mul3A_435 : i32
        %add3A_437 = arith.constant 10 : i32
        %add3A_438 = arith.addi %mul3A_436, %add3A_437 : i32
        %add3A_439 = arith.constant 0 : i32
        %add3A_440 = arith.addi %add3A_438, %add3A_439 : i32
        %dma_start3A_441 = arith.constant 0 : i32
        %dma_start3A_442 = tpu.memref_slice %arg3[%add3A, %add3A_440, %dma_start3A_441] : memref<32x250x40xi32, #tpu.memory_space<hbm>> -> memref<1x1x40xi32, #tpu.memory_space<hbm>>
        %dma_start3A_443 = tpu.memref_squeeze %dma_start3A_442 : memref<1x1x40xi32, #tpu.memory_space<hbm>> -> memref<40xi32, #tpu.memory_space<hbm>>
        %dma_start3A_444 = arith.constant 0 : i32
        %dma_start3A_445 = tpu.memref_slice %arg3[%add3A, %add3A_440, %dma_start3A_444] : memref<32x250x40xi32, #tpu.memory_space<hbm>> -> memref<1x1x40xi32, #tpu.memory_space<hbm>>
        %dma_start3A_446 = tpu.memref_squeeze %dma_start3A_445 : memref<1x1x40xi32, #tpu.memory_space<hbm>> -> memref<40xi32, #tpu.memory_space<hbm>>
        tpu.enqueue_dma source(%dma_start3A_446 : memref<40xi32, #tpu.memory_space<hbm>>) target(%arg18 : memref<40xi32, #tpu.memory_space<vmem>>) target_semaphore(%arg48 : memref<!tpu.dma_semaphore, #tpu.memory_space<semaphore_mem>>)
        %dma_start3A_447 = arith.constant 0 : i32
        %dma_start3A_448 = tpu.memref_slice %arg4[%add3A, %add3A_440, %dma_start3A_447] : memref<32x250x40xi32, #tpu.memory_space<hbm>> -> memref<1x1x40xi32, #tpu.memory_space<hbm>>
        %dma_start3A_449 = tpu.memref_squeeze %dma_start3A_448 : memref<1x1x40xi32, #tpu.memory_space<hbm>> -> memref<40xi32, #tpu.memory_space<hbm>>
        %dma_start3A_450 = arith.constant 0 : i32
        %dma_start3A_451 = tpu.memref_slice %arg4[%add3A, %add3A_440, %dma_start3A_450] : memref<32x250x40xi32, #tpu.memory_space<hbm>> -> memref<1x1x40xi32, #tpu.memory_space<hbm>>
        %dma_start3A_452 = tpu.memref_squeeze %dma_start3A_451 : memref<1x1x40xi32, #tpu.memory_space<hbm>> -> memref<40xi32, #tpu.memory_space<hbm>>
        tpu.enqueue_dma source(%dma_start3A_452 : memref<40xi32, #tpu.memory_space<hbm>>) target(%arg28 : memref<40xi32, #tpu.memory_space<vmem>>) target_semaphore(%arg48 : memref<!tpu.dma_semaphore, #tpu.memory_space<semaphore_mem>>)
      } else {
      }
      %lt3A_378 = arith.constant 49 : i32
      %lt3A_379 = arith.cmpi slt, %add3A_339, %lt3A_378 : i32
      %convert_element_type3A_380 = arith.extui %lt3A_379 : i1 to i32
      %cond3A_381 = arith.constant 0 : i32
      %cond3A_382 = arith.cmpi ne, %convert_element_type3A_380, %cond3A_381 : i32
      scf.if %cond3A_382 {
        %dma_wait3A_435 = arith.constant 0 : i32
        %dma_wait3A_436 = arith.constant 0 : i32
        %dma_wait3A_437 = tpu.memref_slice %arg3[%add3A, %dma_wait3A_435, %dma_wait3A_436] : memref<32x250x40xi32, #tpu.memory_space<hbm>> -> memref<1x1x40xi32, #tpu.memory_space<hbm>>
        %dma_wait3A_438 = tpu.memref_squeeze %dma_wait3A_437 : memref<1x1x40xi32, #tpu.memory_space<hbm>> -> memref<40xi32, #tpu.memory_space<hbm>>
        %dma_wait3A_439 = arith.constant 0 : i32
        %dma_wait3A_440 = tpu.memref_slice %arg3[%add3A, %dma_wait3A_435, %dma_wait3A_439] : memref<32x250x40xi32, #tpu.memory_space<hbm>> -> memref<1x1x40xi32, #tpu.memory_space<hbm>>
        %dma_wait3A_441 = tpu.memref_squeeze %dma_wait3A_440 : memref<1x1x40xi32, #tpu.memory_space<hbm>> -> memref<40xi32, #tpu.memory_space<hbm>>
        tpu.wait_dma2 semaphore(%arg43 : memref<!tpu.dma_semaphore, #tpu.memory_space<semaphore_mem>>) src(%dma_wait3A_441 : memref<40xi32, #tpu.memory_space<hbm>>) dst(%arg13 : memref<40xi32, #tpu.memory_space<vmem>>)
        %dma_wait3A_442 = arith.constant 0 : i32
        %dma_wait3A_443 = arith.constant 0 : i32
        %dma_wait3A_444 = tpu.memref_slice %arg4[%add3A, %dma_wait3A_442, %dma_wait3A_443] : memref<32x250x40xi32, #tpu.memory_space<hbm>> -> memref<1x1x40xi32, #tpu.memory_space<hbm>>
        %dma_wait3A_445 = tpu.memref_squeeze %dma_wait3A_444 : memref<1x1x40xi32, #tpu.memory_space<hbm>> -> memref<40xi32, #tpu.memory_space<hbm>>
        %dma_wait3A_446 = arith.constant 0 : i32
        %dma_wait3A_447 = tpu.memref_slice %arg4[%add3A, %dma_wait3A_442, %dma_wait3A_446] : memref<32x250x40xi32, #tpu.memory_space<hbm>> -> memref<1x1x40xi32, #tpu.memory_space<hbm>>
        %dma_wait3A_448 = tpu.memref_squeeze %dma_wait3A_447 : memref<1x1x40xi32, #tpu.memory_space<hbm>> -> memref<40xi32, #tpu.memory_space<hbm>>
        tpu.wait_dma2 semaphore(%arg43 : memref<!tpu.dma_semaphore, #tpu.memory_space<semaphore_mem>>) src(%dma_wait3A_448 : memref<40xi32, #tpu.memory_space<hbm>>) dst(%arg23 : memref<40xi32, #tpu.memory_space<vmem>>)
        %dma_start3A_449 = arith.constant 0 : i32
        %dma_start3A_450 = arith.constant 0 : i32
        %dma_start3A_451 = tpu.memref_slice %arg2[%dma_start3A_449, %dma_start3A_450] : memref<10000x128xf32, #tpu.memory_space<hbm>> -> memref<10000x128xf32, #tpu.memory_space<hbm>>
        tpu.enqueue_indirect_dma source(%dma_start3A_451 : memref<10000x128xf32, #tpu.memory_space<hbm>>) target(%arg8 : memref<40x128xf32, #tpu.memory_space<vmem>>) offsets(%arg13 : memref<40xi32, #tpu.memory_space<vmem>>) semaphore(%arg33 : memref<!tpu.dma_semaphore, #tpu.memory_space<semaphore_mem>>)
      } else {
      }
      %dma_wait3A_383 = arith.constant 0 : i32
      %dma_wait3A_384 = arith.constant 0 : i32
      %dma_wait3A_385 = tpu.memref_slice %arg7[%dma_wait3A_383, %dma_wait3A_384] : memref<10000x128xf32, #tpu.memory_space<vmem_shared>> -> memref<10000x128xf32, #tpu.memory_space<vmem_shared>>
      tpu.wait_indirect_dma semaphore(%arg39 : memref<!tpu.dma_semaphore, #tpu.memory_space<semaphore_mem>>) src(%arg9 : memref<40x128xf32, #tpu.memory_space<vmem>>) dst(%dma_wait3A_385 : memref<10000x128xf32, #tpu.memory_space<vmem_shared>>)
      %lt3A_386 = arith.constant 48 : i32
      %lt3A_387 = arith.cmpi slt, %add3A_339, %lt3A_386 : i32
      %convert_element_type3A_388 = arith.extui %lt3A_387 : i1 to i32
      %cond3A_389 = arith.constant 0 : i32
      %cond3A_390 = arith.cmpi ne, %convert_element_type3A_388, %cond3A_389 : i32
      scf.if %cond3A_390 {
        %mul3A_435 = arith.constant 5 : i32
        %mul3A_436 = arith.muli %add3A_339, %mul3A_435 : i32
        %add3A_437 = arith.constant 10 : i32
        %add3A_438 = arith.addi %mul3A_436, %add3A_437 : i32
        %add3A_439 = arith.constant 1 : i32
        %add3A_440 = arith.addi %add3A_438, %add3A_439 : i32
        %dma_start3A_441 = arith.constant 0 : i32
        %dma_start3A_442 = tpu.memref_slice %arg3[%add3A, %add3A_440, %dma_start3A_441] : memref<32x250x40xi32, #tpu.memory_space<hbm>> -> memref<1x1x40xi32, #tpu.memory_space<hbm>>
        %dma_start3A_443 = tpu.memref_squeeze %dma_start3A_442 : memref<1x1x40xi32, #tpu.memory_space<hbm>> -> memref<40xi32, #tpu.memory_space<hbm>>
        %dma_start3A_444 = arith.constant 0 : i32
        %dma_start3A_445 = tpu.memref_slice %arg3[%add3A, %add3A_440, %dma_start3A_444] : memref<32x250x40xi32, #tpu.memory_space<hbm>> -> memref<1x1x40xi32, #tpu.memory_space<hbm>>
        %dma_start3A_446 = tpu.memref_squeeze %dma_start3A_445 : memref<1x1x40xi32, #tpu.memory_space<hbm>> -> memref<40xi32, #tpu.memory_space<hbm>>
        tpu.enqueue_dma source(%dma_start3A_446 : memref<40xi32, #tpu.memory_space<hbm>>) target(%arg19 : memref<40xi32, #tpu.memory_space<vmem>>) target_semaphore(%arg49 : memref<!tpu.dma_semaphore, #tpu.memory_space<semaphore_mem>>)
        %dma_start3A_447 = arith.constant 0 : i32
        %dma_start3A_448 = tpu.memref_slice %arg4[%add3A, %add3A_440, %dma_start3A_447] : memref<32x250x40xi32, #tpu.memory_space<hbm>> -> memref<1x1x40xi32, #tpu.memory_space<hbm>>
        %dma_start3A_449 = tpu.memref_squeeze %dma_start3A_448 : memref<1x1x40xi32, #tpu.memory_space<hbm>> -> memref<40xi32, #tpu.memory_space<hbm>>
        %dma_start3A_450 = arith.constant 0 : i32
        %dma_start3A_451 = tpu.memref_slice %arg4[%add3A, %add3A_440, %dma_start3A_450] : memref<32x250x40xi32, #tpu.memory_space<hbm>> -> memref<1x1x40xi32, #tpu.memory_space<hbm>>
        %dma_start3A_452 = tpu.memref_squeeze %dma_start3A_451 : memref<1x1x40xi32, #tpu.memory_space<hbm>> -> memref<40xi32, #tpu.memory_space<hbm>>
        tpu.enqueue_dma source(%dma_start3A_452 : memref<40xi32, #tpu.memory_space<hbm>>) target(%arg29 : memref<40xi32, #tpu.memory_space<vmem>>) target_semaphore(%arg49 : memref<!tpu.dma_semaphore, #tpu.memory_space<semaphore_mem>>)
      } else {
      }
      %lt3A_391 = arith.constant 49 : i32
      %lt3A_392 = arith.cmpi slt, %add3A_339, %lt3A_391 : i32
      %convert_element_type3A_393 = arith.extui %lt3A_392 : i1 to i32
      %cond3A_394 = arith.constant 0 : i32
      %cond3A_395 = arith.cmpi ne, %convert_element_type3A_393, %cond3A_394 : i32
      scf.if %cond3A_395 {
        %dma_wait3A_435 = arith.constant 0 : i32
        %dma_wait3A_436 = arith.constant 0 : i32
        %dma_wait3A_437 = tpu.memref_slice %arg3[%add3A, %dma_wait3A_435, %dma_wait3A_436] : memref<32x250x40xi32, #tpu.memory_space<hbm>> -> memref<1x1x40xi32, #tpu.memory_space<hbm>>
        %dma_wait3A_438 = tpu.memref_squeeze %dma_wait3A_437 : memref<1x1x40xi32, #tpu.memory_space<hbm>> -> memref<40xi32, #tpu.memory_space<hbm>>
        %dma_wait3A_439 = arith.constant 0 : i32
        %dma_wait3A_440 = tpu.memref_slice %arg3[%add3A, %dma_wait3A_435, %dma_wait3A_439] : memref<32x250x40xi32, #tpu.memory_space<hbm>> -> memref<1x1x40xi32, #tpu.memory_space<hbm>>
        %dma_wait3A_441 = tpu.memref_squeeze %dma_wait3A_440 : memref<1x1x40xi32, #tpu.memory_space<hbm>> -> memref<40xi32, #tpu.memory_space<hbm>>
        tpu.wait_dma2 semaphore(%arg44 : memref<!tpu.dma_semaphore, #tpu.memory_space<semaphore_mem>>) src(%dma_wait3A_441 : memref<40xi32, #tpu.memory_space<hbm>>) dst(%arg14 : memref<40xi32, #tpu.memory_space<vmem>>)
        %dma_wait3A_442 = arith.constant 0 : i32
        %dma_wait3A_443 = arith.constant 0 : i32
        %dma_wait3A_444 = tpu.memref_slice %arg4[%add3A, %dma_wait3A_442, %dma_wait3A_443] : memref<32x250x40xi32, #tpu.memory_space<hbm>> -> memref<1x1x40xi32, #tpu.memory_space<hbm>>
        %dma_wait3A_445 = tpu.memref_squeeze %dma_wait3A_444 : memref<1x1x40xi32, #tpu.memory_space<hbm>> -> memref<40xi32, #tpu.memory_space<hbm>>
        %dma_wait3A_446 = arith.constant 0 : i32
        %dma_wait3A_447 = tpu.memref_slice %arg4[%add3A, %dma_wait3A_442, %dma_wait3A_446] : memref<32x250x40xi32, #tpu.memory_space<hbm>> -> memref<1x1x40xi32, #tpu.memory_space<hbm>>
        %dma_wait3A_448 = tpu.memref_squeeze %dma_wait3A_447 : memref<1x1x40xi32, #tpu.memory_space<hbm>> -> memref<40xi32, #tpu.memory_space<hbm>>
        tpu.wait_dma2 semaphore(%arg44 : memref<!tpu.dma_semaphore, #tpu.memory_space<semaphore_mem>>) src(%dma_wait3A_448 : memref<40xi32, #tpu.memory_space<hbm>>) dst(%arg24 : memref<40xi32, #tpu.memory_space<vmem>>)
        %dma_start3A_449 = arith.constant 0 : i32
        %dma_start3A_450 = arith.constant 0 : i32
        %dma_start3A_451 = tpu.memref_slice %arg2[%dma_start3A_449, %dma_start3A_450] : memref<10000x128xf32, #tpu.memory_space<hbm>> -> memref<10000x128xf32, #tpu.memory_space<hbm>>
        tpu.enqueue_indirect_dma source(%dma_start3A_451 : memref<10000x128xf32, #tpu.memory_space<hbm>>) target(%arg9 : memref<40x128xf32, #tpu.memory_space<vmem>>) offsets(%arg14 : memref<40xi32, #tpu.memory_space<vmem>>) semaphore(%arg34 : memref<!tpu.dma_semaphore, #tpu.memory_space<semaphore_mem>>)
      } else {
      }
      %dma_wait3A_396 = arith.constant 0 : i32
      %dma_wait3A_397 = arith.constant 0 : i32
      %dma_wait3A_398 = tpu.memref_slice %arg7[%dma_wait3A_396, %dma_wait3A_397] : memref<10000x128xf32, #tpu.memory_space<vmem_shared>> -> memref<10000x128xf32, #tpu.memory_space<vmem_shared>>
      tpu.wait_indirect_dma semaphore(%arg40 : memref<!tpu.dma_semaphore, #tpu.memory_space<semaphore_mem>>) src(%arg10 : memref<40x128xf32, #tpu.memory_space<vmem>>) dst(%dma_wait3A_398 : memref<10000x128xf32, #tpu.memory_space<vmem_shared>>)
      %lt3A_399 = arith.constant 48 : i32
      %lt3A_400 = arith.cmpi slt, %add3A_339, %lt3A_399 : i32
      %convert_element_type3A_401 = arith.extui %lt3A_400 : i1 to i32
      %cond3A_402 = arith.constant 0 : i32
      %cond3A_403 = arith.cmpi ne, %convert_element_type3A_401, %cond3A_402 : i32
      scf.if %cond3A_403 {
        %mul3A_435 = arith.constant 5 : i32
        %mul3A_436 = arith.muli %add3A_339, %mul3A_435 : i32
        %add3A_437 = arith.constant 10 : i32
        %add3A_438 = arith.addi %mul3A_436, %add3A_437 : i32
        %add3A_439 = arith.constant 2 : i32
        %add3A_440 = arith.addi %add3A_438, %add3A_439 : i32
        %dma_start3A_441 = arith.constant 0 : i32
        %dma_start3A_442 = tpu.memref_slice %arg3[%add3A, %add3A_440, %dma_start3A_441] : memref<32x250x40xi32, #tpu.memory_space<hbm>> -> memref<1x1x40xi32, #tpu.memory_space<hbm>>
        %dma_start3A_443 = tpu.memref_squeeze %dma_start3A_442 : memref<1x1x40xi32, #tpu.memory_space<hbm>> -> memref<40xi32, #tpu.memory_space<hbm>>
        %dma_start3A_444 = arith.constant 0 : i32
        %dma_start3A_445 = tpu.memref_slice %arg3[%add3A, %add3A_440, %dma_start3A_444] : memref<32x250x40xi32, #tpu.memory_space<hbm>> -> memref<1x1x40xi32, #tpu.memory_space<hbm>>
        %dma_start3A_446 = tpu.memref_squeeze %dma_start3A_445 : memref<1x1x40xi32, #tpu.memory_space<hbm>> -> memref<40xi32, #tpu.memory_space<hbm>>
        tpu.enqueue_dma source(%dma_start3A_446 : memref<40xi32, #tpu.memory_space<hbm>>) target(%arg20 : memref<40xi32, #tpu.memory_space<vmem>>) target_semaphore(%arg50 : memref<!tpu.dma_semaphore, #tpu.memory_space<semaphore_mem>>)
        %dma_start3A_447 = arith.constant 0 : i32
        %dma_start3A_448 = tpu.memref_slice %arg4[%add3A, %add3A_440, %dma_start3A_447] : memref<32x250x40xi32, #tpu.memory_space<hbm>> -> memref<1x1x40xi32, #tpu.memory_space<hbm>>
        %dma_start3A_449 = tpu.memref_squeeze %dma_start3A_448 : memref<1x1x40xi32, #tpu.memory_space<hbm>> -> memref<40xi32, #tpu.memory_space<hbm>>
        %dma_start3A_450 = arith.constant 0 : i32
        %dma_start3A_451 = tpu.memref_slice %arg4[%add3A, %add3A_440, %dma_start3A_450] : memref<32x250x40xi32, #tpu.memory_space<hbm>> -> memref<1x1x40xi32, #tpu.memory_space<hbm>>
        %dma_start3A_452 = tpu.memref_squeeze %dma_start3A_451 : memref<1x1x40xi32, #tpu.memory_space<hbm>> -> memref<40xi32, #tpu.memory_space<hbm>>
        tpu.enqueue_dma source(%dma_start3A_452 : memref<40xi32, #tpu.memory_space<hbm>>) target(%arg30 : memref<40xi32, #tpu.memory_space<vmem>>) target_semaphore(%arg50 : memref<!tpu.dma_semaphore, #tpu.memory_space<semaphore_mem>>)
      } else {
      }
      %lt3A_404 = arith.constant 49 : i32
      %lt3A_405 = arith.cmpi slt, %add3A_339, %lt3A_404 : i32
      %convert_element_type3A_406 = arith.extui %lt3A_405 : i1 to i32
      %cond3A_407 = arith.constant 0 : i32
      %cond3A_408 = arith.cmpi ne, %convert_element_type3A_406, %cond3A_407 : i32
      scf.if %cond3A_408 {
        %dma_wait3A_435 = arith.constant 0 : i32
        %dma_wait3A_436 = arith.constant 0 : i32
        %dma_wait3A_437 = tpu.memref_slice %arg3[%add3A, %dma_wait3A_435, %dma_wait3A_436] : memref<32x250x40xi32, #tpu.memory_space<hbm>> -> memref<1x1x40xi32, #tpu.memory_space<hbm>>
        %dma_wait3A_438 = tpu.memref_squeeze %dma_wait3A_437 : memref<1x1x40xi32, #tpu.memory_space<hbm>> -> memref<40xi32, #tpu.memory_space<hbm>>
        %dma_wait3A_439 = arith.constant 0 : i32
        %dma_wait3A_440 = tpu.memref_slice %arg3[%add3A, %dma_wait3A_435, %dma_wait3A_439] : memref<32x250x40xi32, #tpu.memory_space<hbm>> -> memref<1x1x40xi32, #tpu.memory_space<hbm>>
        %dma_wait3A_441 = tpu.memref_squeeze %dma_wait3A_440 : memref<1x1x40xi32, #tpu.memory_space<hbm>> -> memref<40xi32, #tpu.memory_space<hbm>>
        tpu.wait_dma2 semaphore(%arg45 : memref<!tpu.dma_semaphore, #tpu.memory_space<semaphore_mem>>) src(%dma_wait3A_441 : memref<40xi32, #tpu.memory_space<hbm>>) dst(%arg15 : memref<40xi32, #tpu.memory_space<vmem>>)
        %dma_wait3A_442 = arith.constant 0 : i32
        %dma_wait3A_443 = arith.constant 0 : i32
        %dma_wait3A_444 = tpu.memref_slice %arg4[%add3A, %dma_wait3A_442, %dma_wait3A_443] : memref<32x250x40xi32, #tpu.memory_space<hbm>> -> memref<1x1x40xi32, #tpu.memory_space<hbm>>
        %dma_wait3A_445 = tpu.memref_squeeze %dma_wait3A_444 : memref<1x1x40xi32, #tpu.memory_space<hbm>> -> memref<40xi32, #tpu.memory_space<hbm>>
        %dma_wait3A_446 = arith.constant 0 : i32
        %dma_wait3A_447 = tpu.memref_slice %arg4[%add3A, %dma_wait3A_442, %dma_wait3A_446] : memref<32x250x40xi32, #tpu.memory_space<hbm>> -> memref<1x1x40xi32, #tpu.memory_space<hbm>>
        %dma_wait3A_448 = tpu.memref_squeeze %dma_wait3A_447 : memref<1x1x40xi32, #tpu.memory_space<hbm>> -> memref<40xi32, #tpu.memory_space<hbm>>
        tpu.wait_dma2 semaphore(%arg45 : memref<!tpu.dma_semaphore, #tpu.memory_space<semaphore_mem>>) src(%dma_wait3A_448 : memref<40xi32, #tpu.memory_space<hbm>>) dst(%arg25 : memref<40xi32, #tpu.memory_space<vmem>>)
        %dma_start3A_449 = arith.constant 0 : i32
        %dma_start3A_450 = arith.constant 0 : i32
        %dma_start3A_451 = tpu.memref_slice %arg2[%dma_start3A_449, %dma_start3A_450] : memref<10000x128xf32, #tpu.memory_space<hbm>> -> memref<10000x128xf32, #tpu.memory_space<hbm>>
        tpu.enqueue_indirect_dma source(%dma_start3A_451 : memref<10000x128xf32, #tpu.memory_space<hbm>>) target(%arg10 : memref<40x128xf32, #tpu.memory_space<vmem>>) offsets(%arg15 : memref<40xi32, #tpu.memory_space<vmem>>) semaphore(%arg35 : memref<!tpu.dma_semaphore, #tpu.memory_space<semaphore_mem>>)
      } else {
      }
      %dma_wait3A_409 = arith.constant 0 : i32
      %dma_wait3A_410 = arith.constant 0 : i32
      %dma_wait3A_411 = tpu.memref_slice %arg7[%dma_wait3A_409, %dma_wait3A_410] : memref<10000x128xf32, #tpu.memory_space<vmem_shared>> -> memref<10000x128xf32, #tpu.memory_space<vmem_shared>>
      tpu.wait_indirect_dma semaphore(%arg41 : memref<!tpu.dma_semaphore, #tpu.memory_space<semaphore_mem>>) src(%arg11 : memref<40x128xf32, #tpu.memory_space<vmem>>) dst(%dma_wait3A_411 : memref<10000x128xf32, #tpu.memory_space<vmem_shared>>)
      %lt3A_412 = arith.constant 48 : i32
      %lt3A_413 = arith.cmpi slt, %add3A_339, %lt3A_412 : i32
      %convert_element_type3A_414 = arith.extui %lt3A_413 : i1 to i32
      %cond3A_415 = arith.constant 0 : i32
      %cond3A_416 = arith.cmpi ne, %convert_element_type3A_414, %cond3A_415 : i32
      scf.if %cond3A_416 {
        %mul3A_435 = arith.constant 5 : i32
        %mul3A_436 = arith.muli %add3A_339, %mul3A_435 : i32
        %add3A_437 = arith.constant 10 : i32
        %add3A_438 = arith.addi %mul3A_436, %add3A_437 : i32
        %add3A_439 = arith.constant 3 : i32
        %add3A_440 = arith.addi %add3A_438, %add3A_439 : i32
        %dma_start3A_441 = arith.constant 0 : i32
        %dma_start3A_442 = tpu.memref_slice %arg3[%add3A, %add3A_440, %dma_start3A_441] : memref<32x250x40xi32, #tpu.memory_space<hbm>> -> memref<1x1x40xi32, #tpu.memory_space<hbm>>
        %dma_start3A_443 = tpu.memref_squeeze %dma_start3A_442 : memref<1x1x40xi32, #tpu.memory_space<hbm>> -> memref<40xi32, #tpu.memory_space<hbm>>
        %dma_start3A_444 = arith.constant 0 : i32
        %dma_start3A_445 = tpu.memref_slice %arg3[%add3A, %add3A_440, %dma_start3A_444] : memref<32x250x40xi32, #tpu.memory_space<hbm>> -> memref<1x1x40xi32, #tpu.memory_space<hbm>>
        %dma_start3A_446 = tpu.memref_squeeze %dma_start3A_445 : memref<1x1x40xi32, #tpu.memory_space<hbm>> -> memref<40xi32, #tpu.memory_space<hbm>>
        tpu.enqueue_dma source(%dma_start3A_446 : memref<40xi32, #tpu.memory_space<hbm>>) target(%arg21 : memref<40xi32, #tpu.memory_space<vmem>>) target_semaphore(%arg51 : memref<!tpu.dma_semaphore, #tpu.memory_space<semaphore_mem>>)
        %dma_start3A_447 = arith.constant 0 : i32
        %dma_start3A_448 = tpu.memref_slice %arg4[%add3A, %add3A_440, %dma_start3A_447] : memref<32x250x40xi32, #tpu.memory_space<hbm>> -> memref<1x1x40xi32, #tpu.memory_space<hbm>>
        %dma_start3A_449 = tpu.memref_squeeze %dma_start3A_448 : memref<1x1x40xi32, #tpu.memory_space<hbm>> -> memref<40xi32, #tpu.memory_space<hbm>>
        %dma_start3A_450 = arith.constant 0 : i32
        %dma_start3A_451 = tpu.memref_slice %arg4[%add3A, %add3A_440, %dma_start3A_450] : memref<32x250x40xi32, #tpu.memory_space<hbm>> -> memref<1x1x40xi32, #tpu.memory_space<hbm>>
        %dma_start3A_452 = tpu.memref_squeeze %dma_start3A_451 : memref<1x1x40xi32, #tpu.memory_space<hbm>> -> memref<40xi32, #tpu.memory_space<hbm>>
        tpu.enqueue_dma source(%dma_start3A_452 : memref<40xi32, #tpu.memory_space<hbm>>) target(%arg31 : memref<40xi32, #tpu.memory_space<vmem>>) target_semaphore(%arg51 : memref<!tpu.dma_semaphore, #tpu.memory_space<semaphore_mem>>)
      } else {
      }
      %lt3A_417 = arith.constant 49 : i32
      %lt3A_418 = arith.cmpi slt, %add3A_339, %lt3A_417 : i32
      %convert_element_type3A_419 = arith.extui %lt3A_418 : i1 to i32
      %cond3A_420 = arith.constant 0 : i32
      %cond3A_421 = arith.cmpi ne, %convert_element_type3A_419, %cond3A_420 : i32
      scf.if %cond3A_421 {
        %dma_wait3A_435 = arith.constant 0 : i32
        %dma_wait3A_436 = arith.constant 0 : i32
        %dma_wait3A_437 = tpu.memref_slice %arg3[%add3A, %dma_wait3A_435, %dma_wait3A_436] : memref<32x250x40xi32, #tpu.memory_space<hbm>> -> memref<1x1x40xi32, #tpu.memory_space<hbm>>
        %dma_wait3A_438 = tpu.memref_squeeze %dma_wait3A_437 : memref<1x1x40xi32, #tpu.memory_space<hbm>> -> memref<40xi32, #tpu.memory_space<hbm>>
        %dma_wait3A_439 = arith.constant 0 : i32
        %dma_wait3A_440 = tpu.memref_slice %arg3[%add3A, %dma_wait3A_435, %dma_wait3A_439] : memref<32x250x40xi32, #tpu.memory_space<hbm>> -> memref<1x1x40xi32, #tpu.memory_space<hbm>>
        %dma_wait3A_441 = tpu.memref_squeeze %dma_wait3A_440 : memref<1x1x40xi32, #tpu.memory_space<hbm>> -> memref<40xi32, #tpu.memory_space<hbm>>
        tpu.wait_dma2 semaphore(%arg46 : memref<!tpu.dma_semaphore, #tpu.memory_space<semaphore_mem>>) src(%dma_wait3A_441 : memref<40xi32, #tpu.memory_space<hbm>>) dst(%arg16 : memref<40xi32, #tpu.memory_space<vmem>>)
        %dma_wait3A_442 = arith.constant 0 : i32
        %dma_wait3A_443 = arith.constant 0 : i32
        %dma_wait3A_444 = tpu.memref_slice %arg4[%add3A, %dma_wait3A_442, %dma_wait3A_443] : memref<32x250x40xi32, #tpu.memory_space<hbm>> -> memref<1x1x40xi32, #tpu.memory_space<hbm>>
        %dma_wait3A_445 = tpu.memref_squeeze %dma_wait3A_444 : memref<1x1x40xi32, #tpu.memory_space<hbm>> -> memref<40xi32, #tpu.memory_space<hbm>>
        %dma_wait3A_446 = arith.constant 0 : i32
        %dma_wait3A_447 = tpu.memref_slice %arg4[%add3A, %dma_wait3A_442, %dma_wait3A_446] : memref<32x250x40xi32, #tpu.memory_space<hbm>> -> memref<1x1x40xi32, #tpu.memory_space<hbm>>
        %dma_wait3A_448 = tpu.memref_squeeze %dma_wait3A_447 : memref<1x1x40xi32, #tpu.memory_space<hbm>> -> memref<40xi32, #tpu.memory_space<hbm>>
        tpu.wait_dma2 semaphore(%arg46 : memref<!tpu.dma_semaphore, #tpu.memory_space<semaphore_mem>>) src(%dma_wait3A_448 : memref<40xi32, #tpu.memory_space<hbm>>) dst(%arg26 : memref<40xi32, #tpu.memory_space<vmem>>)
        %dma_start3A_449 = arith.constant 0 : i32
        %dma_start3A_450 = arith.constant 0 : i32
        %dma_start3A_451 = tpu.memref_slice %arg2[%dma_start3A_449, %dma_start3A_450] : memref<10000x128xf32, #tpu.memory_space<hbm>> -> memref<10000x128xf32, #tpu.memory_space<hbm>>
        tpu.enqueue_indirect_dma source(%dma_start3A_451 : memref<10000x128xf32, #tpu.memory_space<hbm>>) target(%arg11 : memref<40x128xf32, #tpu.memory_space<vmem>>) offsets(%arg16 : memref<40xi32, #tpu.memory_space<vmem>>) semaphore(%arg36 : memref<!tpu.dma_semaphore, #tpu.memory_space<semaphore_mem>>)
      } else {
      }
      %dma_wait3A_422 = arith.constant 0 : i32
      %dma_wait3A_423 = arith.constant 0 : i32
      %dma_wait3A_424 = tpu.memref_slice %arg7[%dma_wait3A_422, %dma_wait3A_423] : memref<10000x128xf32, #tpu.memory_space<vmem_shared>> -> memref<10000x128xf32, #tpu.memory_space<vmem_shared>>
      tpu.wait_indirect_dma semaphore(%arg42 : memref<!tpu.dma_semaphore, #tpu.memory_space<semaphore_mem>>) src(%arg12 : memref<40x128xf32, #tpu.memory_space<vmem>>) dst(%dma_wait3A_424 : memref<10000x128xf32, #tpu.memory_space<vmem_shared>>)
      %lt3A_425 = arith.constant 48 : i32
      %lt3A_426 = arith.cmpi slt, %add3A_339, %lt3A_425 : i32
      %convert_element_type3A_427 = arith.extui %lt3A_426 : i1 to i32
      %cond3A_428 = arith.constant 0 : i32
      %cond3A_429 = arith.cmpi ne, %convert_element_type3A_427, %cond3A_428 : i32
      scf.if %cond3A_429 {
        %mul3A_435 = arith.constant 5 : i32
        %mul3A_436 = arith.muli %add3A_339, %mul3A_435 : i32
        %add3A_437 = arith.constant 10 : i32
        %add3A_438 = arith.addi %mul3A_436, %add3A_437 : i32
        %add3A_439 = arith.constant 4 : i32
        %add3A_440 = arith.addi %add3A_438, %add3A_439 : i32
        %dma_start3A_441 = arith.constant 0 : i32
        %dma_start3A_442 = tpu.memref_slice %arg3[%add3A, %add3A_440, %dma_start3A_441] : memref<32x250x40xi32, #tpu.memory_space<hbm>> -> memref<1x1x40xi32, #tpu.memory_space<hbm>>
        %dma_start3A_443 = tpu.memref_squeeze %dma_start3A_442 : memref<1x1x40xi32, #tpu.memory_space<hbm>> -> memref<40xi32, #tpu.memory_space<hbm>>
        %dma_start3A_444 = arith.constant 0 : i32
        %dma_start3A_445 = tpu.memref_slice %arg3[%add3A, %add3A_440, %dma_start3A_444] : memref<32x250x40xi32, #tpu.memory_space<hbm>> -> memref<1x1x40xi32, #tpu.memory_space<hbm>>
        %dma_start3A_446 = tpu.memref_squeeze %dma_start3A_445 : memref<1x1x40xi32, #tpu.memory_space<hbm>> -> memref<40xi32, #tpu.memory_space<hbm>>
        tpu.enqueue_dma source(%dma_start3A_446 : memref<40xi32, #tpu.memory_space<hbm>>) target(%arg22 : memref<40xi32, #tpu.memory_space<vmem>>) target_semaphore(%arg52 : memref<!tpu.dma_semaphore, #tpu.memory_space<semaphore_mem>>)
        %dma_start3A_447 = arith.constant 0 : i32
        %dma_start3A_448 = tpu.memref_slice %arg4[%add3A, %add3A_440, %dma_start3A_447] : memref<32x250x40xi32, #tpu.memory_space<hbm>> -> memref<1x1x40xi32, #tpu.memory_space<hbm>>
        %dma_start3A_449 = tpu.memref_squeeze %dma_start3A_448 : memref<1x1x40xi32, #tpu.memory_space<hbm>> -> memref<40xi32, #tpu.memory_space<hbm>>
        %dma_start3A_450 = arith.constant 0 : i32
        %dma_start3A_451 = tpu.memref_slice %arg4[%add3A, %add3A_440, %dma_start3A_450] : memref<32x250x40xi32, #tpu.memory_space<hbm>> -> memref<1x1x40xi32, #tpu.memory_space<hbm>>
        %dma_start3A_452 = tpu.memref_squeeze %dma_start3A_451 : memref<1x1x40xi32, #tpu.memory_space<hbm>> -> memref<40xi32, #tpu.memory_space<hbm>>
        tpu.enqueue_dma source(%dma_start3A_452 : memref<40xi32, #tpu.memory_space<hbm>>) target(%arg32 : memref<40xi32, #tpu.memory_space<vmem>>) target_semaphore(%arg52 : memref<!tpu.dma_semaphore, #tpu.memory_space<semaphore_mem>>)
      } else {
      }
      %lt3A_430 = arith.constant 49 : i32
      %lt3A_431 = arith.cmpi slt, %add3A_339, %lt3A_430 : i32
      %convert_element_type3A_432 = arith.extui %lt3A_431 : i1 to i32
      %cond3A_433 = arith.constant 0 : i32
      %cond3A_434 = arith.cmpi ne, %convert_element_type3A_432, %cond3A_433 : i32
      scf.if %cond3A_434 {
        %dma_wait3A_435 = arith.constant 0 : i32
        %dma_wait3A_436 = arith.constant 0 : i32
        %dma_wait3A_437 = tpu.memref_slice %arg3[%add3A, %dma_wait3A_435, %dma_wait3A_436] : memref<32x250x40xi32, #tpu.memory_space<hbm>> -> memref<1x1x40xi32, #tpu.memory_space<hbm>>
        %dma_wait3A_438 = tpu.memref_squeeze %dma_wait3A_437 : memref<1x1x40xi32, #tpu.memory_space<hbm>> -> memref<40xi32, #tpu.memory_space<hbm>>
        %dma_wait3A_439 = arith.constant 0 : i32
        %dma_wait3A_440 = tpu.memref_slice %arg3[%add3A, %dma_wait3A_435, %dma_wait3A_439] : memref<32x250x40xi32, #tpu.memory_space<hbm>> -> memref<1x1x40xi32, #tpu.memory_space<hbm>>
        %dma_wait3A_441 = tpu.memref_squeeze %dma_wait3A_440 : memref<1x1x40xi32, #tpu.memory_space<hbm>> -> memref<40xi32, #tpu.memory_space<hbm>>
        tpu.wait_dma2 semaphore(%arg47 : memref<!tpu.dma_semaphore, #tpu.memory_space<semaphore_mem>>) src(%dma_wait3A_441 : memref<40xi32, #tpu.memory_space<hbm>>) dst(%arg17 : memref<40xi32, #tpu.memory_space<vmem>>)
        %dma_wait3A_442 = arith.constant 0 : i32
        %dma_wait3A_443 = arith.constant 0 : i32
        %dma_wait3A_444 = tpu.memref_slice %arg4[%add3A, %dma_wait3A_442, %dma_wait3A_443] : memref<32x250x40xi32, #tpu.memory_space<hbm>> -> memref<1x1x40xi32, #tpu.memory_space<hbm>>
        %dma_wait3A_445 = tpu.memref_squeeze %dma_wait3A_444 : memref<1x1x40xi32, #tpu.memory_space<hbm>> -> memref<40xi32, #tpu.memory_space<hbm>>
        %dma_wait3A_446 = arith.constant 0 : i32
        %dma_wait3A_447 = tpu.memref_slice %arg4[%add3A, %dma_wait3A_442, %dma_wait3A_446] : memref<32x250x40xi32, #tpu.memory_space<hbm>> -> memref<1x1x40xi32, #tpu.memory_space<hbm>>
        %dma_wait3A_448 = tpu.memref_squeeze %dma_wait3A_447 : memref<1x1x40xi32, #tpu.memory_space<hbm>> -> memref<40xi32, #tpu.memory_space<hbm>>
        tpu.wait_dma2 semaphore(%arg47 : memref<!tpu.dma_semaphore, #tpu.memory_space<semaphore_mem>>) src(%dma_wait3A_448 : memref<40xi32, #tpu.memory_space<hbm>>) dst(%arg27 : memref<40xi32, #tpu.memory_space<vmem>>)
        %dma_start3A_449 = arith.constant 0 : i32
        %dma_start3A_450 = arith.constant 0 : i32
        %dma_start3A_451 = tpu.memref_slice %arg2[%dma_start3A_449, %dma_start3A_450] : memref<10000x128xf32, #tpu.memory_space<hbm>> -> memref<10000x128xf32, #tpu.memory_space<hbm>>
        tpu.enqueue_indirect_dma source(%dma_start3A_451 : memref<10000x128xf32, #tpu.memory_space<hbm>>) target(%arg12 : memref<40x128xf32, #tpu.memory_space<vmem>>) offsets(%arg17 : memref<40xi32, #tpu.memory_space<vmem>>) semaphore(%arg37 : memref<!tpu.dma_semaphore, #tpu.memory_space<semaphore_mem>>)
      } else {
      }
    }
    %scan3A_232 = arith.constant 25 : i32
    %barrier3A_233 = arith.constant 0 : index
    tpu.barrier barrier_id(%barrier3A_233)
    "tpu.region"() ({
      %run_scoped3A = tpu.sem_alloc : memref<!tpu.dma_semaphore, #tpu.memory_space<semaphore_mem>>
      %dma_start3A_239 = arith.constant 0 : i32
      %dma_start3A_240 = tpu.memref_slice %arg6[%arg0, %mul3A_2, %dma_start3A_239] : memref<2x10000x128xf32, #tpu.memory_space<hbm>> -> memref<1x624x128xf32, #tpu.memory_space<hbm>>
      %dma_start3A_241 = tpu.memref_squeeze %dma_start3A_240 : memref<1x624x128xf32, #tpu.memory_space<hbm>> -> memref<624x128xf32, #tpu.memory_space<hbm>>
      %dma_start3A_242 = arith.constant 0 : i32
      %dma_start3A_243 = tpu.memref_slice %arg7[%mul3A_2, %dma_start3A_242] : memref<10000x128xf32, #tpu.memory_space<vmem_shared>> -> memref<624x128xf32, #tpu.memory_space<vmem_shared>>
      tpu.enqueue_dma source(%dma_start3A_243 : memref<624x128xf32, #tpu.memory_space<vmem_shared>>) target(%dma_start3A_241 : memref<624x128xf32, #tpu.memory_space<hbm>>) target_semaphore(%run_scoped3A : memref<!tpu.dma_semaphore, #tpu.memory_space<semaphore_mem>>)
      %dma_wait3A_244 = arith.constant 0 : i32
      %dma_wait3A_245 = tpu.memref_slice %arg6[%arg0, %mul3A_2, %dma_wait3A_244] : memref<2x10000x128xf32, #tpu.memory_space<hbm>> -> memref<1x624x128xf32, #tpu.memory_space<hbm>>
      %dma_wait3A_246 = tpu.memref_squeeze %dma_wait3A_245 : memref<1x624x128xf32, #tpu.memory_space<hbm>> -> memref<624x128xf32, #tpu.memory_space<hbm>>
      %dma_wait3A_247 = arith.constant 0 : i32
      %dma_wait3A_248 = tpu.memref_slice %arg7[%mul3A_2, %dma_wait3A_247] : memref<10000x128xf32, #tpu.memory_space<vmem_shared>> -> memref<624x128xf32, #tpu.memory_space<vmem_shared>>
      tpu.wait_dma2 semaphore(%run_scoped3A : memref<!tpu.dma_semaphore, #tpu.memory_space<semaphore_mem>>) src(%dma_wait3A_248 : memref<624x128xf32, #tpu.memory_space<vmem_shared>>) dst(%dma_wait3A_246 : memref<624x128xf32, #tpu.memory_space<hbm>>)
      tpu.yield
    }) : () -> ()
    %eq3A_234 = arith.constant 15 : i32
    %eq3A_235 = arith.cmpi eq, %arg1, %eq3A_234 : i32
    %convert_element_type3A_236 = arith.extui %eq3A_235 : i1 to i32
    %cond3A_237 = arith.constant 0 : i32
    %cond3A_238 = arith.cmpi ne, %convert_element_type3A_236, %cond3A_237 : i32
    scf.if %cond3A_238 {
      "tpu.region"() ({
        %run_scoped3A = tpu.sem_alloc : memref<!tpu.dma_semaphore, #tpu.memory_space<semaphore_mem>>
        %dma_start3A_239 = arith.constant 9984 : i32
        %dma_start3A_240 = arith.constant 0 : i32
        %dma_start3A_241 = tpu.memref_slice %arg6[%arg0, %dma_start3A_239, %dma_start3A_240] : memref<2x10000x128xf32, #tpu.memory_space<hbm>> -> memref<1x16x128xf32, #tpu.memory_space<hbm>>
        %dma_start3A_242 = tpu.memref_squeeze %dma_start3A_241 : memref<1x16x128xf32, #tpu.memory_space<hbm>> -> memref<16x128xf32, #tpu.memory_space<hbm>>
        %dma_start3A_243 = arith.constant 9984 : i32
        %dma_start3A_244 = arith.constant 0 : i32
        %dma_start3A_245 = tpu.memref_slice %arg7[%dma_start3A_243, %dma_start3A_244] : memref<10000x128xf32, #tpu.memory_space<vmem_shared>> -> memref<16x128xf32, #tpu.memory_space<vmem_shared>>
        tpu.enqueue_dma source(%dma_start3A_245 : memref<16x128xf32, #tpu.memory_space<vmem_shared>>) target(%dma_start3A_242 : memref<16x128xf32, #tpu.memory_space<hbm>>) target_semaphore(%run_scoped3A : memref<!tpu.dma_semaphore, #tpu.memory_space<semaphore_mem>>)
        %dma_wait3A_246 = arith.constant 9984 : i32
        %dma_wait3A_247 = arith.constant 0 : i32
        %dma_wait3A_248 = tpu.memref_slice %arg6[%arg0, %dma_wait3A_246, %dma_wait3A_247] : memref<2x10000x128xf32, #tpu.memory_space<hbm>> -> memref<1x16x128xf32, #tpu.memory_space<hbm>>
        %dma_wait3A_249 = tpu.memref_squeeze %dma_wait3A_248 : memref<1x16x128xf32, #tpu.memory_space<hbm>> -> memref<16x128xf32, #tpu.memory_space<hbm>>
        %dma_wait3A_250 = arith.constant 9984 : i32
        %dma_wait3A_251 = arith.constant 0 : i32
        %dma_wait3A_252 = tpu.memref_slice %arg7[%dma_wait3A_250, %dma_wait3A_251] : memref<10000x128xf32, #tpu.memory_space<vmem_shared>> -> memref<16x128xf32, #tpu.memory_space<vmem_shared>>
        tpu.wait_dma2 semaphore(%run_scoped3A : memref<!tpu.dma_semaphore, #tpu.memory_space<semaphore_mem>>) src(%dma_wait3A_252 : memref<16x128xf32, #tpu.memory_space<vmem_shared>>) dst(%dma_wait3A_249 : memref<16x128xf32, #tpu.memory_space<hbm>>)
        tpu.yield
      }) : () -> ()
    } else {
    }
    return
  }
}

#map = affine_map<(d0, d1) -> (0, 0)>
#map1 = affine_map<(d0, d1) -> (0, 0, 0)>
module attributes {stable_mosaic.version = 14 : i64} {
  func.func @body(%arg0: i32, %arg1: i32, %arg2: memref<10000x128xf32, #tpu.memory_space<hbm>>, %arg3: memref<32x250x40xi32, #tpu.memory_space<hbm>>, %arg4: memref<32x250x40xi32, #tpu.memory_space<hbm>>, %arg5: memref<10000x128xf32, #tpu.memory_space<hbm>>, %arg6: memref<2x10000x128xf32, #tpu.memory_space<hbm>>, %arg7: memref<10000x128xf32, #tpu.memory_space<vmem_shared>>, %arg8: memref<40x128xf32, #tpu.memory_space<vmem>>, %arg9: memref<40x128xf32, #tpu.memory_space<vmem>>, %arg10: memref<40x128xf32, #tpu.memory_space<vmem>>, %arg11: memref<40x128xf32, #tpu.memory_space<vmem>>, %arg12: memref<40x128xf32, #tpu.memory_space<vmem>>, %arg13: memref<40xi32, #tpu.memory_space<vmem>>, %arg14: memref<40xi32, #tpu.memory_space<vmem>>, %arg15: memref<40xi32, #tpu.memory_space<vmem>>, %arg16: memref<40xi32, #tpu.memory_space<vmem>>, %arg17: memref<40xi32, #tpu.memory_space<vmem>>, %arg18: memref<40xi32, #tpu.memory_space<vmem>>, %arg19: memref<40xi32, #tpu.memory_space<vmem>>, %arg20: memref<40xi32, #tpu.memory_space<vmem>>, %arg21: memref<40xi32, #tpu.memory_space<vmem>>, %arg22: memref<40xi32, #tpu.memory_space<vmem>>, %arg23: memref<40xi32, #tpu.memory_space<vmem>>, %arg24: memref<40xi32, #tpu.memory_space<vmem>>, %arg25: memref<40xi32, #tpu.memory_space<vmem>>, %arg26: memref<40xi32, #tpu.memory_space<vmem>>, %arg27: memref<40xi32, #tpu.memory_space<vmem>>, %arg28: memref<40xi32, #tpu.memory_space<vmem>>, %arg29: memref<40xi32, #tpu.memory_space<vmem>>, %arg30: memref<40xi32, #tpu.memory_space<vmem>>, %arg31: memref<40xi32, #tpu.memory_space<vmem>>, %arg32: memref<40xi32, #tpu.memory_space<vmem>>, %arg33: memref<!tpu.dma_semaphore, #tpu.memory_space<semaphore_mem>>, %arg34: memref<!tpu.dma_semaphore, #tpu.memory_space<semaphore_mem>>, %arg35: memref<!tpu.dma_semaphore, #tpu.memory_space<semaphore_mem>>, %arg36: memref<!tpu.dma_semaphore, #tpu.memory_space<semaphore_mem>>, %arg37: memref<!tpu.dma_semaphore, #tpu.memory_space<semaphore_mem>>, %arg38: memref<!tpu.dma_semaphore, #tpu.memory_space<semaphore_mem>>, %arg39: memref<!tpu.dma_semaphore, #tpu.memory_space<semaphore_mem>>, %arg40: memref<!tpu.dma_semaphore, #tpu.memory_space<semaphore_mem>>, %arg41: memref<!tpu.dma_semaphore, #tpu.memory_space<semaphore_mem>>, %arg42: memref<!tpu.dma_semaphore, #tpu.memory_space<semaphore_mem>>, %arg43: memref<!tpu.dma_semaphore, #tpu.memory_space<semaphore_mem>>, %arg44: memref<!tpu.dma_semaphore, #tpu.memory_space<semaphore_mem>>, %arg45: memref<!tpu.dma_semaphore, #tpu.memory_space<semaphore_mem>>, %arg46: memref<!tpu.dma_semaphore, #tpu.memory_space<semaphore_mem>>, %arg47: memref<!tpu.dma_semaphore, #tpu.memory_space<semaphore_mem>>, %arg48: memref<!tpu.dma_semaphore, #tpu.memory_space<semaphore_mem>>, %arg49: memref<!tpu.dma_semaphore, #tpu.memory_space<semaphore_mem>>, %arg50: memref<!tpu.dma_semaphore, #tpu.memory_space<semaphore_mem>>, %arg51: memref<!tpu.dma_semaphore, #tpu.memory_space<semaphore_mem>>, %arg52: memref<!tpu.dma_semaphore, #tpu.memory_space<semaphore_mem>>) attributes {dimension_semantics = [#tpu.dimension_semantics<core_parallel>, #tpu.dimension_semantics<subcore_parallel>], iteration_bounds = array<i64: 2, 16>, scalar_prefetch = 0 : i64, scratch_operands = 46 : i64, tpu.core_type = #tpu.core_type<sc_vector_subcore>, window_params = [{transform_indices = #map}, {transform_indices = #map1}, {transform_indices = #map1}, {transform_indices = #map}, {transform_indices = #map1}]} {
    %mul3A = arith.constant 2 : i32
    %mul3A_0 = arith.muli %arg1, %mul3A : i32
    %add3A = arith.addi %mul3A_0, %arg0 : i32
    %mul3A_1 = arith.constant 624 : i32
    %mul3A_2 = arith.muli %arg1, %mul3A_1 : i32
    "tpu.region"() ({
      %run_scoped3A = tpu.sem_alloc : memref<!tpu.dma_semaphore, #tpu.memory_space<semaphore_mem>>
      %dma_start3A_239 = arith.constant 0 : i32
      %dma_start3A_240 = tpu.memref_slice %arg7[%mul3A_2, %dma_start3A_239] : memref<10000x128xf32, #tpu.memory_space<vmem_shared>> -> memref<624x128xf32, #tpu.memory_space<vmem_shared>>
      %dma_start3A_241 = arith.constant 0 : i32
      %dma_start3A_242 = tpu.memref_slice %arg5[%mul3A_2, %dma_start3A_241] : memref<10000x128xf32, #tpu.memory_space<hbm>> -> memref<624x128xf32, #tpu.memory_space<hbm>>
      tpu.enqueue_dma source(%dma_start3A_242 : memref<624x128xf32, #tpu.memory_space<hbm>>) target(%dma_start3A_240 : memref<624x128xf32, #tpu.memory_space<vmem_shared>>) target_semaphore(%run_scoped3A : memref<!tpu.dma_semaphore, #tpu.memory_space<semaphore_mem>>)
      %dma_wait3A_243 = arith.constant 0 : i32
      %dma_wait3A_244 = tpu.memref_slice %arg7[%mul3A_2, %dma_wait3A_243] : memref<10000x128xf32, #tpu.memory_space<vmem_shared>> -> memref<624x128xf32, #tpu.memory_space<vmem_shared>>
      %dma_wait3A_245 = arith.constant 0 : i32
      %dma_wait3A_246 = tpu.memref_slice %arg5[%mul3A_2, %dma_wait3A_245] : memref<10000x128xf32, #tpu.memory_space<hbm>> -> memref<624x128xf32, #tpu.memory_space<hbm>>
      tpu.wait_dma2 semaphore(%run_scoped3A : memref<!tpu.dma_semaphore, #tpu.memory_space<semaphore_mem>>) src(%dma_wait3A_246 : memref<624x128xf32, #tpu.memory_space<hbm>>) dst(%dma_wait3A_244 : memref<624x128xf32, #tpu.memory_space<vmem_shared>>)
      tpu.yield
    }) : () -> ()
    %eq3A = arith.constant 15 : i32
    %eq3A_3 = arith.cmpi eq, %arg1, %eq3A : i32
    %convert_element_type3A = arith.extui %eq3A_3 : i1 to i32
    %cond3A = arith.constant 0 : i32
    %cond3A_4 = arith.cmpi ne, %convert_element_type3A, %cond3A : i32
    scf.if %cond3A_4 {
      "tpu.region"() ({
        %run_scoped3A = tpu.sem_alloc : memref<!tpu.dma_semaphore, #tpu.memory_space<semaphore_mem>>
        %dma_start3A_239 = arith.constant 9984 : i32
        %dma_start3A_240 = arith.constant 0 : i32
        %dma_start3A_241 = tpu.memref_slice %arg7[%dma_start3A_239, %dma_start3A_240] : memref<10000x128xf32, #tpu.memory_space<vmem_shared>> -> memref<16x128xf32, #tpu.memory_space<vmem_shared>>
        %dma_start3A_242 = arith.constant 9984 : i32
        %dma_start3A_243 = arith.constant 0 : i32
        %dma_start3A_244 = tpu.memref_slice %arg5[%dma_start3A_242, %dma_start3A_243] : memref<10000x128xf32, #tpu.memory_space<hbm>> -> memref<16x128xf32, #tpu.memory_space<hbm>>
        tpu.enqueue_dma source(%dma_start3A_244 : memref<16x128xf32, #tpu.memory_space<hbm>>) target(%dma_start3A_241 : memref<16x128xf32, #tpu.memory_space<vmem_shared>>) target_semaphore(%run_scoped3A : memref<!tpu.dma_semaphore, #tpu.memory_space<semaphore_mem>>)
        %dma_wait3A_245 = arith.constant 9984 : i32
        %dma_wait3A_246 = arith.constant 0 : i32
        %dma_wait3A_247 = tpu.memref_slice %arg7[%dma_wait3A_245, %dma_wait3A_246] : memref<10000x128xf32, #tpu.memory_space<vmem_shared>> -> memref<16x128xf32, #tpu.memory_space<vmem_shared>>
        %dma_wait3A_248 = arith.constant 9984 : i32
        %dma_wait3A_249 = arith.constant 0 : i32
        %dma_wait3A_250 = tpu.memref_slice %arg5[%dma_wait3A_248, %dma_wait3A_249] : memref<10000x128xf32, #tpu.memory_space<hbm>> -> memref<16x128xf32, #tpu.memory_space<hbm>>
        tpu.wait_dma2 semaphore(%run_scoped3A : memref<!tpu.dma_semaphore, #tpu.memory_space<semaphore_mem>>) src(%dma_wait3A_250 : memref<16x128xf32, #tpu.memory_space<hbm>>) dst(%dma_wait3A_247 : memref<16x128xf32, #tpu.memory_space<vmem_shared>>)
        tpu.yield
      }) : () -> ()
    } else {
    }
    %barrier3A = arith.constant 0 : index
    tpu.barrier barrier_id(%barrier3A)
    %dma_start3A = arith.constant 0 : i32
    %dma_start3A_5 = arith.constant 0 : i32
    %dma_start3A_6 = tpu.memref_slice %arg3[%add3A, %dma_start3A, %dma_start3A_5] : memref<32x250x40xi32, #tpu.memory_space<hbm>> -> memref<1x1x40xi32, #tpu.memory_space<hbm>>
    %dma_start3A_7 = tpu.memref_squeeze %dma_start3A_6 : memref<1x1x40xi32, #tpu.memory_space<hbm>> -> memref<40xi32, #tpu.memory_space<hbm>>
    %dma_start3A_8 = arith.constant 0 : i32
    %dma_start3A_9 = tpu.memref_slice %arg3[%add3A, %dma_start3A, %dma_start3A_8] : memref<32x250x40xi32, #tpu.memory_space<hbm>> -> memref<1x1x40xi32, #tpu.memory_space<hbm>>
    %dma_start3A_10 = tpu.memref_squeeze %dma_start3A_9 : memref<1x1x40xi32, #tpu.memory_space<hbm>> -> memref<40xi32, #tpu.memory_space<hbm>>
    tpu.enqueue_dma source(%dma_start3A_10 : memref<40xi32, #tpu.memory_space<hbm>>) target(%arg13 : memref<40xi32, #tpu.memory_space<vmem>>) target_semaphore(%arg43 : memref<!tpu.dma_semaphore, #tpu.memory_space<semaphore_mem>>)
    %dma_start3A_11 = arith.constant 0 : i32
    %dma_start3A_12 = arith.constant 0 : i32
    %dma_start3A_13 = tpu.memref_slice %arg4[%add3A, %dma_start3A_11, %dma_start3A_12] : memref<32x250x40xi32, #tpu.memory_space<hbm>> -> memref<1x1x40xi32, #tpu.memory_space<hbm>>
    %dma_start3A_14 = tpu.memref_squeeze %dma_start3A_13 : memref<1x1x40xi32, #tpu.memory_space<hbm>> -> memref<40xi32, #tpu.memory_space<hbm>>
    %dma_start3A_15 = arith.constant 0 : i32
    %dma_start3A_16 = tpu.memref_slice %arg4[%add3A, %dma_start3A_11, %dma_start3A_15] : memref<32x250x40xi32, #tpu.memory_space<hbm>> -> memref<1x1x40xi32, #tpu.memory_space<hbm>>
    %dma_start3A_17 = tpu.memref_squeeze %dma_start3A_16 : memref<1x1x40xi32, #tpu.memory_space<hbm>> -> memref<40xi32, #tpu.memory_space<hbm>>
    tpu.enqueue_dma source(%dma_start3A_17 : memref<40xi32, #tpu.memory_space<hbm>>) target(%arg23 : memref<40xi32, #tpu.memory_space<vmem>>) target_semaphore(%arg43 : memref<!tpu.dma_semaphore, #tpu.memory_space<semaphore_mem>>)
    %dma_start3A_18 = arith.constant 1 : i32
    %dma_start3A_19 = arith.constant 0 : i32
    %dma_start3A_20 = tpu.memref_slice %arg3[%add3A, %dma_start3A_18, %dma_start3A_19] : memref<32x250x40xi32, #tpu.memory_space<hbm>> -> memref<1x1x40xi32, #tpu.memory_space<hbm>>
    %dma_start3A_21 = tpu.memref_squeeze %dma_start3A_20 : memref<1x1x40xi32, #tpu.memory_space<hbm>> -> memref<40xi32, #tpu.memory_space<hbm>>
    %dma_start3A_22 = arith.constant 0 : i32
    %dma_start3A_23 = tpu.memref_slice %arg3[%add3A, %dma_start3A_18, %dma_start3A_22] : memref<32x250x40xi32, #tpu.memory_space<hbm>> -> memref<1x1x40xi32, #tpu.memory_space<hbm>>
    %dma_start3A_24 = tpu.memref_squeeze %dma_start3A_23 : memref<1x1x40xi32, #tpu.memory_space<hbm>> -> memref<40xi32, #tpu.memory_space<hbm>>
    tpu.enqueue_dma source(%dma_start3A_24 : memref<40xi32, #tpu.memory_space<hbm>>) target(%arg14 : memref<40xi32, #tpu.memory_space<vmem>>) target_semaphore(%arg44 : memref<!tpu.dma_semaphore, #tpu.memory_space<semaphore_mem>>)
    %dma_start3A_25 = arith.constant 1 : i32
    %dma_start3A_26 = arith.constant 0 : i32
    %dma_start3A_27 = tpu.memref_slice %arg4[%add3A, %dma_start3A_25, %dma_start3A_26] : memref<32x250x40xi32, #tpu.memory_space<hbm>> -> memref<1x1x40xi32, #tpu.memory_space<hbm>>
    %dma_start3A_28 = tpu.memref_squeeze %dma_start3A_27 : memref<1x1x40xi32, #tpu.memory_space<hbm>> -> memref<40xi32, #tpu.memory_space<hbm>>
    %dma_start3A_29 = arith.constant 0 : i32
    %dma_start3A_30 = tpu.memref_slice %arg4[%add3A, %dma_start3A_25, %dma_start3A_29] : memref<32x250x40xi32, #tpu.memory_space<hbm>> -> memref<1x1x40xi32, #tpu.memory_space<hbm>>
    %dma_start3A_31 = tpu.memref_squeeze %dma_start3A_30 : memref<1x1x40xi32, #tpu.memory_space<hbm>> -> memref<40xi32, #tpu.memory_space<hbm>>
    tpu.enqueue_dma source(%dma_start3A_31 : memref<40xi32, #tpu.memory_space<hbm>>) target(%arg24 : memref<40xi32, #tpu.memory_space<vmem>>) target_semaphore(%arg44 : memref<!tpu.dma_semaphore, #tpu.memory_space<semaphore_mem>>)
    %dma_start3A_32 = arith.constant 2 : i32
    %dma_start3A_33 = arith.constant 0 : i32
    %dma_start3A_34 = tpu.memref_slice %arg3[%add3A, %dma_start3A_32, %dma_start3A_33] : memref<32x250x40xi32, #tpu.memory_space<hbm>> -> memref<1x1x40xi32, #tpu.memory_space<hbm>>
    %dma_start3A_35 = tpu.memref_squeeze %dma_start3A_34 : memref<1x1x40xi32, #tpu.memory_space<hbm>> -> memref<40xi32, #tpu.memory_space<hbm>>
    %dma_start3A_36 = arith.constant 0 : i32
    %dma_start3A_37 = tpu.memref_slice %arg3[%add3A, %dma_start3A_32, %dma_start3A_36] : memref<32x250x40xi32, #tpu.memory_space<hbm>> -> memref<1x1x40xi32, #tpu.memory_space<hbm>>
    %dma_start3A_38 = tpu.memref_squeeze %dma_start3A_37 : memref<1x1x40xi32, #tpu.memory_space<hbm>> -> memref<40xi32, #tpu.memory_space<hbm>>
    tpu.enqueue_dma source(%dma_start3A_38 : memref<40xi32, #tpu.memory_space<hbm>>) target(%arg15 : memref<40xi32, #tpu.memory_space<vmem>>) target_semaphore(%arg45 : memref<!tpu.dma_semaphore, #tpu.memory_space<semaphore_mem>>)
    %dma_start3A_39 = arith.constant 2 : i32
    %dma_start3A_40 = arith.constant 0 : i32
    %dma_start3A_41 = tpu.memref_slice %arg4[%add3A, %dma_start3A_39, %dma_start3A_40] : memref<32x250x40xi32, #tpu.memory_space<hbm>> -> memref<1x1x40xi32, #tpu.memory_space<hbm>>
    %dma_start3A_42 = tpu.memref_squeeze %dma_start3A_41 : memref<1x1x40xi32, #tpu.memory_space<hbm>> -> memref<40xi32, #tpu.memory_space<hbm>>
    %dma_start3A_43 = arith.constant 0 : i32
    %dma_start3A_44 = tpu.memref_slice %arg4[%add3A, %dma_start3A_39, %dma_start3A_43] : memref<32x250x40xi32, #tpu.memory_space<hbm>> -> memref<1x1x40xi32, #tpu.memory_space<hbm>>
    %dma_start3A_45 = tpu.memref_squeeze %dma_start3A_44 : memref<1x1x40xi32, #tpu.memory_space<hbm>> -> memref<40xi32, #tpu.memory_space<hbm>>
    tpu.enqueue_dma source(%dma_start3A_45 : memref<40xi32, #tpu.memory_space<hbm>>) target(%arg25 : memref<40xi32, #tpu.memory_space<vmem>>) target_semaphore(%arg45 : memref<!tpu.dma_semaphore, #tpu.memory_space<semaphore_mem>>)
    %dma_start3A_46 = arith.constant 3 : i32
    %dma_start3A_47 = arith.constant 0 : i32
    %dma_start3A_48 = tpu.memref_slice %arg3[%add3A, %dma_start3A_46, %dma_start3A_47] : memref<32x250x40xi32, #tpu.memory_space<hbm>> -> memref<1x1x40xi32, #tpu.memory_space<hbm>>
    %dma_start3A_49 = tpu.memref_squeeze %dma_start3A_48 : memref<1x1x40xi32, #tpu.memory_space<hbm>> -> memref<40xi32, #tpu.memory_space<hbm>>
    %dma_start3A_50 = arith.constant 0 : i32
    %dma_start3A_51 = tpu.memref_slice %arg3[%add3A, %dma_start3A_46, %dma_start3A_50] : memref<32x250x40xi32, #tpu.memory_space<hbm>> -> memref<1x1x40xi32, #tpu.memory_space<hbm>>
    %dma_start3A_52 = tpu.memref_squeeze %dma_start3A_51 : memref<1x1x40xi32, #tpu.memory_space<hbm>> -> memref<40xi32, #tpu.memory_space<hbm>>
    tpu.enqueue_dma source(%dma_start3A_52 : memref<40xi32, #tpu.memory_space<hbm>>) target(%arg16 : memref<40xi32, #tpu.memory_space<vmem>>) target_semaphore(%arg46 : memref<!tpu.dma_semaphore, #tpu.memory_space<semaphore_mem>>)
    %dma_start3A_53 = arith.constant 3 : i32
    %dma_start3A_54 = arith.constant 0 : i32
    %dma_start3A_55 = tpu.memref_slice %arg4[%add3A, %dma_start3A_53, %dma_start3A_54] : memref<32x250x40xi32, #tpu.memory_space<hbm>> -> memref<1x1x40xi32, #tpu.memory_space<hbm>>
    %dma_start3A_56 = tpu.memref_squeeze %dma_start3A_55 : memref<1x1x40xi32, #tpu.memory_space<hbm>> -> memref<40xi32, #tpu.memory_space<hbm>>
    %dma_start3A_57 = arith.constant 0 : i32
    %dma_start3A_58 = tpu.memref_slice %arg4[%add3A, %dma_start3A_53, %dma_start3A_57] : memref<32x250x40xi32, #tpu.memory_space<hbm>> -> memref<1x1x40xi32, #tpu.memory_space<hbm>>
    %dma_start3A_59 = tpu.memref_squeeze %dma_start3A_58 : memref<1x1x40xi32, #tpu.memory_space<hbm>> -> memref<40xi32, #tpu.memory_space<hbm>>
    tpu.enqueue_dma source(%dma_start3A_59 : memref<40xi32, #tpu.memory_space<hbm>>) target(%arg26 : memref<40xi32, #tpu.memory_space<vmem>>) target_semaphore(%arg46 : memref<!tpu.dma_semaphore, #tpu.memory_space<semaphore_mem>>)
    %dma_start3A_60 = arith.constant 4 : i32
    %dma_start3A_61 = arith.constant 0 : i32
    %dma_start3A_62 = tpu.memref_slice %arg3[%add3A, %dma_start3A_60, %dma_start3A_61] : memref<32x250x40xi32, #tpu.memory_space<hbm>> -> memref<1x1x40xi32, #tpu.memory_space<hbm>>
    %dma_start3A_63 = tpu.memref_squeeze %dma_start3A_62 : memref<1x1x40xi32, #tpu.memory_space<hbm>> -> memref<40xi32, #tpu.memory_space<hbm>>
    %dma_start3A_64 = arith.constant 0 : i32
    %dma_start3A_65 = tpu.memref_slice %arg3[%add3A, %dma_start3A_60, %dma_start3A_64] : memref<32x250x40xi32, #tpu.memory_space<hbm>> -> memref<1x1x40xi32, #tpu.memory_space<hbm>>
    %dma_start3A_66 = tpu.memref_squeeze %dma_start3A_65 : memref<1x1x40xi32, #tpu.memory_space<hbm>> -> memref<40xi32, #tpu.memory_space<hbm>>
    tpu.enqueue_dma source(%dma_start3A_66 : memref<40xi32, #tpu.memory_space<hbm>>) target(%arg17 : memref<40xi32, #tpu.memory_space<vmem>>) target_semaphore(%arg47 : memref<!tpu.dma_semaphore, #tpu.memory_space<semaphore_mem>>)
    %dma_start3A_67 = arith.constant 4 : i32
    %dma_start3A_68 = arith.constant 0 : i32
    %dma_start3A_69 = tpu.memref_slice %arg4[%add3A, %dma_start3A_67, %dma_start3A_68] : memref<32x250x40xi32, #tpu.memory_space<hbm>> -> memref<1x1x40xi32, #tpu.memory_space<hbm>>
    %dma_start3A_70 = tpu.memref_squeeze %dma_start3A_69 : memref<1x1x40xi32, #tpu.memory_space<hbm>> -> memref<40xi32, #tpu.memory_space<hbm>>
    %dma_start3A_71 = arith.constant 0 : i32
    %dma_start3A_72 = tpu.memref_slice %arg4[%add3A, %dma_start3A_67, %dma_start3A_71] : memref<32x250x40xi32, #tpu.memory_space<hbm>> -> memref<1x1x40xi32, #tpu.memory_space<hbm>>
    %dma_start3A_73 = tpu.memref_squeeze %dma_start3A_72 : memref<1x1x40xi32, #tpu.memory_space<hbm>> -> memref<40xi32, #tpu.memory_space<hbm>>
    tpu.enqueue_dma source(%dma_start3A_73 : memref<40xi32, #tpu.memory_space<hbm>>) target(%arg27 : memref<40xi32, #tpu.memory_space<vmem>>) target_semaphore(%arg47 : memref<!tpu.dma_semaphore, #tpu.memory_space<semaphore_mem>>)
    %dma_start3A_74 = arith.constant 5 : i32
    %dma_start3A_75 = arith.constant 0 : i32
    %dma_start3A_76 = tpu.memref_slice %arg3[%add3A, %dma_start3A_74, %dma_start3A_75] : memref<32x250x40xi32, #tpu.memory_space<hbm>> -> memref<1x1x40xi32, #tpu.memory_space<hbm>>
    %dma_start3A_77 = tpu.memref_squeeze %dma_start3A_76 : memref<1x1x40xi32, #tpu.memory_space<hbm>> -> memref<40xi32, #tpu.memory_space<hbm>>
    %dma_start3A_78 = arith.constant 0 : i32
    %dma_start3A_79 = tpu.memref_slice %arg3[%add3A, %dma_start3A_74, %dma_start3A_78] : memref<32x250x40xi32, #tpu.memory_space<hbm>> -> memref<1x1x40xi32, #tpu.memory_space<hbm>>
    %dma_start3A_80 = tpu.memref_squeeze %dma_start3A_79 : memref<1x1x40xi32, #tpu.memory_space<hbm>> -> memref<40xi32, #tpu.memory_space<hbm>>
    tpu.enqueue_dma source(%dma_start3A_80 : memref<40xi32, #tpu.memory_space<hbm>>) target(%arg18 : memref<40xi32, #tpu.memory_space<vmem>>) target_semaphore(%arg48 : memref<!tpu.dma_semaphore, #tpu.memory_space<semaphore_mem>>)
    %dma_start3A_81 = arith.constant 5 : i32
    %dma_start3A_82 = arith.constant 0 : i32
    %dma_start3A_83 = tpu.memref_slice %arg4[%add3A, %dma_start3A_81, %dma_start3A_82] : memref<32x250x40xi32, #tpu.memory_space<hbm>> -> memref<1x1x40xi32, #tpu.memory_space<hbm>>
    %dma_start3A_84 = tpu.memref_squeeze %dma_start3A_83 : memref<1x1x40xi32, #tpu.memory_space<hbm>> -> memref<40xi32, #tpu.memory_space<hbm>>
    %dma_start3A_85 = arith.constant 0 : i32
    %dma_start3A_86 = tpu.memref_slice %arg4[%add3A, %dma_start3A_81, %dma_start3A_85] : memref<32x250x40xi32, #tpu.memory_space<hbm>> -> memref<1x1x40xi32, #tpu.memory_space<hbm>>
    %dma_start3A_87 = tpu.memref_squeeze %dma_start3A_86 : memref<1x1x40xi32, #tpu.memory_space<hbm>> -> memref<40xi32, #tpu.memory_space<hbm>>
    tpu.enqueue_dma source(%dma_start3A_87 : memref<40xi32, #tpu.memory_space<hbm>>) target(%arg28 : memref<40xi32, #tpu.memory_space<vmem>>) target_semaphore(%arg48 : memref<!tpu.dma_semaphore, #tpu.memory_space<semaphore_mem>>)
    %dma_start3A_88 = arith.constant 6 : i32
    %dma_start3A_89 = arith.constant 0 : i32
    %dma_start3A_90 = tpu.memref_slice %arg3[%add3A, %dma_start3A_88, %dma_start3A_89] : memref<32x250x40xi32, #tpu.memory_space<hbm>> -> memref<1x1x40xi32, #tpu.memory_space<hbm>>
    %dma_start3A_91 = tpu.memref_squeeze %dma_start3A_90 : memref<1x1x40xi32, #tpu.memory_space<hbm>> -> memref<40xi32, #tpu.memory_space<hbm>>
    %dma_start3A_92 = arith.constant 0 : i32
    %dma_start3A_93 = tpu.memref_slice %arg3[%add3A, %dma_start3A_88, %dma_start3A_92] : memref<32x250x40xi32, #tpu.memory_space<hbm>> -> memref<1x1x40xi32, #tpu.memory_space<hbm>>
    %dma_start3A_94 = tpu.memref_squeeze %dma_start3A_93 : memref<1x1x40xi32, #tpu.memory_space<hbm>> -> memref<40xi32, #tpu.memory_space<hbm>>
    tpu.enqueue_dma source(%dma_start3A_94 : memref<40xi32, #tpu.memory_space<hbm>>) target(%arg19 : memref<40xi32, #tpu.memory_space<vmem>>) target_semaphore(%arg49 : memref<!tpu.dma_semaphore, #tpu.memory_space<semaphore_mem>>)
    %dma_start3A_95 = arith.constant 6 : i32
    %dma_start3A_96 = arith.constant 0 : i32
    %dma_start3A_97 = tpu.memref_slice %arg4[%add3A, %dma_start3A_95, %dma_start3A_96] : memref<32x250x40xi32, #tpu.memory_space<hbm>> -> memref<1x1x40xi32, #tpu.memory_space<hbm>>
    %dma_start3A_98 = tpu.memref_squeeze %dma_start3A_97 : memref<1x1x40xi32, #tpu.memory_space<hbm>> -> memref<40xi32, #tpu.memory_space<hbm>>
    %dma_start3A_99 = arith.constant 0 : i32
    %dma_start3A_100 = tpu.memref_slice %arg4[%add3A, %dma_start3A_95, %dma_start3A_99] : memref<32x250x40xi32, #tpu.memory_space<hbm>> -> memref<1x1x40xi32, #tpu.memory_space<hbm>>
    %dma_start3A_101 = tpu.memref_squeeze %dma_start3A_100 : memref<1x1x40xi32, #tpu.memory_space<hbm>> -> memref<40xi32, #tpu.memory_space<hbm>>
    tpu.enqueue_dma source(%dma_start3A_101 : memref<40xi32, #tpu.memory_space<hbm>>) target(%arg29 : memref<40xi32, #tpu.memory_space<vmem>>) target_semaphore(%arg49 : memref<!tpu.dma_semaphore, #tpu.memory_space<semaphore_mem>>)
    %dma_start3A_102 = arith.constant 7 : i32
    %dma_start3A_103 = arith.constant 0 : i32
    %dma_start3A_104 = tpu.memref_slice %arg3[%add3A, %dma_start3A_102, %dma_start3A_103] : memref<32x250x40xi32, #tpu.memory_space<hbm>> -> memref<1x1x40xi32, #tpu.memory_space<hbm>>
    %dma_start3A_105 = tpu.memref_squeeze %dma_start3A_104 : memref<1x1x40xi32, #tpu.memory_space<hbm>> -> memref<40xi32, #tpu.memory_space<hbm>>
    %dma_start3A_106 = arith.constant 0 : i32
    %dma_start3A_107 = tpu.memref_slice %arg3[%add3A, %dma_start3A_102, %dma_start3A_106] : memref<32x250x40xi32, #tpu.memory_space<hbm>> -> memref<1x1x40xi32, #tpu.memory_space<hbm>>
    %dma_start3A_108 = tpu.memref_squeeze %dma_start3A_107 : memref<1x1x40xi32, #tpu.memory_space<hbm>> -> memref<40xi32, #tpu.memory_space<hbm>>
    tpu.enqueue_dma source(%dma_start3A_108 : memref<40xi32, #tpu.memory_space<hbm>>) target(%arg20 : memref<40xi32, #tpu.memory_space<vmem>>) target_semaphore(%arg50 : memref<!tpu.dma_semaphore, #tpu.memory_space<semaphore_mem>>)
    %dma_start3A_109 = arith.constant 7 : i32
    %dma_start3A_110 = arith.constant 0 : i32
    %dma_start3A_111 = tpu.memref_slice %arg4[%add3A, %dma_start3A_109, %dma_start3A_110] : memref<32x250x40xi32, #tpu.memory_space<hbm>> -> memref<1x1x40xi32, #tpu.memory_space<hbm>>
    %dma_start3A_112 = tpu.memref_squeeze %dma_start3A_111 : memref<1x1x40xi32, #tpu.memory_space<hbm>> -> memref<40xi32, #tpu.memory_space<hbm>>
    %dma_start3A_113 = arith.constant 0 : i32
    %dma_start3A_114 = tpu.memref_slice %arg4[%add3A, %dma_start3A_109, %dma_start3A_113] : memref<32x250x40xi32, #tpu.memory_space<hbm>> -> memref<1x1x40xi32, #tpu.memory_space<hbm>>
    %dma_start3A_115 = tpu.memref_squeeze %dma_start3A_114 : memref<1x1x40xi32, #tpu.memory_space<hbm>> -> memref<40xi32, #tpu.memory_space<hbm>>
    tpu.enqueue_dma source(%dma_start3A_115 : memref<40xi32, #tpu.memory_space<hbm>>) target(%arg30 : memref<40xi32, #tpu.memory_space<vmem>>) target_semaphore(%arg50 : memref<!tpu.dma_semaphore, #tpu.memory_space<semaphore_mem>>)
    %dma_start3A_116 = arith.constant 8 : i32
    %dma_start3A_117 = arith.constant 0 : i32
    %dma_start3A_118 = tpu.memref_slice %arg3[%add3A, %dma_start3A_116, %dma_start3A_117] : memref<32x250x40xi32, #tpu.memory_space<hbm>> -> memref<1x1x40xi32, #tpu.memory_space<hbm>>
    %dma_start3A_119 = tpu.memref_squeeze %dma_start3A_118 : memref<1x1x40xi32, #tpu.memory_space<hbm>> -> memref<40xi32, #tpu.memory_space<hbm>>
    %dma_start3A_120 = arith.constant 0 : i32
    %dma_start3A_121 = tpu.memref_slice %arg3[%add3A, %dma_start3A_116, %dma_start3A_120] : memref<32x250x40xi32, #tpu.memory_space<hbm>> -> memref<1x1x40xi32, #tpu.memory_space<hbm>>
    %dma_start3A_122 = tpu.memref_squeeze %dma_start3A_121 : memref<1x1x40xi32, #tpu.memory_space<hbm>> -> memref<40xi32, #tpu.memory_space<hbm>>
    tpu.enqueue_dma source(%dma_start3A_122 : memref<40xi32, #tpu.memory_space<hbm>>) target(%arg21 : memref<40xi32, #tpu.memory_space<vmem>>) target_semaphore(%arg51 : memref<!tpu.dma_semaphore, #tpu.memory_space<semaphore_mem>>)
    %dma_start3A_123 = arith.constant 8 : i32
    %dma_start3A_124 = arith.constant 0 : i32
    %dma_start3A_125 = tpu.memref_slice %arg4[%add3A, %dma_start3A_123, %dma_start3A_124] : memref<32x250x40xi32, #tpu.memory_space<hbm>> -> memref<1x1x40xi32, #tpu.memory_space<hbm>>
    %dma_start3A_126 = tpu.memref_squeeze %dma_start3A_125 : memref<1x1x40xi32, #tpu.memory_space<hbm>> -> memref<40xi32, #tpu.memory_space<hbm>>
    %dma_start3A_127 = arith.constant 0 : i32
    %dma_start3A_128 = tpu.memref_slice %arg4[%add3A, %dma_start3A_123, %dma_start3A_127] : memref<32x250x40xi32, #tpu.memory_space<hbm>> -> memref<1x1x40xi32, #tpu.memory_space<hbm>>
    %dma_start3A_129 = tpu.memref_squeeze %dma_start3A_128 : memref<1x1x40xi32, #tpu.memory_space<hbm>> -> memref<40xi32, #tpu.memory_space<hbm>>
    tpu.enqueue_dma source(%dma_start3A_129 : memref<40xi32, #tpu.memory_space<hbm>>) target(%arg31 : memref<40xi32, #tpu.memory_space<vmem>>) target_semaphore(%arg51 : memref<!tpu.dma_semaphore, #tpu.memory_space<semaphore_mem>>)
    %dma_start3A_130 = arith.constant 9 : i32
    %dma_start3A_131 = arith.constant 0 : i32
    %dma_start3A_132 = tpu.memref_slice %arg3[%add3A, %dma_start3A_130, %dma_start3A_131] : memref<32x250x40xi32, #tpu.memory_space<hbm>> -> memref<1x1x40xi32, #tpu.memory_space<hbm>>
    %dma_start3A_133 = tpu.memref_squeeze %dma_start3A_132 : memref<1x1x40xi32, #tpu.memory_space<hbm>> -> memref<40xi32, #tpu.memory_space<hbm>>
    %dma_start3A_134 = arith.constant 0 : i32
    %dma_start3A_135 = tpu.memref_slice %arg3[%add3A, %dma_start3A_130, %dma_start3A_134] : memref<32x250x40xi32, #tpu.memory_space<hbm>> -> memref<1x1x40xi32, #tpu.memory_space<hbm>>
    %dma_start3A_136 = tpu.memref_squeeze %dma_start3A_135 : memref<1x1x40xi32, #tpu.memory_space<hbm>> -> memref<40xi32, #tpu.memory_space<hbm>>
    tpu.enqueue_dma source(%dma_start3A_136 : memref<40xi32, #tpu.memory_space<hbm>>) target(%arg22 : memref<40xi32, #tpu.memory_space<vmem>>) target_semaphore(%arg52 : memref<!tpu.dma_semaphore, #tpu.memory_space<semaphore_mem>>)
    %dma_start3A_137 = arith.constant 9 : i32
    %dma_start3A_138 = arith.constant 0 : i32
    %dma_start3A_139 = tpu.memref_slice %arg4[%add3A, %dma_start3A_137, %dma_start3A_138] : memref<32x250x40xi32, #tpu.memory_space<hbm>> -> memref<1x1x40xi32, #tpu.memory_space<hbm>>
    %dma_start3A_140 = tpu.memref_squeeze %dma_start3A_139 : memref<1x1x40xi32, #tpu.memory_space<hbm>> -> memref<40xi32, #tpu.memory_space<hbm>>
    %dma_start3A_141 = arith.constant 0 : i32
    %dma_start3A_142 = tpu.memref_slice %arg4[%add3A, %dma_start3A_137, %dma_start3A_141] : memref<32x250x40xi32, #tpu.memory_space<hbm>> -> memref<1x1x40xi32, #tpu.memory_space<hbm>>
    %dma_start3A_143 = tpu.memref_squeeze %dma_start3A_142 : memref<1x1x40xi32, #tpu.memory_space<hbm>> -> memref<40xi32, #tpu.memory_space<hbm>>
    tpu.enqueue_dma source(%dma_start3A_143 : memref<40xi32, #tpu.memory_space<hbm>>) target(%arg32 : memref<40xi32, #tpu.memory_space<vmem>>) target_semaphore(%arg52 : memref<!tpu.dma_semaphore, #tpu.memory_space<semaphore_mem>>)
    %dma_wait3A = arith.constant 0 : i32
    %dma_wait3A_144 = arith.constant 0 : i32
    %dma_wait3A_145 = tpu.memref_slice %arg3[%add3A, %dma_wait3A, %dma_wait3A_144] : memref<32x250x40xi32, #tpu.memory_space<hbm>> -> memref<1x1x40xi32, #tpu.memory_space<hbm>>
    %dma_wait3A_146 = tpu.memref_squeeze %dma_wait3A_145 : memref<1x1x40xi32, #tpu.memory_space<hbm>> -> memref<40xi32, #tpu.memory_space<hbm>>
    %dma_wait3A_147 = arith.constant 0 : i32
    %dma_wait3A_148 = tpu.memref_slice %arg3[%add3A, %dma_wait3A, %dma_wait3A_147] : memref<32x250x40xi32, #tpu.memory_space<hbm>> -> memref<1x1x40xi32, #tpu.memory_space<hbm>>
    %dma_wait3A_149 = tpu.memref_squeeze %dma_wait3A_148 : memref<1x1x40xi32, #tpu.memory_space<hbm>> -> memref<40xi32, #tpu.memory_space<hbm>>
    tpu.wait_dma2 semaphore(%arg43 : memref<!tpu.dma_semaphore, #tpu.memory_space<semaphore_mem>>) src(%dma_wait3A_149 : memref<40xi32, #tpu.memory_space<hbm>>) dst(%arg13 : memref<40xi32, #tpu.memory_space<vmem>>)
    %dma_wait3A_150 = arith.constant 0 : i32
    %dma_wait3A_151 = arith.constant 0 : i32
    %dma_wait3A_152 = tpu.memref_slice %arg4[%add3A, %dma_wait3A_150, %dma_wait3A_151] : memref<32x250x40xi32, #tpu.memory_space<hbm>> -> memref<1x1x40xi32, #tpu.memory_space<hbm>>
    %dma_wait3A_153 = tpu.memref_squeeze %dma_wait3A_152 : memref<1x1x40xi32, #tpu.memory_space<hbm>> -> memref<40xi32, #tpu.memory_space<hbm>>
    %dma_wait3A_154 = arith.constant 0 : i32
    %dma_wait3A_155 = tpu.memref_slice %arg4[%add3A, %dma_wait3A_150, %dma_wait3A_154] : memref<32x250x40xi32, #tpu.memory_space<hbm>> -> memref<1x1x40xi32, #tpu.memory_space<hbm>>
    %dma_wait3A_156 = tpu.memref_squeeze %dma_wait3A_155 : memref<1x1x40xi32, #tpu.memory_space<hbm>> -> memref<40xi32, #tpu.memory_space<hbm>>
    tpu.wait_dma2 semaphore(%arg43 : memref<!tpu.dma_semaphore, #tpu.memory_space<semaphore_mem>>) src(%dma_wait3A_156 : memref<40xi32, #tpu.memory_space<hbm>>) dst(%arg23 : memref<40xi32, #tpu.memory_space<vmem>>)
    %dma_start3A_157 = arith.constant 0 : i32
    %dma_start3A_158 = arith.constant 0 : i32
    %dma_start3A_159 = tpu.memref_slice %arg2[%dma_start3A_157, %dma_start3A_158] : memref<10000x128xf32, #tpu.memory_space<hbm>> -> memref<10000x128xf32, #tpu.memory_space<hbm>>
    tpu.enqueue_indirect_dma source(%dma_start3A_159 : memref<10000x128xf32, #tpu.memory_space<hbm>>) target(%arg8 : memref<40x128xf32, #tpu.memory_space<vmem>>) offsets(%arg13 : memref<40xi32, #tpu.memory_space<vmem>>) semaphore(%arg33 : memref<!tpu.dma_semaphore, #tpu.memory_space<semaphore_mem>>)
    %dma_wait3A_160 = arith.constant 0 : i32
    %dma_wait3A_161 = arith.constant 0 : i32
    %dma_wait3A_162 = tpu.memref_slice %arg3[%add3A, %dma_wait3A_160, %dma_wait3A_161] : memref<32x250x40xi32, #tpu.memory_space<hbm>> -> memref<1x1x40xi32, #tpu.memory_space<hbm>>
    %dma_wait3A_163 = tpu.memref_squeeze %dma_wait3A_162 : memref<1x1x40xi32, #tpu.memory_space<hbm>> -> memref<40xi32, #tpu.memory_space<hbm>>
    %dma_wait3A_164 = arith.constant 0 : i32
    %dma_wait3A_165 = tpu.memref_slice %arg3[%add3A, %dma_wait3A_160, %dma_wait3A_164] : memref<32x250x40xi32, #tpu.memory_space<hbm>> -> memref<1x1x40xi32, #tpu.memory_space<hbm>>
    %dma_wait3A_166 = tpu.memref_squeeze %dma_wait3A_165 : memref<1x1x40xi32, #tpu.memory_space<hbm>> -> memref<40xi32, #tpu.memory_space<hbm>>
    tpu.wait_dma2 semaphore(%arg44 : memref<!tpu.dma_semaphore, #tpu.memory_space<semaphore_mem>>) src(%dma_wait3A_166 : memref<40xi32, #tpu.memory_space<hbm>>) dst(%arg14 : memref<40xi32, #tpu.memory_space<vmem>>)
    %dma_wait3A_167 = arith.constant 0 : i32
    %dma_wait3A_168 = arith.constant 0 : i32
    %dma_wait3A_169 = tpu.memref_slice %arg4[%add3A, %dma_wait3A_167, %dma_wait3A_168] : memref<32x250x40xi32, #tpu.memory_space<hbm>> -> memref<1x1x40xi32, #tpu.memory_space<hbm>>
    %dma_wait3A_170 = tpu.memref_squeeze %dma_wait3A_169 : memref<1x1x40xi32, #tpu.memory_space<hbm>> -> memref<40xi32, #tpu.memory_space<hbm>>
    %dma_wait3A_171 = arith.constant 0 : i32
    %dma_wait3A_172 = tpu.memref_slice %arg4[%add3A, %dma_wait3A_167, %dma_wait3A_171] : memref<32x250x40xi32, #tpu.memory_space<hbm>> -> memref<1x1x40xi32, #tpu.memory_space<hbm>>
    %dma_wait3A_173 = tpu.memref_squeeze %dma_wait3A_172 : memref<1x1x40xi32, #tpu.memory_space<hbm>> -> memref<40xi32, #tpu.memory_space<hbm>>
    tpu.wait_dma2 semaphore(%arg44 : memref<!tpu.dma_semaphore, #tpu.memory_space<semaphore_mem>>) src(%dma_wait3A_173 : memref<40xi32, #tpu.memory_space<hbm>>) dst(%arg24 : memref<40xi32, #tpu.memory_space<vmem>>)
    %dma_start3A_174 = arith.constant 0 : i32
    %dma_start3A_175 = arith.constant 0 : i32
    %dma_start3A_176 = tpu.memref_slice %arg2[%dma_start3A_174, %dma_start3A_175] : memref<10000x128xf32, #tpu.memory_space<hbm>> -> memref<10000x128xf32, #tpu.memory_space<hbm>>
    tpu.enqueue_indirect_dma source(%dma_start3A_176 : memref<10000x128xf32, #tpu.memory_space<hbm>>) target(%arg9 : memref<40x128xf32, #tpu.memory_space<vmem>>) offsets(%arg14 : memref<40xi32, #tpu.memory_space<vmem>>) semaphore(%arg34 : memref<!tpu.dma_semaphore, #tpu.memory_space<semaphore_mem>>)
    %dma_wait3A_177 = arith.constant 0 : i32
    %dma_wait3A_178 = arith.constant 0 : i32
    %dma_wait3A_179 = tpu.memref_slice %arg3[%add3A, %dma_wait3A_177, %dma_wait3A_178] : memref<32x250x40xi32, #tpu.memory_space<hbm>> -> memref<1x1x40xi32, #tpu.memory_space<hbm>>
    %dma_wait3A_180 = tpu.memref_squeeze %dma_wait3A_179 : memref<1x1x40xi32, #tpu.memory_space<hbm>> -> memref<40xi32, #tpu.memory_space<hbm>>
    %dma_wait3A_181 = arith.constant 0 : i32
    %dma_wait3A_182 = tpu.memref_slice %arg3[%add3A, %dma_wait3A_177, %dma_wait3A_181] : memref<32x250x40xi32, #tpu.memory_space<hbm>> -> memref<1x1x40xi32, #tpu.memory_space<hbm>>
    %dma_wait3A_183 = tpu.memref_squeeze %dma_wait3A_182 : memref<1x1x40xi32, #tpu.memory_space<hbm>> -> memref<40xi32, #tpu.memory_space<hbm>>
    tpu.wait_dma2 semaphore(%arg45 : memref<!tpu.dma_semaphore, #tpu.memory_space<semaphore_mem>>) src(%dma_wait3A_183 : memref<40xi32, #tpu.memory_space<hbm>>) dst(%arg15 : memref<40xi32, #tpu.memory_space<vmem>>)
    %dma_wait3A_184 = arith.constant 0 : i32
    %dma_wait3A_185 = arith.constant 0 : i32
    %dma_wait3A_186 = tpu.memref_slice %arg4[%add3A, %dma_wait3A_184, %dma_wait3A_185] : memref<32x250x40xi32, #tpu.memory_space<hbm>> -> memref<1x1x40xi32, #tpu.memory_space<hbm>>
    %dma_wait3A_187 = tpu.memref_squeeze %dma_wait3A_186 : memref<1x1x40xi32, #tpu.memory_space<hbm>> -> memref<40xi32, #tpu.memory_space<hbm>>
    %dma_wait3A_188 = arith.constant 0 : i32
    %dma_wait3A_189 = tpu.memref_slice %arg4[%add3A, %dma_wait3A_184, %dma_wait3A_188] : memref<32x250x40xi32, #tpu.memory_space<hbm>> -> memref<1x1x40xi32, #tpu.memory_space<hbm>>
    %dma_wait3A_190 = tpu.memref_squeeze %dma_wait3A_189 : memref<1x1x40xi32, #tpu.memory_space<hbm>> -> memref<40xi32, #tpu.memory_space<hbm>>
    tpu.wait_dma2 semaphore(%arg45 : memref<!tpu.dma_semaphore, #tpu.memory_space<semaphore_mem>>) src(%dma_wait3A_190 : memref<40xi32, #tpu.memory_space<hbm>>) dst(%arg25 : memref<40xi32, #tpu.memory_space<vmem>>)
    %dma_start3A_191 = arith.constant 0 : i32
    %dma_start3A_192 = arith.constant 0 : i32
    %dma_start3A_193 = tpu.memref_slice %arg2[%dma_start3A_191, %dma_start3A_192] : memref<10000x128xf32, #tpu.memory_space<hbm>> -> memref<10000x128xf32, #tpu.memory_space<hbm>>
    tpu.enqueue_indirect_dma source(%dma_start3A_193 : memref<10000x128xf32, #tpu.memory_space<hbm>>) target(%arg10 : memref<40x128xf32, #tpu.memory_space<vmem>>) offsets(%arg15 : memref<40xi32, #tpu.memory_space<vmem>>) semaphore(%arg35 : memref<!tpu.dma_semaphore, #tpu.memory_space<semaphore_mem>>)
    %dma_wait3A_194 = arith.constant 0 : i32
    %dma_wait3A_195 = arith.constant 0 : i32
    %dma_wait3A_196 = tpu.memref_slice %arg3[%add3A, %dma_wait3A_194, %dma_wait3A_195] : memref<32x250x40xi32, #tpu.memory_space<hbm>> -> memref<1x1x40xi32, #tpu.memory_space<hbm>>
    %dma_wait3A_197 = tpu.memref_squeeze %dma_wait3A_196 : memref<1x1x40xi32, #tpu.memory_space<hbm>> -> memref<40xi32, #tpu.memory_space<hbm>>
    %dma_wait3A_198 = arith.constant 0 : i32
    %dma_wait3A_199 = tpu.memref_slice %arg3[%add3A, %dma_wait3A_194, %dma_wait3A_198] : memref<32x250x40xi32, #tpu.memory_space<hbm>> -> memref<1x1x40xi32, #tpu.memory_space<hbm>>
    %dma_wait3A_200 = tpu.memref_squeeze %dma_wait3A_199 : memref<1x1x40xi32, #tpu.memory_space<hbm>> -> memref<40xi32, #tpu.memory_space<hbm>>
    tpu.wait_dma2 semaphore(%arg46 : memref<!tpu.dma_semaphore, #tpu.memory_space<semaphore_mem>>) src(%dma_wait3A_200 : memref<40xi32, #tpu.memory_space<hbm>>) dst(%arg16 : memref<40xi32, #tpu.memory_space<vmem>>)
    %dma_wait3A_201 = arith.constant 0 : i32
    %dma_wait3A_202 = arith.constant 0 : i32
    %dma_wait3A_203 = tpu.memref_slice %arg4[%add3A, %dma_wait3A_201, %dma_wait3A_202] : memref<32x250x40xi32, #tpu.memory_space<hbm>> -> memref<1x1x40xi32, #tpu.memory_space<hbm>>
    %dma_wait3A_204 = tpu.memref_squeeze %dma_wait3A_203 : memref<1x1x40xi32, #tpu.memory_space<hbm>> -> memref<40xi32, #tpu.memory_space<hbm>>
    %dma_wait3A_205 = arith.constant 0 : i32
    %dma_wait3A_206 = tpu.memref_slice %arg4[%add3A, %dma_wait3A_201, %dma_wait3A_205] : memref<32x250x40xi32, #tpu.memory_space<hbm>> -> memref<1x1x40xi32, #tpu.memory_space<hbm>>
    %dma_wait3A_207 = tpu.memref_squeeze %dma_wait3A_206 : memref<1x1x40xi32, #tpu.memory_space<hbm>> -> memref<40xi32, #tpu.memory_space<hbm>>
    tpu.wait_dma2 semaphore(%arg46 : memref<!tpu.dma_semaphore, #tpu.memory_space<semaphore_mem>>) src(%dma_wait3A_207 : memref<40xi32, #tpu.memory_space<hbm>>) dst(%arg26 : memref<40xi32, #tpu.memory_space<vmem>>)
    %dma_start3A_208 = arith.constant 0 : i32
    %dma_start3A_209 = arith.constant 0 : i32
    %dma_start3A_210 = tpu.memref_slice %arg2[%dma_start3A_208, %dma_start3A_209] : memref<10000x128xf32, #tpu.memory_space<hbm>> -> memref<10000x128xf32, #tpu.memory_space<hbm>>
    tpu.enqueue_indirect_dma source(%dma_start3A_210 : memref<10000x128xf32, #tpu.memory_space<hbm>>) target(%arg11 : memref<40x128xf32, #tpu.memory_space<vmem>>) offsets(%arg16 : memref<40xi32, #tpu.memory_space<vmem>>) semaphore(%arg36 : memref<!tpu.dma_semaphore, #tpu.memory_space<semaphore_mem>>)
    %dma_wait3A_211 = arith.constant 0 : i32
    %dma_wait3A_212 = arith.constant 0 : i32
    %dma_wait3A_213 = tpu.memref_slice %arg3[%add3A, %dma_wait3A_211, %dma_wait3A_212] : memref<32x250x40xi32, #tpu.memory_space<hbm>> -> memref<1x1x40xi32, #tpu.memory_space<hbm>>
    %dma_wait3A_214 = tpu.memref_squeeze %dma_wait3A_213 : memref<1x1x40xi32, #tpu.memory_space<hbm>> -> memref<40xi32, #tpu.memory_space<hbm>>
    %dma_wait3A_215 = arith.constant 0 : i32
    %dma_wait3A_216 = tpu.memref_slice %arg3[%add3A, %dma_wait3A_211, %dma_wait3A_215] : memref<32x250x40xi32, #tpu.memory_space<hbm>> -> memref<1x1x40xi32, #tpu.memory_space<hbm>>
    %dma_wait3A_217 = tpu.memref_squeeze %dma_wait3A_216 : memref<1x1x40xi32, #tpu.memory_space<hbm>> -> memref<40xi32, #tpu.memory_space<hbm>>
    tpu.wait_dma2 semaphore(%arg47 : memref<!tpu.dma_semaphore, #tpu.memory_space<semaphore_mem>>) src(%dma_wait3A_217 : memref<40xi32, #tpu.memory_space<hbm>>) dst(%arg17 : memref<40xi32, #tpu.memory_space<vmem>>)
    %dma_wait3A_218 = arith.constant 0 : i32
    %dma_wait3A_219 = arith.constant 0 : i32
    %dma_wait3A_220 = tpu.memref_slice %arg4[%add3A, %dma_wait3A_218, %dma_wait3A_219] : memref<32x250x40xi32, #tpu.memory_space<hbm>> -> memref<1x1x40xi32, #tpu.memory_space<hbm>>
    %dma_wait3A_221 = tpu.memref_squeeze %dma_wait3A_220 : memref<1x1x40xi32, #tpu.memory_space<hbm>> -> memref<40xi32, #tpu.memory_space<hbm>>
    %dma_wait3A_222 = arith.constant 0 : i32
    %dma_wait3A_223 = tpu.memref_slice %arg4[%add3A, %dma_wait3A_218, %dma_wait3A_222] : memref<32x250x40xi32, #tpu.memory_space<hbm>> -> memref<1x1x40xi32, #tpu.memory_space<hbm>>
    %dma_wait3A_224 = tpu.memref_squeeze %dma_wait3A_223 : memref<1x1x40xi32, #tpu.memory_space<hbm>> -> memref<40xi32, #tpu.memory_space<hbm>>
    tpu.wait_dma2 semaphore(%arg47 : memref<!tpu.dma_semaphore, #tpu.memory_space<semaphore_mem>>) src(%dma_wait3A_224 : memref<40xi32, #tpu.memory_space<hbm>>) dst(%arg27 : memref<40xi32, #tpu.memory_space<vmem>>)
    %dma_start3A_225 = arith.constant 0 : i32
    %dma_start3A_226 = arith.constant 0 : i32
    %dma_start3A_227 = tpu.memref_slice %arg2[%dma_start3A_225, %dma_start3A_226] : memref<10000x128xf32, #tpu.memory_space<hbm>> -> memref<10000x128xf32, #tpu.memory_space<hbm>>
    tpu.enqueue_indirect_dma source(%dma_start3A_227 : memref<10000x128xf32, #tpu.memory_space<hbm>>) target(%arg12 : memref<40x128xf32, #tpu.memory_space<vmem>>) offsets(%arg17 : memref<40xi32, #tpu.memory_space<vmem>>) semaphore(%arg37 : memref<!tpu.dma_semaphore, #tpu.memory_space<semaphore_mem>>)
    %scan3A = arith.constant 0 : i32
    %scan3A_228 = arith.constant 0 : i32
    %scan3A_229 = arith.constant 25 : i32
    %scan3A_230 = arith.addi %scan3A_228, %scan3A_229 : i32
    %scan3A_231 = arith.constant 1 : i32
    scf.for %scan3A_239 = %scan3A_228 to %scan3A_230 step %scan3A_231  : i32 {
      %mul3A_240 = arith.constant 2 : i32
      %mul3A_241 = arith.muli %mul3A_240, %scan3A_239 : i32
      %dma_wait3A_242 = arith.constant 0 : i32
      %dma_wait3A_243 = arith.constant 0 : i32
      %dma_wait3A_244 = tpu.memref_slice %arg2[%dma_wait3A_242, %dma_wait3A_243] : memref<10000x128xf32, #tpu.memory_space<hbm>> -> memref<10000x128xf32, #tpu.memory_space<hbm>>
      tpu.wait_indirect_dma semaphore(%arg33 : memref<!tpu.dma_semaphore, #tpu.memory_space<semaphore_mem>>) src(%dma_wait3A_244 : memref<10000x128xf32, #tpu.memory_space<hbm>>) dst(%arg8 : memref<40x128xf32, #tpu.memory_space<vmem>>)
      %dma_start3A_245 = arith.constant 0 : i32
      %dma_start3A_246 = arith.constant 0 : i32
      %dma_start3A_247 = tpu.memref_slice %arg7[%dma_start3A_245, %dma_start3A_246] : memref<10000x128xf32, #tpu.memory_space<vmem_shared>> -> memref<10000x128xf32, #tpu.memory_space<vmem_shared>>
      tpu.enqueue_indirect_dma source(%arg8 : memref<40x128xf32, #tpu.memory_space<vmem>>) target(%dma_start3A_247 : memref<10000x128xf32, #tpu.memory_space<vmem_shared>>) offsets(%arg23 : memref<40xi32, #tpu.memory_space<vmem>>) semaphore(%arg38 : memref<!tpu.dma_semaphore, #tpu.memory_space<semaphore_mem>>) {add = true}
      %dma_wait3A_248 = arith.constant 0 : i32
      %dma_wait3A_249 = arith.constant 0 : i32
      %dma_wait3A_250 = tpu.memref_slice %arg2[%dma_wait3A_248, %dma_wait3A_249] : memref<10000x128xf32, #tpu.memory_space<hbm>> -> memref<10000x128xf32, #tpu.memory_space<hbm>>
      tpu.wait_indirect_dma semaphore(%arg34 : memref<!tpu.dma_semaphore, #tpu.memory_space<semaphore_mem>>) src(%dma_wait3A_250 : memref<10000x128xf32, #tpu.memory_space<hbm>>) dst(%arg9 : memref<40x128xf32, #tpu.memory_space<vmem>>)
      %dma_start3A_251 = arith.constant 0 : i32
      %dma_start3A_252 = arith.constant 0 : i32
      %dma_start3A_253 = tpu.memref_slice %arg7[%dma_start3A_251, %dma_start3A_252] : memref<10000x128xf32, #tpu.memory_space<vmem_shared>> -> memref<10000x128xf32, #tpu.memory_space<vmem_shared>>
      tpu.enqueue_indirect_dma source(%arg9 : memref<40x128xf32, #tpu.memory_space<vmem>>) target(%dma_start3A_253 : memref<10000x128xf32, #tpu.memory_space<vmem_shared>>) offsets(%arg24 : memref<40xi32, #tpu.memory_space<vmem>>) semaphore(%arg39 : memref<!tpu.dma_semaphore, #tpu.memory_space<semaphore_mem>>) {add = true}
      %dma_wait3A_254 = arith.constant 0 : i32
      %dma_wait3A_255 = arith.constant 0 : i32
      %dma_wait3A_256 = tpu.memref_slice %arg2[%dma_wait3A_254, %dma_wait3A_255] : memref<10000x128xf32, #tpu.memory_space<hbm>> -> memref<10000x128xf32, #tpu.memory_space<hbm>>
      tpu.wait_indirect_dma semaphore(%arg35 : memref<!tpu.dma_semaphore, #tpu.memory_space<semaphore_mem>>) src(%dma_wait3A_256 : memref<10000x128xf32, #tpu.memory_space<hbm>>) dst(%arg10 : memref<40x128xf32, #tpu.memory_space<vmem>>)
      %dma_start3A_257 = arith.constant 0 : i32
      %dma_start3A_258 = arith.constant 0 : i32
      %dma_start3A_259 = tpu.memref_slice %arg7[%dma_start3A_257, %dma_start3A_258] : memref<10000x128xf32, #tpu.memory_space<vmem_shared>> -> memref<10000x128xf32, #tpu.memory_space<vmem_shared>>
      tpu.enqueue_indirect_dma source(%arg10 : memref<40x128xf32, #tpu.memory_space<vmem>>) target(%dma_start3A_259 : memref<10000x128xf32, #tpu.memory_space<vmem_shared>>) offsets(%arg25 : memref<40xi32, #tpu.memory_space<vmem>>) semaphore(%arg40 : memref<!tpu.dma_semaphore, #tpu.memory_space<semaphore_mem>>) {add = true}
      %dma_wait3A_260 = arith.constant 0 : i32
      %dma_wait3A_261 = arith.constant 0 : i32
      %dma_wait3A_262 = tpu.memref_slice %arg2[%dma_wait3A_260, %dma_wait3A_261] : memref<10000x128xf32, #tpu.memory_space<hbm>> -> memref<10000x128xf32, #tpu.memory_space<hbm>>
      tpu.wait_indirect_dma semaphore(%arg36 : memref<!tpu.dma_semaphore, #tpu.memory_space<semaphore_mem>>) src(%dma_wait3A_262 : memref<10000x128xf32, #tpu.memory_space<hbm>>) dst(%arg11 : memref<40x128xf32, #tpu.memory_space<vmem>>)
      %dma_start3A_263 = arith.constant 0 : i32
      %dma_start3A_264 = arith.constant 0 : i32
      %dma_start3A_265 = tpu.memref_slice %arg7[%dma_start3A_263, %dma_start3A_264] : memref<10000x128xf32, #tpu.memory_space<vmem_shared>> -> memref<10000x128xf32, #tpu.memory_space<vmem_shared>>
      tpu.enqueue_indirect_dma source(%arg11 : memref<40x128xf32, #tpu.memory_space<vmem>>) target(%dma_start3A_265 : memref<10000x128xf32, #tpu.memory_space<vmem_shared>>) offsets(%arg26 : memref<40xi32, #tpu.memory_space<vmem>>) semaphore(%arg41 : memref<!tpu.dma_semaphore, #tpu.memory_space<semaphore_mem>>) {add = true}
      %dma_wait3A_266 = arith.constant 0 : i32
      %dma_wait3A_267 = arith.constant 0 : i32
      %dma_wait3A_268 = tpu.memref_slice %arg2[%dma_wait3A_266, %dma_wait3A_267] : memref<10000x128xf32, #tpu.memory_space<hbm>> -> memref<10000x128xf32, #tpu.memory_space<hbm>>
      tpu.wait_indirect_dma semaphore(%arg37 : memref<!tpu.dma_semaphore, #tpu.memory_space<semaphore_mem>>) src(%dma_wait3A_268 : memref<10000x128xf32, #tpu.memory_space<hbm>>) dst(%arg12 : memref<40x128xf32, #tpu.memory_space<vmem>>)
      %dma_start3A_269 = arith.constant 0 : i32
      %dma_start3A_270 = arith.constant 0 : i32
      %dma_start3A_271 = tpu.memref_slice %arg7[%dma_start3A_269, %dma_start3A_270] : memref<10000x128xf32, #tpu.memory_space<vmem_shared>> -> memref<10000x128xf32, #tpu.memory_space<vmem_shared>>
      tpu.enqueue_indirect_dma source(%arg12 : memref<40x128xf32, #tpu.memory_space<vmem>>) target(%dma_start3A_271 : memref<10000x128xf32, #tpu.memory_space<vmem_shared>>) offsets(%arg27 : memref<40xi32, #tpu.memory_space<vmem>>) semaphore(%arg42 : memref<!tpu.dma_semaphore, #tpu.memory_space<semaphore_mem>>) {add = true}
      %dma_wait3A_272 = arith.constant 0 : i32
      %dma_wait3A_273 = arith.constant 0 : i32
      %dma_wait3A_274 = tpu.memref_slice %arg7[%dma_wait3A_272, %dma_wait3A_273] : memref<10000x128xf32, #tpu.memory_space<vmem_shared>> -> memref<10000x128xf32, #tpu.memory_space<vmem_shared>>
      tpu.wait_indirect_dma semaphore(%arg38 : memref<!tpu.dma_semaphore, #tpu.memory_space<semaphore_mem>>) src(%arg8 : memref<40x128xf32, #tpu.memory_space<vmem>>) dst(%dma_wait3A_274 : memref<10000x128xf32, #tpu.memory_space<vmem_shared>>)
      %lt3A = arith.constant 48 : i32
      %lt3A_275 = arith.cmpi slt, %mul3A_241, %lt3A : i32
      %convert_element_type3A_276 = arith.extui %lt3A_275 : i1 to i32
      %cond3A_277 = arith.constant 0 : i32
      %cond3A_278 = arith.cmpi ne, %convert_element_type3A_276, %cond3A_277 : i32
      scf.if %cond3A_278 {
        %mul3A_435 = arith.constant 5 : i32
        %mul3A_436 = arith.muli %mul3A_241, %mul3A_435 : i32
        %add3A_437 = arith.constant 10 : i32
        %add3A_438 = arith.addi %mul3A_436, %add3A_437 : i32
        %add3A_439 = arith.constant 0 : i32
        %add3A_440 = arith.addi %add3A_438, %add3A_439 : i32
        %dma_start3A_441 = arith.constant 0 : i32
        %dma_start3A_442 = tpu.memref_slice %arg3[%add3A, %add3A_440, %dma_start3A_441] : memref<32x250x40xi32, #tpu.memory_space<hbm>> -> memref<1x1x40xi32, #tpu.memory_space<hbm>>
        %dma_start3A_443 = tpu.memref_squeeze %dma_start3A_442 : memref<1x1x40xi32, #tpu.memory_space<hbm>> -> memref<40xi32, #tpu.memory_space<hbm>>
        %dma_start3A_444 = arith.constant 0 : i32
        %dma_start3A_445 = tpu.memref_slice %arg3[%add3A, %add3A_440, %dma_start3A_444] : memref<32x250x40xi32, #tpu.memory_space<hbm>> -> memref<1x1x40xi32, #tpu.memory_space<hbm>>
        %dma_start3A_446 = tpu.memref_squeeze %dma_start3A_445 : memref<1x1x40xi32, #tpu.memory_space<hbm>> -> memref<40xi32, #tpu.memory_space<hbm>>
        tpu.enqueue_dma source(%dma_start3A_446 : memref<40xi32, #tpu.memory_space<hbm>>) target(%arg13 : memref<40xi32, #tpu.memory_space<vmem>>) target_semaphore(%arg43 : memref<!tpu.dma_semaphore, #tpu.memory_space<semaphore_mem>>)
        %dma_start3A_447 = arith.constant 0 : i32
        %dma_start3A_448 = tpu.memref_slice %arg4[%add3A, %add3A_440, %dma_start3A_447] : memref<32x250x40xi32, #tpu.memory_space<hbm>> -> memref<1x1x40xi32, #tpu.memory_space<hbm>>
        %dma_start3A_449 = tpu.memref_squeeze %dma_start3A_448 : memref<1x1x40xi32, #tpu.memory_space<hbm>> -> memref<40xi32, #tpu.memory_space<hbm>>
        %dma_start3A_450 = arith.constant 0 : i32
        %dma_start3A_451 = tpu.memref_slice %arg4[%add3A, %add3A_440, %dma_start3A_450] : memref<32x250x40xi32, #tpu.memory_space<hbm>> -> memref<1x1x40xi32, #tpu.memory_space<hbm>>
        %dma_start3A_452 = tpu.memref_squeeze %dma_start3A_451 : memref<1x1x40xi32, #tpu.memory_space<hbm>> -> memref<40xi32, #tpu.memory_space<hbm>>
        tpu.enqueue_dma source(%dma_start3A_452 : memref<40xi32, #tpu.memory_space<hbm>>) target(%arg23 : memref<40xi32, #tpu.memory_space<vmem>>) target_semaphore(%arg43 : memref<!tpu.dma_semaphore, #tpu.memory_space<semaphore_mem>>)
      } else {
      }
      %lt3A_279 = arith.constant 49 : i32
      %lt3A_280 = arith.cmpi slt, %mul3A_241, %lt3A_279 : i32
      %convert_element_type3A_281 = arith.extui %lt3A_280 : i1 to i32
      %cond3A_282 = arith.constant 0 : i32
      %cond3A_283 = arith.cmpi ne, %convert_element_type3A_281, %cond3A_282 : i32
      scf.if %cond3A_283 {
        %dma_wait3A_435 = arith.constant 0 : i32
        %dma_wait3A_436 = arith.constant 0 : i32
        %dma_wait3A_437 = tpu.memref_slice %arg3[%add3A, %dma_wait3A_435, %dma_wait3A_436] : memref<32x250x40xi32, #tpu.memory_space<hbm>> -> memref<1x1x40xi32, #tpu.memory_space<hbm>>
        %dma_wait3A_438 = tpu.memref_squeeze %dma_wait3A_437 : memref<1x1x40xi32, #tpu.memory_space<hbm>> -> memref<40xi32, #tpu.memory_space<hbm>>
        %dma_wait3A_439 = arith.constant 0 : i32
        %dma_wait3A_440 = tpu.memref_slice %arg3[%add3A, %dma_wait3A_435, %dma_wait3A_439] : memref<32x250x40xi32, #tpu.memory_space<hbm>> -> memref<1x1x40xi32, #tpu.memory_space<hbm>>
        %dma_wait3A_441 = tpu.memref_squeeze %dma_wait3A_440 : memref<1x1x40xi32, #tpu.memory_space<hbm>> -> memref<40xi32, #tpu.memory_space<hbm>>
        tpu.wait_dma2 semaphore(%arg48 : memref<!tpu.dma_semaphore, #tpu.memory_space<semaphore_mem>>) src(%dma_wait3A_441 : memref<40xi32, #tpu.memory_space<hbm>>) dst(%arg18 : memref<40xi32, #tpu.memory_space<vmem>>)
        %dma_wait3A_442 = arith.constant 0 : i32
        %dma_wait3A_443 = arith.constant 0 : i32
        %dma_wait3A_444 = tpu.memref_slice %arg4[%add3A, %dma_wait3A_442, %dma_wait3A_443] : memref<32x250x40xi32, #tpu.memory_space<hbm>> -> memref<1x1x40xi32, #tpu.memory_space<hbm>>
        %dma_wait3A_445 = tpu.memref_squeeze %dma_wait3A_444 : memref<1x1x40xi32, #tpu.memory_space<hbm>> -> memref<40xi32, #tpu.memory_space<hbm>>
        %dma_wait3A_446 = arith.constant 0 : i32
        %dma_wait3A_447 = tpu.memref_slice %arg4[%add3A, %dma_wait3A_442, %dma_wait3A_446] : memref<32x250x40xi32, #tpu.memory_space<hbm>> -> memref<1x1x40xi32, #tpu.memory_space<hbm>>
        %dma_wait3A_448 = tpu.memref_squeeze %dma_wait3A_447 : memref<1x1x40xi32, #tpu.memory_space<hbm>> -> memref<40xi32, #tpu.memory_space<hbm>>
        tpu.wait_dma2 semaphore(%arg48 : memref<!tpu.dma_semaphore, #tpu.memory_space<semaphore_mem>>) src(%dma_wait3A_448 : memref<40xi32, #tpu.memory_space<hbm>>) dst(%arg28 : memref<40xi32, #tpu.memory_space<vmem>>)
        %dma_start3A_449 = arith.constant 0 : i32
        %dma_start3A_450 = arith.constant 0 : i32
        %dma_start3A_451 = tpu.memref_slice %arg2[%dma_start3A_449, %dma_start3A_450] : memref<10000x128xf32, #tpu.memory_space<hbm>> -> memref<10000x128xf32, #tpu.memory_space<hbm>>
        tpu.enqueue_indirect_dma source(%dma_start3A_451 : memref<10000x128xf32, #tpu.memory_space<hbm>>) target(%arg8 : memref<40x128xf32, #tpu.memory_space<vmem>>) offsets(%arg18 : memref<40xi32, #tpu.memory_space<vmem>>) semaphore(%arg33 : memref<!tpu.dma_semaphore, #tpu.memory_space<semaphore_mem>>)
      } else {
      }
      %dma_wait3A_284 = arith.constant 0 : i32
      %dma_wait3A_285 = arith.constant 0 : i32
      %dma_wait3A_286 = tpu.memref_slice %arg7[%dma_wait3A_284, %dma_wait3A_285] : memref<10000x128xf32, #tpu.memory_space<vmem_shared>> -> memref<10000x128xf32, #tpu.memory_space<vmem_shared>>
      tpu.wait_indirect_dma semaphore(%arg39 : memref<!tpu.dma_semaphore, #tpu.memory_space<semaphore_mem>>) src(%arg9 : memref<40x128xf32, #tpu.memory_space<vmem>>) dst(%dma_wait3A_286 : memref<10000x128xf32, #tpu.memory_space<vmem_shared>>)
      %lt3A_287 = arith.constant 48 : i32
      %lt3A_288 = arith.cmpi slt, %mul3A_241, %lt3A_287 : i32
      %convert_element_type3A_289 = arith.extui %lt3A_288 : i1 to i32
      %cond3A_290 = arith.constant 0 : i32
      %cond3A_291 = arith.cmpi ne, %convert_element_type3A_289, %cond3A_290 : i32
      scf.if %cond3A_291 {
        %mul3A_435 = arith.constant 5 : i32
        %mul3A_436 = arith.muli %mul3A_241, %mul3A_435 : i32
        %add3A_437 = arith.constant 10 : i32
        %add3A_438 = arith.addi %mul3A_436, %add3A_437 : i32
        %add3A_439 = arith.constant 1 : i32
        %add3A_440 = arith.addi %add3A_438, %add3A_439 : i32
        %dma_start3A_441 = arith.constant 0 : i32
        %dma_start3A_442 = tpu.memref_slice %arg3[%add3A, %add3A_440, %dma_start3A_441] : memref<32x250x40xi32, #tpu.memory_space<hbm>> -> memref<1x1x40xi32, #tpu.memory_space<hbm>>
        %dma_start3A_443 = tpu.memref_squeeze %dma_start3A_442 : memref<1x1x40xi32, #tpu.memory_space<hbm>> -> memref<40xi32, #tpu.memory_space<hbm>>
        %dma_start3A_444 = arith.constant 0 : i32
        %dma_start3A_445 = tpu.memref_slice %arg3[%add3A, %add3A_440, %dma_start3A_444] : memref<32x250x40xi32, #tpu.memory_space<hbm>> -> memref<1x1x40xi32, #tpu.memory_space<hbm>>
        %dma_start3A_446 = tpu.memref_squeeze %dma_start3A_445 : memref<1x1x40xi32, #tpu.memory_space<hbm>> -> memref<40xi32, #tpu.memory_space<hbm>>
        tpu.enqueue_dma source(%dma_start3A_446 : memref<40xi32, #tpu.memory_space<hbm>>) target(%arg14 : memref<40xi32, #tpu.memory_space<vmem>>) target_semaphore(%arg44 : memref<!tpu.dma_semaphore, #tpu.memory_space<semaphore_mem>>)
        %dma_start3A_447 = arith.constant 0 : i32
        %dma_start3A_448 = tpu.memref_slice %arg4[%add3A, %add3A_440, %dma_start3A_447] : memref<32x250x40xi32, #tpu.memory_space<hbm>> -> memref<1x1x40xi32, #tpu.memory_space<hbm>>
        %dma_start3A_449 = tpu.memref_squeeze %dma_start3A_448 : memref<1x1x40xi32, #tpu.memory_space<hbm>> -> memref<40xi32, #tpu.memory_space<hbm>>
        %dma_start3A_450 = arith.constant 0 : i32
        %dma_start3A_451 = tpu.memref_slice %arg4[%add3A, %add3A_440, %dma_start3A_450] : memref<32x250x40xi32, #tpu.memory_space<hbm>> -> memref<1x1x40xi32, #tpu.memory_space<hbm>>
        %dma_start3A_452 = tpu.memref_squeeze %dma_start3A_451 : memref<1x1x40xi32, #tpu.memory_space<hbm>> -> memref<40xi32, #tpu.memory_space<hbm>>
        tpu.enqueue_dma source(%dma_start3A_452 : memref<40xi32, #tpu.memory_space<hbm>>) target(%arg24 : memref<40xi32, #tpu.memory_space<vmem>>) target_semaphore(%arg44 : memref<!tpu.dma_semaphore, #tpu.memory_space<semaphore_mem>>)
      } else {
      }
      %lt3A_292 = arith.constant 49 : i32
      %lt3A_293 = arith.cmpi slt, %mul3A_241, %lt3A_292 : i32
      %convert_element_type3A_294 = arith.extui %lt3A_293 : i1 to i32
      %cond3A_295 = arith.constant 0 : i32
      %cond3A_296 = arith.cmpi ne, %convert_element_type3A_294, %cond3A_295 : i32
      scf.if %cond3A_296 {
        %dma_wait3A_435 = arith.constant 0 : i32
        %dma_wait3A_436 = arith.constant 0 : i32
        %dma_wait3A_437 = tpu.memref_slice %arg3[%add3A, %dma_wait3A_435, %dma_wait3A_436] : memref<32x250x40xi32, #tpu.memory_space<hbm>> -> memref<1x1x40xi32, #tpu.memory_space<hbm>>
        %dma_wait3A_438 = tpu.memref_squeeze %dma_wait3A_437 : memref<1x1x40xi32, #tpu.memory_space<hbm>> -> memref<40xi32, #tpu.memory_space<hbm>>
        %dma_wait3A_439 = arith.constant 0 : i32
        %dma_wait3A_440 = tpu.memref_slice %arg3[%add3A, %dma_wait3A_435, %dma_wait3A_439] : memref<32x250x40xi32, #tpu.memory_space<hbm>> -> memref<1x1x40xi32, #tpu.memory_space<hbm>>
        %dma_wait3A_441 = tpu.memref_squeeze %dma_wait3A_440 : memref<1x1x40xi32, #tpu.memory_space<hbm>> -> memref<40xi32, #tpu.memory_space<hbm>>
        tpu.wait_dma2 semaphore(%arg49 : memref<!tpu.dma_semaphore, #tpu.memory_space<semaphore_mem>>) src(%dma_wait3A_441 : memref<40xi32, #tpu.memory_space<hbm>>) dst(%arg19 : memref<40xi32, #tpu.memory_space<vmem>>)
        %dma_wait3A_442 = arith.constant 0 : i32
        %dma_wait3A_443 = arith.constant 0 : i32
        %dma_wait3A_444 = tpu.memref_slice %arg4[%add3A, %dma_wait3A_442, %dma_wait3A_443] : memref<32x250x40xi32, #tpu.memory_space<hbm>> -> memref<1x1x40xi32, #tpu.memory_space<hbm>>
        %dma_wait3A_445 = tpu.memref_squeeze %dma_wait3A_444 : memref<1x1x40xi32, #tpu.memory_space<hbm>> -> memref<40xi32, #tpu.memory_space<hbm>>
        %dma_wait3A_446 = arith.constant 0 : i32
        %dma_wait3A_447 = tpu.memref_slice %arg4[%add3A, %dma_wait3A_442, %dma_wait3A_446] : memref<32x250x40xi32, #tpu.memory_space<hbm>> -> memref<1x1x40xi32, #tpu.memory_space<hbm>>
        %dma_wait3A_448 = tpu.memref_squeeze %dma_wait3A_447 : memref<1x1x40xi32, #tpu.memory_space<hbm>> -> memref<40xi32, #tpu.memory_space<hbm>>
        tpu.wait_dma2 semaphore(%arg49 : memref<!tpu.dma_semaphore, #tpu.memory_space<semaphore_mem>>) src(%dma_wait3A_448 : memref<40xi32, #tpu.memory_space<hbm>>) dst(%arg29 : memref<40xi32, #tpu.memory_space<vmem>>)
        %dma_start3A_449 = arith.constant 0 : i32
        %dma_start3A_450 = arith.constant 0 : i32
        %dma_start3A_451 = tpu.memref_slice %arg2[%dma_start3A_449, %dma_start3A_450] : memref<10000x128xf32, #tpu.memory_space<hbm>> -> memref<10000x128xf32, #tpu.memory_space<hbm>>
        tpu.enqueue_indirect_dma source(%dma_start3A_451 : memref<10000x128xf32, #tpu.memory_space<hbm>>) target(%arg9 : memref<40x128xf32, #tpu.memory_space<vmem>>) offsets(%arg19 : memref<40xi32, #tpu.memory_space<vmem>>) semaphore(%arg34 : memref<!tpu.dma_semaphore, #tpu.memory_space<semaphore_mem>>)
      } else {
      }
      %dma_wait3A_297 = arith.constant 0 : i32
      %dma_wait3A_298 = arith.constant 0 : i32
      %dma_wait3A_299 = tpu.memref_slice %arg7[%dma_wait3A_297, %dma_wait3A_298] : memref<10000x128xf32, #tpu.memory_space<vmem_shared>> -> memref<10000x128xf32, #tpu.memory_space<vmem_shared>>
      tpu.wait_indirect_dma semaphore(%arg40 : memref<!tpu.dma_semaphore, #tpu.memory_space<semaphore_mem>>) src(%arg10 : memref<40x128xf32, #tpu.memory_space<vmem>>) dst(%dma_wait3A_299 : memref<10000x128xf32, #tpu.memory_space<vmem_shared>>)
      %lt3A_300 = arith.constant 48 : i32
      %lt3A_301 = arith.cmpi slt, %mul3A_241, %lt3A_300 : i32
      %convert_element_type3A_302 = arith.extui %lt3A_301 : i1 to i32
      %cond3A_303 = arith.constant 0 : i32
      %cond3A_304 = arith.cmpi ne, %convert_element_type3A_302, %cond3A_303 : i32
      scf.if %cond3A_304 {
        %mul3A_435 = arith.constant 5 : i32
        %mul3A_436 = arith.muli %mul3A_241, %mul3A_435 : i32
        %add3A_437 = arith.constant 10 : i32
        %add3A_438 = arith.addi %mul3A_436, %add3A_437 : i32
        %add3A_439 = arith.constant 2 : i32
        %add3A_440 = arith.addi %add3A_438, %add3A_439 : i32
        %dma_start3A_441 = arith.constant 0 : i32
        %dma_start3A_442 = tpu.memref_slice %arg3[%add3A, %add3A_440, %dma_start3A_441] : memref<32x250x40xi32, #tpu.memory_space<hbm>> -> memref<1x1x40xi32, #tpu.memory_space<hbm>>
        %dma_start3A_443 = tpu.memref_squeeze %dma_start3A_442 : memref<1x1x40xi32, #tpu.memory_space<hbm>> -> memref<40xi32, #tpu.memory_space<hbm>>
        %dma_start3A_444 = arith.constant 0 : i32
        %dma_start3A_445 = tpu.memref_slice %arg3[%add3A, %add3A_440, %dma_start3A_444] : memref<32x250x40xi32, #tpu.memory_space<hbm>> -> memref<1x1x40xi32, #tpu.memory_space<hbm>>
        %dma_start3A_446 = tpu.memref_squeeze %dma_start3A_445 : memref<1x1x40xi32, #tpu.memory_space<hbm>> -> memref<40xi32, #tpu.memory_space<hbm>>
        tpu.enqueue_dma source(%dma_start3A_446 : memref<40xi32, #tpu.memory_space<hbm>>) target(%arg15 : memref<40xi32, #tpu.memory_space<vmem>>) target_semaphore(%arg45 : memref<!tpu.dma_semaphore, #tpu.memory_space<semaphore_mem>>)
        %dma_start3A_447 = arith.constant 0 : i32
        %dma_start3A_448 = tpu.memref_slice %arg4[%add3A, %add3A_440, %dma_start3A_447] : memref<32x250x40xi32, #tpu.memory_space<hbm>> -> memref<1x1x40xi32, #tpu.memory_space<hbm>>
        %dma_start3A_449 = tpu.memref_squeeze %dma_start3A_448 : memref<1x1x40xi32, #tpu.memory_space<hbm>> -> memref<40xi32, #tpu.memory_space<hbm>>
        %dma_start3A_450 = arith.constant 0 : i32
        %dma_start3A_451 = tpu.memref_slice %arg4[%add3A, %add3A_440, %dma_start3A_450] : memref<32x250x40xi32, #tpu.memory_space<hbm>> -> memref<1x1x40xi32, #tpu.memory_space<hbm>>
        %dma_start3A_452 = tpu.memref_squeeze %dma_start3A_451 : memref<1x1x40xi32, #tpu.memory_space<hbm>> -> memref<40xi32, #tpu.memory_space<hbm>>
        tpu.enqueue_dma source(%dma_start3A_452 : memref<40xi32, #tpu.memory_space<hbm>>) target(%arg25 : memref<40xi32, #tpu.memory_space<vmem>>) target_semaphore(%arg45 : memref<!tpu.dma_semaphore, #tpu.memory_space<semaphore_mem>>)
      } else {
      }
      %lt3A_305 = arith.constant 49 : i32
      %lt3A_306 = arith.cmpi slt, %mul3A_241, %lt3A_305 : i32
      %convert_element_type3A_307 = arith.extui %lt3A_306 : i1 to i32
      %cond3A_308 = arith.constant 0 : i32
      %cond3A_309 = arith.cmpi ne, %convert_element_type3A_307, %cond3A_308 : i32
      scf.if %cond3A_309 {
        %dma_wait3A_435 = arith.constant 0 : i32
        %dma_wait3A_436 = arith.constant 0 : i32
        %dma_wait3A_437 = tpu.memref_slice %arg3[%add3A, %dma_wait3A_435, %dma_wait3A_436] : memref<32x250x40xi32, #tpu.memory_space<hbm>> -> memref<1x1x40xi32, #tpu.memory_space<hbm>>
        %dma_wait3A_438 = tpu.memref_squeeze %dma_wait3A_437 : memref<1x1x40xi32, #tpu.memory_space<hbm>> -> memref<40xi32, #tpu.memory_space<hbm>>
        %dma_wait3A_439 = arith.constant 0 : i32
        %dma_wait3A_440 = tpu.memref_slice %arg3[%add3A, %dma_wait3A_435, %dma_wait3A_439] : memref<32x250x40xi32, #tpu.memory_space<hbm>> -> memref<1x1x40xi32, #tpu.memory_space<hbm>>
        %dma_wait3A_441 = tpu.memref_squeeze %dma_wait3A_440 : memref<1x1x40xi32, #tpu.memory_space<hbm>> -> memref<40xi32, #tpu.memory_space<hbm>>
        tpu.wait_dma2 semaphore(%arg50 : memref<!tpu.dma_semaphore, #tpu.memory_space<semaphore_mem>>) src(%dma_wait3A_441 : memref<40xi32, #tpu.memory_space<hbm>>) dst(%arg20 : memref<40xi32, #tpu.memory_space<vmem>>)
        %dma_wait3A_442 = arith.constant 0 : i32
        %dma_wait3A_443 = arith.constant 0 : i32
        %dma_wait3A_444 = tpu.memref_slice %arg4[%add3A, %dma_wait3A_442, %dma_wait3A_443] : memref<32x250x40xi32, #tpu.memory_space<hbm>> -> memref<1x1x40xi32, #tpu.memory_space<hbm>>
        %dma_wait3A_445 = tpu.memref_squeeze %dma_wait3A_444 : memref<1x1x40xi32, #tpu.memory_space<hbm>> -> memref<40xi32, #tpu.memory_space<hbm>>
        %dma_wait3A_446 = arith.constant 0 : i32
        %dma_wait3A_447 = tpu.memref_slice %arg4[%add3A, %dma_wait3A_442, %dma_wait3A_446] : memref<32x250x40xi32, #tpu.memory_space<hbm>> -> memref<1x1x40xi32, #tpu.memory_space<hbm>>
        %dma_wait3A_448 = tpu.memref_squeeze %dma_wait3A_447 : memref<1x1x40xi32, #tpu.memory_space<hbm>> -> memref<40xi32, #tpu.memory_space<hbm>>
        tpu.wait_dma2 semaphore(%arg50 : memref<!tpu.dma_semaphore, #tpu.memory_space<semaphore_mem>>) src(%dma_wait3A_448 : memref<40xi32, #tpu.memory_space<hbm>>) dst(%arg30 : memref<40xi32, #tpu.memory_space<vmem>>)
        %dma_start3A_449 = arith.constant 0 : i32
        %dma_start3A_450 = arith.constant 0 : i32
        %dma_start3A_451 = tpu.memref_slice %arg2[%dma_start3A_449, %dma_start3A_450] : memref<10000x128xf32, #tpu.memory_space<hbm>> -> memref<10000x128xf32, #tpu.memory_space<hbm>>
        tpu.enqueue_indirect_dma source(%dma_start3A_451 : memref<10000x128xf32, #tpu.memory_space<hbm>>) target(%arg10 : memref<40x128xf32, #tpu.memory_space<vmem>>) offsets(%arg20 : memref<40xi32, #tpu.memory_space<vmem>>) semaphore(%arg35 : memref<!tpu.dma_semaphore, #tpu.memory_space<semaphore_mem>>)
      } else {
      }
      %dma_wait3A_310 = arith.constant 0 : i32
      %dma_wait3A_311 = arith.constant 0 : i32
      %dma_wait3A_312 = tpu.memref_slice %arg7[%dma_wait3A_310, %dma_wait3A_311] : memref<10000x128xf32, #tpu.memory_space<vmem_shared>> -> memref<10000x128xf32, #tpu.memory_space<vmem_shared>>
      tpu.wait_indirect_dma semaphore(%arg41 : memref<!tpu.dma_semaphore, #tpu.memory_space<semaphore_mem>>) src(%arg11 : memref<40x128xf32, #tpu.memory_space<vmem>>) dst(%dma_wait3A_312 : memref<10000x128xf32, #tpu.memory_space<vmem_shared>>)
      %lt3A_313 = arith.constant 48 : i32
      %lt3A_314 = arith.cmpi slt, %mul3A_241, %lt3A_313 : i32
      %convert_element_type3A_315 = arith.extui %lt3A_314 : i1 to i32
      %cond3A_316 = arith.constant 0 : i32
      %cond3A_317 = arith.cmpi ne, %convert_element_type3A_315, %cond3A_316 : i32
      scf.if %cond3A_317 {
        %mul3A_435 = arith.constant 5 : i32
        %mul3A_436 = arith.muli %mul3A_241, %mul3A_435 : i32
        %add3A_437 = arith.constant 10 : i32
        %add3A_438 = arith.addi %mul3A_436, %add3A_437 : i32
        %add3A_439 = arith.constant 3 : i32
        %add3A_440 = arith.addi %add3A_438, %add3A_439 : i32
        %dma_start3A_441 = arith.constant 0 : i32
        %dma_start3A_442 = tpu.memref_slice %arg3[%add3A, %add3A_440, %dma_start3A_441] : memref<32x250x40xi32, #tpu.memory_space<hbm>> -> memref<1x1x40xi32, #tpu.memory_space<hbm>>
        %dma_start3A_443 = tpu.memref_squeeze %dma_start3A_442 : memref<1x1x40xi32, #tpu.memory_space<hbm>> -> memref<40xi32, #tpu.memory_space<hbm>>
        %dma_start3A_444 = arith.constant 0 : i32
        %dma_start3A_445 = tpu.memref_slice %arg3[%add3A, %add3A_440, %dma_start3A_444] : memref<32x250x40xi32, #tpu.memory_space<hbm>> -> memref<1x1x40xi32, #tpu.memory_space<hbm>>
        %dma_start3A_446 = tpu.memref_squeeze %dma_start3A_445 : memref<1x1x40xi32, #tpu.memory_space<hbm>> -> memref<40xi32, #tpu.memory_space<hbm>>
        tpu.enqueue_dma source(%dma_start3A_446 : memref<40xi32, #tpu.memory_space<hbm>>) target(%arg16 : memref<40xi32, #tpu.memory_space<vmem>>) target_semaphore(%arg46 : memref<!tpu.dma_semaphore, #tpu.memory_space<semaphore_mem>>)
        %dma_start3A_447 = arith.constant 0 : i32
        %dma_start3A_448 = tpu.memref_slice %arg4[%add3A, %add3A_440, %dma_start3A_447] : memref<32x250x40xi32, #tpu.memory_space<hbm>> -> memref<1x1x40xi32, #tpu.memory_space<hbm>>
        %dma_start3A_449 = tpu.memref_squeeze %dma_start3A_448 : memref<1x1x40xi32, #tpu.memory_space<hbm>> -> memref<40xi32, #tpu.memory_space<hbm>>
        %dma_start3A_450 = arith.constant 0 : i32
        %dma_start3A_451 = tpu.memref_slice %arg4[%add3A, %add3A_440, %dma_start3A_450] : memref<32x250x40xi32, #tpu.memory_space<hbm>> -> memref<1x1x40xi32, #tpu.memory_space<hbm>>
        %dma_start3A_452 = tpu.memref_squeeze %dma_start3A_451 : memref<1x1x40xi32, #tpu.memory_space<hbm>> -> memref<40xi32, #tpu.memory_space<hbm>>
        tpu.enqueue_dma source(%dma_start3A_452 : memref<40xi32, #tpu.memory_space<hbm>>) target(%arg26 : memref<40xi32, #tpu.memory_space<vmem>>) target_semaphore(%arg46 : memref<!tpu.dma_semaphore, #tpu.memory_space<semaphore_mem>>)
      } else {
      }
      %lt3A_318 = arith.constant 49 : i32
      %lt3A_319 = arith.cmpi slt, %mul3A_241, %lt3A_318 : i32
      %convert_element_type3A_320 = arith.extui %lt3A_319 : i1 to i32
      %cond3A_321 = arith.constant 0 : i32
      %cond3A_322 = arith.cmpi ne, %convert_element_type3A_320, %cond3A_321 : i32
      scf.if %cond3A_322 {
        %dma_wait3A_435 = arith.constant 0 : i32
        %dma_wait3A_436 = arith.constant 0 : i32
        %dma_wait3A_437 = tpu.memref_slice %arg3[%add3A, %dma_wait3A_435, %dma_wait3A_436] : memref<32x250x40xi32, #tpu.memory_space<hbm>> -> memref<1x1x40xi32, #tpu.memory_space<hbm>>
        %dma_wait3A_438 = tpu.memref_squeeze %dma_wait3A_437 : memref<1x1x40xi32, #tpu.memory_space<hbm>> -> memref<40xi32, #tpu.memory_space<hbm>>
        %dma_wait3A_439 = arith.constant 0 : i32
        %dma_wait3A_440 = tpu.memref_slice %arg3[%add3A, %dma_wait3A_435, %dma_wait3A_439] : memref<32x250x40xi32, #tpu.memory_space<hbm>> -> memref<1x1x40xi32, #tpu.memory_space<hbm>>
        %dma_wait3A_441 = tpu.memref_squeeze %dma_wait3A_440 : memref<1x1x40xi32, #tpu.memory_space<hbm>> -> memref<40xi32, #tpu.memory_space<hbm>>
        tpu.wait_dma2 semaphore(%arg51 : memref<!tpu.dma_semaphore, #tpu.memory_space<semaphore_mem>>) src(%dma_wait3A_441 : memref<40xi32, #tpu.memory_space<hbm>>) dst(%arg21 : memref<40xi32, #tpu.memory_space<vmem>>)
        %dma_wait3A_442 = arith.constant 0 : i32
        %dma_wait3A_443 = arith.constant 0 : i32
        %dma_wait3A_444 = tpu.memref_slice %arg4[%add3A, %dma_wait3A_442, %dma_wait3A_443] : memref<32x250x40xi32, #tpu.memory_space<hbm>> -> memref<1x1x40xi32, #tpu.memory_space<hbm>>
        %dma_wait3A_445 = tpu.memref_squeeze %dma_wait3A_444 : memref<1x1x40xi32, #tpu.memory_space<hbm>> -> memref<40xi32, #tpu.memory_space<hbm>>
        %dma_wait3A_446 = arith.constant 0 : i32
        %dma_wait3A_447 = tpu.memref_slice %arg4[%add3A, %dma_wait3A_442, %dma_wait3A_446] : memref<32x250x40xi32, #tpu.memory_space<hbm>> -> memref<1x1x40xi32, #tpu.memory_space<hbm>>
        %dma_wait3A_448 = tpu.memref_squeeze %dma_wait3A_447 : memref<1x1x40xi32, #tpu.memory_space<hbm>> -> memref<40xi32, #tpu.memory_space<hbm>>
        tpu.wait_dma2 semaphore(%arg51 : memref<!tpu.dma_semaphore, #tpu.memory_space<semaphore_mem>>) src(%dma_wait3A_448 : memref<40xi32, #tpu.memory_space<hbm>>) dst(%arg31 : memref<40xi32, #tpu.memory_space<vmem>>)
        %dma_start3A_449 = arith.constant 0 : i32
        %dma_start3A_450 = arith.constant 0 : i32
        %dma_start3A_451 = tpu.memref_slice %arg2[%dma_start3A_449, %dma_start3A_450] : memref<10000x128xf32, #tpu.memory_space<hbm>> -> memref<10000x128xf32, #tpu.memory_space<hbm>>
        tpu.enqueue_indirect_dma source(%dma_start3A_451 : memref<10000x128xf32, #tpu.memory_space<hbm>>) target(%arg11 : memref<40x128xf32, #tpu.memory_space<vmem>>) offsets(%arg21 : memref<40xi32, #tpu.memory_space<vmem>>) semaphore(%arg36 : memref<!tpu.dma_semaphore, #tpu.memory_space<semaphore_mem>>)
      } else {
      }
      %dma_wait3A_323 = arith.constant 0 : i32
      %dma_wait3A_324 = arith.constant 0 : i32
      %dma_wait3A_325 = tpu.memref_slice %arg7[%dma_wait3A_323, %dma_wait3A_324] : memref<10000x128xf32, #tpu.memory_space<vmem_shared>> -> memref<10000x128xf32, #tpu.memory_space<vmem_shared>>
      tpu.wait_indirect_dma semaphore(%arg42 : memref<!tpu.dma_semaphore, #tpu.memory_space<semaphore_mem>>) src(%arg12 : memref<40x128xf32, #tpu.memory_space<vmem>>) dst(%dma_wait3A_325 : memref<10000x128xf32, #tpu.memory_space<vmem_shared>>)
      %lt3A_326 = arith.constant 48 : i32
      %lt3A_327 = arith.cmpi slt, %mul3A_241, %lt3A_326 : i32
      %convert_element_type3A_328 = arith.extui %lt3A_327 : i1 to i32
      %cond3A_329 = arith.constant 0 : i32
      %cond3A_330 = arith.cmpi ne, %convert_element_type3A_328, %cond3A_329 : i32
      scf.if %cond3A_330 {
        %mul3A_435 = arith.constant 5 : i32
        %mul3A_436 = arith.muli %mul3A_241, %mul3A_435 : i32
        %add3A_437 = arith.constant 10 : i32
        %add3A_438 = arith.addi %mul3A_436, %add3A_437 : i32
        %add3A_439 = arith.constant 4 : i32
        %add3A_440 = arith.addi %add3A_438, %add3A_439 : i32
        %dma_start3A_441 = arith.constant 0 : i32
        %dma_start3A_442 = tpu.memref_slice %arg3[%add3A, %add3A_440, %dma_start3A_441] : memref<32x250x40xi32, #tpu.memory_space<hbm>> -> memref<1x1x40xi32, #tpu.memory_space<hbm>>
        %dma_start3A_443 = tpu.memref_squeeze %dma_start3A_442 : memref<1x1x40xi32, #tpu.memory_space<hbm>> -> memref<40xi32, #tpu.memory_space<hbm>>
        %dma_start3A_444 = arith.constant 0 : i32
        %dma_start3A_445 = tpu.memref_slice %arg3[%add3A, %add3A_440, %dma_start3A_444] : memref<32x250x40xi32, #tpu.memory_space<hbm>> -> memref<1x1x40xi32, #tpu.memory_space<hbm>>
        %dma_start3A_446 = tpu.memref_squeeze %dma_start3A_445 : memref<1x1x40xi32, #tpu.memory_space<hbm>> -> memref<40xi32, #tpu.memory_space<hbm>>
        tpu.enqueue_dma source(%dma_start3A_446 : memref<40xi32, #tpu.memory_space<hbm>>) target(%arg17 : memref<40xi32, #tpu.memory_space<vmem>>) target_semaphore(%arg47 : memref<!tpu.dma_semaphore, #tpu.memory_space<semaphore_mem>>)
        %dma_start3A_447 = arith.constant 0 : i32
        %dma_start3A_448 = tpu.memref_slice %arg4[%add3A, %add3A_440, %dma_start3A_447] : memref<32x250x40xi32, #tpu.memory_space<hbm>> -> memref<1x1x40xi32, #tpu.memory_space<hbm>>
        %dma_start3A_449 = tpu.memref_squeeze %dma_start3A_448 : memref<1x1x40xi32, #tpu.memory_space<hbm>> -> memref<40xi32, #tpu.memory_space<hbm>>
        %dma_start3A_450 = arith.constant 0 : i32
        %dma_start3A_451 = tpu.memref_slice %arg4[%add3A, %add3A_440, %dma_start3A_450] : memref<32x250x40xi32, #tpu.memory_space<hbm>> -> memref<1x1x40xi32, #tpu.memory_space<hbm>>
        %dma_start3A_452 = tpu.memref_squeeze %dma_start3A_451 : memref<1x1x40xi32, #tpu.memory_space<hbm>> -> memref<40xi32, #tpu.memory_space<hbm>>
        tpu.enqueue_dma source(%dma_start3A_452 : memref<40xi32, #tpu.memory_space<hbm>>) target(%arg27 : memref<40xi32, #tpu.memory_space<vmem>>) target_semaphore(%arg47 : memref<!tpu.dma_semaphore, #tpu.memory_space<semaphore_mem>>)
      } else {
      }
      %lt3A_331 = arith.constant 49 : i32
      %lt3A_332 = arith.cmpi slt, %mul3A_241, %lt3A_331 : i32
      %convert_element_type3A_333 = arith.extui %lt3A_332 : i1 to i32
      %cond3A_334 = arith.constant 0 : i32
      %cond3A_335 = arith.cmpi ne, %convert_element_type3A_333, %cond3A_334 : i32
      scf.if %cond3A_335 {
        %dma_wait3A_435 = arith.constant 0 : i32
        %dma_wait3A_436 = arith.constant 0 : i32
        %dma_wait3A_437 = tpu.memref_slice %arg3[%add3A, %dma_wait3A_435, %dma_wait3A_436] : memref<32x250x40xi32, #tpu.memory_space<hbm>> -> memref<1x1x40xi32, #tpu.memory_space<hbm>>
        %dma_wait3A_438 = tpu.memref_squeeze %dma_wait3A_437 : memref<1x1x40xi32, #tpu.memory_space<hbm>> -> memref<40xi32, #tpu.memory_space<hbm>>
        %dma_wait3A_439 = arith.constant 0 : i32
        %dma_wait3A_440 = tpu.memref_slice %arg3[%add3A, %dma_wait3A_435, %dma_wait3A_439] : memref<32x250x40xi32, #tpu.memory_space<hbm>> -> memref<1x1x40xi32, #tpu.memory_space<hbm>>
        %dma_wait3A_441 = tpu.memref_squeeze %dma_wait3A_440 : memref<1x1x40xi32, #tpu.memory_space<hbm>> -> memref<40xi32, #tpu.memory_space<hbm>>
        tpu.wait_dma2 semaphore(%arg52 : memref<!tpu.dma_semaphore, #tpu.memory_space<semaphore_mem>>) src(%dma_wait3A_441 : memref<40xi32, #tpu.memory_space<hbm>>) dst(%arg22 : memref<40xi32, #tpu.memory_space<vmem>>)
        %dma_wait3A_442 = arith.constant 0 : i32
        %dma_wait3A_443 = arith.constant 0 : i32
        %dma_wait3A_444 = tpu.memref_slice %arg4[%add3A, %dma_wait3A_442, %dma_wait3A_443] : memref<32x250x40xi32, #tpu.memory_space<hbm>> -> memref<1x1x40xi32, #tpu.memory_space<hbm>>
        %dma_wait3A_445 = tpu.memref_squeeze %dma_wait3A_444 : memref<1x1x40xi32, #tpu.memory_space<hbm>> -> memref<40xi32, #tpu.memory_space<hbm>>
        %dma_wait3A_446 = arith.constant 0 : i32
        %dma_wait3A_447 = tpu.memref_slice %arg4[%add3A, %dma_wait3A_442, %dma_wait3A_446] : memref<32x250x40xi32, #tpu.memory_space<hbm>> -> memref<1x1x40xi32, #tpu.memory_space<hbm>>
        %dma_wait3A_448 = tpu.memref_squeeze %dma_wait3A_447 : memref<1x1x40xi32, #tpu.memory_space<hbm>> -> memref<40xi32, #tpu.memory_space<hbm>>
        tpu.wait_dma2 semaphore(%arg52 : memref<!tpu.dma_semaphore, #tpu.memory_space<semaphore_mem>>) src(%dma_wait3A_448 : memref<40xi32, #tpu.memory_space<hbm>>) dst(%arg32 : memref<40xi32, #tpu.memory_space<vmem>>)
        %dma_start3A_449 = arith.constant 0 : i32
        %dma_start3A_450 = arith.constant 0 : i32
        %dma_start3A_451 = tpu.memref_slice %arg2[%dma_start3A_449, %dma_start3A_450] : memref<10000x128xf32, #tpu.memory_space<hbm>> -> memref<10000x128xf32, #tpu.memory_space<hbm>>
        tpu.enqueue_indirect_dma source(%dma_start3A_451 : memref<10000x128xf32, #tpu.memory_space<hbm>>) target(%arg12 : memref<40x128xf32, #tpu.memory_space<vmem>>) offsets(%arg22 : memref<40xi32, #tpu.memory_space<vmem>>) semaphore(%arg37 : memref<!tpu.dma_semaphore, #tpu.memory_space<semaphore_mem>>)
      } else {
      }
      %mul3A_336 = arith.constant 2 : i32
      %mul3A_337 = arith.muli %mul3A_336, %scan3A_239 : i32
      %add3A_338 = arith.constant 1 : i32
      %add3A_339 = arith.addi %mul3A_337, %add3A_338 : i32
      %dma_wait3A_340 = arith.constant 0 : i32
      %dma_wait3A_341 = arith.constant 0 : i32
      %dma_wait3A_342 = tpu.memref_slice %arg2[%dma_wait3A_340, %dma_wait3A_341] : memref<10000x128xf32, #tpu.memory_space<hbm>> -> memref<10000x128xf32, #tpu.memory_space<hbm>>
      tpu.wait_indirect_dma semaphore(%arg33 : memref<!tpu.dma_semaphore, #tpu.memory_space<semaphore_mem>>) src(%dma_wait3A_342 : memref<10000x128xf32, #tpu.memory_space<hbm>>) dst(%arg8 : memref<40x128xf32, #tpu.memory_space<vmem>>)
      %dma_start3A_343 = arith.constant 0 : i32
      %dma_start3A_344 = arith.constant 0 : i32
      %dma_start3A_345 = tpu.memref_slice %arg7[%dma_start3A_343, %dma_start3A_344] : memref<10000x128xf32, #tpu.memory_space<vmem_shared>> -> memref<10000x128xf32, #tpu.memory_space<vmem_shared>>
      tpu.enqueue_indirect_dma source(%arg8 : memref<40x128xf32, #tpu.memory_space<vmem>>) target(%dma_start3A_345 : memref<10000x128xf32, #tpu.memory_space<vmem_shared>>) offsets(%arg28 : memref<40xi32, #tpu.memory_space<vmem>>) semaphore(%arg38 : memref<!tpu.dma_semaphore, #tpu.memory_space<semaphore_mem>>) {add = true}
      %dma_wait3A_346 = arith.constant 0 : i32
      %dma_wait3A_347 = arith.constant 0 : i32
      %dma_wait3A_348 = tpu.memref_slice %arg2[%dma_wait3A_346, %dma_wait3A_347] : memref<10000x128xf32, #tpu.memory_space<hbm>> -> memref<10000x128xf32, #tpu.memory_space<hbm>>
      tpu.wait_indirect_dma semaphore(%arg34 : memref<!tpu.dma_semaphore, #tpu.memory_space<semaphore_mem>>) src(%dma_wait3A_348 : memref<10000x128xf32, #tpu.memory_space<hbm>>) dst(%arg9 : memref<40x128xf32, #tpu.memory_space<vmem>>)
      %dma_start3A_349 = arith.constant 0 : i32
      %dma_start3A_350 = arith.constant 0 : i32
      %dma_start3A_351 = tpu.memref_slice %arg7[%dma_start3A_349, %dma_start3A_350] : memref<10000x128xf32, #tpu.memory_space<vmem_shared>> -> memref<10000x128xf32, #tpu.memory_space<vmem_shared>>
      tpu.enqueue_indirect_dma source(%arg9 : memref<40x128xf32, #tpu.memory_space<vmem>>) target(%dma_start3A_351 : memref<10000x128xf32, #tpu.memory_space<vmem_shared>>) offsets(%arg29 : memref<40xi32, #tpu.memory_space<vmem>>) semaphore(%arg39 : memref<!tpu.dma_semaphore, #tpu.memory_space<semaphore_mem>>) {add = true}
      %dma_wait3A_352 = arith.constant 0 : i32
      %dma_wait3A_353 = arith.constant 0 : i32
      %dma_wait3A_354 = tpu.memref_slice %arg2[%dma_wait3A_352, %dma_wait3A_353] : memref<10000x128xf32, #tpu.memory_space<hbm>> -> memref<10000x128xf32, #tpu.memory_space<hbm>>
      tpu.wait_indirect_dma semaphore(%arg35 : memref<!tpu.dma_semaphore, #tpu.memory_space<semaphore_mem>>) src(%dma_wait3A_354 : memref<10000x128xf32, #tpu.memory_space<hbm>>) dst(%arg10 : memref<40x128xf32, #tpu.memory_space<vmem>>)
      %dma_start3A_355 = arith.constant 0 : i32
      %dma_start3A_356 = arith.constant 0 : i32
      %dma_start3A_357 = tpu.memref_slice %arg7[%dma_start3A_355, %dma_start3A_356] : memref<10000x128xf32, #tpu.memory_space<vmem_shared>> -> memref<10000x128xf32, #tpu.memory_space<vmem_shared>>
      tpu.enqueue_indirect_dma source(%arg10 : memref<40x128xf32, #tpu.memory_space<vmem>>) target(%dma_start3A_357 : memref<10000x128xf32, #tpu.memory_space<vmem_shared>>) offsets(%arg30 : memref<40xi32, #tpu.memory_space<vmem>>) semaphore(%arg40 : memref<!tpu.dma_semaphore, #tpu.memory_space<semaphore_mem>>) {add = true}
      %dma_wait3A_358 = arith.constant 0 : i32
      %dma_wait3A_359 = arith.constant 0 : i32
      %dma_wait3A_360 = tpu.memref_slice %arg2[%dma_wait3A_358, %dma_wait3A_359] : memref<10000x128xf32, #tpu.memory_space<hbm>> -> memref<10000x128xf32, #tpu.memory_space<hbm>>
      tpu.wait_indirect_dma semaphore(%arg36 : memref<!tpu.dma_semaphore, #tpu.memory_space<semaphore_mem>>) src(%dma_wait3A_360 : memref<10000x128xf32, #tpu.memory_space<hbm>>) dst(%arg11 : memref<40x128xf32, #tpu.memory_space<vmem>>)
      %dma_start3A_361 = arith.constant 0 : i32
      %dma_start3A_362 = arith.constant 0 : i32
      %dma_start3A_363 = tpu.memref_slice %arg7[%dma_start3A_361, %dma_start3A_362] : memref<10000x128xf32, #tpu.memory_space<vmem_shared>> -> memref<10000x128xf32, #tpu.memory_space<vmem_shared>>
      tpu.enqueue_indirect_dma source(%arg11 : memref<40x128xf32, #tpu.memory_space<vmem>>) target(%dma_start3A_363 : memref<10000x128xf32, #tpu.memory_space<vmem_shared>>) offsets(%arg31 : memref<40xi32, #tpu.memory_space<vmem>>) semaphore(%arg41 : memref<!tpu.dma_semaphore, #tpu.memory_space<semaphore_mem>>) {add = true}
      %dma_wait3A_364 = arith.constant 0 : i32
      %dma_wait3A_365 = arith.constant 0 : i32
      %dma_wait3A_366 = tpu.memref_slice %arg2[%dma_wait3A_364, %dma_wait3A_365] : memref<10000x128xf32, #tpu.memory_space<hbm>> -> memref<10000x128xf32, #tpu.memory_space<hbm>>
      tpu.wait_indirect_dma semaphore(%arg37 : memref<!tpu.dma_semaphore, #tpu.memory_space<semaphore_mem>>) src(%dma_wait3A_366 : memref<10000x128xf32, #tpu.memory_space<hbm>>) dst(%arg12 : memref<40x128xf32, #tpu.memory_space<vmem>>)
      %dma_start3A_367 = arith.constant 0 : i32
      %dma_start3A_368 = arith.constant 0 : i32
      %dma_start3A_369 = tpu.memref_slice %arg7[%dma_start3A_367, %dma_start3A_368] : memref<10000x128xf32, #tpu.memory_space<vmem_shared>> -> memref<10000x128xf32, #tpu.memory_space<vmem_shared>>
      tpu.enqueue_indirect_dma source(%arg12 : memref<40x128xf32, #tpu.memory_space<vmem>>) target(%dma_start3A_369 : memref<10000x128xf32, #tpu.memory_space<vmem_shared>>) offsets(%arg32 : memref<40xi32, #tpu.memory_space<vmem>>) semaphore(%arg42 : memref<!tpu.dma_semaphore, #tpu.memory_space<semaphore_mem>>) {add = true}
      %dma_wait3A_370 = arith.constant 0 : i32
      %dma_wait3A_371 = arith.constant 0 : i32
      %dma_wait3A_372 = tpu.memref_slice %arg7[%dma_wait3A_370, %dma_wait3A_371] : memref<10000x128xf32, #tpu.memory_space<vmem_shared>> -> memref<10000x128xf32, #tpu.memory_space<vmem_shared>>
      tpu.wait_indirect_dma semaphore(%arg38 : memref<!tpu.dma_semaphore, #tpu.memory_space<semaphore_mem>>) src(%arg8 : memref<40x128xf32, #tpu.memory_space<vmem>>) dst(%dma_wait3A_372 : memref<10000x128xf32, #tpu.memory_space<vmem_shared>>)
      %lt3A_373 = arith.constant 48 : i32
      %lt3A_374 = arith.cmpi slt, %add3A_339, %lt3A_373 : i32
      %convert_element_type3A_375 = arith.extui %lt3A_374 : i1 to i32
      %cond3A_376 = arith.constant 0 : i32
      %cond3A_377 = arith.cmpi ne, %convert_element_type3A_375, %cond3A_376 : i32
      scf.if %cond3A_377 {
        %mul3A_435 = arith.constant 5 : i32
        %mul3A_436 = arith.muli %add3A_339, %mul3A_435 : i32
        %add3A_437 = arith.constant 10 : i32
        %add3A_438 = arith.addi %mul3A_436, %add3A_437 : i32
        %add3A_439 = arith.constant 0 : i32
        %add3A_440 = arith.addi %add3A_438, %add3A_439 : i32
        %dma_start3A_441 = arith.constant 0 : i32
        %dma_start3A_442 = tpu.memref_slice %arg3[%add3A, %add3A_440, %dma_start3A_441] : memref<32x250x40xi32, #tpu.memory_space<hbm>> -> memref<1x1x40xi32, #tpu.memory_space<hbm>>
        %dma_start3A_443 = tpu.memref_squeeze %dma_start3A_442 : memref<1x1x40xi32, #tpu.memory_space<hbm>> -> memref<40xi32, #tpu.memory_space<hbm>>
        %dma_start3A_444 = arith.constant 0 : i32
        %dma_start3A_445 = tpu.memref_slice %arg3[%add3A, %add3A_440, %dma_start3A_444] : memref<32x250x40xi32, #tpu.memory_space<hbm>> -> memref<1x1x40xi32, #tpu.memory_space<hbm>>
        %dma_start3A_446 = tpu.memref_squeeze %dma_start3A_445 : memref<1x1x40xi32, #tpu.memory_space<hbm>> -> memref<40xi32, #tpu.memory_space<hbm>>
        tpu.enqueue_dma source(%dma_start3A_446 : memref<40xi32, #tpu.memory_space<hbm>>) target(%arg18 : memref<40xi32, #tpu.memory_space<vmem>>) target_semaphore(%arg48 : memref<!tpu.dma_semaphore, #tpu.memory_space<semaphore_mem>>)
        %dma_start3A_447 = arith.constant 0 : i32
        %dma_start3A_448 = tpu.memref_slice %arg4[%add3A, %add3A_440, %dma_start3A_447] : memref<32x250x40xi32, #tpu.memory_space<hbm>> -> memref<1x1x40xi32, #tpu.memory_space<hbm>>
        %dma_start3A_449 = tpu.memref_squeeze %dma_start3A_448 : memref<1x1x40xi32, #tpu.memory_space<hbm>> -> memref<40xi32, #tpu.memory_space<hbm>>
        %dma_start3A_450 = arith.constant 0 : i32
        %dma_start3A_451 = tpu.memref_slice %arg4[%add3A, %add3A_440, %dma_start3A_450] : memref<32x250x40xi32, #tpu.memory_space<hbm>> -> memref<1x1x40xi32, #tpu.memory_space<hbm>>
        %dma_start3A_452 = tpu.memref_squeeze %dma_start3A_451 : memref<1x1x40xi32, #tpu.memory_space<hbm>> -> memref<40xi32, #tpu.memory_space<hbm>>
        tpu.enqueue_dma source(%dma_start3A_452 : memref<40xi32, #tpu.memory_space<hbm>>) target(%arg28 : memref<40xi32, #tpu.memory_space<vmem>>) target_semaphore(%arg48 : memref<!tpu.dma_semaphore, #tpu.memory_space<semaphore_mem>>)
      } else {
      }
      %lt3A_378 = arith.constant 49 : i32
      %lt3A_379 = arith.cmpi slt, %add3A_339, %lt3A_378 : i32
      %convert_element_type3A_380 = arith.extui %lt3A_379 : i1 to i32
      %cond3A_381 = arith.constant 0 : i32
      %cond3A_382 = arith.cmpi ne, %convert_element_type3A_380, %cond3A_381 : i32
      scf.if %cond3A_382 {
        %dma_wait3A_435 = arith.constant 0 : i32
        %dma_wait3A_436 = arith.constant 0 : i32
        %dma_wait3A_437 = tpu.memref_slice %arg3[%add3A, %dma_wait3A_435, %dma_wait3A_436] : memref<32x250x40xi32, #tpu.memory_space<hbm>> -> memref<1x1x40xi32, #tpu.memory_space<hbm>>
        %dma_wait3A_438 = tpu.memref_squeeze %dma_wait3A_437 : memref<1x1x40xi32, #tpu.memory_space<hbm>> -> memref<40xi32, #tpu.memory_space<hbm>>
        %dma_wait3A_439 = arith.constant 0 : i32
        %dma_wait3A_440 = tpu.memref_slice %arg3[%add3A, %dma_wait3A_435, %dma_wait3A_439] : memref<32x250x40xi32, #tpu.memory_space<hbm>> -> memref<1x1x40xi32, #tpu.memory_space<hbm>>
        %dma_wait3A_441 = tpu.memref_squeeze %dma_wait3A_440 : memref<1x1x40xi32, #tpu.memory_space<hbm>> -> memref<40xi32, #tpu.memory_space<hbm>>
        tpu.wait_dma2 semaphore(%arg43 : memref<!tpu.dma_semaphore, #tpu.memory_space<semaphore_mem>>) src(%dma_wait3A_441 : memref<40xi32, #tpu.memory_space<hbm>>) dst(%arg13 : memref<40xi32, #tpu.memory_space<vmem>>)
        %dma_wait3A_442 = arith.constant 0 : i32
        %dma_wait3A_443 = arith.constant 0 : i32
        %dma_wait3A_444 = tpu.memref_slice %arg4[%add3A, %dma_wait3A_442, %dma_wait3A_443] : memref<32x250x40xi32, #tpu.memory_space<hbm>> -> memref<1x1x40xi32, #tpu.memory_space<hbm>>
        %dma_wait3A_445 = tpu.memref_squeeze %dma_wait3A_444 : memref<1x1x40xi32, #tpu.memory_space<hbm>> -> memref<40xi32, #tpu.memory_space<hbm>>
        %dma_wait3A_446 = arith.constant 0 : i32
        %dma_wait3A_447 = tpu.memref_slice %arg4[%add3A, %dma_wait3A_442, %dma_wait3A_446] : memref<32x250x40xi32, #tpu.memory_space<hbm>> -> memref<1x1x40xi32, #tpu.memory_space<hbm>>
        %dma_wait3A_448 = tpu.memref_squeeze %dma_wait3A_447 : memref<1x1x40xi32, #tpu.memory_space<hbm>> -> memref<40xi32, #tpu.memory_space<hbm>>
        tpu.wait_dma2 semaphore(%arg43 : memref<!tpu.dma_semaphore, #tpu.memory_space<semaphore_mem>>) src(%dma_wait3A_448 : memref<40xi32, #tpu.memory_space<hbm>>) dst(%arg23 : memref<40xi32, #tpu.memory_space<vmem>>)
        %dma_start3A_449 = arith.constant 0 : i32
        %dma_start3A_450 = arith.constant 0 : i32
        %dma_start3A_451 = tpu.memref_slice %arg2[%dma_start3A_449, %dma_start3A_450] : memref<10000x128xf32, #tpu.memory_space<hbm>> -> memref<10000x128xf32, #tpu.memory_space<hbm>>
        tpu.enqueue_indirect_dma source(%dma_start3A_451 : memref<10000x128xf32, #tpu.memory_space<hbm>>) target(%arg8 : memref<40x128xf32, #tpu.memory_space<vmem>>) offsets(%arg13 : memref<40xi32, #tpu.memory_space<vmem>>) semaphore(%arg33 : memref<!tpu.dma_semaphore, #tpu.memory_space<semaphore_mem>>)
      } else {
      }
      %dma_wait3A_383 = arith.constant 0 : i32
      %dma_wait3A_384 = arith.constant 0 : i32
      %dma_wait3A_385 = tpu.memref_slice %arg7[%dma_wait3A_383, %dma_wait3A_384] : memref<10000x128xf32, #tpu.memory_space<vmem_shared>> -> memref<10000x128xf32, #tpu.memory_space<vmem_shared>>
      tpu.wait_indirect_dma semaphore(%arg39 : memref<!tpu.dma_semaphore, #tpu.memory_space<semaphore_mem>>) src(%arg9 : memref<40x128xf32, #tpu.memory_space<vmem>>) dst(%dma_wait3A_385 : memref<10000x128xf32, #tpu.memory_space<vmem_shared>>)
      %lt3A_386 = arith.constant 48 : i32
      %lt3A_387 = arith.cmpi slt, %add3A_339, %lt3A_386 : i32
      %convert_element_type3A_388 = arith.extui %lt3A_387 : i1 to i32
      %cond3A_389 = arith.constant 0 : i32
      %cond3A_390 = arith.cmpi ne, %convert_element_type3A_388, %cond3A_389 : i32
      scf.if %cond3A_390 {
        %mul3A_435 = arith.constant 5 : i32
        %mul3A_436 = arith.muli %add3A_339, %mul3A_435 : i32
        %add3A_437 = arith.constant 10 : i32
        %add3A_438 = arith.addi %mul3A_436, %add3A_437 : i32
        %add3A_439 = arith.constant 1 : i32
        %add3A_440 = arith.addi %add3A_438, %add3A_439 : i32
        %dma_start3A_441 = arith.constant 0 : i32
        %dma_start3A_442 = tpu.memref_slice %arg3[%add3A, %add3A_440, %dma_start3A_441] : memref<32x250x40xi32, #tpu.memory_space<hbm>> -> memref<1x1x40xi32, #tpu.memory_space<hbm>>
        %dma_start3A_443 = tpu.memref_squeeze %dma_start3A_442 : memref<1x1x40xi32, #tpu.memory_space<hbm>> -> memref<40xi32, #tpu.memory_space<hbm>>
        %dma_start3A_444 = arith.constant 0 : i32
        %dma_start3A_445 = tpu.memref_slice %arg3[%add3A, %add3A_440, %dma_start3A_444] : memref<32x250x40xi32, #tpu.memory_space<hbm>> -> memref<1x1x40xi32, #tpu.memory_space<hbm>>
        %dma_start3A_446 = tpu.memref_squeeze %dma_start3A_445 : memref<1x1x40xi32, #tpu.memory_space<hbm>> -> memref<40xi32, #tpu.memory_space<hbm>>
        tpu.enqueue_dma source(%dma_start3A_446 : memref<40xi32, #tpu.memory_space<hbm>>) target(%arg19 : memref<40xi32, #tpu.memory_space<vmem>>) target_semaphore(%arg49 : memref<!tpu.dma_semaphore, #tpu.memory_space<semaphore_mem>>)
        %dma_start3A_447 = arith.constant 0 : i32
        %dma_start3A_448 = tpu.memref_slice %arg4[%add3A, %add3A_440, %dma_start3A_447] : memref<32x250x40xi32, #tpu.memory_space<hbm>> -> memref<1x1x40xi32, #tpu.memory_space<hbm>>
        %dma_start3A_449 = tpu.memref_squeeze %dma_start3A_448 : memref<1x1x40xi32, #tpu.memory_space<hbm>> -> memref<40xi32, #tpu.memory_space<hbm>>
        %dma_start3A_450 = arith.constant 0 : i32
        %dma_start3A_451 = tpu.memref_slice %arg4[%add3A, %add3A_440, %dma_start3A_450] : memref<32x250x40xi32, #tpu.memory_space<hbm>> -> memref<1x1x40xi32, #tpu.memory_space<hbm>>
        %dma_start3A_452 = tpu.memref_squeeze %dma_start3A_451 : memref<1x1x40xi32, #tpu.memory_space<hbm>> -> memref<40xi32, #tpu.memory_space<hbm>>
        tpu.enqueue_dma source(%dma_start3A_452 : memref<40xi32, #tpu.memory_space<hbm>>) target(%arg29 : memref<40xi32, #tpu.memory_space<vmem>>) target_semaphore(%arg49 : memref<!tpu.dma_semaphore, #tpu.memory_space<semaphore_mem>>)
      } else {
      }
      %lt3A_391 = arith.constant 49 : i32
      %lt3A_392 = arith.cmpi slt, %add3A_339, %lt3A_391 : i32
      %convert_element_type3A_393 = arith.extui %lt3A_392 : i1 to i32
      %cond3A_394 = arith.constant 0 : i32
      %cond3A_395 = arith.cmpi ne, %convert_element_type3A_393, %cond3A_394 : i32
      scf.if %cond3A_395 {
        %dma_wait3A_435 = arith.constant 0 : i32
        %dma_wait3A_436 = arith.constant 0 : i32
        %dma_wait3A_437 = tpu.memref_slice %arg3[%add3A, %dma_wait3A_435, %dma_wait3A_436] : memref<32x250x40xi32, #tpu.memory_space<hbm>> -> memref<1x1x40xi32, #tpu.memory_space<hbm>>
        %dma_wait3A_438 = tpu.memref_squeeze %dma_wait3A_437 : memref<1x1x40xi32, #tpu.memory_space<hbm>> -> memref<40xi32, #tpu.memory_space<hbm>>
        %dma_wait3A_439 = arith.constant 0 : i32
        %dma_wait3A_440 = tpu.memref_slice %arg3[%add3A, %dma_wait3A_435, %dma_wait3A_439] : memref<32x250x40xi32, #tpu.memory_space<hbm>> -> memref<1x1x40xi32, #tpu.memory_space<hbm>>
        %dma_wait3A_441 = tpu.memref_squeeze %dma_wait3A_440 : memref<1x1x40xi32, #tpu.memory_space<hbm>> -> memref<40xi32, #tpu.memory_space<hbm>>
        tpu.wait_dma2 semaphore(%arg44 : memref<!tpu.dma_semaphore, #tpu.memory_space<semaphore_mem>>) src(%dma_wait3A_441 : memref<40xi32, #tpu.memory_space<hbm>>) dst(%arg14 : memref<40xi32, #tpu.memory_space<vmem>>)
        %dma_wait3A_442 = arith.constant 0 : i32
        %dma_wait3A_443 = arith.constant 0 : i32
        %dma_wait3A_444 = tpu.memref_slice %arg4[%add3A, %dma_wait3A_442, %dma_wait3A_443] : memref<32x250x40xi32, #tpu.memory_space<hbm>> -> memref<1x1x40xi32, #tpu.memory_space<hbm>>
        %dma_wait3A_445 = tpu.memref_squeeze %dma_wait3A_444 : memref<1x1x40xi32, #tpu.memory_space<hbm>> -> memref<40xi32, #tpu.memory_space<hbm>>
        %dma_wait3A_446 = arith.constant 0 : i32
        %dma_wait3A_447 = tpu.memref_slice %arg4[%add3A, %dma_wait3A_442, %dma_wait3A_446] : memref<32x250x40xi32, #tpu.memory_space<hbm>> -> memref<1x1x40xi32, #tpu.memory_space<hbm>>
        %dma_wait3A_448 = tpu.memref_squeeze %dma_wait3A_447 : memref<1x1x40xi32, #tpu.memory_space<hbm>> -> memref<40xi32, #tpu.memory_space<hbm>>
        tpu.wait_dma2 semaphore(%arg44 : memref<!tpu.dma_semaphore, #tpu.memory_space<semaphore_mem>>) src(%dma_wait3A_448 : memref<40xi32, #tpu.memory_space<hbm>>) dst(%arg24 : memref<40xi32, #tpu.memory_space<vmem>>)
        %dma_start3A_449 = arith.constant 0 : i32
        %dma_start3A_450 = arith.constant 0 : i32
        %dma_start3A_451 = tpu.memref_slice %arg2[%dma_start3A_449, %dma_start3A_450] : memref<10000x128xf32, #tpu.memory_space<hbm>> -> memref<10000x128xf32, #tpu.memory_space<hbm>>
        tpu.enqueue_indirect_dma source(%dma_start3A_451 : memref<10000x128xf32, #tpu.memory_space<hbm>>) target(%arg9 : memref<40x128xf32, #tpu.memory_space<vmem>>) offsets(%arg14 : memref<40xi32, #tpu.memory_space<vmem>>) semaphore(%arg34 : memref<!tpu.dma_semaphore, #tpu.memory_space<semaphore_mem>>)
      } else {
      }
      %dma_wait3A_396 = arith.constant 0 : i32
      %dma_wait3A_397 = arith.constant 0 : i32
      %dma_wait3A_398 = tpu.memref_slice %arg7[%dma_wait3A_396, %dma_wait3A_397] : memref<10000x128xf32, #tpu.memory_space<vmem_shared>> -> memref<10000x128xf32, #tpu.memory_space<vmem_shared>>
      tpu.wait_indirect_dma semaphore(%arg40 : memref<!tpu.dma_semaphore, #tpu.memory_space<semaphore_mem>>) src(%arg10 : memref<40x128xf32, #tpu.memory_space<vmem>>) dst(%dma_wait3A_398 : memref<10000x128xf32, #tpu.memory_space<vmem_shared>>)
      %lt3A_399 = arith.constant 48 : i32
      %lt3A_400 = arith.cmpi slt, %add3A_339, %lt3A_399 : i32
      %convert_element_type3A_401 = arith.extui %lt3A_400 : i1 to i32
      %cond3A_402 = arith.constant 0 : i32
      %cond3A_403 = arith.cmpi ne, %convert_element_type3A_401, %cond3A_402 : i32
      scf.if %cond3A_403 {
        %mul3A_435 = arith.constant 5 : i32
        %mul3A_436 = arith.muli %add3A_339, %mul3A_435 : i32
        %add3A_437 = arith.constant 10 : i32
        %add3A_438 = arith.addi %mul3A_436, %add3A_437 : i32
        %add3A_439 = arith.constant 2 : i32
        %add3A_440 = arith.addi %add3A_438, %add3A_439 : i32
        %dma_start3A_441 = arith.constant 0 : i32
        %dma_start3A_442 = tpu.memref_slice %arg3[%add3A, %add3A_440, %dma_start3A_441] : memref<32x250x40xi32, #tpu.memory_space<hbm>> -> memref<1x1x40xi32, #tpu.memory_space<hbm>>
        %dma_start3A_443 = tpu.memref_squeeze %dma_start3A_442 : memref<1x1x40xi32, #tpu.memory_space<hbm>> -> memref<40xi32, #tpu.memory_space<hbm>>
        %dma_start3A_444 = arith.constant 0 : i32
        %dma_start3A_445 = tpu.memref_slice %arg3[%add3A, %add3A_440, %dma_start3A_444] : memref<32x250x40xi32, #tpu.memory_space<hbm>> -> memref<1x1x40xi32, #tpu.memory_space<hbm>>
        %dma_start3A_446 = tpu.memref_squeeze %dma_start3A_445 : memref<1x1x40xi32, #tpu.memory_space<hbm>> -> memref<40xi32, #tpu.memory_space<hbm>>
        tpu.enqueue_dma source(%dma_start3A_446 : memref<40xi32, #tpu.memory_space<hbm>>) target(%arg20 : memref<40xi32, #tpu.memory_space<vmem>>) target_semaphore(%arg50 : memref<!tpu.dma_semaphore, #tpu.memory_space<semaphore_mem>>)
        %dma_start3A_447 = arith.constant 0 : i32
        %dma_start3A_448 = tpu.memref_slice %arg4[%add3A, %add3A_440, %dma_start3A_447] : memref<32x250x40xi32, #tpu.memory_space<hbm>> -> memref<1x1x40xi32, #tpu.memory_space<hbm>>
        %dma_start3A_449 = tpu.memref_squeeze %dma_start3A_448 : memref<1x1x40xi32, #tpu.memory_space<hbm>> -> memref<40xi32, #tpu.memory_space<hbm>>
        %dma_start3A_450 = arith.constant 0 : i32
        %dma_start3A_451 = tpu.memref_slice %arg4[%add3A, %add3A_440, %dma_start3A_450] : memref<32x250x40xi32, #tpu.memory_space<hbm>> -> memref<1x1x40xi32, #tpu.memory_space<hbm>>
        %dma_start3A_452 = tpu.memref_squeeze %dma_start3A_451 : memref<1x1x40xi32, #tpu.memory_space<hbm>> -> memref<40xi32, #tpu.memory_space<hbm>>
        tpu.enqueue_dma source(%dma_start3A_452 : memref<40xi32, #tpu.memory_space<hbm>>) target(%arg30 : memref<40xi32, #tpu.memory_space<vmem>>) target_semaphore(%arg50 : memref<!tpu.dma_semaphore, #tpu.memory_space<semaphore_mem>>)
      } else {
      }
      %lt3A_404 = arith.constant 49 : i32
      %lt3A_405 = arith.cmpi slt, %add3A_339, %lt3A_404 : i32
      %convert_element_type3A_406 = arith.extui %lt3A_405 : i1 to i32
      %cond3A_407 = arith.constant 0 : i32
      %cond3A_408 = arith.cmpi ne, %convert_element_type3A_406, %cond3A_407 : i32
      scf.if %cond3A_408 {
        %dma_wait3A_435 = arith.constant 0 : i32
        %dma_wait3A_436 = arith.constant 0 : i32
        %dma_wait3A_437 = tpu.memref_slice %arg3[%add3A, %dma_wait3A_435, %dma_wait3A_436] : memref<32x250x40xi32, #tpu.memory_space<hbm>> -> memref<1x1x40xi32, #tpu.memory_space<hbm>>
        %dma_wait3A_438 = tpu.memref_squeeze %dma_wait3A_437 : memref<1x1x40xi32, #tpu.memory_space<hbm>> -> memref<40xi32, #tpu.memory_space<hbm>>
        %dma_wait3A_439 = arith.constant 0 : i32
        %dma_wait3A_440 = tpu.memref_slice %arg3[%add3A, %dma_wait3A_435, %dma_wait3A_439] : memref<32x250x40xi32, #tpu.memory_space<hbm>> -> memref<1x1x40xi32, #tpu.memory_space<hbm>>
        %dma_wait3A_441 = tpu.memref_squeeze %dma_wait3A_440 : memref<1x1x40xi32, #tpu.memory_space<hbm>> -> memref<40xi32, #tpu.memory_space<hbm>>
        tpu.wait_dma2 semaphore(%arg45 : memref<!tpu.dma_semaphore, #tpu.memory_space<semaphore_mem>>) src(%dma_wait3A_441 : memref<40xi32, #tpu.memory_space<hbm>>) dst(%arg15 : memref<40xi32, #tpu.memory_space<vmem>>)
        %dma_wait3A_442 = arith.constant 0 : i32
        %dma_wait3A_443 = arith.constant 0 : i32
        %dma_wait3A_444 = tpu.memref_slice %arg4[%add3A, %dma_wait3A_442, %dma_wait3A_443] : memref<32x250x40xi32, #tpu.memory_space<hbm>> -> memref<1x1x40xi32, #tpu.memory_space<hbm>>
        %dma_wait3A_445 = tpu.memref_squeeze %dma_wait3A_444 : memref<1x1x40xi32, #tpu.memory_space<hbm>> -> memref<40xi32, #tpu.memory_space<hbm>>
        %dma_wait3A_446 = arith.constant 0 : i32
        %dma_wait3A_447 = tpu.memref_slice %arg4[%add3A, %dma_wait3A_442, %dma_wait3A_446] : memref<32x250x40xi32, #tpu.memory_space<hbm>> -> memref<1x1x40xi32, #tpu.memory_space<hbm>>
        %dma_wait3A_448 = tpu.memref_squeeze %dma_wait3A_447 : memref<1x1x40xi32, #tpu.memory_space<hbm>> -> memref<40xi32, #tpu.memory_space<hbm>>
        tpu.wait_dma2 semaphore(%arg45 : memref<!tpu.dma_semaphore, #tpu.memory_space<semaphore_mem>>) src(%dma_wait3A_448 : memref<40xi32, #tpu.memory_space<hbm>>) dst(%arg25 : memref<40xi32, #tpu.memory_space<vmem>>)
        %dma_start3A_449 = arith.constant 0 : i32
        %dma_start3A_450 = arith.constant 0 : i32
        %dma_start3A_451 = tpu.memref_slice %arg2[%dma_start3A_449, %dma_start3A_450] : memref<10000x128xf32, #tpu.memory_space<hbm>> -> memref<10000x128xf32, #tpu.memory_space<hbm>>
        tpu.enqueue_indirect_dma source(%dma_start3A_451 : memref<10000x128xf32, #tpu.memory_space<hbm>>) target(%arg10 : memref<40x128xf32, #tpu.memory_space<vmem>>) offsets(%arg15 : memref<40xi32, #tpu.memory_space<vmem>>) semaphore(%arg35 : memref<!tpu.dma_semaphore, #tpu.memory_space<semaphore_mem>>)
      } else {
      }
      %dma_wait3A_409 = arith.constant 0 : i32
      %dma_wait3A_410 = arith.constant 0 : i32
      %dma_wait3A_411 = tpu.memref_slice %arg7[%dma_wait3A_409, %dma_wait3A_410] : memref<10000x128xf32, #tpu.memory_space<vmem_shared>> -> memref<10000x128xf32, #tpu.memory_space<vmem_shared>>
      tpu.wait_indirect_dma semaphore(%arg41 : memref<!tpu.dma_semaphore, #tpu.memory_space<semaphore_mem>>) src(%arg11 : memref<40x128xf32, #tpu.memory_space<vmem>>) dst(%dma_wait3A_411 : memref<10000x128xf32, #tpu.memory_space<vmem_shared>>)
      %lt3A_412 = arith.constant 48 : i32
      %lt3A_413 = arith.cmpi slt, %add3A_339, %lt3A_412 : i32
      %convert_element_type3A_414 = arith.extui %lt3A_413 : i1 to i32
      %cond3A_415 = arith.constant 0 : i32
      %cond3A_416 = arith.cmpi ne, %convert_element_type3A_414, %cond3A_415 : i32
      scf.if %cond3A_416 {
        %mul3A_435 = arith.constant 5 : i32
        %mul3A_436 = arith.muli %add3A_339, %mul3A_435 : i32
        %add3A_437 = arith.constant 10 : i32
        %add3A_438 = arith.addi %mul3A_436, %add3A_437 : i32
        %add3A_439 = arith.constant 3 : i32
        %add3A_440 = arith.addi %add3A_438, %add3A_439 : i32
        %dma_start3A_441 = arith.constant 0 : i32
        %dma_start3A_442 = tpu.memref_slice %arg3[%add3A, %add3A_440, %dma_start3A_441] : memref<32x250x40xi32, #tpu.memory_space<hbm>> -> memref<1x1x40xi32, #tpu.memory_space<hbm>>
        %dma_start3A_443 = tpu.memref_squeeze %dma_start3A_442 : memref<1x1x40xi32, #tpu.memory_space<hbm>> -> memref<40xi32, #tpu.memory_space<hbm>>
        %dma_start3A_444 = arith.constant 0 : i32
        %dma_start3A_445 = tpu.memref_slice %arg3[%add3A, %add3A_440, %dma_start3A_444] : memref<32x250x40xi32, #tpu.memory_space<hbm>> -> memref<1x1x40xi32, #tpu.memory_space<hbm>>
        %dma_start3A_446 = tpu.memref_squeeze %dma_start3A_445 : memref<1x1x40xi32, #tpu.memory_space<hbm>> -> memref<40xi32, #tpu.memory_space<hbm>>
        tpu.enqueue_dma source(%dma_start3A_446 : memref<40xi32, #tpu.memory_space<hbm>>) target(%arg21 : memref<40xi32, #tpu.memory_space<vmem>>) target_semaphore(%arg51 : memref<!tpu.dma_semaphore, #tpu.memory_space<semaphore_mem>>)
        %dma_start3A_447 = arith.constant 0 : i32
        %dma_start3A_448 = tpu.memref_slice %arg4[%add3A, %add3A_440, %dma_start3A_447] : memref<32x250x40xi32, #tpu.memory_space<hbm>> -> memref<1x1x40xi32, #tpu.memory_space<hbm>>
        %dma_start3A_449 = tpu.memref_squeeze %dma_start3A_448 : memref<1x1x40xi32, #tpu.memory_space<hbm>> -> memref<40xi32, #tpu.memory_space<hbm>>
        %dma_start3A_450 = arith.constant 0 : i32
        %dma_start3A_451 = tpu.memref_slice %arg4[%add3A, %add3A_440, %dma_start3A_450] : memref<32x250x40xi32, #tpu.memory_space<hbm>> -> memref<1x1x40xi32, #tpu.memory_space<hbm>>
        %dma_start3A_452 = tpu.memref_squeeze %dma_start3A_451 : memref<1x1x40xi32, #tpu.memory_space<hbm>> -> memref<40xi32, #tpu.memory_space<hbm>>
        tpu.enqueue_dma source(%dma_start3A_452 : memref<40xi32, #tpu.memory_space<hbm>>) target(%arg31 : memref<40xi32, #tpu.memory_space<vmem>>) target_semaphore(%arg51 : memref<!tpu.dma_semaphore, #tpu.memory_space<semaphore_mem>>)
      } else {
      }
      %lt3A_417 = arith.constant 49 : i32
      %lt3A_418 = arith.cmpi slt, %add3A_339, %lt3A_417 : i32
      %convert_element_type3A_419 = arith.extui %lt3A_418 : i1 to i32
      %cond3A_420 = arith.constant 0 : i32
      %cond3A_421 = arith.cmpi ne, %convert_element_type3A_419, %cond3A_420 : i32
      scf.if %cond3A_421 {
        %dma_wait3A_435 = arith.constant 0 : i32
        %dma_wait3A_436 = arith.constant 0 : i32
        %dma_wait3A_437 = tpu.memref_slice %arg3[%add3A, %dma_wait3A_435, %dma_wait3A_436] : memref<32x250x40xi32, #tpu.memory_space<hbm>> -> memref<1x1x40xi32, #tpu.memory_space<hbm>>
        %dma_wait3A_438 = tpu.memref_squeeze %dma_wait3A_437 : memref<1x1x40xi32, #tpu.memory_space<hbm>> -> memref<40xi32, #tpu.memory_space<hbm>>
        %dma_wait3A_439 = arith.constant 0 : i32
        %dma_wait3A_440 = tpu.memref_slice %arg3[%add3A, %dma_wait3A_435, %dma_wait3A_439] : memref<32x250x40xi32, #tpu.memory_space<hbm>> -> memref<1x1x40xi32, #tpu.memory_space<hbm>>
        %dma_wait3A_441 = tpu.memref_squeeze %dma_wait3A_440 : memref<1x1x40xi32, #tpu.memory_space<hbm>> -> memref<40xi32, #tpu.memory_space<hbm>>
        tpu.wait_dma2 semaphore(%arg46 : memref<!tpu.dma_semaphore, #tpu.memory_space<semaphore_mem>>) src(%dma_wait3A_441 : memref<40xi32, #tpu.memory_space<hbm>>) dst(%arg16 : memref<40xi32, #tpu.memory_space<vmem>>)
        %dma_wait3A_442 = arith.constant 0 : i32
        %dma_wait3A_443 = arith.constant 0 : i32
        %dma_wait3A_444 = tpu.memref_slice %arg4[%add3A, %dma_wait3A_442, %dma_wait3A_443] : memref<32x250x40xi32, #tpu.memory_space<hbm>> -> memref<1x1x40xi32, #tpu.memory_space<hbm>>
        %dma_wait3A_445 = tpu.memref_squeeze %dma_wait3A_444 : memref<1x1x40xi32, #tpu.memory_space<hbm>> -> memref<40xi32, #tpu.memory_space<hbm>>
        %dma_wait3A_446 = arith.constant 0 : i32
        %dma_wait3A_447 = tpu.memref_slice %arg4[%add3A, %dma_wait3A_442, %dma_wait3A_446] : memref<32x250x40xi32, #tpu.memory_space<hbm>> -> memref<1x1x40xi32, #tpu.memory_space<hbm>>
        %dma_wait3A_448 = tpu.memref_squeeze %dma_wait3A_447 : memref<1x1x40xi32, #tpu.memory_space<hbm>> -> memref<40xi32, #tpu.memory_space<hbm>>
        tpu.wait_dma2 semaphore(%arg46 : memref<!tpu.dma_semaphore, #tpu.memory_space<semaphore_mem>>) src(%dma_wait3A_448 : memref<40xi32, #tpu.memory_space<hbm>>) dst(%arg26 : memref<40xi32, #tpu.memory_space<vmem>>)
        %dma_start3A_449 = arith.constant 0 : i32
        %dma_start3A_450 = arith.constant 0 : i32
        %dma_start3A_451 = tpu.memref_slice %arg2[%dma_start3A_449, %dma_start3A_450] : memref<10000x128xf32, #tpu.memory_space<hbm>> -> memref<10000x128xf32, #tpu.memory_space<hbm>>
        tpu.enqueue_indirect_dma source(%dma_start3A_451 : memref<10000x128xf32, #tpu.memory_space<hbm>>) target(%arg11 : memref<40x128xf32, #tpu.memory_space<vmem>>) offsets(%arg16 : memref<40xi32, #tpu.memory_space<vmem>>) semaphore(%arg36 : memref<!tpu.dma_semaphore, #tpu.memory_space<semaphore_mem>>)
      } else {
      }
      %dma_wait3A_422 = arith.constant 0 : i32
      %dma_wait3A_423 = arith.constant 0 : i32
      %dma_wait3A_424 = tpu.memref_slice %arg7[%dma_wait3A_422, %dma_wait3A_423] : memref<10000x128xf32, #tpu.memory_space<vmem_shared>> -> memref<10000x128xf32, #tpu.memory_space<vmem_shared>>
      tpu.wait_indirect_dma semaphore(%arg42 : memref<!tpu.dma_semaphore, #tpu.memory_space<semaphore_mem>>) src(%arg12 : memref<40x128xf32, #tpu.memory_space<vmem>>) dst(%dma_wait3A_424 : memref<10000x128xf32, #tpu.memory_space<vmem_shared>>)
      %lt3A_425 = arith.constant 48 : i32
      %lt3A_426 = arith.cmpi slt, %add3A_339, %lt3A_425 : i32
      %convert_element_type3A_427 = arith.extui %lt3A_426 : i1 to i32
      %cond3A_428 = arith.constant 0 : i32
      %cond3A_429 = arith.cmpi ne, %convert_element_type3A_427, %cond3A_428 : i32
      scf.if %cond3A_429 {
        %mul3A_435 = arith.constant 5 : i32
        %mul3A_436 = arith.muli %add3A_339, %mul3A_435 : i32
        %add3A_437 = arith.constant 10 : i32
        %add3A_438 = arith.addi %mul3A_436, %add3A_437 : i32
        %add3A_439 = arith.constant 4 : i32
        %add3A_440 = arith.addi %add3A_438, %add3A_439 : i32
        %dma_start3A_441 = arith.constant 0 : i32
        %dma_start3A_442 = tpu.memref_slice %arg3[%add3A, %add3A_440, %dma_start3A_441] : memref<32x250x40xi32, #tpu.memory_space<hbm>> -> memref<1x1x40xi32, #tpu.memory_space<hbm>>
        %dma_start3A_443 = tpu.memref_squeeze %dma_start3A_442 : memref<1x1x40xi32, #tpu.memory_space<hbm>> -> memref<40xi32, #tpu.memory_space<hbm>>
        %dma_start3A_444 = arith.constant 0 : i32
        %dma_start3A_445 = tpu.memref_slice %arg3[%add3A, %add3A_440, %dma_start3A_444] : memref<32x250x40xi32, #tpu.memory_space<hbm>> -> memref<1x1x40xi32, #tpu.memory_space<hbm>>
        %dma_start3A_446 = tpu.memref_squeeze %dma_start3A_445 : memref<1x1x40xi32, #tpu.memory_space<hbm>> -> memref<40xi32, #tpu.memory_space<hbm>>
        tpu.enqueue_dma source(%dma_start3A_446 : memref<40xi32, #tpu.memory_space<hbm>>) target(%arg22 : memref<40xi32, #tpu.memory_space<vmem>>) target_semaphore(%arg52 : memref<!tpu.dma_semaphore, #tpu.memory_space<semaphore_mem>>)
        %dma_start3A_447 = arith.constant 0 : i32
        %dma_start3A_448 = tpu.memref_slice %arg4[%add3A, %add3A_440, %dma_start3A_447] : memref<32x250x40xi32, #tpu.memory_space<hbm>> -> memref<1x1x40xi32, #tpu.memory_space<hbm>>
        %dma_start3A_449 = tpu.memref_squeeze %dma_start3A_448 : memref<1x1x40xi32, #tpu.memory_space<hbm>> -> memref<40xi32, #tpu.memory_space<hbm>>
        %dma_start3A_450 = arith.constant 0 : i32
        %dma_start3A_451 = tpu.memref_slice %arg4[%add3A, %add3A_440, %dma_start3A_450] : memref<32x250x40xi32, #tpu.memory_space<hbm>> -> memref<1x1x40xi32, #tpu.memory_space<hbm>>
        %dma_start3A_452 = tpu.memref_squeeze %dma_start3A_451 : memref<1x1x40xi32, #tpu.memory_space<hbm>> -> memref<40xi32, #tpu.memory_space<hbm>>
        tpu.enqueue_dma source(%dma_start3A_452 : memref<40xi32, #tpu.memory_space<hbm>>) target(%arg32 : memref<40xi32, #tpu.memory_space<vmem>>) target_semaphore(%arg52 : memref<!tpu.dma_semaphore, #tpu.memory_space<semaphore_mem>>)
      } else {
      }
      %lt3A_430 = arith.constant 49 : i32
      %lt3A_431 = arith.cmpi slt, %add3A_339, %lt3A_430 : i32
      %convert_element_type3A_432 = arith.extui %lt3A_431 : i1 to i32
      %cond3A_433 = arith.constant 0 : i32
      %cond3A_434 = arith.cmpi ne, %convert_element_type3A_432, %cond3A_433 : i32
      scf.if %cond3A_434 {
        %dma_wait3A_435 = arith.constant 0 : i32
        %dma_wait3A_436 = arith.constant 0 : i32
        %dma_wait3A_437 = tpu.memref_slice %arg3[%add3A, %dma_wait3A_435, %dma_wait3A_436] : memref<32x250x40xi32, #tpu.memory_space<hbm>> -> memref<1x1x40xi32, #tpu.memory_space<hbm>>
        %dma_wait3A_438 = tpu.memref_squeeze %dma_wait3A_437 : memref<1x1x40xi32, #tpu.memory_space<hbm>> -> memref<40xi32, #tpu.memory_space<hbm>>
        %dma_wait3A_439 = arith.constant 0 : i32
        %dma_wait3A_440 = tpu.memref_slice %arg3[%add3A, %dma_wait3A_435, %dma_wait3A_439] : memref<32x250x40xi32, #tpu.memory_space<hbm>> -> memref<1x1x40xi32, #tpu.memory_space<hbm>>
        %dma_wait3A_441 = tpu.memref_squeeze %dma_wait3A_440 : memref<1x1x40xi32, #tpu.memory_space<hbm>> -> memref<40xi32, #tpu.memory_space<hbm>>
        tpu.wait_dma2 semaphore(%arg47 : memref<!tpu.dma_semaphore, #tpu.memory_space<semaphore_mem>>) src(%dma_wait3A_441 : memref<40xi32, #tpu.memory_space<hbm>>) dst(%arg17 : memref<40xi32, #tpu.memory_space<vmem>>)
        %dma_wait3A_442 = arith.constant 0 : i32
        %dma_wait3A_443 = arith.constant 0 : i32
        %dma_wait3A_444 = tpu.memref_slice %arg4[%add3A, %dma_wait3A_442, %dma_wait3A_443] : memref<32x250x40xi32, #tpu.memory_space<hbm>> -> memref<1x1x40xi32, #tpu.memory_space<hbm>>
        %dma_wait3A_445 = tpu.memref_squeeze %dma_wait3A_444 : memref<1x1x40xi32, #tpu.memory_space<hbm>> -> memref<40xi32, #tpu.memory_space<hbm>>
        %dma_wait3A_446 = arith.constant 0 : i32
        %dma_wait3A_447 = tpu.memref_slice %arg4[%add3A, %dma_wait3A_442, %dma_wait3A_446] : memref<32x250x40xi32, #tpu.memory_space<hbm>> -> memref<1x1x40xi32, #tpu.memory_space<hbm>>
        %dma_wait3A_448 = tpu.memref_squeeze %dma_wait3A_447 : memref<1x1x40xi32, #tpu.memory_space<hbm>> -> memref<40xi32, #tpu.memory_space<hbm>>
        tpu.wait_dma2 semaphore(%arg47 : memref<!tpu.dma_semaphore, #tpu.memory_space<semaphore_mem>>) src(%dma_wait3A_448 : memref<40xi32, #tpu.memory_space<hbm>>) dst(%arg27 : memref<40xi32, #tpu.memory_space<vmem>>)
        %dma_start3A_449 = arith.constant 0 : i32
        %dma_start3A_450 = arith.constant 0 : i32
        %dma_start3A_451 = tpu.memref_slice %arg2[%dma_start3A_449, %dma_start3A_450] : memref<10000x128xf32, #tpu.memory_space<hbm>> -> memref<10000x128xf32, #tpu.memory_space<hbm>>
        tpu.enqueue_indirect_dma source(%dma_start3A_451 : memref<10000x128xf32, #tpu.memory_space<hbm>>) target(%arg12 : memref<40x128xf32, #tpu.memory_space<vmem>>) offsets(%arg17 : memref<40xi32, #tpu.memory_space<vmem>>) semaphore(%arg37 : memref<!tpu.dma_semaphore, #tpu.memory_space<semaphore_mem>>)
      } else {
      }
    }
    %scan3A_232 = arith.constant 25 : i32
    %barrier3A_233 = arith.constant 0 : index
    tpu.barrier barrier_id(%barrier3A_233)
    "tpu.region"() ({
      %run_scoped3A = tpu.sem_alloc : memref<!tpu.dma_semaphore, #tpu.memory_space<semaphore_mem>>
      %dma_start3A_239 = arith.constant 0 : i32
      %dma_start3A_240 = tpu.memref_slice %arg6[%arg0, %mul3A_2, %dma_start3A_239] : memref<2x10000x128xf32, #tpu.memory_space<hbm>> -> memref<1x624x128xf32, #tpu.memory_space<hbm>>
      %dma_start3A_241 = tpu.memref_squeeze %dma_start3A_240 : memref<1x624x128xf32, #tpu.memory_space<hbm>> -> memref<624x128xf32, #tpu.memory_space<hbm>>
      %dma_start3A_242 = arith.constant 0 : i32
      %dma_start3A_243 = tpu.memref_slice %arg7[%mul3A_2, %dma_start3A_242] : memref<10000x128xf32, #tpu.memory_space<vmem_shared>> -> memref<624x128xf32, #tpu.memory_space<vmem_shared>>
      tpu.enqueue_dma source(%dma_start3A_243 : memref<624x128xf32, #tpu.memory_space<vmem_shared>>) target(%dma_start3A_241 : memref<624x128xf32, #tpu.memory_space<hbm>>) target_semaphore(%run_scoped3A : memref<!tpu.dma_semaphore, #tpu.memory_space<semaphore_mem>>)
      %dma_wait3A_244 = arith.constant 0 : i32
      %dma_wait3A_245 = tpu.memref_slice %arg6[%arg0, %mul3A_2, %dma_wait3A_244] : memref<2x10000x128xf32, #tpu.memory_space<hbm>> -> memref<1x624x128xf32, #tpu.memory_space<hbm>>
      %dma_wait3A_246 = tpu.memref_squeeze %dma_wait3A_245 : memref<1x624x128xf32, #tpu.memory_space<hbm>> -> memref<624x128xf32, #tpu.memory_space<hbm>>
      %dma_wait3A_247 = arith.constant 0 : i32
      %dma_wait3A_248 = tpu.memref_slice %arg7[%mul3A_2, %dma_wait3A_247] : memref<10000x128xf32, #tpu.memory_space<vmem_shared>> -> memref<624x128xf32, #tpu.memory_space<vmem_shared>>
      tpu.wait_dma2 semaphore(%run_scoped3A : memref<!tpu.dma_semaphore, #tpu.memory_space<semaphore_mem>>) src(%dma_wait3A_248 : memref<624x128xf32, #tpu.memory_space<vmem_shared>>) dst(%dma_wait3A_246 : memref<624x128xf32, #tpu.memory_space<hbm>>)
      tpu.yield
    }) : () -> ()
    %eq3A_234 = arith.constant 15 : i32
    %eq3A_235 = arith.cmpi eq, %arg1, %eq3A_234 : i32
    %convert_element_type3A_236 = arith.extui %eq3A_235 : i1 to i32
    %cond3A_237 = arith.constant 0 : i32
    %cond3A_238 = arith.cmpi ne, %convert_element_type3A_236, %cond3A_237 : i32
    scf.if %cond3A_238 {
      "tpu.region"() ({
        %run_scoped3A = tpu.sem_alloc : memref<!tpu.dma_semaphore, #tpu.memory_space<semaphore_mem>>
        %dma_start3A_239 = arith.constant 9984 : i32
        %dma_start3A_240 = arith.constant 0 : i32
        %dma_start3A_241 = tpu.memref_slice %arg6[%arg0, %dma_start3A_239, %dma_start3A_240] : memref<2x10000x128xf32, #tpu.memory_space<hbm>> -> memref<1x16x128xf32, #tpu.memory_space<hbm>>
        %dma_start3A_242 = tpu.memref_squeeze %dma_start3A_241 : memref<1x16x128xf32, #tpu.memory_space<hbm>> -> memref<16x128xf32, #tpu.memory_space<hbm>>
        %dma_start3A_243 = arith.constant 9984 : i32
        %dma_start3A_244 = arith.constant 0 : i32
        %dma_start3A_245 = tpu.memref_slice %arg7[%dma_start3A_243, %dma_start3A_244] : memref<10000x128xf32, #tpu.memory_space<vmem_shared>> -> memref<16x128xf32, #tpu.memory_space<vmem_shared>>
        tpu.enqueue_dma source(%dma_start3A_245 : memref<16x128xf32, #tpu.memory_space<vmem_shared>>) target(%dma_start3A_242 : memref<16x128xf32, #tpu.memory_space<hbm>>) target_semaphore(%run_scoped3A : memref<!tpu.dma_semaphore, #tpu.memory_space<semaphore_mem>>)
        %dma_wait3A_246 = arith.constant 9984 : i32
        %dma_wait3A_247 = arith.constant 0 : i32
        %dma_wait3A_248 = tpu.memref_slice %arg6[%arg0, %dma_wait3A_246, %dma_wait3A_247] : memref<2x10000x128xf32, #tpu.memory_space<hbm>> -> memref<1x16x128xf32, #tpu.memory_space<hbm>>
        %dma_wait3A_249 = tpu.memref_squeeze %dma_wait3A_248 : memref<1x16x128xf32, #tpu.memory_space<hbm>> -> memref<16x128xf32, #tpu.memory_space<hbm>>
        %dma_wait3A_250 = arith.constant 9984 : i32
        %dma_wait3A_251 = arith.constant 0 : i32
        %dma_wait3A_252 = tpu.memref_slice %arg7[%dma_wait3A_250, %dma_wait3A_251] : memref<10000x128xf32, #tpu.memory_space<vmem_shared>> -> memref<16x128xf32, #tpu.memory_space<vmem_shared>>
        tpu.wait_dma2 semaphore(%run_scoped3A : memref<!tpu.dma_semaphore, #tpu.memory_space<semaphore_mem>>) src(%dma_wait3A_252 : memref<16x128xf32, #tpu.memory_space<vmem_shared>>) dst(%dma_wait3A_249 : memref<16x128xf32, #tpu.memory_space<hbm>>)
        tpu.yield
      }) : () -> ()
    } else {
    }
    return
  }
}

module attributes {stable_mosaic.version = 14 : i64} {
  func.func @body(%arg0: i32, %arg1: memref<1000x128xf32, #tpu.memory_space<vmem>>, %arg2: memref<128x128xf32, #tpu.memory_space<vmem>>, %arg3: memref<128x128xf32, #tpu.memory_space<vmem>>, %arg4: memref<1x128xf32, #tpu.memory_space<vmem>>, %arg5: memref<1000x128xf32, #tpu.memory_space<vmem>>, %arg6: memref<1000x128xf32, #tpu.memory_space<vmem>>) attributes {dimension_semantics = [#tpu.dimension_semantics<arbitrary>], iteration_bounds = array<i64: 10>, scalar_prefetch = 0 : i64, scratch_operands = 0 : i64, tpu.core_type = #tpu.core_type<tc>, window_params = [{transform_indices = @transform_0, window_bounds = array<i64: 1000, 128>}, {pipeline_mode = #tpu.pipeline_mode<synchronous>, transform_indices = @transform_1, window_bounds = array<i64: 128, 128>}, {pipeline_mode = #tpu.pipeline_mode<synchronous>, transform_indices = @transform_2, window_bounds = array<i64: 128, 128>}, {pipeline_mode = #tpu.pipeline_mode<synchronous>, transform_indices = @transform_3, window_bounds = array<i64: 1, 128>}, {transform_indices = @transform_4, window_bounds = array<i64: 1000, 128>}, {transform_indices = @transform_5, window_bounds = array<i64: 1000, 128>}]} {
    %get3A = arith.constant 0 : index
    %get3A_0 = arith.constant 0 : index
    %get3A_1 = vector.load %arg1[%get3A, %get3A_0] : memref<1000x128xf32, #tpu.memory_space<vmem>>, vector<1000x128xf32>
    %get3A_2 = arith.constant 0 : index
    %get3A_3 = arith.constant 0 : index
    %get3A_4 = vector.load %arg2[%get3A_2, %get3A_3] : memref<128x128xf32, #tpu.memory_space<vmem>>, vector<128x128xf32>
    %dot_general3A = arith.constant dense<0.000000e+00> : vector<1000x128xf32>
    %dot_general3A_5 = tpu.matmul %get3A_1, %get3A_4, %dot_general3A {dimension_numbers = #tpu.dot_dimension_numbers<[1], [1], [0], [0], [0, 0, 1, 0], [], []>, transpose_lhs_hint = false} : vector<1000x128xf32>, vector<128x128xf32>, vector<1000x128xf32> -> vector<1000x128xf32>
    %swap3A = arith.constant 0 : index
    %swap3A_6 = arith.constant 0 : index
    %swap3A_7 = vector.load %arg5[%swap3A, %swap3A_6] : memref<1000x128xf32, #tpu.memory_space<vmem>>, vector<1000x128xf32>
    tpu.vector_store %arg5[%swap3A, %swap3A_6], %dot_general3A_5 {strides = array<i32>} : memref<1000x128xf32, #tpu.memory_space<vmem>>, vector<1000x128xf32>,
    %get3A_8 = arith.constant 0 : index
    %get3A_9 = arith.constant 0 : index
    %get3A_10 = vector.load %arg3[%get3A_8, %get3A_9] : memref<128x128xf32, #tpu.memory_space<vmem>>, vector<128x128xf32>
    %dot_general3A_11 = arith.constant dense<0.000000e+00> : vector<1000x128xf32>
    %dot_general3A_12 = tpu.matmul %get3A_1, %get3A_10, %dot_general3A_11 {dimension_numbers = #tpu.dot_dimension_numbers<[1], [1], [0], [0], [0, 0, 1, 0], [], []>, transpose_lhs_hint = false} : vector<1000x128xf32>, vector<128x128xf32>, vector<1000x128xf32> -> vector<1000x128xf32>
    %get3A_13 = arith.constant 0 : index
    %get3A_14 = arith.constant 0 : index
    %get3A_15 = vector.load %arg4[%get3A_13, %get3A_14] : memref<1x128xf32, #tpu.memory_space<vmem>>, vector<1x128xf32>
    %add3A = vector.broadcast %get3A_15 : vector<1x128xf32> to vector<1000x128xf32>
    %add3A_16 = arith.addf %dot_general3A_12, %add3A : vector<1000x128xf32>
    %swap3A_17 = arith.constant 0 : index
    %swap3A_18 = arith.constant 0 : index
    %swap3A_19 = vector.load %arg6[%swap3A_17, %swap3A_18] : memref<1000x128xf32, #tpu.memory_space<vmem>>, vector<1000x128xf32>
    tpu.vector_store %arg6[%swap3A_17, %swap3A_18], %add3A_16 {strides = array<i32>} : memref<1000x128xf32, #tpu.memory_space<vmem>>, vector<1000x128xf32>,
    return
  }
  func.func @transform_0(%arg0: i32) -> (i32, i32) {
    %c0_i32 = arith.constant 0 : i32
    %c0_i32_0 = arith.constant 0 : i32
    return %arg0, %c0_i32 : i32, i32
  }
  func.func @transform_1(%arg0: i32) -> (i32, i32) {
    %c0_i32 = arith.constant 0 : i32
    %c0_i32_0 = arith.constant 0 : i32
    %c0_i32_1 = arith.constant 0 : i32
    return %c0_i32, %c0_i32_0 : i32, i32
  }
  func.func @transform_2(%arg0: i32) -> (i32, i32) {
    %c0_i32 = arith.constant 0 : i32
    %c0_i32_0 = arith.constant 0 : i32
    %c0_i32_1 = arith.constant 0 : i32
    return %c0_i32, %c0_i32_0 : i32, i32
  }
  func.func @transform_3(%arg0: i32) -> (i32, i32) {
    %c0_i32 = arith.constant 0 : i32
    %c0_i32_0 = arith.constant 0 : i32
    %c0_i32_1 = arith.constant 0 : i32
    return %c0_i32, %c0_i32_0 : i32, i32
  }
  func.func @transform_4(%arg0: i32) -> (i32, i32) {
    %c0_i32 = arith.constant 0 : i32
    %c0_i32_0 = arith.constant 0 : i32
    return %arg0, %c0_i32 : i32, i32
  }
  func.func @transform_5(%arg0: i32) -> (i32, i32) {
    %c0_i32 = arith.constant 0 : i32
    %c0_i32_0 = arith.constant 0 : i32
    return %arg0, %c0_i32 : i32, i32
  }
}

module attributes {stable_mosaic.version = 14 : i64} {
  func.func @body(%arg0: i32, %arg1: memref<2x1000x128xf32, #tpu.memory_space<vmem>>, %arg2: memref<2x1000x1xf32, #tpu.memory_space<vmem>>, %arg3: memref<1000x128xf32, #tpu.memory_space<vmem>>, %arg4: memref<1x128xf32, #tpu.memory_space<vmem>>, %arg5: memref<1x128xf32, #tpu.memory_space<vmem>>, %arg6: memref<128x128xf32, #tpu.memory_space<vmem>>, %arg7: memref<128x128xf32, #tpu.memory_space<vmem>>, %arg8: memref<1x128xf32, #tpu.memory_space<vmem>>, %arg9: memref<1000x128xf32, #tpu.memory_space<vmem>>, %arg10: memref<1000x128xf32, #tpu.memory_space<vmem>>) attributes {dimension_semantics = [#tpu.dimension_semantics<arbitrary>], iteration_bounds = array<i64: 10>, scalar_prefetch = 0 : i64, scratch_operands = 0 : i64, tpu.core_type = #tpu.core_type<tc>, window_params = [{transform_indices = @transform_0, window_bounds = array<i64: 2, 1000, 128>}, {transform_indices = @transform_1, window_bounds = array<i64: 2, 1000, 1>}, {transform_indices = @transform_2, window_bounds = array<i64: 1000, 128>}, {pipeline_mode = #tpu.pipeline_mode<synchronous>, transform_indices = @transform_3, window_bounds = array<i64: 1, 128>}, {pipeline_mode = #tpu.pipeline_mode<synchronous>, transform_indices = @transform_4, window_bounds = array<i64: 1, 128>}, {pipeline_mode = #tpu.pipeline_mode<synchronous>, transform_indices = @transform_5, window_bounds = array<i64: 128, 128>}, {pipeline_mode = #tpu.pipeline_mode<synchronous>, transform_indices = @transform_6, window_bounds = array<i64: 128, 128>}, {pipeline_mode = #tpu.pipeline_mode<synchronous>, transform_indices = @transform_7, window_bounds = array<i64: 1, 128>}, {transform_indices = @transform_8, window_bounds = array<i64: 1000, 128>}, {transform_indices = @transform_9, window_bounds = array<i64: 1000, 128>}]} {
    %get3A = arith.constant 0 : index
    %get3A_0 = arith.constant 0 : index
    %get3A_1 = arith.constant 0 : index
    %get3A_2 = vector.load %arg2[%get3A, %get3A_0, %get3A_1] : memref<2x1000x1xf32, #tpu.memory_space<vmem>>, vector<1x1000x1xf32>
    %get3A_3 = vector.shape_cast %get3A_2 : vector<1x1000x1xf32> to vector<1000x1xf32>
    %get3A_4 = arith.constant 1 : index
    %get3A_5 = arith.constant 0 : index
    %get3A_6 = arith.constant 0 : index
    %get3A_7 = vector.load %arg2[%get3A_4, %get3A_5, %get3A_6] : memref<2x1000x1xf32, #tpu.memory_space<vmem>>, vector<1x1000x1xf32>
    %get3A_8 = vector.shape_cast %get3A_7 : vector<1x1000x1xf32> to vector<1000x1xf32>
    %add3A = arith.addf %get3A_3, %get3A_8 : vector<1000x1xf32>
    %get3A_9 = arith.constant 0 : index
    %get3A_10 = arith.constant 0 : index
    %get3A_11 = arith.constant 0 : index
    %get3A_12 = vector.load %arg1[%get3A_9, %get3A_10, %get3A_11] : memref<2x1000x128xf32, #tpu.memory_space<vmem>>, vector<1x1000x128xf32>
    %get3A_13 = vector.shape_cast %get3A_12 : vector<1x1000x128xf32> to vector<1000x128xf32>
    %get3A_14 = arith.constant 1 : index
    %get3A_15 = arith.constant 0 : index
    %get3A_16 = arith.constant 0 : index
    %get3A_17 = vector.load %arg1[%get3A_14, %get3A_15, %get3A_16] : memref<2x1000x128xf32, #tpu.memory_space<vmem>>, vector<1x1000x128xf32>
    %get3A_18 = vector.shape_cast %get3A_17 : vector<1x1000x128xf32> to vector<1000x128xf32>
    %add3A_19 = arith.addf %get3A_13, %get3A_18 : vector<1000x128xf32>
    %jit3A = arith.constant 1.000000e+00 : f32
    %max3A = vector.broadcast %jit3A : f32 to vector<1000x1xf32>
    %max3A_20 = arith.maximumf %max3A, %add3A : vector<1000x1xf32>
    %div3A = vector.broadcast %max3A_20 : vector<1000x1xf32> to vector<1000x128xf32>
    %div3A_21 = arith.divf %add3A_19, %div3A : vector<1000x128xf32>
    %get3A_22 = arith.constant 0 : index
    %get3A_23 = arith.constant 0 : index
    %get3A_24 = vector.load %arg3[%get3A_22, %get3A_23] : memref<1000x128xf32, #tpu.memory_space<vmem>>, vector<1000x128xf32>
    %add3A_25 = arith.addf %div3A_21, %get3A_24 : vector<1000x128xf32>
    %get3A_26 = arith.constant 0 : index
    %get3A_27 = arith.constant 0 : index
    %get3A_28 = vector.load %arg4[%get3A_26, %get3A_27] : memref<1x128xf32, #tpu.memory_space<vmem>>, vector<1x128xf32>
    %mul3A = arith.constant 0.999994993 : f32
    %mul3A_29 = vector.broadcast %mul3A : f32 to vector<1x128xf32>
    %mul3A_30 = arith.mulf %get3A_28, %mul3A_29 : vector<1x128xf32>
    %mul3A_31 = vector.broadcast %mul3A_30 : vector<1x128xf32> to vector<1000x128xf32>
    %mul3A_32 = arith.mulf %add3A_25, %mul3A_31 : vector<1000x128xf32>
    %get3A_33 = arith.constant 0 : index
    %get3A_34 = arith.constant 0 : index
    %get3A_35 = vector.load %arg5[%get3A_33, %get3A_34] : memref<1x128xf32, #tpu.memory_space<vmem>>, vector<1x128xf32>
    %add3A_36 = vector.broadcast %get3A_35 : vector<1x128xf32> to vector<1000x128xf32>
    %add3A_37 = arith.addf %mul3A_32, %add3A_36 : vector<1000x128xf32>
    %max3A_38 = arith.constant 0.000000e+00 : f32
    %max3A_39 = vector.broadcast %max3A_38 : f32 to vector<1000x128xf32>
    %max3A_40 = arith.maximumf %add3A_37, %max3A_39 : vector<1000x128xf32>
    %get3A_41 = arith.constant 0 : index
    %get3A_42 = arith.constant 0 : index
    %get3A_43 = vector.load %arg6[%get3A_41, %get3A_42] : memref<128x128xf32, #tpu.memory_space<vmem>>, vector<128x128xf32>
    %dot_general3A = arith.constant dense<0.000000e+00> : vector<1000x128xf32>
    %dot_general3A_44 = tpu.matmul %max3A_40, %get3A_43, %dot_general3A {dimension_numbers = #tpu.dot_dimension_numbers<[1], [1], [0], [0], [0, 0, 1, 0], [], []>, transpose_lhs_hint = false} : vector<1000x128xf32>, vector<128x128xf32>, vector<1000x128xf32> -> vector<1000x128xf32>
    %swap3A = arith.constant 0 : index
    %swap3A_45 = arith.constant 0 : index
    %swap3A_46 = vector.load %arg9[%swap3A, %swap3A_45] : memref<1000x128xf32, #tpu.memory_space<vmem>>, vector<1000x128xf32>
    tpu.vector_store %arg9[%swap3A, %swap3A_45], %dot_general3A_44 {strides = array<i32>} : memref<1000x128xf32, #tpu.memory_space<vmem>>, vector<1000x128xf32>,
    %get3A_47 = arith.constant 0 : index
    %get3A_48 = arith.constant 0 : index
    %get3A_49 = vector.load %arg7[%get3A_47, %get3A_48] : memref<128x128xf32, #tpu.memory_space<vmem>>, vector<128x128xf32>
    %dot_general3A_50 = arith.constant dense<0.000000e+00> : vector<1000x128xf32>
    %dot_general3A_51 = tpu.matmul %max3A_40, %get3A_49, %dot_general3A_50 {dimension_numbers = #tpu.dot_dimension_numbers<[1], [1], [0], [0], [0, 0, 1, 0], [], []>, transpose_lhs_hint = false} : vector<1000x128xf32>, vector<128x128xf32>, vector<1000x128xf32> -> vector<1000x128xf32>
    %get3A_52 = arith.constant 0 : index
    %get3A_53 = arith.constant 0 : index
    %get3A_54 = vector.load %arg8[%get3A_52, %get3A_53] : memref<1x128xf32, #tpu.memory_space<vmem>>, vector<1x128xf32>
    %add3A_55 = vector.broadcast %get3A_54 : vector<1x128xf32> to vector<1000x128xf32>
    %add3A_56 = arith.addf %dot_general3A_51, %add3A_55 : vector<1000x128xf32>
    %swap3A_57 = arith.constant 0 : index
    %swap3A_58 = arith.constant 0 : index
    %swap3A_59 = vector.load %arg10[%swap3A_57, %swap3A_58] : memref<1000x128xf32, #tpu.memory_space<vmem>>, vector<1000x128xf32>
    tpu.vector_store %arg10[%swap3A_57, %swap3A_58], %add3A_56 {strides = array<i32>} : memref<1000x128xf32, #tpu.memory_space<vmem>>, vector<1000x128xf32>,
    return
  }
  func.func @transform_0(%arg0: i32) -> (i32, i32, i32) {
    %c0_i32 = arith.constant 0 : i32
    %c0_i32_0 = arith.constant 0 : i32
    %c0_i32_1 = arith.constant 0 : i32
    return %c0_i32, %arg0, %c0_i32_0 : i32, i32, i32
  }
  func.func @transform_1(%arg0: i32) -> (i32, i32, i32) {
    %c0_i32 = arith.constant 0 : i32
    %c0_i32_0 = arith.constant 0 : i32
    %c0_i32_1 = arith.constant 0 : i32
    return %c0_i32, %arg0, %c0_i32_0 : i32, i32, i32
  }
  func.func @transform_2(%arg0: i32) -> (i32, i32) {
    %c0_i32 = arith.constant 0 : i32
    %c0_i32_0 = arith.constant 0 : i32
    return %arg0, %c0_i32 : i32, i32
  }
  func.func @transform_3(%arg0: i32) -> (i32, i32) {
    %c0_i32 = arith.constant 0 : i32
    %c0_i32_0 = arith.constant 0 : i32
    %c0_i32_1 = arith.constant 0 : i32
    return %c0_i32, %c0_i32_0 : i32, i32
  }
  func.func @transform_4(%arg0: i32) -> (i32, i32) {
    %c0_i32 = arith.constant 0 : i32
    %c0_i32_0 = arith.constant 0 : i32
    %c0_i32_1 = arith.constant 0 : i32
    return %c0_i32, %c0_i32_0 : i32, i32
  }
  func.func @transform_5(%arg0: i32) -> (i32, i32) {
    %c0_i32 = arith.constant 0 : i32
    %c0_i32_0 = arith.constant 0 : i32
    %c0_i32_1 = arith.constant 0 : i32
    return %c0_i32, %c0_i32_0 : i32, i32
  }
  func.func @transform_6(%arg0: i32) -> (i32, i32) {
    %c0_i32 = arith.constant 0 : i32
    %c0_i32_0 = arith.constant 0 : i32
    %c0_i32_1 = arith.constant 0 : i32
    return %c0_i32, %c0_i32_0 : i32, i32
  }
  func.func @transform_7(%arg0: i32) -> (i32, i32) {
    %c0_i32 = arith.constant 0 : i32
    %c0_i32_0 = arith.constant 0 : i32
    %c0_i32_1 = arith.constant 0 : i32
    return %c0_i32, %c0_i32_0 : i32, i32
  }
  func.func @transform_8(%arg0: i32) -> (i32, i32) {
    %c0_i32 = arith.constant 0 : i32
    %c0_i32_0 = arith.constant 0 : i32
    return %arg0, %c0_i32 : i32, i32
  }
  func.func @transform_9(%arg0: i32) -> (i32, i32) {
    %c0_i32 = arith.constant 0 : i32
    %c0_i32_0 = arith.constant 0 : i32
    return %arg0, %c0_i32 : i32, i32
  }
}

module attributes {stable_mosaic.version = 14 : i64} {
  func.func @body(%arg0: i32, %arg1: memref<2x1000x128xf32, #tpu.memory_space<vmem>>, %arg2: memref<1000x128xf32, #tpu.memory_space<vmem>>, %arg3: memref<2x1000x1xf32, #tpu.memory_space<vmem>>, %arg4: memref<1000x128xf32, #tpu.memory_space<vmem>>) attributes {dimension_semantics = [#tpu.dimension_semantics<arbitrary>], iteration_bounds = array<i64: 10>, scalar_prefetch = 0 : i64, scratch_operands = 0 : i64, tpu.core_type = #tpu.core_type<tc>, window_params = [{transform_indices = @transform_0, window_bounds = array<i64: 2, 1000, 128>}, {transform_indices = @transform_1, window_bounds = array<i64: 1000, 128>}, {transform_indices = @transform_2, window_bounds = array<i64: 2, 1000, 1>}, {transform_indices = @transform_3, window_bounds = array<i64: 1000, 128>}]} {
    %get3A = arith.constant 0 : index
    %get3A_0 = arith.constant 0 : index
    %get3A_1 = arith.constant 0 : index
    %get3A_2 = vector.load %arg3[%get3A, %get3A_0, %get3A_1] : memref<2x1000x1xf32, #tpu.memory_space<vmem>>, vector<1x1000x1xf32>
    %get3A_3 = vector.shape_cast %get3A_2 : vector<1x1000x1xf32> to vector<1000x1xf32>
    %get3A_4 = arith.constant 1 : index
    %get3A_5 = arith.constant 0 : index
    %get3A_6 = arith.constant 0 : index
    %get3A_7 = vector.load %arg3[%get3A_4, %get3A_5, %get3A_6] : memref<2x1000x1xf32, #tpu.memory_space<vmem>>, vector<1x1000x1xf32>
    %get3A_8 = vector.shape_cast %get3A_7 : vector<1x1000x1xf32> to vector<1000x1xf32>
    %add3A = arith.addf %get3A_3, %get3A_8 : vector<1000x1xf32>
    %get3A_9 = arith.constant 0 : index
    %get3A_10 = arith.constant 0 : index
    %get3A_11 = arith.constant 0 : index
    %get3A_12 = vector.load %arg1[%get3A_9, %get3A_10, %get3A_11] : memref<2x1000x128xf32, #tpu.memory_space<vmem>>, vector<1x1000x128xf32>
    %get3A_13 = vector.shape_cast %get3A_12 : vector<1x1000x128xf32> to vector<1000x128xf32>
    %get3A_14 = arith.constant 1 : index
    %get3A_15 = arith.constant 0 : index
    %get3A_16 = arith.constant 0 : index
    %get3A_17 = vector.load %arg1[%get3A_14, %get3A_15, %get3A_16] : memref<2x1000x128xf32, #tpu.memory_space<vmem>>, vector<1x1000x128xf32>
    %get3A_18 = vector.shape_cast %get3A_17 : vector<1x1000x128xf32> to vector<1000x128xf32>
    %add3A_19 = arith.addf %get3A_13, %get3A_18 : vector<1000x128xf32>
    %jit3A = arith.constant 1.000000e+00 : f32
    %max3A = vector.broadcast %jit3A : f32 to vector<1000x1xf32>
    %max3A_20 = arith.maximumf %max3A, %add3A : vector<1000x1xf32>
    %div3A = vector.broadcast %max3A_20 : vector<1000x1xf32> to vector<1000x128xf32>
    %div3A_21 = arith.divf %add3A_19, %div3A : vector<1000x128xf32>
    %get3A_22 = arith.constant 0 : index
    %get3A_23 = arith.constant 0 : index
    %get3A_24 = vector.load %arg2[%get3A_22, %get3A_23] : memref<1000x128xf32, #tpu.memory_space<vmem>>, vector<1000x128xf32>
    %add3A_25 = arith.addf %div3A_21, %get3A_24 : vector<1000x128xf32>
    %reduce_max3A = arith.constant dense<0xFF800000> : vector<1000xf32>
    %reduce_max3A_26 = vector.multi_reduction <maximumf>, %add3A_25, %reduce_max3A [1] : vector<1000x128xf32> to vector<1000xf32>
    %broadcast_in_dim3A = vector.shape_cast %reduce_max3A_26 : vector<1000xf32> to vector<1000x1xf32>
    %sub3A = vector.broadcast %broadcast_in_dim3A : vector<1000x1xf32> to vector<1000x128xf32>
    %sub3A_27 = arith.subf %add3A_25, %sub3A : vector<1000x128xf32>
    %exp3A = math.exp %sub3A_27 : vector<1000x128xf32>
    %reduce_sum3A = arith.constant dense<0.000000e+00> : vector<1000xf32>
    %reduce_sum3A_28 = vector.multi_reduction <add>, %exp3A, %reduce_sum3A [1] : vector<1000x128xf32> to vector<1000xf32>
    %broadcast_in_dim3A_29 = vector.shape_cast %reduce_sum3A_28 : vector<1000xf32> to vector<1000x1xf32>
    %log3A = math.log %broadcast_in_dim3A_29 : vector<1000x1xf32>
    %add3A_30 = arith.addf %log3A, %broadcast_in_dim3A : vector<1000x1xf32>
    %sub3A_31 = vector.broadcast %add3A_30 : vector<1000x1xf32> to vector<1000x128xf32>
    %sub3A_32 = arith.subf %add3A_25, %sub3A_31 : vector<1000x128xf32>
    %swap3A = arith.constant 0 : index
    %swap3A_33 = arith.constant 0 : index
    %swap3A_34 = vector.load %arg4[%swap3A, %swap3A_33] : memref<1000x128xf32, #tpu.memory_space<vmem>>, vector<1000x128xf32>
    tpu.vector_store %arg4[%swap3A, %swap3A_33], %sub3A_32 {strides = array<i32>} : memref<1000x128xf32, #tpu.memory_space<vmem>>, vector<1000x128xf32>,
    return
  }
  func.func @transform_0(%arg0: i32) -> (i32, i32, i32) {
    %c0_i32 = arith.constant 0 : i32
    %c0_i32_0 = arith.constant 0 : i32
    %c0_i32_1 = arith.constant 0 : i32
    return %c0_i32, %arg0, %c0_i32_0 : i32, i32, i32
  }
  func.func @transform_1(%arg0: i32) -> (i32, i32) {
    %c0_i32 = arith.constant 0 : i32
    %c0_i32_0 = arith.constant 0 : i32
    return %arg0, %c0_i32 : i32, i32
  }
  func.func @transform_2(%arg0: i32) -> (i32, i32, i32) {
    %c0_i32 = arith.constant 0 : i32
    %c0_i32_0 = arith.constant 0 : i32
    %c0_i32_1 = arith.constant 0 : i32
    return %c0_i32, %arg0, %c0_i32_0 : i32, i32, i32
  }
  func.func @transform_3(%arg0: i32) -> (i32, i32) {
    %c0_i32 = arith.constant 0 : i32
    %c0_i32_0 = arith.constant 0 : i32
    return %arg0, %c0_i32 : i32, i32
  }
}

</mosaic_0001>

<sc_bundles>
// kernel: kernel.11.cloned.1.call-start
scs
__scs_entry_jumppad:
0x0: {  	(pc) =	sbr.rel $0x88, $3  }
0x1: {  	(tag) =	ssettag $0x0;
	lr =	simm.s32 $0x1  }
0x2: {  	[smem:$0x3F97] =	sst lr;
	_ =	strace $0xD0000000  }
0x3: {  	_ = 	snop  }
0x4: {  	_ = 	snop  }
0x5: {  	_ = 	snop  }
0x6: {  	_ = 	snop  }
0x7: {  	_ = 	snop  }
__scs_overlays_trampoline_lowered:
0x8: {  	[smem:$0x3FA6] =	sst s0  }
0x9: {  	[smem:$0x3FA7] =	sst s1  }
0xa: {  	[smem:$0x3FA8] =	sst s2  }
0xb: {  	[smem:$0x3FA9] =	sst s3  }
0xc: {  	[smem:$0x3FAA] =	sst s4  }
0xd: {  	[smem:$0x3FAB] =	sst s5  }
0xe: {  	[smem:$0x3FAC] =	sst s6  }
0xf: {  	[smem:$0x3FAD] =	sst s7  }
0x10: {  	[smem:$0x3FAE] =	sst s8  }
0x11: {  	[smem:$0x3FAF] =	sst s9;
	s0 =	simm.s32 @!p0 $0x0  }
0x12: {  	s1 =	sld [smem:$0x3F95];
	s0 =	simm.s32 @p0 $0x1  }
0x13: {  	[smem:$0x3FB0] =	sst s0;
	s0 =	simm.s32 @!p1 $0x0  }
0x14: {  	s2 =	sld [smem:$0x3F94];
	s0 =	simm.s32 @p1 $0x1  }
0x15: {  	[smem:$0x3FB1] =	sst s0;
	s0 =	simm.s32 @!p2 $0x0  }
0x16: {  	s3 =	sld [smem:$0x3FDB];
	s0 =	simm.s32 @p2 $0x1  }
0x17: {  	s4 =	simm.s32 $0x1BF5;
	[smem:$0x3FB3] =	sst s0  }
0x18: {  	s0 =	sld [smem:$0x3F96];
	_ =	swait.ge [sflag:s4], $0x0  }
0x19: {  	s7 =	sld [smem:$0x3F97]  }
0x1a: {  	s8 =	sadd.s32 $0xFFFFE003, lr  }
0x1b: {  	s9 =	sadd.s32 $0xFFFFFEF7, lr;
	s5 =	simm.s32 $0xFFFFFFFF;
	p2 =	slt.u32 s8, $0xFFFFF086  }
0x1c: {  	p1 =	slt.u32 s9, $0xF7A;
	s5 =	simm.s32 @!p2 $0x0  }
0x1d: {  	s5 =	simm.s32 @p1 $0x1;
	p0 =	seq.s32 s7, s2  }
0x1e: {  	s7 =	smul.u32 @!p0 $0xF7A, s2;
	p2 =	seq.s32 @!p0 s5, $0x0  }
0x1f: {  	s9 =	smul.u32 $0xF7A, s1;
	s8 =	simm.s32 @!p0 $0x1BF5;
	p2 =	por !p2, p0  }
0x20: {  	[sflag:s8] =	ssyncset.s32 @!p0 $0xFFFFF086;
	s6 =	sadd.s32 @!p0 s3, s7;
	s7 =	simm.s32 @!p0 $0x108  }
0x21: {  	s3 =	sadd.s32 s3, s9;
	s6 =	sadd.s32 @!p0 $0x88, s6;
	s7 =	simm.s32 @p2 $0x1082  }
0x22: {  	[simem:s7], [sflag:s8] =	dma.local @!p0 [hbm:s6], $0xF7A  }
0x23: {  	s9 =	sor.u32 $0xD0000000, s2;
	s6 =	simm.s32 $0x108;
	_ =	swait.ge @!p0 [sflag:s8], $0x0  }
0x24: {  	s3 =	sadd.s32 $0x88, s3;
	s6 =	simm.s32 @!p1 $0x1082;
	[sflag:s4] =	ssyncset.s32 $0xFFFFF086  }
0x25: {  	[simem:s6], [sflag:s4] =	dma.local [hbm:s3], $0xF7A  }
0x26: {  	[smem:$0x3F97] =	sst s1;
	(tag) =	ssettag s2;
	_ =	strace s9  }
0x27: {  	s1 =	sld [smem:$0x3FA7]  }
0x28: {  	s2 =	sld [smem:$0x3FA8]  }
0x29: {  	s4 =	sld [smem:$0x3FAA]  }
0x2a: {  	p0 =	seq.s32 s5, $0x0;
	s5 =	sld [smem:$0x3FAB]  }
0x2b: {  	s6 =	sld [smem:$0x3FAC]  }
0x2c: {  	s7 =	sld [smem:$0x3FAD]  }
0x2d: {  	s3 =	simm.s32 $0x108;
	s8 =	sld [smem:$0x3FAE]  }
0x2e: {  	s3 =	simm.s32 @!p0 $0x1082;
	s9 =	sld [smem:$0x3FAF]  }
0x2f: {  	lr =	sadd.s32 s0, s3;
	s0 =	sld [smem:$0x3FA6]  }
0x30: {  	s3 =	sld [smem:$0x3FA9]  }
0x31: {  	[smem:$0x3FB2] =	sst s10  }
0x32: {  	s10 =	sld [smem:$0x3FB0];
	_ =	sdelay $0x3  }
0x33: {  	p0 =	seq.s32 s10, $0x1;
	s10 =	sld [smem:$0x3FB2];
	_ =	sdelay $0x3  }
0x34: {  	[smem:$0x3FB2] =	sst s10  }
0x35: {  	s10 =	sld [smem:$0x3FB1];
	_ =	sdelay $0x3  }
0x36: {  	p1 =	seq.s32 s10, $0x1;
	s10 =	sld [smem:$0x3FB2];
	_ =	sdelay $0x3  }
0x37: {  	[smem:$0x3FB2] =	sst s10  }
0x38: {  	s10 =	sld [smem:$0x3FB3]  }
0x39: {  	_ = 	snop;
	(pc) =	sbr.ind lr, $3  }
0x3a: {  	_ = 	snop  }
0x3b: {  	_ = 	snop  }
0x3c: {  	p2 =	seq.s32 s10, $0x1;
	s10 =	sld [smem:$0x3FB2]  }
0x3d: {  	_ =	shalt  }
0x3e: {  	_ =	shalt  }
0x3f: {  	_ =	shalt  }
0x40: {  	_ =	shalt  }
0x41: {  	_ =	shalt  }
0x42: {  	_ =	shalt  }
0x43: {  	_ =	shalt  }
0x44: {  	_ =	shalt  }
0x45: {  	_ =	shalt  }
0x46: {  	_ =	shalt  }
0x47: {  	_ =	shalt  }
0x48: {  	_ =	shalt  }
0x49: {  	_ =	shalt  }
0x4a: {  	_ =	shalt  }
0x4b: {  	_ =	shalt  }
0x4c: {  	_ =	shalt  }
0x4d: {  	_ =	shalt  }
0x4e: {  	_ =	shalt  }
0x4f: {  	_ =	shalt  }
0x50: {  	_ =	shalt  }
0x51: {  	_ =	shalt  }
0x52: {  	_ =	shalt  }
0x53: {  	_ =	shalt  }
0x54: {  	_ =	shalt  }
0x55: {  	_ =	shalt  }
0x56: {  	_ =	shalt  }
0x57: {  	_ =	shalt  }
0x58: {  	_ =	shalt  }
0x59: {  	_ =	shalt  }
0x5a: {  	_ =	shalt  }
0x5b: {  	_ =	shalt  }
0x5c: {  	_ =	shalt  }
0x5d: {  	_ =	shalt  }
0x5e: {  	_ =	shalt  }
0x5f: {  	_ =	shalt  }
0x60: {  	_ =	shalt  }
0x61: {  	_ =	shalt  }
0x62: {  	_ =	shalt  }
0x63: {  	_ =	shalt  }
0x64: {  	_ =	shalt  }
0x65: {  	_ =	shalt  }
0x66: {  	_ =	shalt  }
0x67: {  	_ =	shalt  }
0x68: {  	_ =	shalt  }
0x69: {  	_ =	shalt  }
0x6a: {  	_ =	shalt  }
0x6b: {  	_ =	shalt  }
0x6c: {  	_ =	shalt  }
0x6d: {  	_ =	shalt  }
0x6e: {  	_ =	shalt  }
0x6f: {  	_ =	shalt  }
0x70: {  	_ =	shalt  }
0x71: {  	_ =	shalt  }
0x72: {  	_ =	shalt  }
0x73: {  	_ =	shalt  }
0x74: {  	_ =	shalt  }
0x75: {  	_ =	shalt  }
0x76: {  	_ =	shalt  }
0x77: {  	_ =	shalt  }
0x78: {  	_ =	shalt  }
0x79: {  	_ =	shalt  }
0x7a: {  	_ =	shalt  }
0x7b: {  	_ =	shalt  }
0x7c: {  	_ =	shalt  }
0x7d: {  	_ =	shalt  }
0x7e: {  	_ =	shalt  }
0x7f: {  	_ =	shalt  }
0x80: {  	_ =	shalt  }
0x81: {  	_ =	shalt  }
0x82: {  	_ =	shalt  }
0x83: {  	_ =	shalt  }
0x84: {  	_ =	shalt  }
0x85: {  	_ =	shalt  }
0x86: {  	_ =	shalt  }
0x87: {  	_ =	shalt  }
.Lfunc_end0:
.L_simem_size_0:
called_computation.1_lowered:
.L_overlay_start_0:
0x88: {  	s2 =	sld [smem:$0x3FD9]  }
0x89: {  	s3 =	sld [smem:$0x3FFE];
	_ =	sdelay $0x1  }
0x8a: {  	s1 =	srdreg.scid  }
0x8b: {  	s0 =	sand.u32 $0x1, s1  }
0x8c: {  	s17 =	sshll.u32 s0, $0xA;
	s2 =	sadd.s32 s3, s2  }
0x8d: {  	s2 =	sadd.s32 s2, s17  }
0x8e: {  	[smem:$0x3FBE] =	sst s2  }
0x8f: {  	_ = 	snop  }
0x90: {  	s2 =	sld [smem:$0x3FD0];
	(tm) =	ssettm $0x1  }
0x91: {  	s18 =	sld [smem:$0x3FFB];
	_ =	sdelay $0x3  }
0x92: {  	_ =	strace s18  }
0x93: {  	s3 =	sld [smem:$0x3FFC];
	_ =	sdelay $0x3  }
0x94: {  	_ =	strace s3  }
0x95: {  	s3 =	sld [smem:$0x3FFD];
	_ =	sdelay $0x3  }
0x96: {  	_ =	strace s3  }
0x97: {  	_ =	strace $0x8FFFFFFF  }
0x98: {  	s19 =	sld [smem:$0x3FDB];
	_ =	sdelay $0x1  }
0x99: {  	s4 =	simm.s32 $_scs_section_size  }
0x9a: {  	s5 =	simm.s32 $_size__tile_overlayer_lowered;
	s6 =	simm.s32 $_tile_overlayer_lowered  }
0x9b: {  	s22 =	simm.s32 $0x1BFF;
	s21 =	sshll.u32 s6, $0x1;
	s3 =	sadd.s32 s4, s19  }
0x9c: {  	s7 =	simm.s32 $0x0;
	s20 =	sshll.u32 s5, $0x1;
	s5 =	sadd.s32 s21, s3  }
0x9d: {  	[timem:s7], [sflag:s22] =	dma.local [hbm:s5], s20  }
0x9e: {  	_ =	swait.ge [sflag:s22], s20  }
0x9f: {  	s4 =	ssub.s32 $0x0, s20;
	[sflag:s22] =	ssyncset.done $0x0  }
0xa0: {  	[sflag:s22] =	ssyncadd.s32 s4;
	_ =	sdelay $0x1  }
0xa1: {  	s23 =	simm.s32 $0x1B8B  }
0xa2: {  	_ =	swait.ge [sflag:s23], $0x1  }
0xa3: {  	[sflag:s23] =	ssyncset.done $0x0  }
0xa4: {  	s25 =	simm.s32 $0x1B8E;
	s24 =	sld [smem:$0x3FFE];
	[sflag:s23] =	ssyncadd.s32 $0xFFFFFFFF  }
0xa5: {  	s26 =	simm.s32 $execute0_lowered;
	[smem:$0x3FD2] =	sst s25  }
0xa6: {  	s5 =	sshll.u32 s26, $0x1;
	_ =	strace $0x80000046;
	[dreg:$0x1] =	wrdreg $0xFFFFFFFF  }
0xa7: {  	s28 =	simm.s32 $_size_execute0_lowered;
	s3 =	sadd.s32 s3, s5;
	[dreg:$0x0] =	wrdreg $0x0  }
0xa8: {  	s5 =	sshll.u32 s28, $0x1;
	[dreg:$0x2] =	wrdreg s3  }
0xa9: {  	[dreg:$0x3] =	wrdreg s5  }
0xaa: {  	[dreg:$0x4] =	wrdreg $0xC0  }
0xab: {  	_ =	task [dreg:s7], $0x5FFFF  }
0xac: {  	[dreg:$0x1] =	wrdreg $0xFFFFFFFF  }
0xad: {  	[dreg:$0x0] =	wrdreg $0x60  }
0xae: {  	[dreg:$0x2] =	wrdreg s2  }
0xaf: {  	[dreg:$0x3] =	wrdreg s24  }
0xb0: {  	[dreg:$0x4] =	wrdreg $0x0  }
0xb1: {  	[dreg:$0x5] =	wrdreg $0xA  }
0xb2: {  	_ =	task.clear_ibuf [dreg:s7], $0x6FFFF;
	_ =	strace $0x90000046  }
0xb3: {  	s29 =	simm.s32 $0xA;
	_ =	strace $0x80000048  }
0xb4: {  	_ =	swait.ge [sflag:s29], $0x1  }
0xb5: {  	[sflag:s29] =	ssyncadd.s32 $0xFFFFFFFF  }
0xb6: {  	_ =	strace $0x90000048  }
0xb7: {  	_ =	sfence  }
0xb8: {  	s30 =	sld [smem:$0x0];
	_ =	sdelay $0x2  }
0xb9: {  	s31 =	sshll.u32 s1, $0xD;
	s1 =	sshrl.u32 s1, $0x2  }
0xba: {  	s3 =	sand.u32 $0x4000, s31;
	s1 =	sadd.s32 s1, s30  }
0xbb: {  	s0 =	sor.u32 s3, s0;
	s1 =	sshll.u32 s1, $0x11  }
0xbc: {  	s0 =	sor.u32 s1, s0  }
0xbd: {  	s0 =	sadd.s32 $0x8F2B, s0  }
0xbe: {  	[sflag:s0] =	ssyncadd.remote.s32 $0x1  }
0xbf: {  	_ =	sfence.sel $0xFFFF  }
0xc0: {  	[dreg:$0x0] =	wrdreg $0xFFFFFFFF;
	(pc) =	sbr.abs _section_cstart, $3  }
0xc1: {  	[dreg:$0x1] =	wrdreg $0xFFFFFFFF  }
0xc2: {  	_ =	task.clear_ibuf [dreg:s7], $0x2FFFF;
	_ =	strace $0x9FFFFFFF  }
0xc3: {  	(tm) =	ssettm $0x7FFFFFFF  }
tec
execute0_lowered:
.L_overlay_start_1:
0x0: {  	(tag) =	ssettag $0x1  }
0x1: {  	s0 =	rddreg [dreg:$0x1]  }
0x2: {  	s3 =	rddreg [dreg:$0x2];
	s2 =	simm.s32 $0x0  }
0x3: {  	s14 =	stileid.u32;
	s4 =	srdreg.scid;
	s30 =	simm.s32 $0x19F80  }
0x4: {  	s28 =	simm.s32 $0x1A500;
	s29 =	simm.s32 $0x17480;
	[smem:$0x7FF] =	sst s2  }
0x5: {  	s17 =	smul.u32 $0x13800, s14;
	s1 =	sadd.s32 $0x22600, s0;
	s5 =	sadd.s32 $0x2600, s0  }
0x6: {  	s4 =	sand.u32 $0x1, s4;
	s9 =	smul.u32 $0x4E000, s14;
	s10 =	sadd.s32 $0x69800, s0  }
0x7: {  	s12 =	sshll.u32 s14, $0x10;
	s19 =	sshll.u32 s14, $0x6;
	p0 =	sne.s32 s14, $0xF  }
0x8: {  	s14 =	simm.s32 $0x1A580;
	_ =	strace $0x80000047;
	[smem:$0x7FB] =	sst s1  }
0x9: {  	s8 =	ssub.s32 $0x2, s4;
	s13 =	sshll.u32 s4, $0xF;
	[smem:$0x7FC] =	sst s5  }
0xa: {  	s9 =	sshrl.u32 s9, $0x2;
	s6 =	sor.u32 s13, s12;
	s12 =	sor.u32 $0x1C15, s19  }
0xb: {  	s7 =	sshrl.u32 s17, $0x3;
	s18 =	sadd.s32 s9, s3;
	[dreg:$0x7] =	wrdreg s12  }
0xc: {  	s7 =	sadd.s32 s7, s0;
	s0 =	sadd.s32 $0x69600, s0;
	[dreg:$0x5] =	wrdreg s18  }
0xd: {  	s9 =	sshrl.u32 s6, $0x3;
	s7 =	sadd.s32 $0x42600, s7;
	[dreg:$0x8] =	wrdreg s0  }
0xe: {  	s20 =	sor.u32 $0x10, s9;
	s19 =	sadd.s32 s1, s9;
	[dreg:$0x6] =	wrdreg s7  }
0xf: {  	s4 =	smul.u32 $0x138800, s4;
	s21 =	sadd.s32 s1, s20;
	[dreg:$0x18] =	wrdreg s19  }
0x10: {  	s22 =	sor.u32 $0x20, s9;
	s0 =	sadd.s32 s5, s20;
	[dreg:$0x9] =	wrdreg s21  }
0x11: {  	s24 =	sor.u32 $0x30, s9;
	s23 =	sadd.s32 s1, s22;
	[dreg:$0xa] =	wrdreg s0  }
0x12: {  	s2 =	sadd.s32 s17, s4;
	s25 =	sadd.s32 s1, s24;
	[dreg:$0xb] =	wrdreg s23  }
0x13: {  	s26 =	sor.u32 $0x40, s9;
	s7 =	sadd.s32 s5, s24;
	[dreg:$0xd] =	wrdreg s25  }
0x14: {  	s15 =	sor.u32 $0x60, s9;
	s31 =	sadd.s32 s1, s26;
	[dreg:$0xe] =	wrdreg s7  }
0x15: {  	s17 =	sor.u32 $0x70, s9;
	s16 =	sadd.s32 s1, s15;
	[dreg:$0xf] =	wrdreg s31  }
0x16: {  	s11 =	sshrl.u32 s8, $0x1;
	s18 =	sadd.s32 s1, s17;
	[dreg:$0x14] =	wrdreg s16  }
0x17: {  	s11 =	ssub.s32 s8, s11;
	s20 =	sadd.s32 s5, s9;
	[dreg:$0x16] =	wrdreg s18  }
0x18: {  	s4 =	sshrl.u32 s4, $0x3;
	s0 =	sadd.s32 s5, s22;
	[dreg:$0x19] =	wrdreg s20  }
0x19: {  	s2 =	sshrl.u32 s2, $0x3;
	s31 =	sadd.s32 $0x138000, s3;
	[dreg:$0xc] =	wrdreg s0  }
0x1a: {  	s7 =	sor.u32 $0x50, s9;
	s0 =	sadd.s32 s5, s26;
	[smem:$0x7FD] =	sst s31  }
0x1b: {  	s21 =	sor.u32 $0x80, s9;
	s13 =	sadd.s32 s5, s7;
	[dreg:$0x10] =	wrdreg s0  }
0x1c: {  	s22 =	sor.u32 $0x90, s9;
	s23 =	sadd.s32 s1, s21;
	[dreg:$0x13] =	wrdreg s13  }
0x1d: {  	s8 =	sadd.s32 s10, s4;
	s24 =	sadd.s32 s1, s22;
	[dreg:$0x1a] =	wrdreg s23  }
0x1e: {  	s4 =	simm.s32 $0x15;
	s25 =	sadd.s32 s5, s22;
	[dreg:$0x1c] =	wrdreg s24  }
0x1f: {  	s19 =	simm.s32 $0x28;
	s26 =	smax.u32 s11, $0x1;
	[dreg:$0x1d] =	wrdreg s25  }
0x20: {  	s22 =	simm.s32 $0x14C80;
	s0 =	sadd.s32 s10, s2;
	[dreg:$0x1f] =	wrdreg s26  }
0x21: {  	s10 =	sadd.s32 s1, s7;
	s2 =	sadd.s32 s5, s15;
	[dreg:$0x11] =	wrdreg s0  }
0x22: {  	s15 =	simm.s32 $0x1A480;
	s23 =	simm.s32 $0x1A080;
	[dreg:$0x12] =	wrdreg s10  }
0x23: {  	s25 =	simm.s32 $0x1A100;
	[dreg:$0x15] =	wrdreg s2;
	s2 =	sadd.s32 s5, s17  }
0x24: {  	s1 =	simm.s32 $0x0;
	s0 =	sadd.s32 $0x27000, s8;
	[dreg:$0x17] =	wrdreg s2  }
0x25: {  	s17 =	simm.s32 $0x1A280;
	s2 =	sadd.s32 s5, s21;
	[dreg:$0x1e] =	wrdreg s0  }
0x26: {  	s8 =	simm.s32 $0x1A600;
	s21 =	simm.s32 $0x16080;
	[dreg:$0x1b] =	wrdreg s2  }
.LBB2_1:
0x27: {  	[smem:$0x7F8] =	sst s1  }
0x28: {  	s0 =	rddreg [dreg:$0x5]  }
0x29: {  	s16 =	rddreg [dreg:$0x6];
	s13 =	sshrl.u32 s0, $0x3  }
0x2a: {  	[smem:$0x7F9] =	sst s13  }
0x2b: {  	[spmem:s13], [sflag:s12] =	dma.local [hbm:s16], $0x2700  }
0x2c: {  	_ =	swait.ge [sflag:s4], $0x2700  }
0x2d: {  	s0 =	sld [smem:$0x7FD];
	_ =	sdelay $0x2  }
0x2e: {  	[sflag:s4] =	ssyncset.done $0x0;
	s1 =	sshrl.u32 @!p0 s0, $0x3;
	s0 =	rddreg [dreg:$0x8]  }
0x2f: {  	[sflag:s4] =	ssyncadd.s32 $0xFFFFD900;
	[smem:$0x7FA] =	sst s1  }
0x30: {  	[spmem:s1], [sflag:s12] =	dma.local @!p0 [hbm:s0], $0x100  }
0x31: {  	s0 =	simm.s32 @!p0 $0x15  }
0x32: {  	_ =	swait.ge @!p0 [sflag:s0], $0x100  }
0x33: {  	[sflag:s0] =	ssyncset.done @!p0 $0x0  }
0x34: {  	[sflag:s0] =	ssyncadd.s32 @!p0 $0xFFFFFF00  }
0x35: {  	[bflag:$0x0] =	sbarrier.arrive $0xFFFF  }
0x36: {  	s4 =	simm.s32 $0x19C80;
	s0 =	simm.s32 $0x0;
	s2 =	rddreg [dreg:$0x18]  }
0x37: {  	[tilespmem:s4], [sflag:$0xB] =	stream.linear.gather [hbm4b:s2+s0], $0x80, $0x38;
	[tilespmem:$0x1A680] =	vst v63  }
0x38: {  	s5 =	simm.s32 $0x1A180;
	s18 =	rddreg [dreg:$0x19]  }
0x39: {  	[tilespmem:s5], [sflag:$0xB] =	stream.linear.gather [hbm4b:s18+s0], $0x80, $0x38;
	[tilespmem:$0x1A680] =	vst v63  }
0x3a: {  	s7 =	simm.s32 $0x19D00;
	s20 =	rddreg [dreg:$0x9]  }
0x3b: {  	[tilespmem:s7], [sflag:$0xC] =	stream.linear.gather [hbm4b:s20+s0], $0x80, $0x38;
	[tilespmem:$0x1A680] =	vst v63  }
0x3c: {  	s16 =	simm.s32 $0x1A200;
	s24 =	rddreg [dreg:$0xa]  }
0x3d: {  	[tilespmem:s16], [sflag:$0xC] =	stream.linear.gather [hbm4b:s24+s0], $0x80, $0x38;
	[tilespmem:$0x1A680] =	vst v63  }
0x3e: {  	s9 =	simm.s32 $0x19D80;
	s26 =	rddreg [dreg:$0xb]  }
0x3f: {  	[tilespmem:s9], [sflag:$0xD] =	stream.linear.gather [hbm4b:s26+s0], $0x80, $0x38;
	[tilespmem:$0x1A680] =	vst v63  }
0x40: {  	s31 =	rddreg [dreg:$0xc]  }
0x41: {  	[tilespmem:s17], [sflag:$0xD] =	stream.linear.gather [hbm4b:s31+s0], $0x80, $0x38;
	[tilespmem:$0x1A680] =	vst v63  }
0x42: {  	s10 =	simm.s32 $0x19E00;
	s1 =	rddreg [dreg:$0xd]  }
0x43: {  	[tilespmem:s10], [sflag:$0xE] =	stream.linear.gather [hbm4b:s1+s0], $0x80, $0x38;
	[tilespmem:$0x1A680] =	vst v63  }
0x44: {  	s11 =	rddreg [dreg:$0xe];
	s24 =	simm.s32 $0x1A300  }
0x45: {  	[tilespmem:s24], [sflag:$0xE] =	stream.linear.gather [hbm4b:s11+s0], $0x80, $0x38;
	[tilespmem:$0x1A680] =	vst v63  }
0x46: {  	s12 =	rddreg [dreg:$0xf];
	s11 =	simm.s32 $0x19E80  }
0x47: {  	[tilespmem:s11], [sflag:$0xF] =	stream.linear.gather [hbm4b:s12+s0], $0x80, $0x38;
	[tilespmem:$0x1A680] =	vst v63  }
0x48: {  	s18 =	rddreg [dreg:$0x10];
	s26 =	simm.s32 $0x1A380  }
0x49: {  	[tilespmem:s26], [sflag:$0xF] =	stream.linear.gather [hbm4b:s18+s0], $0x80, $0x38;
	[tilespmem:$0x1A680] =	vst v63  }
0x4a: {  	s20 =	rddreg [dreg:$0x12];
	s31 =	simm.s32 $0x19F00  }
0x4b: {  	[tilespmem:s31], [sflag:$0x10] =	stream.linear.gather [hbm4b:s20+s0], $0x80, $0x38;
	[tilespmem:$0x1A680] =	vst v63  }
0x4c: {  	s1 =	rddreg [dreg:$0x13];
	s12 =	simm.s32 $0x1A400  }
0x4d: {  	[tilespmem:s12], [sflag:$0x10] =	stream.linear.gather [hbm4b:s1+s0], $0x80, $0x38;
	[tilespmem:$0x1A680] =	vst v63  }
0x4e: {  	s18 =	rddreg [dreg:$0x14]  }
0x4f: {  	[tilespmem:s30], [sflag:$0x11] =	stream.linear.gather [hbm4b:s18+s0], $0x80, $0x38;
	[tilespmem:$0x1A680] =	vst v63  }
0x50: {  	s20 =	rddreg [dreg:$0x15]  }
0x51: {  	[tilespmem:s15], [sflag:$0x11] =	stream.linear.gather [hbm4b:s20+s0], $0x80, $0x38;
	[tilespmem:$0x1A680] =	vst v63  }
0x52: {  	s31 =	rddreg [dreg:$0x16];
	s1 =	simm.s32 $0x1A000  }
0x53: {  	[tilespmem:s1], [sflag:$0x12] =	stream.linear.gather [hbm4b:s31+s0], $0x80, $0x38;
	[tilespmem:$0x1A680] =	vst v63  }
0x54: {  	s12 =	rddreg [dreg:$0x17]  }
0x55: {  	[tilespmem:s28], [sflag:$0x12] =	stream.linear.gather [hbm4b:s12+s0], $0x80, $0x38;
	[tilespmem:$0x1A680] =	vst v63  }
0x56: {  	s18 =	rddreg [dreg:$0x1a]  }
0x57: {  	[tilespmem:s23], [sflag:$0x13] =	stream.linear.gather [hbm4b:s18+s0], $0x80, $0x38;
	[tilespmem:$0x1A680] =	vst v63  }
0x58: {  	s20 =	rddreg [dreg:$0x1b]  }
0x59: {  	[tilespmem:s14], [sflag:$0x13] =	stream.linear.gather [hbm4b:s20+s0], $0x80, $0x38;
	[tilespmem:$0x1A680] =	vst v63  }
0x5a: {  	s31 =	rddreg [dreg:$0x1c]  }
0x5b: {  	[tilespmem:s25], [sflag:$0x14] =	stream.linear.gather [hbm4b:s31+s0], $0x80, $0x38;
	[tilespmem:$0x1A680] =	vst v63  }
0x5c: {  	s2 =	simm.s32 $0xB;
	s1 =	rddreg [dreg:$0x1d]  }
0x5d: {  	[tilespmem:s8], [sflag:$0x14] =	stream.linear.gather [hbm4b:s1+s0], $0x80, $0x38;
	[tilespmem:$0x1A680] =	vst v63  }
0x5e: {  	_ =	swait.ge [sflag:s2], $0x80  }
0x5f: {  	[sflag:s2] =	ssyncset.done $0x0  }
0x60: {  	[sflag:s2] =	ssyncadd.s32 $0xFFFFFF80  }
0x61: {  	_ =	swait.ge [sflag:s2], $0x80  }
0x62: {  	[sflag:s2] =	ssyncset.done $0x0  }
0x63: {  	[sflag:s2] =	ssyncadd.s32 $0xFFFFFF80  }
0x64: {  	s13 =	simm.s32 $0x13880;
	s1 =	rddreg [dreg:$0x0]  }
0x65: {  	[tilespmem:s13], [sflag:$0x1] =	stream.indirect.gather [hbm4b:s1+s19], $0x80, s4, s19, $0xb8;
	[tilespmem:$0x1A680] =	vst v63  }
0x66: {  	s4 =	simm.s32 $0xC  }
0x67: {  	_ =	swait.ge [sflag:s4], $0x80  }
0x68: {  	[sflag:s4] =	ssyncset.done $0x0  }
0x69: {  	[sflag:s4] =	ssyncadd.s32 $0xFFFFFF80  }
0x6a: {  	_ =	swait.ge [sflag:s4], $0x80  }
0x6b: {  	[sflag:s4] =	ssyncset.done $0x0  }
0x6c: {  	[sflag:s4] =	ssyncadd.s32 $0xFFFFFF80  }
0x6d: {  	[tilespmem:s22], [sflag:$0x2] =	stream.indirect.gather [hbm4b:s1+s19], $0x80, s7, s19, $0xb8;
	[tilespmem:$0x1A680] =	vst v63  }
0x6e: {  	s7 =	simm.s32 $0xD  }
0x6f: {  	_ =	swait.ge [sflag:s7], $0x80  }
0x70: {  	[sflag:s7] =	ssyncset.done $0x0  }
0x71: {  	[sflag:s7] =	ssyncadd.s32 $0xFFFFFF80  }
0x72: {  	_ =	swait.ge [sflag:s7], $0x80  }
0x73: {  	[sflag:s7] =	ssyncset.done $0x0  }
0x74: {  	s8 =	simm.s32 $0xE;
	[sflag:s7] =	ssyncadd.s32 $0xFFFFFF80  }
0x75: {  	[tilespmem:s21], [sflag:$0x3] =	stream.indirect.gather [hbm4b:s1+s19], $0x80, s9, s19, $0xb8;
	[tilespmem:$0x1A680] =	vst v63  }
0x76: {  	_ =	swait.ge [sflag:s8], $0x80  }
0x77: {  	[sflag:s8] =	ssyncset.done $0x0  }
0x78: {  	[sflag:s8] =	ssyncadd.s32 $0xFFFFFF80  }
0x79: {  	_ =	swait.ge [sflag:s8], $0x80  }
0x7a: {  	[sflag:s8] =	ssyncset.done $0x0  }
0x7b: {  	s9 =	simm.s32 $0xF;
	[sflag:s8] =	ssyncadd.s32 $0xFFFFFF80  }
0x7c: {  	[tilespmem:s29], [sflag:$0x4] =	stream.indirect.gather [hbm4b:s1+s19], $0x80, s10, s19, $0xb8;
	[tilespmem:$0x1A680] =	vst v63  }
0x7d: {  	_ =	swait.ge [sflag:s9], $0x80  }
0x7e: {  	[sflag:s9] =	ssyncset.done $0x0  }
0x7f: {  	[sflag:s9] =	ssyncadd.s32 $0xFFFFFF80  }
0x80: {  	_ =	swait.ge [sflag:s9], $0x80  }
0x81: {  	[sflag:s9] =	ssyncset.done $0x0  }
0x82: {  	s20 =	simm.s32 $0x1;
	s10 =	simm.s32 $0x18880;
	[sflag:s9] =	ssyncadd.s32 $0xFFFFFF80  }
0x83: {  	[tilespmem:s10], [sflag:$0x5] =	stream.indirect.gather [hbm4b:s1+s19], $0x80, s11, s19, $0xb8;
	[tilespmem:$0x1A680] =	vst v63  }
0x84: {  	_ =	swait.ge [sflag:s20], $0x1400  }
0x85: {  	[sflag:s20] =	ssyncset.done $0x0  }
0x86: {  	s4 =	simm.s32 $0x2;
	[sflag:s20] =	ssyncadd.s32 $0xFFFFEC00  }
0x87: {  	[spmem:s3] =	stream.indirect.scatter.add.f32 [tilespmem:s13], [sflag:$0x6], $0x80, s5, s19, $0xb8;
	[tilespmem:$0x1A680] =	vst v63  }
0x88: {  	_ =	swait.ge [sflag:s4], $0x1400  }
0x89: {  	[sflag:s4] =	ssyncset.done $0x0  }
0x8a: {  	[sflag:s4] =	ssyncadd.s32 $0xFFFFEC00  }
0x8b: {  	[spmem:s3] =	stream.indirect.scatter.add.f32 [tilespmem:s22], [sflag:$0x7], $0x80, s16, s19, $0xb8;
	[tilespmem:$0x1A680] =	vst v63  }
0x8c: {  	s16 =	simm.s32 $0x3  }
0x8d: {  	_ =	swait.ge [sflag:s16], $0x1400  }
0x8e: {  	[sflag:s16] =	ssyncset.done $0x0  }
0x8f: {  	s31 =	simm.s32 $0x4;
	[sflag:s16] =	ssyncadd.s32 $0xFFFFEC00  }
0x90: {  	[spmem:s3] =	stream.indirect.scatter.add.f32 [tilespmem:s21], [sflag:$0x8], $0x80, s17, s19, $0xb8;
	[tilespmem:$0x1A680] =	vst v63  }
0x91: {  	_ =	swait.ge [sflag:s31], $0x1400  }
0x92: {  	[sflag:s31] =	ssyncset.done $0x0  }
0x93: {  	[sflag:s31] =	ssyncadd.s32 $0xFFFFEC00  }
0x94: {  	[spmem:s3] =	stream.indirect.scatter.add.f32 [tilespmem:s29], [sflag:$0x9], $0x80, s24, s19, $0xb8;
	[tilespmem:$0x1A680] =	vst v63  }
0x95: {  	s24 =	simm.s32 $0x5  }
0x96: {  	_ =	swait.ge [sflag:s24], $0x1400  }
0x97: {  	[sflag:s24] =	ssyncset.done $0x0  }
0x98: {  	s11 =	simm.s32 $0x18880;
	[sflag:s24] =	ssyncadd.s32 $0xFFFFEC00  }
0x99: {  	[spmem:s3] =	stream.indirect.scatter.add.f32 [tilespmem:s11], [sflag:$0xA], $0x80, s26, s19, $0xb8;
	[tilespmem:$0x1A680] =	vst v63  }
0x9a: {  	s26 =	simm.s32 $0x6  }
0x9b: {  	_ =	swait.ge [sflag:s26], $0x1400  }
0x9c: {  	p1 =	por $0x0, $0x0;
	[sflag:s26] =	ssyncset.done $0x0  }
0x9d: {  	s0 =	simm.s32 @p1 $0x10;
	[sflag:s26] =	ssyncadd.s32 $0xFFFFEC00  }
0x9e: {  	_ =	swait.ge @p1 [sflag:s0], $0x80  }
0x9f: {  	[sflag:s0] =	ssyncset.done @p1 $0x0  }
0xa0: {  	s12 =	simm.s32 @p1 $0x19F00;
	s2 =	simm.s32 @!p1 $0x500;
	[sflag:s0] =	ssyncadd.s32 @p1 $0xFFFFFF80  }
0xa1: {  	s7 =	sand.u32 @!p1 $0x300, s2;
	s2 =	sand.u32 @!p1 $0x1FC00, s2;
	_ =	swait.ge @p1 [sflag:s0], $0x80  }
0xa2: {  	s9 =	simm.s32 @p1 $0x7;
	s10 =	simm.s32 @p1 $0x13880;
	[sflag:s0] =	ssyncset.done @p1 $0x0  }
0xa3: {  	s11 =	sadd.s32 @!p1 s6, s2;
	s2 =	simm.s32 @p1 $0x28;
	[sflag:s0] =	ssyncadd.s32 @p1 $0xFFFFFF80  }
0xa4: {  	[tilespmem:s10], [sflag:$0x1] =	stream.indirect.gather @p1 [hbm4b:s1+s2], $0x80, s12, s2, $0xb8;
	[tilespmem:$0x1A680] =	vst v63  }
0xa5: {  	_ =	swait.ge @p1 [sflag:s9], $0x1400  }
0xa6: {  	s5 =	smov.u32 s6;
	s6 =	sld [smem:$0x7FB]  }
0xa7: {  	s13 =	simm.s32 @!p1 $0x0;
	s7 =	sor.u32 @!p1 s7, s11  }
0xa8: {  	s0 =	sshrl.u32 @!p1 s7, $0x3;
	[sflag:s9] =	ssyncset.done @p1 $0x0;
	s8 =	sld [smem:$0x7FC]  }
0xa9: {  	[sflag:s9] =	ssyncadd.s32 @p1 $0xFFFFEC00;
	s9 =	simm.s32 @!p1 $0x19C80;
	s7 =	sadd.s32 @!p1 s6, s0  }
0xaa: {  	[tilespmem:s9], [sflag:$0xB] =	stream.linear.gather @!p1 [hbm4b:s7+s13], $0x80, $0x38;
	[tilespmem:$0x1A680] =	vst v63  }
0xab: {  	s0 =	sadd.s32 @!p1 s8, s0;
	s7 =	simm.s32 @!p1 $0x10;
	s9 =	simm.s32 @!p1 $0x1A180  }
0xac: {  	[tilespmem:s9], [sflag:$0xB] =	stream.linear.gather @!p1 [hbm4b:s0+s13], $0x80, $0x38;
	[tilespmem:$0x1A680] =	vst v63  }
0xad: {  	_ =	swait.ge @!p1 [sflag:s7], $0x80  }
0xae: {  	[sflag:s7] =	ssyncset.done @!p1 $0x0  }
0xaf: {  	[sflag:s7] =	ssyncadd.s32 @!p1 $0xFFFFFF80  }
0xb0: {  	s11 =	simm.s32 @!p1 $0x13880;
	_ =	swait.ge @!p1 [sflag:s7], $0x80  }
0xb1: {  	s9 =	simm.s32 @!p1 $0x580;
	s0 =	simm.s32 @!p1 $0x19F00;
	[sflag:s7] =	ssyncset.done @!p1 $0x0  }
0xb2: {  	s10 =	sand.u32 @!p1 $0x1FC00, s9;
	[sflag:s7] =	ssyncadd.s32 @!p1 $0xFFFFFF80;
	s7 =	simm.s32 @!p1 $0x28  }
0xb3: {  	[tilespmem:s11], [sflag:$0x1] =	stream.indirect.gather @!p1 [hbm4b:s1+s7], $0x80, s0, s7, $0xb8;
	[tilespmem:$0x1A680] =	vst v63  }
0xb4: {  	s9 =	sand.u32 @!p1 $0x380, s9;
	s10 =	sadd.s32 @!p1 s5, s10;
	s11 =	simm.s32 @!p1 $0x7  }
0xb5: {  	s9 =	sor.u32 @!p1 s9, s10;
	_ =	swait.ge @!p1 [sflag:s11], $0x1400  }
0xb6: {  	s9 =	sshrl.u32 @!p1 s9, $0x3;
	[sflag:s11] =	ssyncset.done @!p1 $0x0  }
0xb7: {  	s10 =	sadd.s32 @!p1 s6, s9;
	[sflag:s11] =	ssyncadd.s32 @!p1 $0xFFFFEC00;
	s11 =	simm.s32 @!p1 $0x19D00  }
0xb8: {  	[tilespmem:s11], [sflag:$0xC] =	stream.linear.gather @!p1 [hbm4b:s10+s13], $0x80, $0x38;
	[tilespmem:$0x1A680] =	vst v63  }
0xb9: {  	s12 =	simm.s32 $0x11;
	s9 =	sadd.s32 @!p1 s8, s9;
	s10 =	simm.s32 @!p1 $0x1A200  }
0xba: {  	[tilespmem:s10], [sflag:$0xC] =	stream.linear.gather @!p1 [hbm4b:s9+s13], $0x80, $0x38;
	[tilespmem:$0x1A680] =	vst v63  }
0xbb: {  	_ =	swait.ge [sflag:s12], $0x80  }
0xbc: {  	[sflag:s12] =	ssyncset.done $0x0  }
0xbd: {  	[sflag:s12] =	ssyncadd.s32 $0xFFFFFF80  }
0xbe: {  	_ =	swait.ge [sflag:s12], $0x80  }
0xbf: {  	[sflag:s12] =	ssyncset.done $0x0  }
0xc0: {  	[sflag:s12] =	ssyncadd.s32 $0xFFFFFF80;
	s12 =	simm.s32 $0x8  }
0xc1: {  	[tilespmem:s22], [sflag:$0x2] =	stream.indirect.gather [hbm4b:s1+s19], $0x80, s30, s19, $0xb8;
	[tilespmem:$0x1A680] =	vst v63  }
0xc2: {  	_ =	swait.ge [sflag:s12], $0x1400  }
0xc3: {  	[sflag:s12] =	ssyncset.done $0x0  }
0xc4: {  	s9 =	simm.s32 @p1 $0x12;
	[sflag:s12] =	ssyncadd.s32 $0xFFFFEC00  }
0xc5: {  	_ =	swait.ge @p1 [sflag:s9], $0x80  }
0xc6: {  	[sflag:s9] =	ssyncset.done @p1 $0x0  }
0xc7: {  	[sflag:s9] =	ssyncadd.s32 @p1 $0xFFFFFF80  }
0xc8: {  	_ =	swait.ge @p1 [sflag:s9], $0x80  }
0xc9: {  	[sflag:s9] =	ssyncset.done @p1 $0x0  }
0xca: {  	s10 =	simm.s32 @p1 $0x1A000;
	[sflag:s9] =	ssyncadd.s32 @p1 $0xFFFFFF80;
	s9 =	simm.s32 @p1 $0x16080  }
0xcb: {  	[tilespmem:s9], [sflag:$0x3] =	stream.indirect.gather @p1 [hbm4b:s1+s2], $0x80, s10, s2, $0xb8;
	[tilespmem:$0x1A680] =	vst v63  }
0xcc: {  	s2 =	simm.s32 @!p1 $0x600  }
0xcd: {  	s9 =	sand.u32 @!p1 $0x1FC00, s2  }
0xce: {  	s10 =	simm.s32 @p1 $0x9;
	s2 =	sand.u32 @!p1 $0x300, s2;
	s9 =	sadd.s32 @!p1 s5, s9  }
0xcf: {  	_ =	swait.ge @p1 [sflag:s10], $0x1400;
	s2 =	sor.u32 @!p1 s2, s9  }
0xd0: {  	[sflag:s10] =	ssyncset.done @p1 $0x0;
	s2 =	sshrl.u32 @!p1 s2, $0x3  }
0xd1: {  	[sflag:s10] =	ssyncadd.s32 @p1 $0xFFFFEC00;
	s10 =	simm.s32 @!p1 $0x19D80;
	s9 =	sadd.s32 @!p1 s6, s2  }
0xd2: {  	[tilespmem:s10], [sflag:$0xD] =	stream.linear.gather @!p1 [hbm4b:s9+s13], $0x80, $0x38;
	[tilespmem:$0x1A680] =	vst v63  }
0xd3: {  	s2 =	sadd.s32 @!p1 s8, s2;
	s9 =	simm.s32 @!p1 $0x1A280;
	s10 =	simm.s32 @!p1 $0x12  }
0xd4: {  	[tilespmem:s9], [sflag:$0xD] =	stream.linear.gather @!p1 [hbm4b:s2+s13], $0x80, $0x38;
	[tilespmem:$0x1A680] =	vst v63  }
0xd5: {  	_ =	swait.ge @!p1 [sflag:s10], $0x80  }
0xd6: {  	[sflag:s10] =	ssyncset.done @!p1 $0x0  }
0xd7: {  	[sflag:s10] =	ssyncadd.s32 @!p1 $0xFFFFFF80  }
0xd8: {  	_ =	swait.ge @!p1 [sflag:s10], $0x80  }
0xd9: {  	s9 =	simm.s32 @!p1 $0x680;
	[sflag:s10] =	ssyncset.done @!p1 $0x0  }
0xda: {  	s2 =	simm.s32 @!p1 $0x1A000;
	[sflag:s10] =	ssyncadd.s32 @!p1 $0xFFFFFF80;
	s10 =	simm.s32 @!p1 $0x16080  }
0xdb: {  	[tilespmem:s10], [sflag:$0x3] =	stream.indirect.gather @!p1 [hbm4b:s1+s7], $0x80, s2, s7, $0xb8;
	[tilespmem:$0x1A680] =	vst v63  }
0xdc: {  	s7 =	sand.u32 @!p1 $0x1FC00, s9  }
0xdd: {  	s9 =	sand.u32 @!p1 $0x380, s9;
	s10 =	simm.s32 @!p1 $0x9;
	s7 =	sadd.s32 @!p1 s5, s7  }
0xde: {  	_ =	swait.ge @!p1 [sflag:s10], $0x1400;
	s7 =	sor.u32 @!p1 s9, s7  }
0xdf: {  	[sflag:s10] =	ssyncset.done @!p1 $0x0;
	s7 =	sshrl.u32 @!p1 s7, $0x3  }
0xe0: {  	[sflag:s10] =	ssyncadd.s32 @!p1 $0xFFFFEC00;
	s10 =	simm.s32 @!p1 $0x19E00;
	s9 =	sadd.s32 @!p1 s6, s7  }
0xe1: {  	[tilespmem:s10], [sflag:$0xE] =	stream.linear.gather @!p1 [hbm4b:s9+s13], $0x80, $0x38;
	[tilespmem:$0x1A680] =	vst v63  }
0xe2: {  	s14 =	simm.s32 $0x13;
	s7 =	sadd.s32 @!p1 s8, s7;
	s9 =	simm.s32 @!p1 $0x1A300  }
0xe3: {  	[tilespmem:s9], [sflag:$0xE] =	stream.linear.gather @!p1 [hbm4b:s7+s13], $0x80, $0x38;
	[tilespmem:$0x1A680] =	vst v63  }
0xe4: {  	_ =	swait.ge [sflag:s14], $0x80  }
0xe5: {  	[sflag:s14] =	ssyncset.done $0x0  }
0xe6: {  	[sflag:s14] =	ssyncadd.s32 $0xFFFFFF80  }
0xe7: {  	s7 =	simm.s32 @!p1 $0x700;
	_ =	swait.ge [sflag:s14], $0x80  }
0xe8: {  	s9 =	sand.u32 @!p1 $0x1FC00, s7;
	s7 =	sand.u32 @!p1 $0x300, s7;
	[sflag:s14] =	ssyncset.done $0x0  }
0xe9: {  	s9 =	sadd.s32 @!p1 s5, s9;
	[sflag:s14] =	ssyncadd.s32 $0xFFFFFF80;
	s14 =	simm.s32 $0xA  }
0xea: {  	[tilespmem:s29], [sflag:$0x4] =	stream.indirect.gather [hbm4b:s1+s19], $0x80, s23, s19, $0xb8;
	[tilespmem:$0x1A680] =	vst v63  }
0xeb: {  	s7 =	sor.u32 @!p1 s7, s9;
	_ =	swait.ge [sflag:s14], $0x1400  }
0xec: {  	s7 =	sshrl.u32 @!p1 s7, $0x3;
	[sflag:s14] =	ssyncset.done $0x0  }
0xed: {  	s10 =	simm.s32 @!p1 $0x19E80;
	s9 =	sadd.s32 @!p1 s6, s7;
	[sflag:s14] =	ssyncadd.s32 $0xFFFFEC00  }
0xee: {  	[tilespmem:s10], [sflag:$0xF] =	stream.linear.gather @!p1 [hbm4b:s9+s13], $0x80, $0x38;
	[tilespmem:$0x1A680] =	vst v63  }
0xef: {  	s7 =	sadd.s32 @!p1 s8, s7;
	s9 =	simm.s32 @!p1 $0x1A380;
	s10 =	simm.s32 $0x14  }
0xf0: {  	[tilespmem:s9], [sflag:$0xF] =	stream.linear.gather @!p1 [hbm4b:s7+s13], $0x80, $0x38;
	[tilespmem:$0x1A680] =	vst v63  }
0xf1: {  	_ =	swait.ge [sflag:s10], $0x80  }
0xf2: {  	[sflag:s10] =	ssyncset.done $0x0  }
0xf3: {  	[sflag:s10] =	ssyncadd.s32 $0xFFFFFF80  }
0xf4: {  	_ =	swait.ge [sflag:s10], $0x80  }
0xf5: {  	[sflag:s10] =	ssyncset.done $0x0  }
0xf6: {  	[sflag:s10] =	ssyncadd.s32 $0xFFFFFF80;
	s10 =	simm.s32 $0x18880  }
0xf7: {  	[tilespmem:s10], [sflag:$0x5] =	stream.indirect.gather [hbm4b:s1+s19], $0x80, s25, s19, $0xb8;
	[tilespmem:$0x1A680] =	vst v63  }
0xf8: {  	_ =	swait.ge [sflag:s20], $0x1400  }
0xf9: {  	[sflag:s20] =	ssyncset.done $0x0  }
0xfa: {  	s11 =	simm.s32 $0x13880;
	[sflag:s20] =	ssyncadd.s32 $0xFFFFEC00;
	s20 =	simm.s32 $0x1A400  }
0xfb: {  	[spmem:s3] =	stream.indirect.scatter.add.f32 [tilespmem:s11], [sflag:$0x6], $0x80, s20, s19, $0xb8;
	[tilespmem:$0x1A680] =	vst v63  }
0xfc: {  	_ =	swait.ge [sflag:s4], $0x1400  }
0xfd: {  	[sflag:s4] =	ssyncset.done $0x0  }
0xfe: {  	[sflag:s4] =	ssyncadd.s32 $0xFFFFEC00  }
0xff: {  	[spmem:s3] =	stream.indirect.scatter.add.f32 [tilespmem:s22], [sflag:$0x7], $0x80, s15, s19, $0xb8;
	[tilespmem:$0x1A680] =	vst v63  }
0x100: {  	_ =	swait.ge [sflag:s16], $0x1400  }
0x101: {  	[sflag:s16] =	ssyncset.done $0x0  }
0x102: {  	[sflag:s16] =	ssyncadd.s32 $0xFFFFEC00  }
0x103: {  	[spmem:s3] =	stream.indirect.scatter.add.f32 [tilespmem:s21], [sflag:$0x8], $0x80, s28, s19, $0xb8;
	[tilespmem:$0x1A680] =	vst v63  }
0x104: {  	_ =	swait.ge [sflag:s31], $0x1400  }
0x105: {  	[sflag:s31] =	ssyncset.done $0x0  }
0x106: {  	s23 =	simm.s32 $0x1A580;
	[sflag:s31] =	ssyncadd.s32 $0xFFFFEC00  }
0x107: {  	[spmem:s3] =	stream.indirect.scatter.add.f32 [tilespmem:s29], [sflag:$0x9], $0x80, s23, s19, $0xb8;
	[tilespmem:$0x1A680] =	vst v63  }
0x108: {  	s7 =	simm.s32 @!p1 $0x780;
	_ =	swait.ge [sflag:s24], $0x1400  }
0x109: {  	s9 =	sand.u32 @!p1 $0x1FC00, s7;
	s7 =	sand.u32 @!p1 $0x380, s7;
	[sflag:s24] =	ssyncset.done $0x0  }
0x10a: {  	s9 =	sadd.s32 @!p1 s5, s9;
	s25 =	simm.s32 $0x1A600;
	[sflag:s24] =	ssyncadd.s32 $0xFFFFEC00  }
0x10b: {  	[spmem:s3] =	stream.indirect.scatter.add.f32 [tilespmem:s10], [sflag:$0xA], $0x80, s25, s19, $0xb8;
	[tilespmem:$0x1A680] =	vst v63  }
0x10c: {  	s7 =	sor.u32 @!p1 s7, s9;
	_ =	swait.ge [sflag:s26], $0x1400  }
0x10d: {  	s7 =	sshrl.u32 @!p1 s7, $0x3;
	[sflag:s26] =	ssyncset.done $0x0  }
0x10e: {  	p3 =	por $0x0, $0x0;
	s9 =	sadd.s32 @!p1 s6, s7;
	[sflag:s26] =	ssyncadd.s32 $0xFFFFEC00  }
0x10f: {  	[tilespmem:s0], [sflag:$0x10] =	stream.linear.gather @!p1 [hbm4b:s9+s13], $0x80, $0x38;
	[tilespmem:$0x1A680] =	vst v63  }
0x110: {  	s0 =	sadd.s32 @!p1 s8, s7;
	s7 =	simm.s32 @!p1 $0x1A400;
	s9 =	simm.s32 @!p3 $0xB  }
0x111: {  	[tilespmem:s7], [sflag:$0x10] =	stream.linear.gather @!p1 [hbm4b:s0+s13], $0x80, $0x38;
	[tilespmem:$0x1A680] =	vst v63  }
0x112: {  	_ =	swait.ge @!p3 [sflag:s9], $0x80  }
0x113: {  	[sflag:s9] =	ssyncset.done @!p3 $0x0  }
0x114: {  	[sflag:s9] =	ssyncadd.s32 @!p3 $0xFFFFFF80  }
0x115: {  	_ =	swait.ge @!p3 [sflag:s9], $0x80  }
0x116: {  	s26 =	simm.s32 @!p3 $0x28;
	s0 =	simm.s32 @!p1 $0x800;
	[sflag:s9] =	ssyncset.done @!p3 $0x0  }
0x117: {  	s7 =	simm.s32 @!p3 $0x19C80;
	[sflag:s9] =	ssyncadd.s32 @!p3 $0xFFFFFF80;
	s9 =	simm.s32 @!p3 $0x13880  }
0x118: {  	[tilespmem:s9], [sflag:$0x1] =	stream.indirect.gather @!p3 [hbm4b:s1+s26], $0x80, s7, s26, $0xb8;
	[tilespmem:$0x1A680] =	vst v63  }
0x119: {  	s7 =	sand.u32 @!p1 $0x1FC00, s0  }
0x11a: {  	s28 =	simm.s32 $0x7;
	s0 =	sand.u32 @!p1 $0x300, s0;
	s7 =	sadd.s32 @!p1 s5, s7  }
0x11b: {  	_ =	swait.ge [sflag:s28], $0x1400;
	s0 =	sor.u32 @!p1 s0, s7  }
0x11c: {  	[sflag:s28] =	ssyncset.done $0x0;
	s0 =	sshrl.u32 @!p1 s0, $0x3  }
0x11d: {  	s9 =	simm.s32 @!p1 $0x19F80;
	[sflag:s28] =	ssyncadd.s32 $0xFFFFEC00;
	s7 =	sadd.s32 @!p1 s6, s0  }
0x11e: {  	[tilespmem:s9], [sflag:$0x11] =	stream.linear.gather @!p1 [hbm4b:s7+s13], $0x80, $0x38;
	[tilespmem:$0x1A680] =	vst v63  }
0x11f: {  	s0 =	sadd.s32 @!p1 s8, s0;
	s7 =	simm.s32 @!p1 $0x1A480;
	s9 =	simm.s32 @!p3 $0xC  }
0x120: {  	[tilespmem:s7], [sflag:$0x11] =	stream.linear.gather @!p1 [hbm4b:s0+s13], $0x80, $0x38;
	[tilespmem:$0x1A680] =	vst v63  }
0x121: {  	_ =	swait.ge @!p3 [sflag:s9], $0x80  }
0x122: {  	[sflag:s9] =	ssyncset.done @!p3 $0x0  }
0x123: {  	[sflag:s9] =	ssyncadd.s32 @!p3 $0xFFFFFF80  }
0x124: {  	_ =	swait.ge @!p3 [sflag:s9], $0x80  }
0x125: {  	s0 =	simm.s32 @!p1 $0x880;
	[sflag:s9] =	ssyncset.done @!p3 $0x0  }
0x126: {  	s7 =	simm.s32 @!p3 $0x19D00;
	[sflag:s9] =	ssyncadd.s32 @!p3 $0xFFFFFF80;
	s9 =	simm.s32 @!p3 $0x14C80  }
0x127: {  	[tilespmem:s9], [sflag:$0x2] =	stream.indirect.gather @!p3 [hbm4b:s1+s26], $0x80, s7, s26, $0xb8;
	[tilespmem:$0x1A680] =	vst v63  }
0x128: {  	s7 =	sand.u32 @!p1 $0x1FC00, s0  }
0x129: {  	s0 =	sand.u32 @!p1 $0x380, s0;
	s7 =	sadd.s32 @!p1 s5, s7  }
0x12a: {  	_ =	swait.ge [sflag:s12], $0x1400;
	s0 =	sor.u32 @!p1 s0, s7  }
0x12b: {  	[sflag:s12] =	ssyncset.done $0x0;
	s0 =	sshrl.u32 @!p1 s0, $0x3  }
0x12c: {  	[sflag:s12] =	ssyncadd.s32 $0xFFFFEC00;
	s7 =	sadd.s32 @!p1 s6, s0  }
0x12d: {  	[tilespmem:s2], [sflag:$0x12] =	stream.linear.gather @!p1 [hbm4b:s7+s13], $0x80, $0x38;
	[tilespmem:$0x1A680] =	vst v63  }
0x12e: {  	s0 =	sadd.s32 @!p1 s8, s0;
	s2 =	simm.s32 @!p1 $0x1A500;
	s7 =	simm.s32 @!p3 $0xD  }
0x12f: {  	[tilespmem:s2], [sflag:$0x12] =	stream.linear.gather @!p1 [hbm4b:s0+s13], $0x80, $0x38;
	[tilespmem:$0x1A680] =	vst v63  }
0x130: {  	_ =	swait.ge @!p3 [sflag:s7], $0x80  }
0x131: {  	[sflag:s7] =	ssyncset.done @!p3 $0x0  }
0x132: {  	s31 =	simm.s32 $0x9;
	[sflag:s7] =	ssyncadd.s32 @!p3 $0xFFFFFF80  }
0x133: {  	s9 =	simm.s32 @!p3 $0x19D80;
	s0 =	simm.s32 @!p1 $0x900;
	_ =	swait.ge @!p3 [sflag:s7], $0x80  }
0x134: {  	s2 =	sand.u32 @!p1 $0x1FC00, s0;
	s0 =	sand.u32 @!p1 $0x300, s0;
	[sflag:s7] =	ssyncset.done @!p3 $0x0  }
0x135: {  	s2 =	sadd.s32 @!p1 s5, s2;
	[sflag:s7] =	ssyncadd.s32 @!p3 $0xFFFFFF80;
	s7 =	simm.s32 @!p3 $0x16080  }
0x136: {  	[tilespmem:s7], [sflag:$0x3] =	stream.indirect.gather @!p3 [hbm4b:s1+s26], $0x80, s9, s26, $0xb8;
	[tilespmem:$0x1A680] =	vst v63  }
0x137: {  	s0 =	sor.u32 @!p1 s0, s2;
	_ =	swait.ge [sflag:s31], $0x1400  }
0x138: {  	s0 =	sshrl.u32 @!p1 s0, $0x3;
	[sflag:s31] =	ssyncset.done $0x0  }
0x139: {  	s2 =	sadd.s32 @!p1 s6, s0;
	s7 =	simm.s32 @!p1 $0x1A080;
	[sflag:s31] =	ssyncadd.s32 $0xFFFFEC00  }
0x13a: {  	[tilespmem:s7], [sflag:$0x13] =	stream.linear.gather @!p1 [hbm4b:s2+s13], $0x80, $0x38;
	[tilespmem:$0x1A680] =	vst v63  }
0x13b: {  	s0 =	sadd.s32 @!p1 s8, s0;
	s2 =	simm.s32 @!p1 $0x1A580;
	s7 =	simm.s32 @!p3 $0xE  }
0x13c: {  	[tilespmem:s2], [sflag:$0x13] =	stream.linear.gather @!p1 [hbm4b:s0+s13], $0x80, $0x38;
	[tilespmem:$0x1A680] =	vst v63  }
0x13d: {  	_ =	swait.ge @!p3 [sflag:s7], $0x80  }
0x13e: {  	[sflag:s7] =	ssyncset.done @!p3 $0x0  }
0x13f: {  	[sflag:s7] =	ssyncadd.s32 @!p3 $0xFFFFFF80  }
0x140: {  	s9 =	simm.s32 @!p3 $0x19E00;
	s0 =	simm.s32 $0x980;
	_ =	swait.ge @!p3 [sflag:s7], $0x80  }
0x141: {  	s2 =	sand.u32 @!p1 $0x1FC00, s0;
	s0 =	sand.u32 @!p1 $0x380, s0;
	[sflag:s7] =	ssyncset.done @!p3 $0x0  }
0x142: {  	s2 =	sadd.s32 @!p1 s5, s2;
	[sflag:s7] =	ssyncadd.s32 @!p3 $0xFFFFFF80;
	s7 =	simm.s32 @!p3 $0x17480  }
0x143: {  	[tilespmem:s7], [sflag:$0x4] =	stream.indirect.gather @!p3 [hbm4b:s1+s26], $0x80, s9, s26, $0xb8;
	[tilespmem:$0x1A680] =	vst v63  }
0x144: {  	s0 =	sor.u32 @!p1 s0, s2;
	_ =	swait.ge [sflag:s14], $0x1400  }
0x145: {  	s0 =	sshrl.u32 @!p1 s0, $0x3;
	[sflag:s14] =	ssyncset.done $0x0  }
0x146: {  	s2 =	sadd.s32 @!p1 s6, s0;
	s7 =	simm.s32 @!p1 $0x1A100;
	[sflag:s14] =	ssyncadd.s32 $0xFFFFEC00  }
0x147: {  	[tilespmem:s7], [sflag:$0x14] =	stream.linear.gather @!p1 [hbm4b:s2+s13], $0x80, $0x38;
	[tilespmem:$0x1A680] =	vst v63  }
0x148: {  	s2 =	sadd.s32 @!p1 s8, s0;
	s7 =	simm.s32 @!p1 $0x1A600;
	s0 =	simm.s32 @!p3 $0xF  }
0x149: {  	[tilespmem:s7], [sflag:$0x14] =	stream.linear.gather @!p1 [hbm4b:s2+s13], $0x80, $0x38;
	[tilespmem:$0x1A680] =	vst v63  }
0x14a: {  	s18 =	simm.s32 $0x1A180;
	s20 =	simm.s32 $0x28;
	_ =	swait.ge @!p3 [sflag:s0], $0x80  }
0x14b: {  	s24 =	simm.s32 $0xE80;
	s2 =	simm.s32 @!p3 $0x19E80;
	[sflag:s0] =	ssyncset.done @!p3 $0x0  }
0x14c: {  	s7 =	simm.s32 @!p3 $0x18880;
	s13 =	simm.s32 $0x1;
	[sflag:s0] =	ssyncadd.s32 @!p3 $0xFFFFFF80  }
.LBB2_2:
0x14d: {  	_ =	swait.ge @!p3 [sflag:s0], $0x80  }
0x14e: {  	[sflag:s0] =	ssyncset.done @!p3 $0x0  }
0x14f: {  	[sflag:s0] =	ssyncadd.s32 @!p3 $0xFFFFFF80  }
0x150: {  	s14 =	simm.s32 $0x1;
	s19 =	rddreg [dreg:$0x0]  }
0x151: {  	[tilespmem:s7], [sflag:$0x5] =	stream.indirect.gather @!p3 [hbm4b:s19+s26], $0x80, s2, s26, $0xb8;
	[tilespmem:$0x1A680] =	vst v63  }
0x152: {  	_ =	swait.ge [sflag:s14], $0x1400  }
0x153: {  	[sflag:s14] =	ssyncset.done $0x0  }
0x154: {  	s16 =	simm.s32 $0x2;
	[sflag:s14] =	ssyncadd.s32 $0xFFFFEC00  }
0x155: {  	[spmem:s3] =	stream.indirect.scatter.add.f32 [tilespmem:s11], [sflag:$0x6], $0x80, s18, s20, $0xb8;
	[tilespmem:$0x1A680] =	vst v63  }
0x156: {  	_ =	swait.ge [sflag:s16], $0x1400  }
0x157: {  	[sflag:s16] =	ssyncset.done $0x0  }
0x158: {  	s28 =	simm.s32 $0x3;
	s18 =	simm.s32 $0x1A200;
	[sflag:s16] =	ssyncadd.s32 $0xFFFFEC00  }
0x159: {  	[spmem:s3] =	stream.indirect.scatter.add.f32 [tilespmem:s22], [sflag:$0x7], $0x80, s18, s20, $0xb8;
	[tilespmem:$0x1A680] =	vst v63  }
0x15a: {  	_ =	swait.ge [sflag:s28], $0x1400  }
0x15b: {  	[sflag:s28] =	ssyncset.done $0x0  }
0x15c: {  	s31 =	simm.s32 $0x4;
	[sflag:s28] =	ssyncadd.s32 $0xFFFFEC00  }
0x15d: {  	[spmem:s3] =	stream.indirect.scatter.add.f32 [tilespmem:s21], [sflag:$0x8], $0x80, s17, s20, $0xb8;
	[tilespmem:$0x1A680] =	vst v63  }
0x15e: {  	_ =	swait.ge [sflag:s31], $0x1400  }
0x15f: {  	[sflag:s31] =	ssyncset.done $0x0  }
0x160: {  	s23 =	simm.s32 $0x5;
	s22 =	simm.s32 $0x1A300;
	[sflag:s31] =	ssyncadd.s32 $0xFFFFEC00  }
0x161: {  	[spmem:s3] =	stream.indirect.scatter.add.f32 [tilespmem:s29], [sflag:$0x9], $0x80, s22, s20, $0xb8;
	[tilespmem:$0x1A680] =	vst v63  }
0x162: {  	s15 =	smov.u32 s24;
	_ =	swait.ge [sflag:s23], $0x1400  }
0x163: {  	s1 =	simm.s32 $0x18880;
	s25 =	simm.s32 $0x1A380;
	[sflag:s23] =	ssyncset.done $0x0  }
0x164: {  	p2 =	seq.s32 s15, $0x8180;
	s26 =	simm.s32 $0x6;
	[sflag:s23] =	ssyncadd.s32 $0xFFFFEC00  }
0x165: {  	[spmem:s3] =	stream.indirect.scatter.add.f32 [tilespmem:s1], [sflag:$0xA], $0x80, s25, s20, $0xb8;
	[tilespmem:$0x1A680] =	vst v63  }
0x166: {  	s0 =	simm.s32 @!p2 $0x7;
	s10 =	sadd.s32 @!p2 $0xFFFFFC00, s15;
	_ =	swait.ge [sflag:s26], $0x1400  }
0x167: {  	s4 =	sand.u32 @!p2 $0x380, s15;
	s12 =	sand.u32 @!p2 $0x380, s10;
	[sflag:s26] =	ssyncset.done $0x0  }
0x168: {  	s7 =	simm.s32 @p2 $0x10;
	[dreg:$0x4] =	wrdreg s4;
	[sflag:s26] =	ssyncadd.s32 $0xFFFFEC00  }
0x169: {  	s10 =	sand.u32 @!p2 $0x1FC00, s10;
	s2 =	sadd.s32 @!p2 $0xFFFFFB80, s15;
	_ =	swait.ge @p2 [sflag:s7], $0x80  }
0x16a: {  	s10 =	sadd.s32 @!p2 s5, s10;
	s9 =	sand.u32 @!p2 $0x300, s2;
	[sflag:s7] =	ssyncset.done @p2 $0x0  }
0x16b: {  	s2 =	sand.u32 @!p2 $0x1FC00, s2;
	s10 =	sor.u32 @!p2 s12, s10;
	[sflag:s7] =	ssyncadd.s32 @p2 $0xFFFFFF80  }
0x16c: {  	s11 =	simm.s32 @p2 $0x7;
	s17 =	simm.s32 @p2 $0x13880;
	_ =	swait.ge @p2 [sflag:s7], $0x80  }
0x16d: {  	s21 =	sadd.s32 @!p2 s5, s2;
	s2 =	simm.s32 @p2 $0x28;
	[sflag:s7] =	ssyncset.done @p2 $0x0  }
0x16e: {  	s9 =	sor.u32 @!p2 s9, s21;
	s22 =	simm.s32 @p2 $0x19F00;
	[sflag:s7] =	ssyncadd.s32 @p2 $0xFFFFFF80  }
0x16f: {  	[tilespmem:s17], [sflag:$0x1] =	stream.indirect.gather @p2 [hbm4b:s19+s2], $0x80, s22, s2, $0xb8;
	[tilespmem:$0x1A680] =	vst v63  }
0x170: {  	s10 =	sshrl.u32 @!p2 s10, $0x3;
	s9 =	sshrl.u32 @!p2 s9, $0x3;
	_ =	swait.ge @p2 [sflag:s11], $0x1400  }
0x171: {  	s21 =	sadd.s32 @!p2 $0xFFFFFD00, s15;
	s12 =	sadd.s32 @!p2 s6, s9;
	[sflag:s11] =	ssyncset.done @p2 $0x0  }
0x172: {  	s25 =	simm.s32 @!p2 $0x0;
	[sflag:s11] =	ssyncadd.s32 @p2 $0xFFFFEC00;
	s11 =	simm.s32 @!p2 $0x19C80  }
0x173: {  	[tilespmem:s11], [sflag:$0xB] =	stream.linear.gather @!p2 [hbm4b:s12+s25], $0x80, $0x38;
	[tilespmem:$0x1A680] =	vst v63  }
0x174: {  	s9 =	sadd.s32 @!p2 s8, s9;
	s7 =	simm.s32 @!p2 $0x10;
	s11 =	simm.s32 @!p2 $0x1A180  }
0x175: {  	[tilespmem:s11], [sflag:$0xB] =	stream.linear.gather @!p2 [hbm4b:s9+s25], $0x80, $0x38;
	[tilespmem:$0x1A680] =	vst v63  }
0x176: {  	s1 =	simm.s32 @!p2 $0x19F00;
	s17 =	sadd.s32 @!p2 $0xFFFFFC80, s15;
	_ =	swait.ge @!p2 [sflag:s7], $0x80  }
0x177: {  	s26 =	simm.s32 @!p2 $0x28;
	s12 =	sand.u32 @!p2 $0x1FC00, s17;
	[sflag:s7] =	ssyncset.done @!p2 $0x0  }
0x178: {  	s22 =	sand.u32 @!p2 $0x1FC00, s21;
	s9 =	sadd.s32 @!p2 s5, s12;
	[sflag:s7] =	ssyncadd.s32 @!p2 $0xFFFFFF80  }
0x179: {  	s11 =	sand.u32 @!p2 $0x300, s17;
	s12 =	simm.s32 @!p2 $0x13880;
	_ =	swait.ge @!p2 [sflag:s7], $0x80  }
0x17a: {  	s17 =	sand.u32 @!p2 $0x380, s21;
	s9 =	sor.u32 @!p2 s11, s9;
	[sflag:s7] =	ssyncset.done @!p2 $0x0  }
0x17b: {  	s21 =	sadd.s32 @!p2 s5, s22;
	s9 =	sshrl.u32 @!p2 s9, $0x3;
	[sflag:s7] =	ssyncadd.s32 @!p2 $0xFFFFFF80  }
0x17c: {  	[tilespmem:s12], [sflag:$0x1] =	stream.indirect.gather @!p2 [hbm4b:s19+s26], $0x80, s1, s26, $0xb8;
	[tilespmem:$0x1A680] =	vst v63  }
0x17d: {  	s11 =	sor.u32 @!p2 s17, s21;
	s22 =	sadd.s32 @!p2 s6, s9;
	_ =	swait.ge @!p2 [sflag:s0], $0x1400  }
0x17e: {  	s23 =	sadd.s32 @!p2 s8, s9;
	s9 =	simm.s32 @!p2 $0x1A200;
	[sflag:s0] =	ssyncset.done @!p2 $0x0  }
0x17f: {  	s7 =	sadd.s32 @!p2 s6, s10;
	[sflag:s0] =	ssyncadd.s32 @!p2 $0xFFFFEC00;
	s0 =	simm.s32 @!p2 $0x19D00  }
0x180: {  	[tilespmem:s0], [sflag:$0xC] =	stream.linear.gather @!p2 [hbm4b:s7+s25], $0x80, $0x38;
	[tilespmem:$0x1A680] =	vst v63  }
0x181: {  	s12 =	sadd.s32 @!p2 $0xFFFFFD80, s15;
	s1 =	simm.s32 $0x11;
	s0 =	sadd.s32 @!p2 s8, s10  }
0x182: {  	[tilespmem:s9], [sflag:$0xC] =	stream.linear.gather @!p2 [hbm4b:s0+s25], $0x80, $0x38;
	[tilespmem:$0x1A680] =	vst v63  }
0x183: {  	s7 =	sand.u32 @!p2 $0x1FC00, s12;
	s10 =	sadd.s32 @!p2 $0xFFFFFE00, s15;
	_ =	swait.ge [sflag:s1], $0x80  }
0x184: {  	s0 =	sadd.s32 @!p2 s5, s7;
	s7 =	sand.u32 @!p2 $0x1FC00, s10;
	[sflag:s1] =	ssyncset.done $0x0  }
0x185: {  	s10 =	sand.u32 @!p2 $0x380, s10;
	s9 =	sadd.s32 @!p2 s5, s7;
	[sflag:s1] =	ssyncadd.s32 $0xFFFFFF80  }
0x186: {  	s17 =	sand.u32 @!p2 $0x300, s12;
	s9 =	sor.u32 @!p2 s10, s9;
	_ =	swait.ge [sflag:s1], $0x80  }
0x187: {  	s0 =	sor.u32 @!p2 s17, s0;
	s17 =	sshrl.u32 @!p2 s9, $0x3;
	[sflag:s1] =	ssyncset.done $0x0  }
0x188: {  	s9 =	simm.s32 $0x14C80;
	[sflag:s1] =	ssyncadd.s32 $0xFFFFFF80;
	s1 =	simm.s32 $0x8  }
0x189: {  	[tilespmem:s9], [sflag:$0x2] =	stream.indirect.gather [hbm4b:s19+s20], $0x80, s30, s20, $0xb8;
	[tilespmem:$0x1A680] =	vst v63  }
0x18a: {  	_ =	swait.ge [sflag:s1], $0x1400  }
0x18b: {  	s14 =	simm.s32 @p2 $0x9;
	[sflag:s1] =	ssyncset.done $0x0  }
0x18c: {  	s16 =	simm.s32 @p2 $0x1A000;
	s29 =	simm.s32 @p2 $0x12;
	[sflag:s1] =	ssyncadd.s32 $0xFFFFEC00  }
0x18d: {  	s18 =	simm.s32 @p2 $0x16080;
	s11 =	sshrl.u32 @!p2 s11, $0x3;
	_ =	swait.ge @p2 [sflag:s29], $0x80  }
0x18e: {  	s21 =	sadd.s32 @!p2 s6, s11;
	s0 =	sshrl.u32 @!p2 s0, $0x3;
	[sflag:s29] =	ssyncset.done @p2 $0x0  }
0x18f: {  	s10 =	sadd.s32 @!p2 s8, s11;
	s30 =	sadd.s32 @!p2 $0xFFFFFF00, s15;
	[sflag:s29] =	ssyncadd.s32 @p2 $0xFFFFFF80  }
0x190: {  	s7 =	sadd.s32 @!p2 s6, s0;
	s4 =	sand.u32 @!p2 $0x1FC00, s30;
	_ =	swait.ge @p2 [sflag:s29], $0x80  }
0x191: {  	s30 =	sand.u32 @!p2 $0x380, s30;
	s4 =	sadd.s32 @!p2 s5, s4;
	[sflag:s29] =	ssyncset.done @p2 $0x0  }
0x192: {  	s11 =	sadd.s32 @!p2 s8, s0;
	s4 =	sor.u32 @!p2 s30, s4;
	[sflag:s29] =	ssyncadd.s32 @p2 $0xFFFFFF80  }
0x193: {  	[tilespmem:s18], [sflag:$0x3] =	stream.indirect.gather @p2 [hbm4b:s19+s2], $0x80, s16, s2, $0xb8;
	[tilespmem:$0x1A680] =	vst v63  }
0x194: {  	s0 =	sadd.s32 @!p2 $0xFFFFFE80, s15;
	s2 =	sshrl.u32 @!p2 s4, $0x3;
	_ =	swait.ge @p2 [sflag:s14], $0x1400  }
0x195: {  	s4 =	sadd.s32 @!p2 $0xFFFFFF80, s15;
	s18 =	simm.s32 @!p2 $0x1A280;
	[sflag:s14] =	ssyncset.done @p2 $0x0  }
0x196: {  	s15 =	sand.u32 @!p2 $0x1FC00, s15;
	[sflag:s14] =	ssyncadd.s32 @p2 $0xFFFFEC00;
	s14 =	simm.s32 @!p2 $0x19D80  }
0x197: {  	[tilespmem:s14], [sflag:$0xD] =	stream.linear.gather @!p2 [hbm4b:s22+s25], $0x80, $0x38;
	[tilespmem:$0x1A680] =	vst v63  }
0x198: {  	s30 =	sadd.s32 @!p2 s6, s2;
	s16 =	sand.u32 @!p2 $0x1FC00, s4;
	s14 =	simm.s32 @!p2 $0x12  }
0x199: {  	[tilespmem:s18], [sflag:$0xD] =	stream.linear.gather @!p2 [hbm4b:s23+s25], $0x80, $0x38;
	[tilespmem:$0x1A680] =	vst v63  }
0x19a: {  	s4 =	sand.u32 @!p2 $0x300, s4;
	s16 =	sadd.s32 @!p2 s5, s16;
	_ =	swait.ge @!p2 [sflag:s14], $0x80  }
0x19b: {  	s15 =	sadd.s32 @!p2 s5, s15;
	s4 =	sor.u32 @!p2 s4, s16;
	[sflag:s14] =	ssyncset.done @!p2 $0x0  }
0x19c: {  	s16 =	simm.s32 @!p2 $0x16080;
	s4 =	sshrl.u32 @!p2 s4, $0x3;
	[sflag:s14] =	ssyncadd.s32 @!p2 $0xFFFFFF80  }
0x19d: {  	s22 =	simm.s32 @!p2 $0x1A000;
	s29 =	sadd.s32 @!p2 s6, s4;
	_ =	swait.ge @!p2 [sflag:s14], $0x80  }
0x19e: {  	s23 =	sadd.s32 @!p2 s8, s2;
	[sflag:s14] =	ssyncset.done @!p2 $0x0;
	s2 =	rddreg [dreg:$0x4]  }
0x19f: {  	s18 =	simm.s32 @!p2 $0x9;
	s15 =	sor.u32 @!p2 s2, s15;
	[sflag:s14] =	ssyncadd.s32 @!p2 $0xFFFFFF80  }
0x1a0: {  	[tilespmem:s16], [sflag:$0x3] =	stream.indirect.gather @!p2 [hbm4b:s19+s26], $0x80, s22, s26, $0xb8;
	[tilespmem:$0x1A680] =	vst v63  }
0x1a1: {  	s2 =	sadd.s32 @!p2 s8, s4;
	s4 =	sshrl.u32 @!p2 s15, $0x3;
	_ =	swait.ge @!p2 [sflag:s18], $0x1400  }
0x1a2: {  	s16 =	sadd.s32 @!p2 s6, s4;
	[sflag:s18] =	ssyncset.done @!p2 $0x0  }
0x1a3: {  	s15 =	sadd.s32 @!p2 s8, s4;
	s4 =	simm.s32 @!p2 $0x19E00;
	[sflag:s18] =	ssyncadd.s32 @!p2 $0xFFFFEC00  }
0x1a4: {  	[tilespmem:s4], [sflag:$0xE] =	stream.linear.gather @!p2 [hbm4b:s21+s25], $0x80, $0x38;
	[tilespmem:$0x1A680] =	vst v63  }
0x1a5: {  	s14 =	simm.s32 @!p2 $0x1A300  }
0x1a6: {  	[tilespmem:s14], [sflag:$0xE] =	stream.linear.gather @!p2 [hbm4b:s10+s25], $0x80, $0x38;
	[tilespmem:$0x1A680] =	vst v63  }
0x1a7: {  	s10 =	simm.s32 $0x13  }
0x1a8: {  	_ =	swait.ge [sflag:s10], $0x80  }
0x1a9: {  	[sflag:s10] =	ssyncset.done $0x0  }
0x1aa: {  	[sflag:s10] =	ssyncadd.s32 $0xFFFFFF80  }
0x1ab: {  	_ =	swait.ge [sflag:s10], $0x80  }
0x1ac: {  	[sflag:s10] =	ssyncset.done $0x0  }
0x1ad: {  	s21 =	simm.s32 $0x1A080;
	s14 =	simm.s32 $0x17480;
	[sflag:s10] =	ssyncadd.s32 $0xFFFFFF80  }
0x1ae: {  	[tilespmem:s14], [sflag:$0x4] =	stream.indirect.gather [hbm4b:s19+s20], $0x80, s21, s20, $0xb8;
	[tilespmem:$0x1A680] =	vst v63  }
0x1af: {  	s14 =	simm.s32 $0xA  }
0x1b0: {  	_ =	swait.ge [sflag:s14], $0x1400  }
0x1b1: {  	[sflag:s14] =	ssyncset.done $0x0  }
0x1b2: {  	s10 =	simm.s32 @!p2 $0x19E80;
	[sflag:s14] =	ssyncadd.s32 $0xFFFFEC00  }
0x1b3: {  	[tilespmem:s10], [sflag:$0xF] =	stream.linear.gather @!p2 [hbm4b:s7+s25], $0x80, $0x38;
	[tilespmem:$0x1A680] =	vst v63  }
0x1b4: {  	s4 =	simm.s32 @!p2 $0x1A380;
	s10 =	simm.s32 $0x14  }
0x1b5: {  	[tilespmem:s4], [sflag:$0xF] =	stream.linear.gather @!p2 [hbm4b:s11+s25], $0x80, $0x38;
	[tilespmem:$0x1A680] =	vst v63  }
0x1b6: {  	_ =	swait.ge [sflag:s10], $0x80  }
0x1b7: {  	[sflag:s10] =	ssyncset.done $0x0  }
0x1b8: {  	[sflag:s10] =	ssyncadd.s32 $0xFFFFFF80  }
0x1b9: {  	_ =	swait.ge [sflag:s10], $0x80  }
0x1ba: {  	s21 =	simm.s32 $0x1A100;
	[sflag:s10] =	ssyncset.done $0x0  }
0x1bb: {  	s7 =	simm.s32 $0x1;
	[sflag:s10] =	ssyncadd.s32 $0xFFFFFF80;
	s10 =	simm.s32 $0x18880  }
0x1bc: {  	[tilespmem:s10], [sflag:$0x5] =	stream.indirect.gather [hbm4b:s19+s20], $0x80, s21, s20, $0xb8;
	[tilespmem:$0x1A680] =	vst v63  }
0x1bd: {  	_ =	swait.ge [sflag:s7], $0x1400  }
0x1be: {  	s21 =	simm.s32 $0x1;
	[sflag:s7] =	ssyncset.done $0x0  }
0x1bf: {  	s26 =	simm.s32 $0x1A400;
	s11 =	simm.s32 $0x13880;
	[sflag:s21] =	ssyncadd.s32 $0xFFFFEC00  }
0x1c0: {  	[spmem:s3] =	stream.indirect.scatter.add.f32 [tilespmem:s11], [sflag:$0x6], $0x80, s26, s20, $0xb8;
	[tilespmem:$0x1A680] =	vst v63  }
0x1c1: {  	s26 =	simm.s32 $0x2  }
0x1c2: {  	_ =	swait.ge [sflag:s26], $0x1400  }
0x1c3: {  	s7 =	simm.s32 $0x2;
	[sflag:s26] =	ssyncset.done $0x0  }
0x1c4: {  	s21 =	simm.s32 $0x14C80;
	s26 =	simm.s32 $0x1A480;
	[sflag:s7] =	ssyncadd.s32 $0xFFFFEC00  }
0x1c5: {  	[spmem:s3] =	stream.indirect.scatter.add.f32 [tilespmem:s21], [sflag:$0x7], $0x80, s26, s20, $0xb8;
	[tilespmem:$0x1A680] =	vst v63  }
0x1c6: {  	_ =	swait.ge [sflag:s28], $0x1400  }
0x1c7: {  	[sflag:s28] =	ssyncset.done $0x0  }
0x1c8: {  	s21 =	simm.s32 $0x16080;
	[sflag:s28] =	ssyncadd.s32 $0xFFFFEC00;
	s28 =	simm.s32 $0x1A500  }
0x1c9: {  	[spmem:s3] =	stream.indirect.scatter.add.f32 [tilespmem:s21], [sflag:$0x8], $0x80, s28, s20, $0xb8;
	[tilespmem:$0x1A680] =	vst v63  }
0x1ca: {  	_ =	swait.ge [sflag:s31], $0x1400  }
0x1cb: {  	s7 =	simm.s32 $0x17480;
	[sflag:s31] =	ssyncset.done $0x0  }
0x1cc: {  	s26 =	simm.s32 $0x1A580;
	s28 =	simm.s32 $0x5;
	[sflag:s31] =	ssyncadd.s32 $0xFFFFEC00  }
0x1cd: {  	[spmem:s3] =	stream.indirect.scatter.add.f32 [tilespmem:s7], [sflag:$0x9], $0x80, s26, s20, $0xb8;
	[tilespmem:$0x1A680] =	vst v63  }
0x1ce: {  	_ =	swait.ge [sflag:s28], $0x1400  }
0x1cf: {  	s31 =	simm.s32 $0x5;
	[sflag:s28] =	ssyncset.done $0x0  }
0x1d0: {  	s7 =	simm.s32 $0x1A600;
	[sflag:s31] =	ssyncadd.s32 $0xFFFFEC00  }
0x1d1: {  	[spmem:s3] =	stream.indirect.scatter.add.f32 [tilespmem:s10], [sflag:$0xA], $0x80, s7, s20, $0xb8;
	[tilespmem:$0x1A680] =	vst v63  }
0x1d2: {  	s13 =	sadd.s32 $0x2, s13;
	s10 =	simm.s32 $0x6  }
0x1d3: {  	p3 =	sgt.u32 s13, $0x30;
	_ =	swait.ge [sflag:s10], $0x1400  }
0x1d4: {  	s12 =	sadd.s32 @!p2 s8, s17;
	s26 =	simm.s32 $0x6;
	[sflag:s10] =	ssyncset.done $0x0  }
0x1d5: {  	s17 =	sadd.s32 @!p2 s6, s17;
	s7 =	simm.s32 @!p2 $0x19F00;
	[sflag:s26] =	ssyncadd.s32 $0xFFFFEC00  }
0x1d6: {  	[tilespmem:s7], [sflag:$0x10] =	stream.linear.gather @!p2 [hbm4b:s17+s25], $0x80, $0x38;
	[tilespmem:$0x1A680] =	vst v63  }
0x1d7: {  	s4 =	simm.s32 @!p2 $0x1A400;
	s7 =	simm.s32 @!p3 $0xB  }
0x1d8: {  	[tilespmem:s4], [sflag:$0x10] =	stream.linear.gather @!p2 [hbm4b:s12+s25], $0x80, $0x38;
	[tilespmem:$0x1A680] =	vst v63  }
0x1d9: {  	_ =	swait.ge @!p3 [sflag:s7], $0x80  }
0x1da: {  	[sflag:s7] =	ssyncset.done @!p3 $0x0  }
0x1db: {  	s9 =	sand.u32 @!p2 $0x1FC00, s0;
	[sflag:s7] =	ssyncadd.s32 @!p3 $0xFFFFFF80  }
0x1dc: {  	s0 =	sand.u32 @!p2 $0x300, s0;
	s9 =	sadd.s32 @!p2 s5, s9;
	_ =	swait.ge @!p3 [sflag:s7], $0x80  }
0x1dd: {  	s28 =	simm.s32 $0x7;
	s10 =	simm.s32 @!p3 $0x13880;
	[sflag:s7] =	ssyncset.done @!p3 $0x0  }
0x1de: {  	s26 =	simm.s32 @!p3 $0x28;
	s4 =	simm.s32 @!p3 $0x19C80;
	[sflag:s7] =	ssyncadd.s32 @!p3 $0xFFFFFF80  }
0x1df: {  	[tilespmem:s10], [sflag:$0x1] =	stream.indirect.gather @!p3 [hbm4b:s19+s26], $0x80, s4, s26, $0xb8;
	[tilespmem:$0x1A680] =	vst v63  }
0x1e0: {  	s0 =	sor.u32 @!p2 s0, s9;
	_ =	swait.ge [sflag:s28], $0x1400  }
0x1e1: {  	s0 =	sshrl.u32 @!p2 s0, $0x3;
	[sflag:s28] =	ssyncset.done $0x0  }
0x1e2: {  	s9 =	sadd.s32 @!p2 s6, s0;
	s7 =	simm.s32 @!p2 $0x19F80;
	[sflag:s28] =	ssyncadd.s32 $0xFFFFEC00  }
0x1e3: {  	[tilespmem:s7], [sflag:$0x11] =	stream.linear.gather @!p2 [hbm4b:s9+s25], $0x80, $0x38;
	[tilespmem:$0x1A680] =	vst v63  }
0x1e4: {  	s0 =	sadd.s32 @!p2 s8, s0;
	s4 =	simm.s32 @!p2 $0x1A480;
	s7 =	simm.s32 @!p3 $0xC  }
0x1e5: {  	[tilespmem:s4], [sflag:$0x11] =	stream.linear.gather @!p2 [hbm4b:s0+s25], $0x80, $0x38;
	[tilespmem:$0x1A680] =	vst v63  }
0x1e6: {  	_ =	swait.ge @!p3 [sflag:s7], $0x80  }
0x1e7: {  	[sflag:s7] =	ssyncset.done @!p3 $0x0  }
0x1e8: {  	[sflag:s7] =	ssyncadd.s32 @!p3 $0xFFFFFF80  }
0x1e9: {  	_ =	swait.ge @!p3 [sflag:s7], $0x80  }
0x1ea: {  	[sflag:s7] =	ssyncset.done @!p3 $0x0  }
0x1eb: {  	s0 =	simm.s32 @!p3 $0x19D00;
	s4 =	simm.s32 @!p3 $0x14C80;
	[sflag:s7] =	ssyncadd.s32 @!p3 $0xFFFFFF80  }
0x1ec: {  	[tilespmem:s4], [sflag:$0x2] =	stream.indirect.gather @!p3 [hbm4b:s19+s26], $0x80, s0, s26, $0xb8;
	[tilespmem:$0x1A680] =	vst v63  }
0x1ed: {  	_ =	swait.ge [sflag:s1], $0x1400  }
0x1ee: {  	[sflag:s1] =	ssyncset.done $0x0  }
0x1ef: {  	[sflag:s1] =	ssyncadd.s32 $0xFFFFEC00  }
0x1f0: {  	[tilespmem:s22], [sflag:$0x12] =	stream.linear.gather @!p2 [hbm4b:s30+s25], $0x80, $0x38;
	[tilespmem:$0x1A680] =	vst v63  }
0x1f1: {  	s0 =	simm.s32 @!p2 $0x1A500;
	s4 =	simm.s32 @!p3 $0xD  }
0x1f2: {  	[tilespmem:s0], [sflag:$0x12] =	stream.linear.gather @!p2 [hbm4b:s23+s25], $0x80, $0x38;
	[tilespmem:$0x1A680] =	vst v63  }
0x1f3: {  	_ =	swait.ge @!p3 [sflag:s4], $0x80  }
0x1f4: {  	[sflag:s4] =	ssyncset.done @!p3 $0x0  }
0x1f5: {  	[sflag:s4] =	ssyncadd.s32 @!p3 $0xFFFFFF80  }
0x1f6: {  	_ =	swait.ge @!p3 [sflag:s4], $0x80  }
0x1f7: {  	s31 =	simm.s32 $0x9;
	[sflag:s4] =	ssyncset.done @!p3 $0x0  }
0x1f8: {  	s7 =	simm.s32 @!p3 $0x16080;
	s0 =	simm.s32 @!p3 $0x19D80;
	[sflag:s4] =	ssyncadd.s32 @!p3 $0xFFFFFF80  }
0x1f9: {  	[tilespmem:s7], [sflag:$0x3] =	stream.indirect.gather @!p3 [hbm4b:s19+s26], $0x80, s0, s26, $0xb8;
	[tilespmem:$0x1A680] =	vst v63  }
0x1fa: {  	_ =	swait.ge [sflag:s31], $0x1400  }
0x1fb: {  	[sflag:s31] =	ssyncset.done $0x0  }
0x1fc: {  	s4 =	simm.s32 @!p2 $0x1A080;
	[sflag:s31] =	ssyncadd.s32 $0xFFFFEC00  }
0x1fd: {  	[tilespmem:s4], [sflag:$0x13] =	stream.linear.gather @!p2 [hbm4b:s29+s25], $0x80, $0x38;
	[tilespmem:$0x1A680] =	vst v63  }
0x1fe: {  	s0 =	simm.s32 @!p2 $0x1A580;
	s4 =	simm.s32 @!p3 $0xE  }
0x1ff: {  	[tilespmem:s0], [sflag:$0x13] =	stream.linear.gather @!p2 [hbm4b:s2+s25], $0x80, $0x38;
	[tilespmem:$0x1A680] =	vst v63  }
0x200: {  	_ =	swait.ge @!p3 [sflag:s4], $0x80  }
0x201: {  	[sflag:s4] =	ssyncset.done @!p3 $0x0  }
0x202: {  	[sflag:s4] =	ssyncadd.s32 @!p3 $0xFFFFFF80  }
0x203: {  	_ =	swait.ge @!p3 [sflag:s4], $0x80  }
0x204: {  	[sflag:s4] =	ssyncset.done @!p3 $0x0  }
0x205: {  	s0 =	simm.s32 @!p3 $0x19E00;
	s2 =	simm.s32 @!p3 $0x17480;
	[sflag:s4] =	ssyncadd.s32 @!p3 $0xFFFFFF80  }
0x206: {  	[tilespmem:s2], [sflag:$0x4] =	stream.indirect.gather @!p3 [hbm4b:s19+s26], $0x80, s0, s26, $0xb8;
	[tilespmem:$0x1A680] =	vst v63  }
0x207: {  	s24 =	sadd.s32 $0x500, s24;
	_ =	swait.ge [sflag:s14], $0x1400  }
0x208: {  	p1 =	sne.s32 s24, $0x8680;
	[sflag:s14] =	ssyncset.done $0x0  }
0x209: {  	s18 =	simm.s32 $0x1A180;
	s0 =	simm.s32 @!p2 $0x1A100;
	[sflag:s14] =	ssyncadd.s32 $0xFFFFEC00  }
0x20a: {  	[tilespmem:s0], [sflag:$0x14] =	stream.linear.gather @!p2 [hbm4b:s16+s25], $0x80, $0x38;
	[tilespmem:$0x1A680] =	vst v63  }
.Ltmp0:
0x20b: {  	s2 =	simm.s32 @!p2 $0x1A600;
	s0 =	simm.s32 @!p3 $0xF;
	(pc) =	sbr.rel @p1 .LBB2_2-.Ltmp0, $4  }
0x20c: {  	[tilespmem:s2], [sflag:$0x14] =	stream.linear.gather @!p2 [hbm4b:s15+s25], $0x80, $0x38;
	[tilespmem:$0x1A680] =	vst v63  }
0x20d: {  	s17 =	simm.s32 $0x1A280;
	s30 =	simm.s32 $0x19F80;
	_ =	swait.ge @!p3 [sflag:s0], $0x80  }
0x20e: {  	s22 =	simm.s32 $0x14C80;
	s7 =	simm.s32 @!p3 $0x18880;
	[sflag:s0] =	ssyncset.done @!p3 $0x0  }
0x20f: {  	s29 =	simm.s32 $0x17480;
	s2 =	simm.s32 @!p3 $0x19E80;
	[sflag:s0] =	ssyncadd.s32 @!p3 $0xFFFFFF80  }
0x210: {  	_ =	swait.ge @!p3 [sflag:s0], $0x80  }
0x211: {  	[sflag:s0] =	ssyncset.done @!p3 $0x0  }
0x212: {  	[sflag:s0] =	ssyncadd.s32 @!p3 $0xFFFFFF80  }
0x213: {  	s0 =	rddreg [dreg:$0x0]  }
0x214: {  	[tilespmem:s7], [sflag:$0x5] =	stream.indirect.gather @!p3 [hbm4b:s0+s26], $0x80, s2, s26, $0xb8;
	[tilespmem:$0x1A680] =	vst v63  }
0x215: {  	[bflag:$0x0] =	sbarrier.arrive $0xFFFF  }
0x216: {  	s1 =	sld [smem:$0x7F9]  }
0x217: {  	s12 =	rddreg [dreg:$0x7]  }
0x218: {  	s4 =	simm.s32 $0x15;
	s25 =	rddreg [dreg:$0x11]  }
0x219: {  	[hbm:s25], [sflag:s12] =	dma.local [spmem:s1], $0x2700  }
0x21a: {  	_ =	swait.ge [sflag:s4], $0x2700  }
0x21b: {  	s1 =	sld [smem:$0x7FA]  }
0x21c: {  	[sflag:s4] =	ssyncset.done $0x0  }
0x21d: {  	s0 =	rddreg [dreg:$0x1e];
	[sflag:s4] =	ssyncadd.s32 $0xFFFFD900  }
0x21e: {  	[hbm:s0], [sflag:s12] =	dma.local @!p0 [spmem:s1], $0x100  }
0x21f: {  	s0 =	simm.s32 @!p0 $0x15  }
0x220: {  	_ =	swait.ge @!p0 [sflag:s0], $0x100  }
0x221: {  	s26 =	sld [smem:$0x7F8];
	_ =	sdelay $0x2  }
0x222: {  	s31 =	rddreg [dreg:$0x1f];
	s1 =	sadd.s32 $0x1, s26  }
0x223: {  	p1 =	sne.s32 s1, s31  }
.Ltmp1:
0x224: {  	_ = 	snop;
	(pc) =	sbr.rel @p1 .LBB2_1-.Ltmp1, $4  }
0x225: {  	s15 =	simm.s32 $0x1A480  }
0x226: {  	s28 =	simm.s32 $0x1A500;
	s23 =	simm.s32 $0x1A080;
	s14 =	simm.s32 $0x1A580  }
0x227: {  	s8 =	simm.s32 $0x1A600;
	s19 =	simm.s32 $0x28;
	[sflag:s0] =	ssyncset.done @!p0 $0x0  }
0x228: {  	s6 =	smov.u32 s5;
	s25 =	simm.s32 $0x1A100;
	[sflag:s0] =	ssyncadd.s32 @!p0 $0xFFFFFF00  }
0x229: {  	_ =	sfence.sel $0x180000  }
0x22a: {  	[bflag:$0x0] =	sbarrier.arrive $0xFFFF  }
0x22b: {  	_ =	strace $0x90000047  }
0x22c: {  	s0 =	stileid.u32;
	[bflag:$0x2] =	sbarrier.arrive $0xFFFF  }
0x22d: {  	p0 =	sne.s32 s0, $0x0;
	s0 =	rddreg [dreg:$0x3]  }
0x22e: {  	s0 =	sadd.s32 @!p0 $0x100000, s0  }
0x22f: {  	[sflag:s0] =	ssyncadd.tile.s32 @!p0 $0x1;
	_ =	shalt  }
.Lfunc_end2:
_tile_overlayer_lowered:
.L_overlay_start_2:
0x230: {  	(tag) =	ssettag $0x2  }
0x231: {  	s0 =	rddreg [dreg:$0x0];
	s2 =	stileid.u32  }
0x232: {  	s1 =	rddreg [dreg:$0x1];
	p0 =	sne.s32 s2, $0x0  }
0x233: {  	s3 =	rddreg [dreg:$0x2];
	[bflag:$0x3] =	sbarrier.arrive $0xFFFF;
	s2 =	simm.s32 @!p0 $0x1C15  }
0x234: {  	[timem:s3], [sflag:s2] =	dma.local @!p0 [hbm:s0], s1  }
0x235: {  	s0 =	simm.s32 @!p0 $0x15  }
0x236: {  	_ =	swait.ge @!p0 [sflag:s0], s1  }
0x237: {  	s1 =	ssub.s32 @!p0 $0x0, s1;
	[sflag:s0] =	ssyncset.done @!p0 $0x0  }
0x238: {  	[sflag:s0] =	ssyncadd.s32 @!p0 s1  }
0x239: {  	[bflag:$0x3] =	sbarrier.arrive $0xFFFF  }
0x23a: {  	_ =	shalt  }

// kernel: kernel.14.cloned.1.call-start
scs
__scs_entry_jumppad:
0x0: {  	(pc) =	sbr.rel $0x88, $3  }
0x1: {  	(tag) =	ssettag $0x0;
	lr =	simm.s32 $0x1  }
0x2: {  	[smem:$0x3F97] =	sst lr;
	_ =	strace $0xD0000000  }
0x3: {  	_ = 	snop  }
0x4: {  	_ = 	snop  }
0x5: {  	_ = 	snop  }
0x6: {  	_ = 	snop  }
0x7: {  	_ = 	snop  }
__scs_overlays_trampoline_lowered:
0x8: {  	[smem:$0x3FA6] =	sst s0  }
0x9: {  	[smem:$0x3FA7] =	sst s1  }
0xa: {  	[smem:$0x3FA8] =	sst s2  }
0xb: {  	[smem:$0x3FA9] =	sst s3  }
0xc: {  	[smem:$0x3FAA] =	sst s4  }
0xd: {  	[smem:$0x3FAB] =	sst s5  }
0xe: {  	[smem:$0x3FAC] =	sst s6  }
0xf: {  	[smem:$0x3FAD] =	sst s7  }
0x10: {  	[smem:$0x3FAE] =	sst s8  }
0x11: {  	[smem:$0x3FAF] =	sst s9;
	s0 =	simm.s32 @!p0 $0x0  }
0x12: {  	s1 =	sld [smem:$0x3F95];
	s0 =	simm.s32 @p0 $0x1  }
0x13: {  	[smem:$0x3FB0] =	sst s0;
	s0 =	simm.s32 @!p1 $0x0  }
0x14: {  	s2 =	sld [smem:$0x3F94];
	s0 =	simm.s32 @p1 $0x1  }
0x15: {  	[smem:$0x3FB1] =	sst s0;
	s0 =	simm.s32 @!p2 $0x0  }
0x16: {  	s3 =	sld [smem:$0x3FDB];
	s0 =	simm.s32 @p2 $0x1  }
0x17: {  	s4 =	simm.s32 $0x1BF5;
	[smem:$0x3FB3] =	sst s0  }
0x18: {  	s0 =	sld [smem:$0x3F96];
	_ =	swait.ge [sflag:s4], $0x0  }
0x19: {  	s7 =	sld [smem:$0x3F97]  }
0x1a: {  	s8 =	sadd.s32 $0xFFFFE003, lr  }
0x1b: {  	s9 =	sadd.s32 $0xFFFFFEF7, lr;
	s5 =	simm.s32 $0xFFFFFFFF;
	p2 =	slt.u32 s8, $0xFFFFF086  }
0x1c: {  	p1 =	slt.u32 s9, $0xF7A;
	s5 =	simm.s32 @!p2 $0x0  }
0x1d: {  	s5 =	simm.s32 @p1 $0x1;
	p0 =	seq.s32 s7, s2  }
0x1e: {  	s7 =	smul.u32 @!p0 $0xF7A, s2;
	p2 =	seq.s32 @!p0 s5, $0x0  }
0x1f: {  	s9 =	smul.u32 $0xF7A, s1;
	s8 =	simm.s32 @!p0 $0x1BF5;
	p2 =	por !p2, p0  }
0x20: {  	[sflag:s8] =	ssyncset.s32 @!p0 $0xFFFFF086;
	s6 =	sadd.s32 @!p0 s3, s7;
	s7 =	simm.s32 @!p0 $0x108  }
0x21: {  	s3 =	sadd.s32 s3, s9;
	s6 =	sadd.s32 @!p0 $0x88, s6;
	s7 =	simm.s32 @p2 $0x1082  }
0x22: {  	[simem:s7], [sflag:s8] =	dma.local @!p0 [hbm:s6], $0xF7A  }
0x23: {  	s9 =	sor.u32 $0xD0000000, s2;
	s6 =	simm.s32 $0x108;
	_ =	swait.ge @!p0 [sflag:s8], $0x0  }
0x24: {  	s3 =	sadd.s32 $0x88, s3;
	s6 =	simm.s32 @!p1 $0x1082;
	[sflag:s4] =	ssyncset.s32 $0xFFFFF086  }
0x25: {  	[simem:s6], [sflag:s4] =	dma.local [hbm:s3], $0xF7A  }
0x26: {  	[smem:$0x3F97] =	sst s1;
	(tag) =	ssettag s2;
	_ =	strace s9  }
0x27: {  	s1 =	sld [smem:$0x3FA7]  }
0x28: {  	s2 =	sld [smem:$0x3FA8]  }
0x29: {  	s4 =	sld [smem:$0x3FAA]  }
0x2a: {  	p0 =	seq.s32 s5, $0x0;
	s5 =	sld [smem:$0x3FAB]  }
0x2b: {  	s6 =	sld [smem:$0x3FAC]  }
0x2c: {  	s7 =	sld [smem:$0x3FAD]  }
0x2d: {  	s3 =	simm.s32 $0x108;
	s8 =	sld [smem:$0x3FAE]  }
0x2e: {  	s3 =	simm.s32 @!p0 $0x1082;
	s9 =	sld [smem:$0x3FAF]  }
0x2f: {  	lr =	sadd.s32 s0, s3;
	s0 =	sld [smem:$0x3FA6]  }
0x30: {  	s3 =	sld [smem:$0x3FA9]  }
0x31: {  	[smem:$0x3FB2] =	sst s10  }
0x32: {  	s10 =	sld [smem:$0x3FB0];
	_ =	sdelay $0x3  }
0x33: {  	p0 =	seq.s32 s10, $0x1;
	s10 =	sld [smem:$0x3FB2];
	_ =	sdelay $0x3  }
0x34: {  	[smem:$0x3FB2] =	sst s10  }
0x35: {  	s10 =	sld [smem:$0x3FB1];
	_ =	sdelay $0x3  }
0x36: {  	p1 =	seq.s32 s10, $0x1;
	s10 =	sld [smem:$0x3FB2];
	_ =	sdelay $0x3  }
0x37: {  	[smem:$0x3FB2] =	sst s10  }
0x38: {  	s10 =	sld [smem:$0x3FB3]  }
0x39: {  	_ = 	snop;
	(pc) =	sbr.ind lr, $3  }
0x3a: {  	_ = 	snop  }
0x3b: {  	_ = 	snop  }
0x3c: {  	p2 =	seq.s32 s10, $0x1;
	s10 =	sld [smem:$0x3FB2]  }
0x3d: {  	_ =	shalt  }
0x3e: {  	_ =	shalt  }
0x3f: {  	_ =	shalt  }
0x40: {  	_ =	shalt  }
0x41: {  	_ =	shalt  }
0x42: {  	_ =	shalt  }
0x43: {  	_ =	shalt  }
0x44: {  	_ =	shalt  }
0x45: {  	_ =	shalt  }
0x46: {  	_ =	shalt  }
0x47: {  	_ =	shalt  }
0x48: {  	_ =	shalt  }
0x49: {  	_ =	shalt  }
0x4a: {  	_ =	shalt  }
0x4b: {  	_ =	shalt  }
0x4c: {  	_ =	shalt  }
0x4d: {  	_ =	shalt  }
0x4e: {  	_ =	shalt  }
0x4f: {  	_ =	shalt  }
0x50: {  	_ =	shalt  }
0x51: {  	_ =	shalt  }
0x52: {  	_ =	shalt  }
0x53: {  	_ =	shalt  }
0x54: {  	_ =	shalt  }
0x55: {  	_ =	shalt  }
0x56: {  	_ =	shalt  }
0x57: {  	_ =	shalt  }
0x58: {  	_ =	shalt  }
0x59: {  	_ =	shalt  }
0x5a: {  	_ =	shalt  }
0x5b: {  	_ =	shalt  }
0x5c: {  	_ =	shalt  }
0x5d: {  	_ =	shalt  }
0x5e: {  	_ =	shalt  }
0x5f: {  	_ =	shalt  }
0x60: {  	_ =	shalt  }
0x61: {  	_ =	shalt  }
0x62: {  	_ =	shalt  }
0x63: {  	_ =	shalt  }
0x64: {  	_ =	shalt  }
0x65: {  	_ =	shalt  }
0x66: {  	_ =	shalt  }
0x67: {  	_ =	shalt  }
0x68: {  	_ =	shalt  }
0x69: {  	_ =	shalt  }
0x6a: {  	_ =	shalt  }
0x6b: {  	_ =	shalt  }
0x6c: {  	_ =	shalt  }
0x6d: {  	_ =	shalt  }
0x6e: {  	_ =	shalt  }
0x6f: {  	_ =	shalt  }
0x70: {  	_ =	shalt  }
0x71: {  	_ =	shalt  }
0x72: {  	_ =	shalt  }
0x73: {  	_ =	shalt  }
0x74: {  	_ =	shalt  }
0x75: {  	_ =	shalt  }
0x76: {  	_ =	shalt  }
0x77: {  	_ =	shalt  }
0x78: {  	_ =	shalt  }
0x79: {  	_ =	shalt  }
0x7a: {  	_ =	shalt  }
0x7b: {  	_ =	shalt  }
0x7c: {  	_ =	shalt  }
0x7d: {  	_ =	shalt  }
0x7e: {  	_ =	shalt  }
0x7f: {  	_ =	shalt  }
0x80: {  	_ =	shalt  }
0x81: {  	_ =	shalt  }
0x82: {  	_ =	shalt  }
0x83: {  	_ =	shalt  }
0x84: {  	_ =	shalt  }
0x85: {  	_ =	shalt  }
0x86: {  	_ =	shalt  }
0x87: {  	_ =	shalt  }
.Lfunc_end0:
.L_simem_size_0:
called_computation.2_lowered:
.L_overlay_start_0:
0x88: {  	s2 =	sld [smem:$0x3FD9]  }
0x89: {  	s3 =	sld [smem:$0x3FFE];
	_ =	sdelay $0x1  }
0x8a: {  	s1 =	srdreg.scid  }
0x8b: {  	s0 =	sand.u32 $0x1, s1  }
0x8c: {  	s17 =	sshll.u32 s0, $0xA;
	s2 =	sadd.s32 s3, s2  }
0x8d: {  	s2 =	sadd.s32 s2, s17  }
0x8e: {  	[smem:$0x3FBE] =	sst s2  }
0x8f: {  	_ = 	snop  }
0x90: {  	s2 =	sld [smem:$0x3FD0];
	(tm) =	ssettm $0x1  }
0x91: {  	s18 =	sld [smem:$0x3FFB];
	_ =	sdelay $0x3  }
0x92: {  	_ =	strace s18  }
0x93: {  	s3 =	sld [smem:$0x3FFC];
	_ =	sdelay $0x3  }
0x94: {  	_ =	strace s3  }
0x95: {  	s3 =	sld [smem:$0x3FFD];
	_ =	sdelay $0x3  }
0x96: {  	_ =	strace s3  }
0x97: {  	_ =	strace $0x8FFFFFFF  }
0x98: {  	s19 =	sld [smem:$0x3FDB];
	_ =	sdelay $0x1  }
0x99: {  	s4 =	simm.s32 $_scs_section_size  }
0x9a: {  	s5 =	simm.s32 $_size__tile_overlayer_lowered;
	s6 =	simm.s32 $_tile_overlayer_lowered  }
0x9b: {  	s22 =	simm.s32 $0x1BFF;
	s21 =	sshll.u32 s6, $0x1;
	s3 =	sadd.s32 s4, s19  }
0x9c: {  	s7 =	simm.s32 $0x0;
	s20 =	sshll.u32 s5, $0x1;
	s5 =	sadd.s32 s21, s3  }
0x9d: {  	[timem:s7], [sflag:s22] =	dma.local [hbm:s5], s20  }
0x9e: {  	_ =	swait.ge [sflag:s22], s20  }
0x9f: {  	s4 =	ssub.s32 $0x0, s20;
	[sflag:s22] =	ssyncset.done $0x0  }
0xa0: {  	[sflag:s22] =	ssyncadd.s32 s4;
	_ =	sdelay $0x1  }
0xa1: {  	s23 =	simm.s32 $0x1B8B  }
0xa2: {  	_ =	swait.ge [sflag:s23], $0x1  }
0xa3: {  	[sflag:s23] =	ssyncset.done $0x0  }
0xa4: {  	s25 =	simm.s32 $0x1B8E;
	s24 =	sld [smem:$0x3FFE];
	[sflag:s23] =	ssyncadd.s32 $0xFFFFFFFF  }
0xa5: {  	s26 =	simm.s32 $execute0_lowered;
	[smem:$0x3FD2] =	sst s25  }
0xa6: {  	s5 =	sshll.u32 s26, $0x1;
	_ =	strace $0x8000004C;
	[dreg:$0x1] =	wrdreg $0xFFFFFFFF  }
0xa7: {  	s28 =	simm.s32 $_size_execute0_lowered;
	s3 =	sadd.s32 s3, s5;
	[dreg:$0x0] =	wrdreg $0x0  }
0xa8: {  	s5 =	sshll.u32 s28, $0x1;
	[dreg:$0x2] =	wrdreg s3  }
0xa9: {  	[dreg:$0x3] =	wrdreg s5  }
0xaa: {  	[dreg:$0x4] =	wrdreg $0xC0  }
0xab: {  	_ =	task [dreg:s7], $0x5FFFF  }
0xac: {  	[dreg:$0x1] =	wrdreg $0xFFFFFFFF  }
0xad: {  	[dreg:$0x0] =	wrdreg $0x60  }
0xae: {  	[dreg:$0x2] =	wrdreg s2  }
0xaf: {  	[dreg:$0x3] =	wrdreg s24  }
0xb0: {  	[dreg:$0x4] =	wrdreg $0x0  }
0xb1: {  	[dreg:$0x5] =	wrdreg $0x9  }
0xb2: {  	_ =	task.clear_ibuf [dreg:s7], $0x6FFFF;
	_ =	strace $0x9000004C  }
0xb3: {  	s29 =	simm.s32 $0x9;
	_ =	strace $0x8000004E  }
0xb4: {  	_ =	swait.ge [sflag:s29], $0x1  }
0xb5: {  	[sflag:s29] =	ssyncadd.s32 $0xFFFFFFFF  }
0xb6: {  	_ =	strace $0x9000004E  }
0xb7: {  	_ =	sfence  }
0xb8: {  	s30 =	sld [smem:$0x0];
	_ =	sdelay $0x2  }
0xb9: {  	s31 =	sshll.u32 s1, $0xD;
	s1 =	sshrl.u32 s1, $0x2  }
0xba: {  	s3 =	sand.u32 $0x4000, s31;
	s1 =	sadd.s32 s1, s30  }
0xbb: {  	s0 =	sor.u32 s3, s0;
	s1 =	sshll.u32 s1, $0x11  }
0xbc: {  	s0 =	sor.u32 s1, s0  }
0xbd: {  	s0 =	sadd.s32 $0x8F2B, s0  }
0xbe: {  	[sflag:s0] =	ssyncadd.remote.s32 $0x1  }
0xbf: {  	_ =	sfence.sel $0xFFFF  }
0xc0: {  	[dreg:$0x0] =	wrdreg $0xFFFFFFFF;
	(pc) =	sbr.abs _section_cstart, $3  }
0xc1: {  	[dreg:$0x1] =	wrdreg $0xFFFFFFFF  }
0xc2: {  	_ =	task.clear_ibuf [dreg:s7], $0x2FFFF;
	_ =	strace $0x9FFFFFFF  }
0xc3: {  	(tm) =	ssettm $0x7FFFFFFF  }
tec
execute0_lowered:
.L_overlay_start_1:
0x0: {  	(tag) =	ssettag $0x1  }
0x1: {  	s0 =	rddreg [dreg:$0x1]  }
0x2: {  	s3 =	rddreg [dreg:$0x2];
	s2 =	simm.s32 $0x0  }
0x3: {  	s14 =	stileid.u32;
	s4 =	srdreg.scid;
	s30 =	simm.s32 $0x19F80  }
0x4: {  	s28 =	simm.s32 $0x1A500;
	s29 =	simm.s32 $0x17480;
	[smem:$0x7FF] =	sst s2  }
0x5: {  	s17 =	smul.u32 $0x13800, s14;
	s1 =	sadd.s32 $0x22600, s0;
	s5 =	sadd.s32 $0x2600, s0  }
0x6: {  	s4 =	sand.u32 $0x1, s4;
	s9 =	smul.u32 $0x4E000, s14;
	s10 =	sadd.s32 $0x69800, s0  }
0x7: {  	s12 =	sshll.u32 s14, $0x10;
	s19 =	sshll.u32 s14, $0x6;
	p0 =	sne.s32 s14, $0xF  }
0x8: {  	s14 =	simm.s32 $0x1A580;
	_ =	strace $0x8000004D;
	[smem:$0x7FB] =	sst s1  }
0x9: {  	s8 =	ssub.s32 $0x2, s4;
	s13 =	sshll.u32 s4, $0xF;
	[smem:$0x7FC] =	sst s5  }
0xa: {  	s9 =	sshrl.u32 s9, $0x2;
	s6 =	sor.u32 s13, s12;
	s12 =	sor.u32 $0x1C15, s19  }
0xb: {  	s7 =	sshrl.u32 s17, $0x3;
	s18 =	sadd.s32 s9, s3;
	[dreg:$0x7] =	wrdreg s12  }
0xc: {  	s7 =	sadd.s32 s7, s0;
	s0 =	sadd.s32 $0x69600, s0;
	[dreg:$0x5] =	wrdreg s18  }
0xd: {  	s9 =	sshrl.u32 s6, $0x3;
	s7 =	sadd.s32 $0x42600, s7;
	[dreg:$0x8] =	wrdreg s0  }
0xe: {  	s20 =	sor.u32 $0x10, s9;
	s19 =	sadd.s32 s1, s9;
	[dreg:$0x6] =	wrdreg s7  }
0xf: {  	s4 =	smul.u32 $0x138800, s4;
	s21 =	sadd.s32 s1, s20;
	[dreg:$0x18] =	wrdreg s19  }
0x10: {  	s22 =	sor.u32 $0x20, s9;
	s0 =	sadd.s32 s5, s20;
	[dreg:$0x9] =	wrdreg s21  }
0x11: {  	s24 =	sor.u32 $0x30, s9;
	s23 =	sadd.s32 s1, s22;
	[dreg:$0xa] =	wrdreg s0  }
0x12: {  	s2 =	sadd.s32 s17, s4;
	s25 =	sadd.s32 s1, s24;
	[dreg:$0xb] =	wrdreg s23  }
0x13: {  	s26 =	sor.u32 $0x40, s9;
	s7 =	sadd.s32 s5, s24;
	[dreg:$0xd] =	wrdreg s25  }
0x14: {  	s15 =	sor.u32 $0x60, s9;
	s31 =	sadd.s32 s1, s26;
	[dreg:$0xe] =	wrdreg s7  }
0x15: {  	s17 =	sor.u32 $0x70, s9;
	s16 =	sadd.s32 s1, s15;
	[dreg:$0xf] =	wrdreg s31  }
0x16: {  	s11 =	sshrl.u32 s8, $0x1;
	s18 =	sadd.s32 s1, s17;
	[dreg:$0x14] =	wrdreg s16  }
0x17: {  	s11 =	ssub.s32 s8, s11;
	s20 =	sadd.s32 s5, s9;
	[dreg:$0x16] =	wrdreg s18  }
0x18: {  	s4 =	sshrl.u32 s4, $0x3;
	s0 =	sadd.s32 s5, s22;
	[dreg:$0x19] =	wrdreg s20  }
0x19: {  	s2 =	sshrl.u32 s2, $0x3;
	s31 =	sadd.s32 $0x138000, s3;
	[dreg:$0xc] =	wrdreg s0  }
0x1a: {  	s7 =	sor.u32 $0x50, s9;
	s0 =	sadd.s32 s5, s26;
	[smem:$0x7FD] =	sst s31  }
0x1b: {  	s21 =	sor.u32 $0x80, s9;
	s13 =	sadd.s32 s5, s7;
	[dreg:$0x10] =	wrdreg s0  }
0x1c: {  	s22 =	sor.u32 $0x90, s9;
	s23 =	sadd.s32 s1, s21;
	[dreg:$0x13] =	wrdreg s13  }
0x1d: {  	s8 =	sadd.s32 s10, s4;
	s24 =	sadd.s32 s1, s22;
	[dreg:$0x1a] =	wrdreg s23  }
0x1e: {  	s4 =	simm.s32 $0x15;
	s25 =	sadd.s32 s5, s22;
	[dreg:$0x1c] =	wrdreg s24  }
0x1f: {  	s19 =	simm.s32 $0x28;
	s26 =	smax.u32 s11, $0x1;
	[dreg:$0x1d] =	wrdreg s25  }
0x20: {  	s22 =	simm.s32 $0x14C80;
	s0 =	sadd.s32 s10, s2;
	[dreg:$0x1f] =	wrdreg s26  }
0x21: {  	s10 =	sadd.s32 s1, s7;
	s2 =	sadd.s32 s5, s15;
	[dreg:$0x11] =	wrdreg s0  }
0x22: {  	s15 =	simm.s32 $0x1A480;
	s23 =	simm.s32 $0x1A080;
	[dreg:$0x12] =	wrdreg s10  }
0x23: {  	s25 =	simm.s32 $0x1A100;
	[dreg:$0x15] =	wrdreg s2;
	s2 =	sadd.s32 s5, s17  }
0x24: {  	s1 =	simm.s32 $0x0;
	s0 =	sadd.s32 $0x27000, s8;
	[dreg:$0x17] =	wrdreg s2  }
0x25: {  	s17 =	simm.s32 $0x1A280;
	s2 =	sadd.s32 s5, s21;
	[dreg:$0x1e] =	wrdreg s0  }
0x26: {  	s8 =	simm.s32 $0x1A600;
	s21 =	simm.s32 $0x16080;
	[dreg:$0x1b] =	wrdreg s2  }
.LBB2_1:
0x27: {  	[smem:$0x7F8] =	sst s1  }
0x28: {  	s0 =	rddreg [dreg:$0x5]  }
0x29: {  	s16 =	rddreg [dreg:$0x6];
	s13 =	sshrl.u32 s0, $0x3  }
0x2a: {  	[smem:$0x7F9] =	sst s13  }
0x2b: {  	[spmem:s13], [sflag:s12] =	dma.local [hbm:s16], $0x2700  }
0x2c: {  	_ =	swait.ge [sflag:s4], $0x2700  }
0x2d: {  	s0 =	sld [smem:$0x7FD];
	_ =	sdelay $0x2  }
0x2e: {  	[sflag:s4] =	ssyncset.done $0x0;
	s1 =	sshrl.u32 @!p0 s0, $0x3;
	s0 =	rddreg [dreg:$0x8]  }
0x2f: {  	[sflag:s4] =	ssyncadd.s32 $0xFFFFD900;
	[smem:$0x7FA] =	sst s1  }
0x30: {  	[spmem:s1], [sflag:s12] =	dma.local @!p0 [hbm:s0], $0x100  }
0x31: {  	s0 =	simm.s32 @!p0 $0x15  }
0x32: {  	_ =	swait.ge @!p0 [sflag:s0], $0x100  }
0x33: {  	[sflag:s0] =	ssyncset.done @!p0 $0x0  }
0x34: {  	[sflag:s0] =	ssyncadd.s32 @!p0 $0xFFFFFF00  }
0x35: {  	[bflag:$0x0] =	sbarrier.arrive $0xFFFF  }
0x36: {  	s4 =	simm.s32 $0x19C80;
	s0 =	simm.s32 $0x0;
	s2 =	rddreg [dreg:$0x18]  }
0x37: {  	[tilespmem:s4], [sflag:$0xB] =	stream.linear.gather [hbm4b:s2+s0], $0x80, $0x38;
	[tilespmem:$0x1A680] =	vst v63  }
0x38: {  	s5 =	simm.s32 $0x1A180;
	s18 =	rddreg [dreg:$0x19]  }
0x39: {  	[tilespmem:s5], [sflag:$0xB] =	stream.linear.gather [hbm4b:s18+s0], $0x80, $0x38;
	[tilespmem:$0x1A680] =	vst v63  }
0x3a: {  	s7 =	simm.s32 $0x19D00;
	s20 =	rddreg [dreg:$0x9]  }
0x3b: {  	[tilespmem:s7], [sflag:$0xC] =	stream.linear.gather [hbm4b:s20+s0], $0x80, $0x38;
	[tilespmem:$0x1A680] =	vst v63  }
0x3c: {  	s16 =	simm.s32 $0x1A200;
	s24 =	rddreg [dreg:$0xa]  }
0x3d: {  	[tilespmem:s16], [sflag:$0xC] =	stream.linear.gather [hbm4b:s24+s0], $0x80, $0x38;
	[tilespmem:$0x1A680] =	vst v63  }
0x3e: {  	s9 =	simm.s32 $0x19D80;
	s26 =	rddreg [dreg:$0xb]  }
0x3f: {  	[tilespmem:s9], [sflag:$0xD] =	stream.linear.gather [hbm4b:s26+s0], $0x80, $0x38;
	[tilespmem:$0x1A680] =	vst v63  }
0x40: {  	s31 =	rddreg [dreg:$0xc]  }
0x41: {  	[tilespmem:s17], [sflag:$0xD] =	stream.linear.gather [hbm4b:s31+s0], $0x80, $0x38;
	[tilespmem:$0x1A680] =	vst v63  }
0x42: {  	s10 =	simm.s32 $0x19E00;
	s1 =	rddreg [dreg:$0xd]  }
0x43: {  	[tilespmem:s10], [sflag:$0xE] =	stream.linear.gather [hbm4b:s1+s0], $0x80, $0x38;
	[tilespmem:$0x1A680] =	vst v63  }
0x44: {  	s11 =	rddreg [dreg:$0xe];
	s24 =	simm.s32 $0x1A300  }
0x45: {  	[tilespmem:s24], [sflag:$0xE] =	stream.linear.gather [hbm4b:s11+s0], $0x80, $0x38;
	[tilespmem:$0x1A680] =	vst v63  }
0x46: {  	s12 =	rddreg [dreg:$0xf];
	s11 =	simm.s32 $0x19E80  }
0x47: {  	[tilespmem:s11], [sflag:$0xF] =	stream.linear.gather [hbm4b:s12+s0], $0x80, $0x38;
	[tilespmem:$0x1A680] =	vst v63  }
0x48: {  	s18 =	rddreg [dreg:$0x10];
	s26 =	simm.s32 $0x1A380  }
0x49: {  	[tilespmem:s26], [sflag:$0xF] =	stream.linear.gather [hbm4b:s18+s0], $0x80, $0x38;
	[tilespmem:$0x1A680] =	vst v63  }
0x4a: {  	s20 =	rddreg [dreg:$0x12];
	s31 =	simm.s32 $0x19F00  }
0x4b: {  	[tilespmem:s31], [sflag:$0x10] =	stream.linear.gather [hbm4b:s20+s0], $0x80, $0x38;
	[tilespmem:$0x1A680] =	vst v63  }
0x4c: {  	s1 =	rddreg [dreg:$0x13];
	s12 =	simm.s32 $0x1A400  }
0x4d: {  	[tilespmem:s12], [sflag:$0x10] =	stream.linear.gather [hbm4b:s1+s0], $0x80, $0x38;
	[tilespmem:$0x1A680] =	vst v63  }
0x4e: {  	s18 =	rddreg [dreg:$0x14]  }
0x4f: {  	[tilespmem:s30], [sflag:$0x11] =	stream.linear.gather [hbm4b:s18+s0], $0x80, $0x38;
	[tilespmem:$0x1A680] =	vst v63  }
0x50: {  	s20 =	rddreg [dreg:$0x15]  }
0x51: {  	[tilespmem:s15], [sflag:$0x11] =	stream.linear.gather [hbm4b:s20+s0], $0x80, $0x38;
	[tilespmem:$0x1A680] =	vst v63  }
0x52: {  	s31 =	rddreg [dreg:$0x16];
	s1 =	simm.s32 $0x1A000  }
0x53: {  	[tilespmem:s1], [sflag:$0x12] =	stream.linear.gather [hbm4b:s31+s0], $0x80, $0x38;
	[tilespmem:$0x1A680] =	vst v63  }
0x54: {  	s12 =	rddreg [dreg:$0x17]  }
0x55: {  	[tilespmem:s28], [sflag:$0x12] =	stream.linear.gather [hbm4b:s12+s0], $0x80, $0x38;
	[tilespmem:$0x1A680] =	vst v63  }
0x56: {  	s18 =	rddreg [dreg:$0x1a]  }
0x57: {  	[tilespmem:s23], [sflag:$0x13] =	stream.linear.gather [hbm4b:s18+s0], $0x80, $0x38;
	[tilespmem:$0x1A680] =	vst v63  }
0x58: {  	s20 =	rddreg [dreg:$0x1b]  }
0x59: {  	[tilespmem:s14], [sflag:$0x13] =	stream.linear.gather [hbm4b:s20+s0], $0x80, $0x38;
	[tilespmem:$0x1A680] =	vst v63  }
0x5a: {  	s31 =	rddreg [dreg:$0x1c]  }
0x5b: {  	[tilespmem:s25], [sflag:$0x14] =	stream.linear.gather [hbm4b:s31+s0], $0x80, $0x38;
	[tilespmem:$0x1A680] =	vst v63  }
0x5c: {  	s2 =	simm.s32 $0xB;
	s1 =	rddreg [dreg:$0x1d]  }
0x5d: {  	[tilespmem:s8], [sflag:$0x14] =	stream.linear.gather [hbm4b:s1+s0], $0x80, $0x38;
	[tilespmem:$0x1A680] =	vst v63  }
0x5e: {  	_ =	swait.ge [sflag:s2], $0x80  }
0x5f: {  	[sflag:s2] =	ssyncset.done $0x0  }
0x60: {  	[sflag:s2] =	ssyncadd.s32 $0xFFFFFF80  }
0x61: {  	_ =	swait.ge [sflag:s2], $0x80  }
0x62: {  	[sflag:s2] =	ssyncset.done $0x0  }
0x63: {  	[sflag:s2] =	ssyncadd.s32 $0xFFFFFF80  }
0x64: {  	s13 =	simm.s32 $0x13880;
	s1 =	rddreg [dreg:$0x0]  }
0x65: {  	[tilespmem:s13], [sflag:$0x1] =	stream.indirect.gather [hbm4b:s1+s19], $0x80, s4, s19, $0xb8;
	[tilespmem:$0x1A680] =	vst v63  }
0x66: {  	s4 =	simm.s32 $0xC  }
0x67: {  	_ =	swait.ge [sflag:s4], $0x80  }
0x68: {  	[sflag:s4] =	ssyncset.done $0x0  }
0x69: {  	[sflag:s4] =	ssyncadd.s32 $0xFFFFFF80  }
0x6a: {  	_ =	swait.ge [sflag:s4], $0x80  }
0x6b: {  	[sflag:s4] =	ssyncset.done $0x0  }
0x6c: {  	[sflag:s4] =	ssyncadd.s32 $0xFFFFFF80  }
0x6d: {  	[tilespmem:s22], [sflag:$0x2] =	stream.indirect.gather [hbm4b:s1+s19], $0x80, s7, s19, $0xb8;
	[tilespmem:$0x1A680] =	vst v63  }
0x6e: {  	s7 =	simm.s32 $0xD  }
0x6f: {  	_ =	swait.ge [sflag:s7], $0x80  }
0x70: {  	[sflag:s7] =	ssyncset.done $0x0  }
0x71: {  	[sflag:s7] =	ssyncadd.s32 $0xFFFFFF80  }
0x72: {  	_ =	swait.ge [sflag:s7], $0x80  }
0x73: {  	[sflag:s7] =	ssyncset.done $0x0  }
0x74: {  	s8 =	simm.s32 $0xE;
	[sflag:s7] =	ssyncadd.s32 $0xFFFFFF80  }
0x75: {  	[tilespmem:s21], [sflag:$0x3] =	stream.indirect.gather [hbm4b:s1+s19], $0x80, s9, s19, $0xb8;
	[tilespmem:$0x1A680] =	vst v63  }
0x76: {  	_ =	swait.ge [sflag:s8], $0x80  }
0x77: {  	[sflag:s8] =	ssyncset.done $0x0  }
0x78: {  	[sflag:s8] =	ssyncadd.s32 $0xFFFFFF80  }
0x79: {  	_ =	swait.ge [sflag:s8], $0x80  }
0x7a: {  	[sflag:s8] =	ssyncset.done $0x0  }
0x7b: {  	s9 =	simm.s32 $0xF;
	[sflag:s8] =	ssyncadd.s32 $0xFFFFFF80  }
0x7c: {  	[tilespmem:s29], [sflag:$0x4] =	stream.indirect.gather [hbm4b:s1+s19], $0x80, s10, s19, $0xb8;
	[tilespmem:$0x1A680] =	vst v63  }
0x7d: {  	_ =	swait.ge [sflag:s9], $0x80  }
0x7e: {  	[sflag:s9] =	ssyncset.done $0x0  }
0x7f: {  	[sflag:s9] =	ssyncadd.s32 $0xFFFFFF80  }
0x80: {  	_ =	swait.ge [sflag:s9], $0x80  }
0x81: {  	[sflag:s9] =	ssyncset.done $0x0  }
0x82: {  	s20 =	simm.s32 $0x1;
	s10 =	simm.s32 $0x18880;
	[sflag:s9] =	ssyncadd.s32 $0xFFFFFF80  }
0x83: {  	[tilespmem:s10], [sflag:$0x5] =	stream.indirect.gather [hbm4b:s1+s19], $0x80, s11, s19, $0xb8;
	[tilespmem:$0x1A680] =	vst v63  }
0x84: {  	_ =	swait.ge [sflag:s20], $0x1400  }
0x85: {  	[sflag:s20] =	ssyncset.done $0x0  }
0x86: {  	s4 =	simm.s32 $0x2;
	[sflag:s20] =	ssyncadd.s32 $0xFFFFEC00  }
0x87: {  	[spmem:s3] =	stream.indirect.scatter.add.f32 [tilespmem:s13], [sflag:$0x6], $0x80, s5, s19, $0xb8;
	[tilespmem:$0x1A680] =	vst v63  }
0x88: {  	_ =	swait.ge [sflag:s4], $0x1400  }
0x89: {  	[sflag:s4] =	ssyncset.done $0x0  }
0x8a: {  	[sflag:s4] =	ssyncadd.s32 $0xFFFFEC00  }
0x8b: {  	[spmem:s3] =	stream.indirect.scatter.add.f32 [tilespmem:s22], [sflag:$0x7], $0x80, s16, s19, $0xb8;
	[tilespmem:$0x1A680] =	vst v63  }
0x8c: {  	s16 =	simm.s32 $0x3  }
0x8d: {  	_ =	swait.ge [sflag:s16], $0x1400  }
0x8e: {  	[sflag:s16] =	ssyncset.done $0x0  }
0x8f: {  	s31 =	simm.s32 $0x4;
	[sflag:s16] =	ssyncadd.s32 $0xFFFFEC00  }
0x90: {  	[spmem:s3] =	stream.indirect.scatter.add.f32 [tilespmem:s21], [sflag:$0x8], $0x80, s17, s19, $0xb8;
	[tilespmem:$0x1A680] =	vst v63  }
0x91: {  	_ =	swait.ge [sflag:s31], $0x1400  }
0x92: {  	[sflag:s31] =	ssyncset.done $0x0  }
0x93: {  	[sflag:s31] =	ssyncadd.s32 $0xFFFFEC00  }
0x94: {  	[spmem:s3] =	stream.indirect.scatter.add.f32 [tilespmem:s29], [sflag:$0x9], $0x80, s24, s19, $0xb8;
	[tilespmem:$0x1A680] =	vst v63  }
0x95: {  	s24 =	simm.s32 $0x5  }
0x96: {  	_ =	swait.ge [sflag:s24], $0x1400  }
0x97: {  	[sflag:s24] =	ssyncset.done $0x0  }
0x98: {  	s11 =	simm.s32 $0x18880;
	[sflag:s24] =	ssyncadd.s32 $0xFFFFEC00  }
0x99: {  	[spmem:s3] =	stream.indirect.scatter.add.f32 [tilespmem:s11], [sflag:$0xA], $0x80, s26, s19, $0xb8;
	[tilespmem:$0x1A680] =	vst v63  }
0x9a: {  	s26 =	simm.s32 $0x6  }
0x9b: {  	_ =	swait.ge [sflag:s26], $0x1400  }
0x9c: {  	p1 =	por $0x0, $0x0;
	[sflag:s26] =	ssyncset.done $0x0  }
0x9d: {  	s0 =	simm.s32 @p1 $0x10;
	[sflag:s26] =	ssyncadd.s32 $0xFFFFEC00  }
0x9e: {  	_ =	swait.ge @p1 [sflag:s0], $0x80  }
0x9f: {  	[sflag:s0] =	ssyncset.done @p1 $0x0  }
0xa0: {  	s12 =	simm.s32 @p1 $0x19F00;
	s2 =	simm.s32 @!p1 $0x500;
	[sflag:s0] =	ssyncadd.s32 @p1 $0xFFFFFF80  }
0xa1: {  	s7 =	sand.u32 @!p1 $0x300, s2;
	s2 =	sand.u32 @!p1 $0x1FC00, s2;
	_ =	swait.ge @p1 [sflag:s0], $0x80  }
0xa2: {  	s9 =	simm.s32 @p1 $0x7;
	s10 =	simm.s32 @p1 $0x13880;
	[sflag:s0] =	ssyncset.done @p1 $0x0  }
0xa3: {  	s11 =	sadd.s32 @!p1 s6, s2;
	s2 =	simm.s32 @p1 $0x28;
	[sflag:s0] =	ssyncadd.s32 @p1 $0xFFFFFF80  }
0xa4: {  	[tilespmem:s10], [sflag:$0x1] =	stream.indirect.gather @p1 [hbm4b:s1+s2], $0x80, s12, s2, $0xb8;
	[tilespmem:$0x1A680] =	vst v63  }
0xa5: {  	_ =	swait.ge @p1 [sflag:s9], $0x1400  }
0xa6: {  	s5 =	smov.u32 s6;
	s6 =	sld [smem:$0x7FB]  }
0xa7: {  	s13 =	simm.s32 @!p1 $0x0;
	s7 =	sor.u32 @!p1 s7, s11  }
0xa8: {  	s0 =	sshrl.u32 @!p1 s7, $0x3;
	[sflag:s9] =	ssyncset.done @p1 $0x0;
	s8 =	sld [smem:$0x7FC]  }
0xa9: {  	[sflag:s9] =	ssyncadd.s32 @p1 $0xFFFFEC00;
	s9 =	simm.s32 @!p1 $0x19C80;
	s7 =	sadd.s32 @!p1 s6, s0  }
0xaa: {  	[tilespmem:s9], [sflag:$0xB] =	stream.linear.gather @!p1 [hbm4b:s7+s13], $0x80, $0x38;
	[tilespmem:$0x1A680] =	vst v63  }
0xab: {  	s0 =	sadd.s32 @!p1 s8, s0;
	s7 =	simm.s32 @!p1 $0x10;
	s9 =	simm.s32 @!p1 $0x1A180  }
0xac: {  	[tilespmem:s9], [sflag:$0xB] =	stream.linear.gather @!p1 [hbm4b:s0+s13], $0x80, $0x38;
	[tilespmem:$0x1A680] =	vst v63  }
0xad: {  	_ =	swait.ge @!p1 [sflag:s7], $0x80  }
0xae: {  	[sflag:s7] =	ssyncset.done @!p1 $0x0  }
0xaf: {  	[sflag:s7] =	ssyncadd.s32 @!p1 $0xFFFFFF80  }
0xb0: {  	s11 =	simm.s32 @!p1 $0x13880;
	_ =	swait.ge @!p1 [sflag:s7], $0x80  }
0xb1: {  	s9 =	simm.s32 @!p1 $0x580;
	s0 =	simm.s32 @!p1 $0x19F00;
	[sflag:s7] =	ssyncset.done @!p1 $0x0  }
0xb2: {  	s10 =	sand.u32 @!p1 $0x1FC00, s9;
	[sflag:s7] =	ssyncadd.s32 @!p1 $0xFFFFFF80;
	s7 =	simm.s32 @!p1 $0x28  }
0xb3: {  	[tilespmem:s11], [sflag:$0x1] =	stream.indirect.gather @!p1 [hbm4b:s1+s7], $0x80, s0, s7, $0xb8;
	[tilespmem:$0x1A680] =	vst v63  }
0xb4: {  	s9 =	sand.u32 @!p1 $0x380, s9;
	s10 =	sadd.s32 @!p1 s5, s10;
	s11 =	simm.s32 @!p1 $0x7  }
0xb5: {  	s9 =	sor.u32 @!p1 s9, s10;
	_ =	swait.ge @!p1 [sflag:s11], $0x1400  }
0xb6: {  	s9 =	sshrl.u32 @!p1 s9, $0x3;
	[sflag:s11] =	ssyncset.done @!p1 $0x0  }
0xb7: {  	s10 =	sadd.s32 @!p1 s6, s9;
	[sflag:s11] =	ssyncadd.s32 @!p1 $0xFFFFEC00;
	s11 =	simm.s32 @!p1 $0x19D00  }
0xb8: {  	[tilespmem:s11], [sflag:$0xC] =	stream.linear.gather @!p1 [hbm4b:s10+s13], $0x80, $0x38;
	[tilespmem:$0x1A680] =	vst v63  }
0xb9: {  	s12 =	simm.s32 $0x11;
	s9 =	sadd.s32 @!p1 s8, s9;
	s10 =	simm.s32 @!p1 $0x1A200  }
0xba: {  	[tilespmem:s10], [sflag:$0xC] =	stream.linear.gather @!p1 [hbm4b:s9+s13], $0x80, $0x38;
	[tilespmem:$0x1A680] =	vst v63  }
0xbb: {  	_ =	swait.ge [sflag:s12], $0x80  }
0xbc: {  	[sflag:s12] =	ssyncset.done $0x0  }
0xbd: {  	[sflag:s12] =	ssyncadd.s32 $0xFFFFFF80  }
0xbe: {  	_ =	swait.ge [sflag:s12], $0x80  }
0xbf: {  	[sflag:s12] =	ssyncset.done $0x0  }
0xc0: {  	[sflag:s12] =	ssyncadd.s32 $0xFFFFFF80;
	s12 =	simm.s32 $0x8  }
0xc1: {  	[tilespmem:s22], [sflag:$0x2] =	stream.indirect.gather [hbm4b:s1+s19], $0x80, s30, s19, $0xb8;
	[tilespmem:$0x1A680] =	vst v63  }
0xc2: {  	_ =	swait.ge [sflag:s12], $0x1400  }
0xc3: {  	[sflag:s12] =	ssyncset.done $0x0  }
0xc4: {  	s9 =	simm.s32 @p1 $0x12;
	[sflag:s12] =	ssyncadd.s32 $0xFFFFEC00  }
0xc5: {  	_ =	swait.ge @p1 [sflag:s9], $0x80  }
0xc6: {  	[sflag:s9] =	ssyncset.done @p1 $0x0  }
0xc7: {  	[sflag:s9] =	ssyncadd.s32 @p1 $0xFFFFFF80  }
0xc8: {  	_ =	swait.ge @p1 [sflag:s9], $0x80  }
0xc9: {  	[sflag:s9] =	ssyncset.done @p1 $0x0  }
0xca: {  	s10 =	simm.s32 @p1 $0x1A000;
	[sflag:s9] =	ssyncadd.s32 @p1 $0xFFFFFF80;
	s9 =	simm.s32 @p1 $0x16080  }
0xcb: {  	[tilespmem:s9], [sflag:$0x3] =	stream.indirect.gather @p1 [hbm4b:s1+s2], $0x80, s10, s2, $0xb8;
	[tilespmem:$0x1A680] =	vst v63  }
0xcc: {  	s2 =	simm.s32 @!p1 $0x600  }
0xcd: {  	s9 =	sand.u32 @!p1 $0x1FC00, s2  }
0xce: {  	s10 =	simm.s32 @p1 $0x9;
	s2 =	sand.u32 @!p1 $0x300, s2;
	s9 =	sadd.s32 @!p1 s5, s9  }
0xcf: {  	_ =	swait.ge @p1 [sflag:s10], $0x1400;
	s2 =	sor.u32 @!p1 s2, s9  }
0xd0: {  	[sflag:s10] =	ssyncset.done @p1 $0x0;
	s2 =	sshrl.u32 @!p1 s2, $0x3  }
0xd1: {  	[sflag:s10] =	ssyncadd.s32 @p1 $0xFFFFEC00;
	s10 =	simm.s32 @!p1 $0x19D80;
	s9 =	sadd.s32 @!p1 s6, s2  }
0xd2: {  	[tilespmem:s10], [sflag:$0xD] =	stream.linear.gather @!p1 [hbm4b:s9+s13], $0x80, $0x38;
	[tilespmem:$0x1A680] =	vst v63  }
0xd3: {  	s2 =	sadd.s32 @!p1 s8, s2;
	s9 =	simm.s32 @!p1 $0x1A280;
	s10 =	simm.s32 @!p1 $0x12  }
0xd4: {  	[tilespmem:s9], [sflag:$0xD] =	stream.linear.gather @!p1 [hbm4b:s2+s13], $0x80, $0x38;
	[tilespmem:$0x1A680] =	vst v63  }
0xd5: {  	_ =	swait.ge @!p1 [sflag:s10], $0x80  }
0xd6: {  	[sflag:s10] =	ssyncset.done @!p1 $0x0  }
0xd7: {  	[sflag:s10] =	ssyncadd.s32 @!p1 $0xFFFFFF80  }
0xd8: {  	_ =	swait.ge @!p1 [sflag:s10], $0x80  }
0xd9: {  	s9 =	simm.s32 @!p1 $0x680;
	[sflag:s10] =	ssyncset.done @!p1 $0x0  }
0xda: {  	s2 =	simm.s32 @!p1 $0x1A000;
	[sflag:s10] =	ssyncadd.s32 @!p1 $0xFFFFFF80;
	s10 =	simm.s32 @!p1 $0x16080  }
0xdb: {  	[tilespmem:s10], [sflag:$0x3] =	stream.indirect.gather @!p1 [hbm4b:s1+s7], $0x80, s2, s7, $0xb8;
	[tilespmem:$0x1A680] =	vst v63  }
0xdc: {  	s7 =	sand.u32 @!p1 $0x1FC00, s9  }
0xdd: {  	s9 =	sand.u32 @!p1 $0x380, s9;
	s10 =	simm.s32 @!p1 $0x9;
	s7 =	sadd.s32 @!p1 s5, s7  }
0xde: {  	_ =	swait.ge @!p1 [sflag:s10], $0x1400;
	s7 =	sor.u32 @!p1 s9, s7  }
0xdf: {  	[sflag:s10] =	ssyncset.done @!p1 $0x0;
	s7 =	sshrl.u32 @!p1 s7, $0x3  }
0xe0: {  	[sflag:s10] =	ssyncadd.s32 @!p1 $0xFFFFEC00;
	s10 =	simm.s32 @!p1 $0x19E00;
	s9 =	sadd.s32 @!p1 s6, s7  }
0xe1: {  	[tilespmem:s10], [sflag:$0xE] =	stream.linear.gather @!p1 [hbm4b:s9+s13], $0x80, $0x38;
	[tilespmem:$0x1A680] =	vst v63  }
0xe2: {  	s14 =	simm.s32 $0x13;
	s7 =	sadd.s32 @!p1 s8, s7;
	s9 =	simm.s32 @!p1 $0x1A300  }
0xe3: {  	[tilespmem:s9], [sflag:$0xE] =	stream.linear.gather @!p1 [hbm4b:s7+s13], $0x80, $0x38;
	[tilespmem:$0x1A680] =	vst v63  }
0xe4: {  	_ =	swait.ge [sflag:s14], $0x80  }
0xe5: {  	[sflag:s14] =	ssyncset.done $0x0  }
0xe6: {  	[sflag:s14] =	ssyncadd.s32 $0xFFFFFF80  }
0xe7: {  	s7 =	simm.s32 @!p1 $0x700;
	_ =	swait.ge [sflag:s14], $0x80  }
0xe8: {  	s9 =	sand.u32 @!p1 $0x1FC00, s7;
	s7 =	sand.u32 @!p1 $0x300, s7;
	[sflag:s14] =	ssyncset.done $0x0  }
0xe9: {  	s9 =	sadd.s32 @!p1 s5, s9;
	[sflag:s14] =	ssyncadd.s32 $0xFFFFFF80;
	s14 =	simm.s32 $0xA  }
0xea: {  	[tilespmem:s29], [sflag:$0x4] =	stream.indirect.gather [hbm4b:s1+s19], $0x80, s23, s19, $0xb8;
	[tilespmem:$0x1A680] =	vst v63  }
0xeb: {  	s7 =	sor.u32 @!p1 s7, s9;
	_ =	swait.ge [sflag:s14], $0x1400  }
0xec: {  	s7 =	sshrl.u32 @!p1 s7, $0x3;
	[sflag:s14] =	ssyncset.done $0x0  }
0xed: {  	s10 =	simm.s32 @!p1 $0x19E80;
	s9 =	sadd.s32 @!p1 s6, s7;
	[sflag:s14] =	ssyncadd.s32 $0xFFFFEC00  }
0xee: {  	[tilespmem:s10], [sflag:$0xF] =	stream.linear.gather @!p1 [hbm4b:s9+s13], $0x80, $0x38;
	[tilespmem:$0x1A680] =	vst v63  }
0xef: {  	s7 =	sadd.s32 @!p1 s8, s7;
	s9 =	simm.s32 @!p1 $0x1A380;
	s10 =	simm.s32 $0x14  }
0xf0: {  	[tilespmem:s9], [sflag:$0xF] =	stream.linear.gather @!p1 [hbm4b:s7+s13], $0x80, $0x38;
	[tilespmem:$0x1A680] =	vst v63  }
0xf1: {  	_ =	swait.ge [sflag:s10], $0x80  }
0xf2: {  	[sflag:s10] =	ssyncset.done $0x0  }
0xf3: {  	[sflag:s10] =	ssyncadd.s32 $0xFFFFFF80  }
0xf4: {  	_ =	swait.ge [sflag:s10], $0x80  }
0xf5: {  	[sflag:s10] =	ssyncset.done $0x0  }
0xf6: {  	[sflag:s10] =	ssyncadd.s32 $0xFFFFFF80;
	s10 =	simm.s32 $0x18880  }
0xf7: {  	[tilespmem:s10], [sflag:$0x5] =	stream.indirect.gather [hbm4b:s1+s19], $0x80, s25, s19, $0xb8;
	[tilespmem:$0x1A680] =	vst v63  }
0xf8: {  	_ =	swait.ge [sflag:s20], $0x1400  }
0xf9: {  	[sflag:s20] =	ssyncset.done $0x0  }
0xfa: {  	s11 =	simm.s32 $0x13880;
	[sflag:s20] =	ssyncadd.s32 $0xFFFFEC00;
	s20 =	simm.s32 $0x1A400  }
0xfb: {  	[spmem:s3] =	stream.indirect.scatter.add.f32 [tilespmem:s11], [sflag:$0x6], $0x80, s20, s19, $0xb8;
	[tilespmem:$0x1A680] =	vst v63  }
0xfc: {  	_ =	swait.ge [sflag:s4], $0x1400  }
0xfd: {  	[sflag:s4] =	ssyncset.done $0x0  }
0xfe: {  	[sflag:s4] =	ssyncadd.s32 $0xFFFFEC00  }
0xff: {  	[spmem:s3] =	stream.indirect.scatter.add.f32 [tilespmem:s22], [sflag:$0x7], $0x80, s15, s19, $0xb8;
	[tilespmem:$0x1A680] =	vst v63  }
0x100: {  	_ =	swait.ge [sflag:s16], $0x1400  }
0x101: {  	[sflag:s16] =	ssyncset.done $0x0  }
0x102: {  	[sflag:s16] =	ssyncadd.s32 $0xFFFFEC00  }
0x103: {  	[spmem:s3] =	stream.indirect.scatter.add.f32 [tilespmem:s21], [sflag:$0x8], $0x80, s28, s19, $0xb8;
	[tilespmem:$0x1A680] =	vst v63  }
0x104: {  	_ =	swait.ge [sflag:s31], $0x1400  }
0x105: {  	[sflag:s31] =	ssyncset.done $0x0  }
0x106: {  	s23 =	simm.s32 $0x1A580;
	[sflag:s31] =	ssyncadd.s32 $0xFFFFEC00  }
0x107: {  	[spmem:s3] =	stream.indirect.scatter.add.f32 [tilespmem:s29], [sflag:$0x9], $0x80, s23, s19, $0xb8;
	[tilespmem:$0x1A680] =	vst v63  }
0x108: {  	s7 =	simm.s32 @!p1 $0x780;
	_ =	swait.ge [sflag:s24], $0x1400  }
0x109: {  	s9 =	sand.u32 @!p1 $0x1FC00, s7;
	s7 =	sand.u32 @!p1 $0x380, s7;
	[sflag:s24] =	ssyncset.done $0x0  }
0x10a: {  	s9 =	sadd.s32 @!p1 s5, s9;
	s25 =	simm.s32 $0x1A600;
	[sflag:s24] =	ssyncadd.s32 $0xFFFFEC00  }
0x10b: {  	[spmem:s3] =	stream.indirect.scatter.add.f32 [tilespmem:s10], [sflag:$0xA], $0x80, s25, s19, $0xb8;
	[tilespmem:$0x1A680] =	vst v63  }
0x10c: {  	s7 =	sor.u32 @!p1 s7, s9;
	_ =	swait.ge [sflag:s26], $0x1400  }
0x10d: {  	s7 =	sshrl.u32 @!p1 s7, $0x3;
	[sflag:s26] =	ssyncset.done $0x0  }
0x10e: {  	p3 =	por $0x0, $0x0;
	s9 =	sadd.s32 @!p1 s6, s7;
	[sflag:s26] =	ssyncadd.s32 $0xFFFFEC00  }
0x10f: {  	[tilespmem:s0], [sflag:$0x10] =	stream.linear.gather @!p1 [hbm4b:s9+s13], $0x80, $0x38;
	[tilespmem:$0x1A680] =	vst v63  }
0x110: {  	s0 =	sadd.s32 @!p1 s8, s7;
	s7 =	simm.s32 @!p1 $0x1A400;
	s9 =	simm.s32 @!p3 $0xB  }
0x111: {  	[tilespmem:s7], [sflag:$0x10] =	stream.linear.gather @!p1 [hbm4b:s0+s13], $0x80, $0x38;
	[tilespmem:$0x1A680] =	vst v63  }
0x112: {  	_ =	swait.ge @!p3 [sflag:s9], $0x80  }
0x113: {  	[sflag:s9] =	ssyncset.done @!p3 $0x0  }
0x114: {  	[sflag:s9] =	ssyncadd.s32 @!p3 $0xFFFFFF80  }
0x115: {  	_ =	swait.ge @!p3 [sflag:s9], $0x80  }
0x116: {  	s26 =	simm.s32 @!p3 $0x28;
	s0 =	simm.s32 @!p1 $0x800;
	[sflag:s9] =	ssyncset.done @!p3 $0x0  }
0x117: {  	s7 =	simm.s32 @!p3 $0x19C80;
	[sflag:s9] =	ssyncadd.s32 @!p3 $0xFFFFFF80;
	s9 =	simm.s32 @!p3 $0x13880  }
0x118: {  	[tilespmem:s9], [sflag:$0x1] =	stream.indirect.gather @!p3 [hbm4b:s1+s26], $0x80, s7, s26, $0xb8;
	[tilespmem:$0x1A680] =	vst v63  }
0x119: {  	s7 =	sand.u32 @!p1 $0x1FC00, s0  }
0x11a: {  	s28 =	simm.s32 $0x7;
	s0 =	sand.u32 @!p1 $0x300, s0;
	s7 =	sadd.s32 @!p1 s5, s7  }
0x11b: {  	_ =	swait.ge [sflag:s28], $0x1400;
	s0 =	sor.u32 @!p1 s0, s7  }
0x11c: {  	[sflag:s28] =	ssyncset.done $0x0;
	s0 =	sshrl.u32 @!p1 s0, $0x3  }
0x11d: {  	s9 =	simm.s32 @!p1 $0x19F80;
	[sflag:s28] =	ssyncadd.s32 $0xFFFFEC00;
	s7 =	sadd.s32 @!p1 s6, s0  }
0x11e: {  	[tilespmem:s9], [sflag:$0x11] =	stream.linear.gather @!p1 [hbm4b:s7+s13], $0x80, $0x38;
	[tilespmem:$0x1A680] =	vst v63  }
0x11f: {  	s0 =	sadd.s32 @!p1 s8, s0;
	s7 =	simm.s32 @!p1 $0x1A480;
	s9 =	simm.s32 @!p3 $0xC  }
0x120: {  	[tilespmem:s7], [sflag:$0x11] =	stream.linear.gather @!p1 [hbm4b:s0+s13], $0x80, $0x38;
	[tilespmem:$0x1A680] =	vst v63  }
0x121: {  	_ =	swait.ge @!p3 [sflag:s9], $0x80  }
0x122: {  	[sflag:s9] =	ssyncset.done @!p3 $0x0  }
0x123: {  	[sflag:s9] =	ssyncadd.s32 @!p3 $0xFFFFFF80  }
0x124: {  	_ =	swait.ge @!p3 [sflag:s9], $0x80  }
0x125: {  	s0 =	simm.s32 @!p1 $0x880;
	[sflag:s9] =	ssyncset.done @!p3 $0x0  }
0x126: {  	s7 =	simm.s32 @!p3 $0x19D00;
	[sflag:s9] =	ssyncadd.s32 @!p3 $0xFFFFFF80;
	s9 =	simm.s32 @!p3 $0x14C80  }
0x127: {  	[tilespmem:s9], [sflag:$0x2] =	stream.indirect.gather @!p3 [hbm4b:s1+s26], $0x80, s7, s26, $0xb8;
	[tilespmem:$0x1A680] =	vst v63  }
0x128: {  	s7 =	sand.u32 @!p1 $0x1FC00, s0  }
0x129: {  	s0 =	sand.u32 @!p1 $0x380, s0;
	s7 =	sadd.s32 @!p1 s5, s7  }
0x12a: {  	_ =	swait.ge [sflag:s12], $0x1400;
	s0 =	sor.u32 @!p1 s0, s7  }
0x12b: {  	[sflag:s12] =	ssyncset.done $0x0;
	s0 =	sshrl.u32 @!p1 s0, $0x3  }
0x12c: {  	[sflag:s12] =	ssyncadd.s32 $0xFFFFEC00;
	s7 =	sadd.s32 @!p1 s6, s0  }
0x12d: {  	[tilespmem:s2], [sflag:$0x12] =	stream.linear.gather @!p1 [hbm4b:s7+s13], $0x80, $0x38;
	[tilespmem:$0x1A680] =	vst v63  }
0x12e: {  	s0 =	sadd.s32 @!p1 s8, s0;
	s2 =	simm.s32 @!p1 $0x1A500;
	s7 =	simm.s32 @!p3 $0xD  }
0x12f: {  	[tilespmem:s2], [sflag:$0x12] =	stream.linear.gather @!p1 [hbm4b:s0+s13], $0x80, $0x38;
	[tilespmem:$0x1A680] =	vst v63  }
0x130: {  	_ =	swait.ge @!p3 [sflag:s7], $0x80  }
0x131: {  	[sflag:s7] =	ssyncset.done @!p3 $0x0  }
0x132: {  	s31 =	simm.s32 $0x9;
	[sflag:s7] =	ssyncadd.s32 @!p3 $0xFFFFFF80  }
0x133: {  	s9 =	simm.s32 @!p3 $0x19D80;
	s0 =	simm.s32 @!p1 $0x900;
	_ =	swait.ge @!p3 [sflag:s7], $0x80  }
0x134: {  	s2 =	sand.u32 @!p1 $0x1FC00, s0;
	s0 =	sand.u32 @!p1 $0x300, s0;
	[sflag:s7] =	ssyncset.done @!p3 $0x0  }
0x135: {  	s2 =	sadd.s32 @!p1 s5, s2;
	[sflag:s7] =	ssyncadd.s32 @!p3 $0xFFFFFF80;
	s7 =	simm.s32 @!p3 $0x16080  }
0x136: {  	[tilespmem:s7], [sflag:$0x3] =	stream.indirect.gather @!p3 [hbm4b:s1+s26], $0x80, s9, s26, $0xb8;
	[tilespmem:$0x1A680] =	vst v63  }
0x137: {  	s0 =	sor.u32 @!p1 s0, s2;
	_ =	swait.ge [sflag:s31], $0x1400  }
0x138: {  	s0 =	sshrl.u32 @!p1 s0, $0x3;
	[sflag:s31] =	ssyncset.done $0x0  }
0x139: {  	s2 =	sadd.s32 @!p1 s6, s0;
	s7 =	simm.s32 @!p1 $0x1A080;
	[sflag:s31] =	ssyncadd.s32 $0xFFFFEC00  }
0x13a: {  	[tilespmem:s7], [sflag:$0x13] =	stream.linear.gather @!p1 [hbm4b:s2+s13], $0x80, $0x38;
	[tilespmem:$0x1A680] =	vst v63  }
0x13b: {  	s0 =	sadd.s32 @!p1 s8, s0;
	s2 =	simm.s32 @!p1 $0x1A580;
	s7 =	simm.s32 @!p3 $0xE  }
0x13c: {  	[tilespmem:s2], [sflag:$0x13] =	stream.linear.gather @!p1 [hbm4b:s0+s13], $0x80, $0x38;
	[tilespmem:$0x1A680] =	vst v63  }
0x13d: {  	_ =	swait.ge @!p3 [sflag:s7], $0x80  }
0x13e: {  	[sflag:s7] =	ssyncset.done @!p3 $0x0  }
0x13f: {  	[sflag:s7] =	ssyncadd.s32 @!p3 $0xFFFFFF80  }
0x140: {  	s9 =	simm.s32 @!p3 $0x19E00;
	s0 =	simm.s32 $0x980;
	_ =	swait.ge @!p3 [sflag:s7], $0x80  }
0x141: {  	s2 =	sand.u32 @!p1 $0x1FC00, s0;
	s0 =	sand.u32 @!p1 $0x380, s0;
	[sflag:s7] =	ssyncset.done @!p3 $0x0  }
0x142: {  	s2 =	sadd.s32 @!p1 s5, s2;
	[sflag:s7] =	ssyncadd.s32 @!p3 $0xFFFFFF80;
	s7 =	simm.s32 @!p3 $0x17480  }
0x143: {  	[tilespmem:s7], [sflag:$0x4] =	stream.indirect.gather @!p3 [hbm4b:s1+s26], $0x80, s9, s26, $0xb8;
	[tilespmem:$0x1A680] =	vst v63  }
0x144: {  	s0 =	sor.u32 @!p1 s0, s2;
	_ =	swait.ge [sflag:s14], $0x1400  }
0x145: {  	s0 =	sshrl.u32 @!p1 s0, $0x3;
	[sflag:s14] =	ssyncset.done $0x0  }
0x146: {  	s2 =	sadd.s32 @!p1 s6, s0;
	s7 =	simm.s32 @!p1 $0x1A100;
	[sflag:s14] =	ssyncadd.s32 $0xFFFFEC00  }
0x147: {  	[tilespmem:s7], [sflag:$0x14] =	stream.linear.gather @!p1 [hbm4b:s2+s13], $0x80, $0x38;
	[tilespmem:$0x1A680] =	vst v63  }
0x148: {  	s2 =	sadd.s32 @!p1 s8, s0;
	s7 =	simm.s32 @!p1 $0x1A600;
	s0 =	simm.s32 @!p3 $0xF  }
0x149: {  	[tilespmem:s7], [sflag:$0x14] =	stream.linear.gather @!p1 [hbm4b:s2+s13], $0x80, $0x38;
	[tilespmem:$0x1A680] =	vst v63  }
0x14a: {  	s18 =	simm.s32 $0x1A180;
	s20 =	simm.s32 $0x28;
	_ =	swait.ge @!p3 [sflag:s0], $0x80  }
0x14b: {  	s24 =	simm.s32 $0xE80;
	s2 =	simm.s32 @!p3 $0x19E80;
	[sflag:s0] =	ssyncset.done @!p3 $0x0  }
0x14c: {  	s7 =	simm.s32 @!p3 $0x18880;
	s13 =	simm.s32 $0x1;
	[sflag:s0] =	ssyncadd.s32 @!p3 $0xFFFFFF80  }
.LBB2_2:
0x14d: {  	_ =	swait.ge @!p3 [sflag:s0], $0x80  }
0x14e: {  	[sflag:s0] =	ssyncset.done @!p3 $0x0  }
0x14f: {  	[sflag:s0] =	ssyncadd.s32 @!p3 $0xFFFFFF80  }
0x150: {  	s14 =	simm.s32 $0x1;
	s19 =	rddreg [dreg:$0x0]  }
0x151: {  	[tilespmem:s7], [sflag:$0x5] =	stream.indirect.gather @!p3 [hbm4b:s19+s26], $0x80, s2, s26, $0xb8;
	[tilespmem:$0x1A680] =	vst v63  }
0x152: {  	_ =	swait.ge [sflag:s14], $0x1400  }
0x153: {  	[sflag:s14] =	ssyncset.done $0x0  }
0x154: {  	s16 =	simm.s32 $0x2;
	[sflag:s14] =	ssyncadd.s32 $0xFFFFEC00  }
0x155: {  	[spmem:s3] =	stream.indirect.scatter.add.f32 [tilespmem:s11], [sflag:$0x6], $0x80, s18, s20, $0xb8;
	[tilespmem:$0x1A680] =	vst v63  }
0x156: {  	_ =	swait.ge [sflag:s16], $0x1400  }
0x157: {  	[sflag:s16] =	ssyncset.done $0x0  }
0x158: {  	s28 =	simm.s32 $0x3;
	s18 =	simm.s32 $0x1A200;
	[sflag:s16] =	ssyncadd.s32 $0xFFFFEC00  }
0x159: {  	[spmem:s3] =	stream.indirect.scatter.add.f32 [tilespmem:s22], [sflag:$0x7], $0x80, s18, s20, $0xb8;
	[tilespmem:$0x1A680] =	vst v63  }
0x15a: {  	_ =	swait.ge [sflag:s28], $0x1400  }
0x15b: {  	[sflag:s28] =	ssyncset.done $0x0  }
0x15c: {  	s31 =	simm.s32 $0x4;
	[sflag:s28] =	ssyncadd.s32 $0xFFFFEC00  }
0x15d: {  	[spmem:s3] =	stream.indirect.scatter.add.f32 [tilespmem:s21], [sflag:$0x8], $0x80, s17, s20, $0xb8;
	[tilespmem:$0x1A680] =	vst v63  }
0x15e: {  	_ =	swait.ge [sflag:s31], $0x1400  }
0x15f: {  	[sflag:s31] =	ssyncset.done $0x0  }
0x160: {  	s23 =	simm.s32 $0x5;
	s22 =	simm.s32 $0x1A300;
	[sflag:s31] =	ssyncadd.s32 $0xFFFFEC00  }
0x161: {  	[spmem:s3] =	stream.indirect.scatter.add.f32 [tilespmem:s29], [sflag:$0x9], $0x80, s22, s20, $0xb8;
	[tilespmem:$0x1A680] =	vst v63  }
0x162: {  	s15 =	smov.u32 s24;
	_ =	swait.ge [sflag:s23], $0x1400  }
0x163: {  	s1 =	simm.s32 $0x18880;
	s25 =	simm.s32 $0x1A380;
	[sflag:s23] =	ssyncset.done $0x0  }
0x164: {  	p2 =	seq.s32 s15, $0x8180;
	s26 =	simm.s32 $0x6;
	[sflag:s23] =	ssyncadd.s32 $0xFFFFEC00  }
0x165: {  	[spmem:s3] =	stream.indirect.scatter.add.f32 [tilespmem:s1], [sflag:$0xA], $0x80, s25, s20, $0xb8;
	[tilespmem:$0x1A680] =	vst v63  }
0x166: {  	s0 =	simm.s32 @!p2 $0x7;
	s10 =	sadd.s32 @!p2 $0xFFFFFC00, s15;
	_ =	swait.ge [sflag:s26], $0x1400  }
0x167: {  	s4 =	sand.u32 @!p2 $0x380, s15;
	s12 =	sand.u32 @!p2 $0x380, s10;
	[sflag:s26] =	ssyncset.done $0x0  }
0x168: {  	s7 =	simm.s32 @p2 $0x10;
	[dreg:$0x4] =	wrdreg s4;
	[sflag:s26] =	ssyncadd.s32 $0xFFFFEC00  }
0x169: {  	s10 =	sand.u32 @!p2 $0x1FC00, s10;
	s2 =	sadd.s32 @!p2 $0xFFFFFB80, s15;
	_ =	swait.ge @p2 [sflag:s7], $0x80  }
0x16a: {  	s10 =	sadd.s32 @!p2 s5, s10;
	s9 =	sand.u32 @!p2 $0x300, s2;
	[sflag:s7] =	ssyncset.done @p2 $0x0  }
0x16b: {  	s2 =	sand.u32 @!p2 $0x1FC00, s2;
	s10 =	sor.u32 @!p2 s12, s10;
	[sflag:s7] =	ssyncadd.s32 @p2 $0xFFFFFF80  }
0x16c: {  	s11 =	simm.s32 @p2 $0x7;
	s17 =	simm.s32 @p2 $0x13880;
	_ =	swait.ge @p2 [sflag:s7], $0x80  }
0x16d: {  	s21 =	sadd.s32 @!p2 s5, s2;
	s2 =	simm.s32 @p2 $0x28;
	[sflag:s7] =	ssyncset.done @p2 $0x0  }
0x16e: {  	s9 =	sor.u32 @!p2 s9, s21;
	s22 =	simm.s32 @p2 $0x19F00;
	[sflag:s7] =	ssyncadd.s32 @p2 $0xFFFFFF80  }
0x16f: {  	[tilespmem:s17], [sflag:$0x1] =	stream.indirect.gather @p2 [hbm4b:s19+s2], $0x80, s22, s2, $0xb8;
	[tilespmem:$0x1A680] =	vst v63  }
0x170: {  	s10 =	sshrl.u32 @!p2 s10, $0x3;
	s9 =	sshrl.u32 @!p2 s9, $0x3;
	_ =	swait.ge @p2 [sflag:s11], $0x1400  }
0x171: {  	s21 =	sadd.s32 @!p2 $0xFFFFFD00, s15;
	s12 =	sadd.s32 @!p2 s6, s9;
	[sflag:s11] =	ssyncset.done @p2 $0x0  }
0x172: {  	s25 =	simm.s32 @!p2 $0x0;
	[sflag:s11] =	ssyncadd.s32 @p2 $0xFFFFEC00;
	s11 =	simm.s32 @!p2 $0x19C80  }
0x173: {  	[tilespmem:s11], [sflag:$0xB] =	stream.linear.gather @!p2 [hbm4b:s12+s25], $0x80, $0x38;
	[tilespmem:$0x1A680] =	vst v63  }
0x174: {  	s9 =	sadd.s32 @!p2 s8, s9;
	s7 =	simm.s32 @!p2 $0x10;
	s11 =	simm.s32 @!p2 $0x1A180  }
0x175: {  	[tilespmem:s11], [sflag:$0xB] =	stream.linear.gather @!p2 [hbm4b:s9+s25], $0x80, $0x38;
	[tilespmem:$0x1A680] =	vst v63  }
0x176: {  	s1 =	simm.s32 @!p2 $0x19F00;
	s17 =	sadd.s32 @!p2 $0xFFFFFC80, s15;
	_ =	swait.ge @!p2 [sflag:s7], $0x80  }
0x177: {  	s26 =	simm.s32 @!p2 $0x28;
	s12 =	sand.u32 @!p2 $0x1FC00, s17;
	[sflag:s7] =	ssyncset.done @!p2 $0x0  }
0x178: {  	s22 =	sand.u32 @!p2 $0x1FC00, s21;
	s9 =	sadd.s32 @!p2 s5, s12;
	[sflag:s7] =	ssyncadd.s32 @!p2 $0xFFFFFF80  }
0x179: {  	s11 =	sand.u32 @!p2 $0x300, s17;
	s12 =	simm.s32 @!p2 $0x13880;
	_ =	swait.ge @!p2 [sflag:s7], $0x80  }
0x17a: {  	s17 =	sand.u32 @!p2 $0x380, s21;
	s9 =	sor.u32 @!p2 s11, s9;
	[sflag:s7] =	ssyncset.done @!p2 $0x0  }
0x17b: {  	s21 =	sadd.s32 @!p2 s5, s22;
	s9 =	sshrl.u32 @!p2 s9, $0x3;
	[sflag:s7] =	ssyncadd.s32 @!p2 $0xFFFFFF80  }
0x17c: {  	[tilespmem:s12], [sflag:$0x1] =	stream.indirect.gather @!p2 [hbm4b:s19+s26], $0x80, s1, s26, $0xb8;
	[tilespmem:$0x1A680] =	vst v63  }
0x17d: {  	s11 =	sor.u32 @!p2 s17, s21;
	s22 =	sadd.s32 @!p2 s6, s9;
	_ =	swait.ge @!p2 [sflag:s0], $0x1400  }
0x17e: {  	s23 =	sadd.s32 @!p2 s8, s9;
	s9 =	simm.s32 @!p2 $0x1A200;
	[sflag:s0] =	ssyncset.done @!p2 $0x0  }
0x17f: {  	s7 =	sadd.s32 @!p2 s6, s10;
	[sflag:s0] =	ssyncadd.s32 @!p2 $0xFFFFEC00;
	s0 =	simm.s32 @!p2 $0x19D00  }
0x180: {  	[tilespmem:s0], [sflag:$0xC] =	stream.linear.gather @!p2 [hbm4b:s7+s25], $0x80, $0x38;
	[tilespmem:$0x1A680] =	vst v63  }
0x181: {  	s12 =	sadd.s32 @!p2 $0xFFFFFD80, s15;
	s1 =	simm.s32 $0x11;
	s0 =	sadd.s32 @!p2 s8, s10  }
0x182: {  	[tilespmem:s9], [sflag:$0xC] =	stream.linear.gather @!p2 [hbm4b:s0+s25], $0x80, $0x38;
	[tilespmem:$0x1A680] =	vst v63  }
0x183: {  	s7 =	sand.u32 @!p2 $0x1FC00, s12;
	s10 =	sadd.s32 @!p2 $0xFFFFFE00, s15;
	_ =	swait.ge [sflag:s1], $0x80  }
0x184: {  	s0 =	sadd.s32 @!p2 s5, s7;
	s7 =	sand.u32 @!p2 $0x1FC00, s10;
	[sflag:s1] =	ssyncset.done $0x0  }
0x185: {  	s10 =	sand.u32 @!p2 $0x380, s10;
	s9 =	sadd.s32 @!p2 s5, s7;
	[sflag:s1] =	ssyncadd.s32 $0xFFFFFF80  }
0x186: {  	s17 =	sand.u32 @!p2 $0x300, s12;
	s9 =	sor.u32 @!p2 s10, s9;
	_ =	swait.ge [sflag:s1], $0x80  }
0x187: {  	s0 =	sor.u32 @!p2 s17, s0;
	s17 =	sshrl.u32 @!p2 s9, $0x3;
	[sflag:s1] =	ssyncset.done $0x0  }
0x188: {  	s9 =	simm.s32 $0x14C80;
	[sflag:s1] =	ssyncadd.s32 $0xFFFFFF80;
	s1 =	simm.s32 $0x8  }
0x189: {  	[tilespmem:s9], [sflag:$0x2] =	stream.indirect.gather [hbm4b:s19+s20], $0x80, s30, s20, $0xb8;
	[tilespmem:$0x1A680] =	vst v63  }
0x18a: {  	_ =	swait.ge [sflag:s1], $0x1400  }
0x18b: {  	s14 =	simm.s32 @p2 $0x9;
	[sflag:s1] =	ssyncset.done $0x0  }
0x18c: {  	s16 =	simm.s32 @p2 $0x1A000;
	s29 =	simm.s32 @p2 $0x12;
	[sflag:s1] =	ssyncadd.s32 $0xFFFFEC00  }
0x18d: {  	s18 =	simm.s32 @p2 $0x16080;
	s11 =	sshrl.u32 @!p2 s11, $0x3;
	_ =	swait.ge @p2 [sflag:s29], $0x80  }
0x18e: {  	s21 =	sadd.s32 @!p2 s6, s11;
	s0 =	sshrl.u32 @!p2 s0, $0x3;
	[sflag:s29] =	ssyncset.done @p2 $0x0  }
0x18f: {  	s10 =	sadd.s32 @!p2 s8, s11;
	s30 =	sadd.s32 @!p2 $0xFFFFFF00, s15;
	[sflag:s29] =	ssyncadd.s32 @p2 $0xFFFFFF80  }
0x190: {  	s7 =	sadd.s32 @!p2 s6, s0;
	s4 =	sand.u32 @!p2 $0x1FC00, s30;
	_ =	swait.ge @p2 [sflag:s29], $0x80  }
0x191: {  	s30 =	sand.u32 @!p2 $0x380, s30;
	s4 =	sadd.s32 @!p2 s5, s4;
	[sflag:s29] =	ssyncset.done @p2 $0x0  }
0x192: {  	s11 =	sadd.s32 @!p2 s8, s0;
	s4 =	sor.u32 @!p2 s30, s4;
	[sflag:s29] =	ssyncadd.s32 @p2 $0xFFFFFF80  }
0x193: {  	[tilespmem:s18], [sflag:$0x3] =	stream.indirect.gather @p2 [hbm4b:s19+s2], $0x80, s16, s2, $0xb8;
	[tilespmem:$0x1A680] =	vst v63  }
0x194: {  	s0 =	sadd.s32 @!p2 $0xFFFFFE80, s15;
	s2 =	sshrl.u32 @!p2 s4, $0x3;
	_ =	swait.ge @p2 [sflag:s14], $0x1400  }
0x195: {  	s4 =	sadd.s32 @!p2 $0xFFFFFF80, s15;
	s18 =	simm.s32 @!p2 $0x1A280;
	[sflag:s14] =	ssyncset.done @p2 $0x0  }
0x196: {  	s15 =	sand.u32 @!p2 $0x1FC00, s15;
	[sflag:s14] =	ssyncadd.s32 @p2 $0xFFFFEC00;
	s14 =	simm.s32 @!p2 $0x19D80  }
0x197: {  	[tilespmem:s14], [sflag:$0xD] =	stream.linear.gather @!p2 [hbm4b:s22+s25], $0x80, $0x38;
	[tilespmem:$0x1A680] =	vst v63  }
0x198: {  	s30 =	sadd.s32 @!p2 s6, s2;
	s16 =	sand.u32 @!p2 $0x1FC00, s4;
	s14 =	simm.s32 @!p2 $0x12  }
0x199: {  	[tilespmem:s18], [sflag:$0xD] =	stream.linear.gather @!p2 [hbm4b:s23+s25], $0x80, $0x38;
	[tilespmem:$0x1A680] =	vst v63  }
0x19a: {  	s4 =	sand.u32 @!p2 $0x300, s4;
	s16 =	sadd.s32 @!p2 s5, s16;
	_ =	swait.ge @!p2 [sflag:s14], $0x80  }
0x19b: {  	s15 =	sadd.s32 @!p2 s5, s15;
	s4 =	sor.u32 @!p2 s4, s16;
	[sflag:s14] =	ssyncset.done @!p2 $0x0  }
0x19c: {  	s16 =	simm.s32 @!p2 $0x16080;
	s4 =	sshrl.u32 @!p2 s4, $0x3;
	[sflag:s14] =	ssyncadd.s32 @!p2 $0xFFFFFF80  }
0x19d: {  	s22 =	simm.s32 @!p2 $0x1A000;
	s29 =	sadd.s32 @!p2 s6, s4;
	_ =	swait.ge @!p2 [sflag:s14], $0x80  }
0x19e: {  	s23 =	sadd.s32 @!p2 s8, s2;
	[sflag:s14] =	ssyncset.done @!p2 $0x0;
	s2 =	rddreg [dreg:$0x4]  }
0x19f: {  	s18 =	simm.s32 @!p2 $0x9;
	s15 =	sor.u32 @!p2 s2, s15;
	[sflag:s14] =	ssyncadd.s32 @!p2 $0xFFFFFF80  }
0x1a0: {  	[tilespmem:s16], [sflag:$0x3] =	stream.indirect.gather @!p2 [hbm4b:s19+s26], $0x80, s22, s26, $0xb8;
	[tilespmem:$0x1A680] =	vst v63  }
0x1a1: {  	s2 =	sadd.s32 @!p2 s8, s4;
	s4 =	sshrl.u32 @!p2 s15, $0x3;
	_ =	swait.ge @!p2 [sflag:s18], $0x1400  }
0x1a2: {  	s16 =	sadd.s32 @!p2 s6, s4;
	[sflag:s18] =	ssyncset.done @!p2 $0x0  }
0x1a3: {  	s15 =	sadd.s32 @!p2 s8, s4;
	s4 =	simm.s32 @!p2 $0x19E00;
	[sflag:s18] =	ssyncadd.s32 @!p2 $0xFFFFEC00  }
0x1a4: {  	[tilespmem:s4], [sflag:$0xE] =	stream.linear.gather @!p2 [hbm4b:s21+s25], $0x80, $0x38;
	[tilespmem:$0x1A680] =	vst v63  }
0x1a5: {  	s14 =	simm.s32 @!p2 $0x1A300  }
0x1a6: {  	[tilespmem:s14], [sflag:$0xE] =	stream.linear.gather @!p2 [hbm4b:s10+s25], $0x80, $0x38;
	[tilespmem:$0x1A680] =	vst v63  }
0x1a7: {  	s10 =	simm.s32 $0x13  }
0x1a8: {  	_ =	swait.ge [sflag:s10], $0x80  }
0x1a9: {  	[sflag:s10] =	ssyncset.done $0x0  }
0x1aa: {  	[sflag:s10] =	ssyncadd.s32 $0xFFFFFF80  }
0x1ab: {  	_ =	swait.ge [sflag:s10], $0x80  }
0x1ac: {  	[sflag:s10] =	ssyncset.done $0x0  }
0x1ad: {  	s21 =	simm.s32 $0x1A080;
	s14 =	simm.s32 $0x17480;
	[sflag:s10] =	ssyncadd.s32 $0xFFFFFF80  }
0x1ae: {  	[tilespmem:s14], [sflag:$0x4] =	stream.indirect.gather [hbm4b:s19+s20], $0x80, s21, s20, $0xb8;
	[tilespmem:$0x1A680] =	vst v63  }
0x1af: {  	s14 =	simm.s32 $0xA  }
0x1b0: {  	_ =	swait.ge [sflag:s14], $0x1400  }
0x1b1: {  	[sflag:s14] =	ssyncset.done $0x0  }
0x1b2: {  	s10 =	simm.s32 @!p2 $0x19E80;
	[sflag:s14] =	ssyncadd.s32 $0xFFFFEC00  }
0x1b3: {  	[tilespmem:s10], [sflag:$0xF] =	stream.linear.gather @!p2 [hbm4b:s7+s25], $0x80, $0x38;
	[tilespmem:$0x1A680] =	vst v63  }
0x1b4: {  	s4 =	simm.s32 @!p2 $0x1A380;
	s10 =	simm.s32 $0x14  }
0x1b5: {  	[tilespmem:s4], [sflag:$0xF] =	stream.linear.gather @!p2 [hbm4b:s11+s25], $0x80, $0x38;
	[tilespmem:$0x1A680] =	vst v63  }
0x1b6: {  	_ =	swait.ge [sflag:s10], $0x80  }
0x1b7: {  	[sflag:s10] =	ssyncset.done $0x0  }
0x1b8: {  	[sflag:s10] =	ssyncadd.s32 $0xFFFFFF80  }
0x1b9: {  	_ =	swait.ge [sflag:s10], $0x80  }
0x1ba: {  	s21 =	simm.s32 $0x1A100;
	[sflag:s10] =	ssyncset.done $0x0  }
0x1bb: {  	s7 =	simm.s32 $0x1;
	[sflag:s10] =	ssyncadd.s32 $0xFFFFFF80;
	s10 =	simm.s32 $0x18880  }
0x1bc: {  	[tilespmem:s10], [sflag:$0x5] =	stream.indirect.gather [hbm4b:s19+s20], $0x80, s21, s20, $0xb8;
	[tilespmem:$0x1A680] =	vst v63  }
0x1bd: {  	_ =	swait.ge [sflag:s7], $0x1400  }
0x1be: {  	s21 =	simm.s32 $0x1;
	[sflag:s7] =	ssyncset.done $0x0  }
0x1bf: {  	s26 =	simm.s32 $0x1A400;
	s11 =	simm.s32 $0x13880;
	[sflag:s21] =	ssyncadd.s32 $0xFFFFEC00  }
0x1c0: {  	[spmem:s3] =	stream.indirect.scatter.add.f32 [tilespmem:s11], [sflag:$0x6], $0x80, s26, s20, $0xb8;
	[tilespmem:$0x1A680] =	vst v63  }
0x1c1: {  	s26 =	simm.s32 $0x2  }
0x1c2: {  	_ =	swait.ge [sflag:s26], $0x1400  }
0x1c3: {  	s7 =	simm.s32 $0x2;
	[sflag:s26] =	ssyncset.done $0x0  }
0x1c4: {  	s21 =	simm.s32 $0x14C80;
	s26 =	simm.s32 $0x1A480;
	[sflag:s7] =	ssyncadd.s32 $0xFFFFEC00  }
0x1c5: {  	[spmem:s3] =	stream.indirect.scatter.add.f32 [tilespmem:s21], [sflag:$0x7], $0x80, s26, s20, $0xb8;
	[tilespmem:$0x1A680] =	vst v63  }
0x1c6: {  	_ =	swait.ge [sflag:s28], $0x1400  }
0x1c7: {  	[sflag:s28] =	ssyncset.done $0x0  }
0x1c8: {  	s21 =	simm.s32 $0x16080;
	[sflag:s28] =	ssyncadd.s32 $0xFFFFEC00;
	s28 =	simm.s32 $0x1A500  }
0x1c9: {  	[spmem:s3] =	stream.indirect.scatter.add.f32 [tilespmem:s21], [sflag:$0x8], $0x80, s28, s20, $0xb8;
	[tilespmem:$0x1A680] =	vst v63  }
0x1ca: {  	_ =	swait.ge [sflag:s31], $0x1400  }
0x1cb: {  	s7 =	simm.s32 $0x17480;
	[sflag:s31] =	ssyncset.done $0x0  }
0x1cc: {  	s26 =	simm.s32 $0x1A580;
	s28 =	simm.s32 $0x5;
	[sflag:s31] =	ssyncadd.s32 $0xFFFFEC00  }
0x1cd: {  	[spmem:s3] =	stream.indirect.scatter.add.f32 [tilespmem:s7], [sflag:$0x9], $0x80, s26, s20, $0xb8;
	[tilespmem:$0x1A680] =	vst v63  }
0x1ce: {  	_ =	swait.ge [sflag:s28], $0x1400  }
0x1cf: {  	s31 =	simm.s32 $0x5;
	[sflag:s28] =	ssyncset.done $0x0  }
0x1d0: {  	s7 =	simm.s32 $0x1A600;
	[sflag:s31] =	ssyncadd.s32 $0xFFFFEC00  }
0x1d1: {  	[spmem:s3] =	stream.indirect.scatter.add.f32 [tilespmem:s10], [sflag:$0xA], $0x80, s7, s20, $0xb8;
	[tilespmem:$0x1A680] =	vst v63  }
0x1d2: {  	s13 =	sadd.s32 $0x2, s13;
	s10 =	simm.s32 $0x6  }
0x1d3: {  	p3 =	sgt.u32 s13, $0x30;
	_ =	swait.ge [sflag:s10], $0x1400  }
0x1d4: {  	s12 =	sadd.s32 @!p2 s8, s17;
	s26 =	simm.s32 $0x6;
	[sflag:s10] =	ssyncset.done $0x0  }
0x1d5: {  	s17 =	sadd.s32 @!p2 s6, s17;
	s7 =	simm.s32 @!p2 $0x19F00;
	[sflag:s26] =	ssyncadd.s32 $0xFFFFEC00  }
0x1d6: {  	[tilespmem:s7], [sflag:$0x10] =	stream.linear.gather @!p2 [hbm4b:s17+s25], $0x80, $0x38;
	[tilespmem:$0x1A680] =	vst v63  }
0x1d7: {  	s4 =	simm.s32 @!p2 $0x1A400;
	s7 =	simm.s32 @!p3 $0xB  }
0x1d8: {  	[tilespmem:s4], [sflag:$0x10] =	stream.linear.gather @!p2 [hbm4b:s12+s25], $0x80, $0x38;
	[tilespmem:$0x1A680] =	vst v63  }
0x1d9: {  	_ =	swait.ge @!p3 [sflag:s7], $0x80  }
0x1da: {  	[sflag:s7] =	ssyncset.done @!p3 $0x0  }
0x1db: {  	s9 =	sand.u32 @!p2 $0x1FC00, s0;
	[sflag:s7] =	ssyncadd.s32 @!p3 $0xFFFFFF80  }
0x1dc: {  	s0 =	sand.u32 @!p2 $0x300, s0;
	s9 =	sadd.s32 @!p2 s5, s9;
	_ =	swait.ge @!p3 [sflag:s7], $0x80  }
0x1dd: {  	s28 =	simm.s32 $0x7;
	s10 =	simm.s32 @!p3 $0x13880;
	[sflag:s7] =	ssyncset.done @!p3 $0x0  }
0x1de: {  	s26 =	simm.s32 @!p3 $0x28;
	s4 =	simm.s32 @!p3 $0x19C80;
	[sflag:s7] =	ssyncadd.s32 @!p3 $0xFFFFFF80  }
0x1df: {  	[tilespmem:s10], [sflag:$0x1] =	stream.indirect.gather @!p3 [hbm4b:s19+s26], $0x80, s4, s26, $0xb8;
	[tilespmem:$0x1A680] =	vst v63  }
0x1e0: {  	s0 =	sor.u32 @!p2 s0, s9;
	_ =	swait.ge [sflag:s28], $0x1400  }
0x1e1: {  	s0 =	sshrl.u32 @!p2 s0, $0x3;
	[sflag:s28] =	ssyncset.done $0x0  }
0x1e2: {  	s9 =	sadd.s32 @!p2 s6, s0;
	s7 =	simm.s32 @!p2 $0x19F80;
	[sflag:s28] =	ssyncadd.s32 $0xFFFFEC00  }
0x1e3: {  	[tilespmem:s7], [sflag:$0x11] =	stream.linear.gather @!p2 [hbm4b:s9+s25], $0x80, $0x38;
	[tilespmem:$0x1A680] =	vst v63  }
0x1e4: {  	s0 =	sadd.s32 @!p2 s8, s0;
	s4 =	simm.s32 @!p2 $0x1A480;
	s7 =	simm.s32 @!p3 $0xC  }
0x1e5: {  	[tilespmem:s4], [sflag:$0x11] =	stream.linear.gather @!p2 [hbm4b:s0+s25], $0x80, $0x38;
	[tilespmem:$0x1A680] =	vst v63  }
0x1e6: {  	_ =	swait.ge @!p3 [sflag:s7], $0x80  }
0x1e7: {  	[sflag:s7] =	ssyncset.done @!p3 $0x0  }
0x1e8: {  	[sflag:s7] =	ssyncadd.s32 @!p3 $0xFFFFFF80  }
0x1e9: {  	_ =	swait.ge @!p3 [sflag:s7], $0x80  }
0x1ea: {  	[sflag:s7] =	ssyncset.done @!p3 $0x0  }
0x1eb: {  	s0 =	simm.s32 @!p3 $0x19D00;
	s4 =	simm.s32 @!p3 $0x14C80;
	[sflag:s7] =	ssyncadd.s32 @!p3 $0xFFFFFF80  }
0x1ec: {  	[tilespmem:s4], [sflag:$0x2] =	stream.indirect.gather @!p3 [hbm4b:s19+s26], $0x80, s0, s26, $0xb8;
	[tilespmem:$0x1A680] =	vst v63  }
0x1ed: {  	_ =	swait.ge [sflag:s1], $0x1400  }
0x1ee: {  	[sflag:s1] =	ssyncset.done $0x0  }
0x1ef: {  	[sflag:s1] =	ssyncadd.s32 $0xFFFFEC00  }
0x1f0: {  	[tilespmem:s22], [sflag:$0x12] =	stream.linear.gather @!p2 [hbm4b:s30+s25], $0x80, $0x38;
	[tilespmem:$0x1A680] =	vst v63  }
0x1f1: {  	s0 =	simm.s32 @!p2 $0x1A500;
	s4 =	simm.s32 @!p3 $0xD  }
0x1f2: {  	[tilespmem:s0], [sflag:$0x12] =	stream.linear.gather @!p2 [hbm4b:s23+s25], $0x80, $0x38;
	[tilespmem:$0x1A680] =	vst v63  }
0x1f3: {  	_ =	swait.ge @!p3 [sflag:s4], $0x80  }
0x1f4: {  	[sflag:s4] =	ssyncset.done @!p3 $0x0  }
0x1f5: {  	[sflag:s4] =	ssyncadd.s32 @!p3 $0xFFFFFF80  }
0x1f6: {  	_ =	swait.ge @!p3 [sflag:s4], $0x80  }
0x1f7: {  	s31 =	simm.s32 $0x9;
	[sflag:s4] =	ssyncset.done @!p3 $0x0  }
0x1f8: {  	s7 =	simm.s32 @!p3 $0x16080;
	s0 =	simm.s32 @!p3 $0x19D80;
	[sflag:s4] =	ssyncadd.s32 @!p3 $0xFFFFFF80  }
0x1f9: {  	[tilespmem:s7], [sflag:$0x3] =	stream.indirect.gather @!p3 [hbm4b:s19+s26], $0x80, s0, s26, $0xb8;
	[tilespmem:$0x1A680] =	vst v63  }
0x1fa: {  	_ =	swait.ge [sflag:s31], $0x1400  }
0x1fb: {  	[sflag:s31] =	ssyncset.done $0x0  }
0x1fc: {  	s4 =	simm.s32 @!p2 $0x1A080;
	[sflag:s31] =	ssyncadd.s32 $0xFFFFEC00  }
0x1fd: {  	[tilespmem:s4], [sflag:$0x13] =	stream.linear.gather @!p2 [hbm4b:s29+s25], $0x80, $0x38;
	[tilespmem:$0x1A680] =	vst v63  }
0x1fe: {  	s0 =	simm.s32 @!p2 $0x1A580;
	s4 =	simm.s32 @!p3 $0xE  }
0x1ff: {  	[tilespmem:s0], [sflag:$0x13] =	stream.linear.gather @!p2 [hbm4b:s2+s25], $0x80, $0x38;
	[tilespmem:$0x1A680] =	vst v63  }
0x200: {  	_ =	swait.ge @!p3 [sflag:s4], $0x80  }
0x201: {  	[sflag:s4] =	ssyncset.done @!p3 $0x0  }
0x202: {  	[sflag:s4] =	ssyncadd.s32 @!p3 $0xFFFFFF80  }
0x203: {  	_ =	swait.ge @!p3 [sflag:s4], $0x80  }
0x204: {  	[sflag:s4] =	ssyncset.done @!p3 $0x0  }
0x205: {  	s0 =	simm.s32 @!p3 $0x19E00;
	s2 =	simm.s32 @!p3 $0x17480;
	[sflag:s4] =	ssyncadd.s32 @!p3 $0xFFFFFF80  }
0x206: {  	[tilespmem:s2], [sflag:$0x4] =	stream.indirect.gather @!p3 [hbm4b:s19+s26], $0x80, s0, s26, $0xb8;
	[tilespmem:$0x1A680] =	vst v63  }
0x207: {  	s24 =	sadd.s32 $0x500, s24;
	_ =	swait.ge [sflag:s14], $0x1400  }
0x208: {  	p1 =	sne.s32 s24, $0x8680;
	[sflag:s14] =	ssyncset.done $0x0  }
0x209: {  	s18 =	simm.s32 $0x1A180;
	s0 =	simm.s32 @!p2 $0x1A100;
	[sflag:s14] =	ssyncadd.s32 $0xFFFFEC00  }
0x20a: {  	[tilespmem:s0], [sflag:$0x14] =	stream.linear.gather @!p2 [hbm4b:s16+s25], $0x80, $0x38;
	[tilespmem:$0x1A680] =	vst v63  }
.Ltmp0:
0x20b: {  	s2 =	simm.s32 @!p2 $0x1A600;
	s0 =	simm.s32 @!p3 $0xF;
	(pc) =	sbr.rel @p1 .LBB2_2-.Ltmp0, $4  }
0x20c: {  	[tilespmem:s2], [sflag:$0x14] =	stream.linear.gather @!p2 [hbm4b:s15+s25], $0x80, $0x38;
	[tilespmem:$0x1A680] =	vst v63  }
0x20d: {  	s17 =	simm.s32 $0x1A280;
	s30 =	simm.s32 $0x19F80;
	_ =	swait.ge @!p3 [sflag:s0], $0x80  }
0x20e: {  	s22 =	simm.s32 $0x14C80;
	s7 =	simm.s32 @!p3 $0x18880;
	[sflag:s0] =	ssyncset.done @!p3 $0x0  }
0x20f: {  	s29 =	simm.s32 $0x17480;
	s2 =	simm.s32 @!p3 $0x19E80;
	[sflag:s0] =	ssyncadd.s32 @!p3 $0xFFFFFF80  }
0x210: {  	_ =	swait.ge @!p3 [sflag:s0], $0x80  }
0x211: {  	[sflag:s0] =	ssyncset.done @!p3 $0x0  }
0x212: {  	[sflag:s0] =	ssyncadd.s32 @!p3 $0xFFFFFF80  }
0x213: {  	s0 =	rddreg [dreg:$0x0]  }
0x214: {  	[tilespmem:s7], [sflag:$0x5] =	stream.indirect.gather @!p3 [hbm4b:s0+s26], $0x80, s2, s26, $0xb8;
	[tilespmem:$0x1A680] =	vst v63  }
0x215: {  	[bflag:$0x0] =	sbarrier.arrive $0xFFFF  }
0x216: {  	s1 =	sld [smem:$0x7F9]  }
0x217: {  	s12 =	rddreg [dreg:$0x7]  }
0x218: {  	s4 =	simm.s32 $0x15;
	s25 =	rddreg [dreg:$0x11]  }
0x219: {  	[hbm:s25], [sflag:s12] =	dma.local [spmem:s1], $0x2700  }
0x21a: {  	_ =	swait.ge [sflag:s4], $0x2700  }
0x21b: {  	s1 =	sld [smem:$0x7FA]  }
0x21c: {  	[sflag:s4] =	ssyncset.done $0x0  }
0x21d: {  	s0 =	rddreg [dreg:$0x1e];
	[sflag:s4] =	ssyncadd.s32 $0xFFFFD900  }
0x21e: {  	[hbm:s0], [sflag:s12] =	dma.local @!p0 [spmem:s1], $0x100  }
0x21f: {  	s0 =	simm.s32 @!p0 $0x15  }
0x220: {  	_ =	swait.ge @!p0 [sflag:s0], $0x100  }
0x221: {  	s26 =	sld [smem:$0x7F8];
	_ =	sdelay $0x2  }
0x222: {  	s31 =	rddreg [dreg:$0x1f];
	s1 =	sadd.s32 $0x1, s26  }
0x223: {  	p1 =	sne.s32 s1, s31  }
.Ltmp1:
0x224: {  	_ = 	snop;
	(pc) =	sbr.rel @p1 .LBB2_1-.Ltmp1, $4  }
0x225: {  	s15 =	simm.s32 $0x1A480  }
0x226: {  	s28 =	simm.s32 $0x1A500;
	s23 =	simm.s32 $0x1A080;
	s14 =	simm.s32 $0x1A580  }
0x227: {  	s8 =	simm.s32 $0x1A600;
	s19 =	simm.s32 $0x28;
	[sflag:s0] =	ssyncset.done @!p0 $0x0  }
0x228: {  	s6 =	smov.u32 s5;
	s25 =	simm.s32 $0x1A100;
	[sflag:s0] =	ssyncadd.s32 @!p0 $0xFFFFFF00  }
0x229: {  	_ =	sfence.sel $0x180000  }
0x22a: {  	[bflag:$0x0] =	sbarrier.arrive $0xFFFF  }
0x22b: {  	_ =	strace $0x9000004D  }
0x22c: {  	s0 =	stileid.u32;
	[bflag:$0x2] =	sbarrier.arrive $0xFFFF  }
0x22d: {  	p0 =	sne.s32 s0, $0x0;
	s0 =	rddreg [dreg:$0x3]  }
0x22e: {  	s0 =	sadd.s32 @!p0 $0x100000, s0  }
0x22f: {  	[sflag:s0] =	ssyncadd.tile.s32 @!p0 $0x1;
	_ =	shalt  }
.Lfunc_end2:
_tile_overlayer_lowered:
.L_overlay_start_2:
0x230: {  	(tag) =	ssettag $0x2  }
0x231: {  	s0 =	rddreg [dreg:$0x0];
	s2 =	stileid.u32  }
0x232: {  	s1 =	rddreg [dreg:$0x1];
	p0 =	sne.s32 s2, $0x0  }
0x233: {  	s3 =	rddreg [dreg:$0x2];
	[bflag:$0x3] =	sbarrier.arrive $0xFFFF;
	s2 =	simm.s32 @!p0 $0x1C15  }
0x234: {  	[timem:s3], [sflag:s2] =	dma.local @!p0 [hbm:s0], s1  }
0x235: {  	s0 =	simm.s32 @!p0 $0x15  }
0x236: {  	_ =	swait.ge @!p0 [sflag:s0], s1  }
0x237: {  	s1 =	ssub.s32 @!p0 $0x0, s1;
	[sflag:s0] =	ssyncset.done @!p0 $0x0  }
0x238: {  	[sflag:s0] =	ssyncadd.s32 @!p0 s1  }
0x239: {  	[bflag:$0x3] =	sbarrier.arrive $0xFFFF  }
0x23a: {  	_ =	shalt  }

// kernel: kernel.8.cloned.1.call-start
scs
__scs_entry_jumppad:
0x0: {  	(pc) =	sbr.rel $0x88, $3  }
0x1: {  	(tag) =	ssettag $0x0;
	lr =	simm.s32 $0x1  }
0x2: {  	[smem:$0x3F97] =	sst lr;
	_ =	strace $0xD0000000  }
0x3: {  	_ = 	snop  }
0x4: {  	_ = 	snop  }
0x5: {  	_ = 	snop  }
0x6: {  	_ = 	snop  }
0x7: {  	_ = 	snop  }
__scs_overlays_trampoline_lowered:
0x8: {  	[smem:$0x3FA6] =	sst s0  }
0x9: {  	[smem:$0x3FA7] =	sst s1  }
0xa: {  	[smem:$0x3FA8] =	sst s2  }
0xb: {  	[smem:$0x3FA9] =	sst s3  }
0xc: {  	[smem:$0x3FAA] =	sst s4  }
0xd: {  	[smem:$0x3FAB] =	sst s5  }
0xe: {  	[smem:$0x3FAC] =	sst s6  }
0xf: {  	[smem:$0x3FAD] =	sst s7  }
0x10: {  	[smem:$0x3FAE] =	sst s8  }
0x11: {  	[smem:$0x3FAF] =	sst s9;
	s0 =	simm.s32 @!p0 $0x0  }
0x12: {  	s1 =	sld [smem:$0x3F95];
	s0 =	simm.s32 @p0 $0x1  }
0x13: {  	[smem:$0x3FB0] =	sst s0;
	s0 =	simm.s32 @!p1 $0x0  }
0x14: {  	s2 =	sld [smem:$0x3F94];
	s0 =	simm.s32 @p1 $0x1  }
0x15: {  	[smem:$0x3FB1] =	sst s0;
	s0 =	simm.s32 @!p2 $0x0  }
0x16: {  	s3 =	sld [smem:$0x3FDB];
	s0 =	simm.s32 @p2 $0x1  }
0x17: {  	s4 =	simm.s32 $0x1BF5;
	[smem:$0x3FB3] =	sst s0  }
0x18: {  	s0 =	sld [smem:$0x3F96];
	_ =	swait.ge [sflag:s4], $0x0  }
0x19: {  	s7 =	sld [smem:$0x3F97]  }
0x1a: {  	s8 =	sadd.s32 $0xFFFFE003, lr  }
0x1b: {  	s9 =	sadd.s32 $0xFFFFFEF7, lr;
	s5 =	simm.s32 $0xFFFFFFFF;
	p2 =	slt.u32 s8, $0xFFFFF086  }
0x1c: {  	p1 =	slt.u32 s9, $0xF7A;
	s5 =	simm.s32 @!p2 $0x0  }
0x1d: {  	s5 =	simm.s32 @p1 $0x1;
	p0 =	seq.s32 s7, s2  }
0x1e: {  	s7 =	smul.u32 @!p0 $0xF7A, s2;
	p2 =	seq.s32 @!p0 s5, $0x0  }
0x1f: {  	s9 =	smul.u32 $0xF7A, s1;
	s8 =	simm.s32 @!p0 $0x1BF5;
	p2 =	por !p2, p0  }
0x20: {  	[sflag:s8] =	ssyncset.s32 @!p0 $0xFFFFF086;
	s6 =	sadd.s32 @!p0 s3, s7;
	s7 =	simm.s32 @!p0 $0x108  }
0x21: {  	s3 =	sadd.s32 s3, s9;
	s6 =	sadd.s32 @!p0 $0x88, s6;
	s7 =	simm.s32 @p2 $0x1082  }
0x22: {  	[simem:s7], [sflag:s8] =	dma.local @!p0 [hbm:s6], $0xF7A  }
0x23: {  	s9 =	sor.u32 $0xD0000000, s2;
	s6 =	simm.s32 $0x108;
	_ =	swait.ge @!p0 [sflag:s8], $0x0  }
0x24: {  	s3 =	sadd.s32 $0x88, s3;
	s6 =	simm.s32 @!p1 $0x1082;
	[sflag:s4] =	ssyncset.s32 $0xFFFFF086  }
0x25: {  	[simem:s6], [sflag:s4] =	dma.local [hbm:s3], $0xF7A  }
0x26: {  	[smem:$0x3F97] =	sst s1;
	(tag) =	ssettag s2;
	_ =	strace s9  }
0x27: {  	s1 =	sld [smem:$0x3FA7]  }
0x28: {  	s2 =	sld [smem:$0x3FA8]  }
0x29: {  	s4 =	sld [smem:$0x3FAA]  }
0x2a: {  	p0 =	seq.s32 s5, $0x0;
	s5 =	sld [smem:$0x3FAB]  }
0x2b: {  	s6 =	sld [smem:$0x3FAC]  }
0x2c: {  	s7 =	sld [smem:$0x3FAD]  }
0x2d: {  	s3 =	simm.s32 $0x108;
	s8 =	sld [smem:$0x3FAE]  }
0x2e: {  	s3 =	simm.s32 @!p0 $0x1082;
	s9 =	sld [smem:$0x3FAF]  }
0x2f: {  	lr =	sadd.s32 s0, s3;
	s0 =	sld [smem:$0x3FA6]  }
0x30: {  	s3 =	sld [smem:$0x3FA9]  }
0x31: {  	[smem:$0x3FB2] =	sst s10  }
0x32: {  	s10 =	sld [smem:$0x3FB0];
	_ =	sdelay $0x3  }
0x33: {  	p0 =	seq.s32 s10, $0x1;
	s10 =	sld [smem:$0x3FB2];
	_ =	sdelay $0x3  }
0x34: {  	[smem:$0x3FB2] =	sst s10  }
0x35: {  	s10 =	sld [smem:$0x3FB1];
	_ =	sdelay $0x3  }
0x36: {  	p1 =	seq.s32 s10, $0x1;
	s10 =	sld [smem:$0x3FB2];
	_ =	sdelay $0x3  }
0x37: {  	[smem:$0x3FB2] =	sst s10  }
0x38: {  	s10 =	sld [smem:$0x3FB3]  }
0x39: {  	_ = 	snop;
	(pc) =	sbr.ind lr, $3  }
0x3a: {  	_ = 	snop  }
0x3b: {  	_ = 	snop  }
0x3c: {  	p2 =	seq.s32 s10, $0x1;
	s10 =	sld [smem:$0x3FB2]  }
0x3d: {  	_ =	shalt  }
0x3e: {  	_ =	shalt  }
0x3f: {  	_ =	shalt  }
0x40: {  	_ =	shalt  }
0x41: {  	_ =	shalt  }
0x42: {  	_ =	shalt  }
0x43: {  	_ =	shalt  }
0x44: {  	_ =	shalt  }
0x45: {  	_ =	shalt  }
0x46: {  	_ =	shalt  }
0x47: {  	_ =	shalt  }
0x48: {  	_ =	shalt  }
0x49: {  	_ =	shalt  }
0x4a: {  	_ =	shalt  }
0x4b: {  	_ =	shalt  }
0x4c: {  	_ =	shalt  }
0x4d: {  	_ =	shalt  }
0x4e: {  	_ =	shalt  }
0x4f: {  	_ =	shalt  }
0x50: {  	_ =	shalt  }
0x51: {  	_ =	shalt  }
0x52: {  	_ =	shalt  }
0x53: {  	_ =	shalt  }
0x54: {  	_ =	shalt  }
0x55: {  	_ =	shalt  }
0x56: {  	_ =	shalt  }
0x57: {  	_ =	shalt  }
0x58: {  	_ =	shalt  }
0x59: {  	_ =	shalt  }
0x5a: {  	_ =	shalt  }
0x5b: {  	_ =	shalt  }
0x5c: {  	_ =	shalt  }
0x5d: {  	_ =	shalt  }
0x5e: {  	_ =	shalt  }
0x5f: {  	_ =	shalt  }
0x60: {  	_ =	shalt  }
0x61: {  	_ =	shalt  }
0x62: {  	_ =	shalt  }
0x63: {  	_ =	shalt  }
0x64: {  	_ =	shalt  }
0x65: {  	_ =	shalt  }
0x66: {  	_ =	shalt  }
0x67: {  	_ =	shalt  }
0x68: {  	_ =	shalt  }
0x69: {  	_ =	shalt  }
0x6a: {  	_ =	shalt  }
0x6b: {  	_ =	shalt  }
0x6c: {  	_ =	shalt  }
0x6d: {  	_ =	shalt  }
0x6e: {  	_ =	shalt  }
0x6f: {  	_ =	shalt  }
0x70: {  	_ =	shalt  }
0x71: {  	_ =	shalt  }
0x72: {  	_ =	shalt  }
0x73: {  	_ =	shalt  }
0x74: {  	_ =	shalt  }
0x75: {  	_ =	shalt  }
0x76: {  	_ =	shalt  }
0x77: {  	_ =	shalt  }
0x78: {  	_ =	shalt  }
0x79: {  	_ =	shalt  }
0x7a: {  	_ =	shalt  }
0x7b: {  	_ =	shalt  }
0x7c: {  	_ =	shalt  }
0x7d: {  	_ =	shalt  }
0x7e: {  	_ =	shalt  }
0x7f: {  	_ =	shalt  }
0x80: {  	_ =	shalt  }
0x81: {  	_ =	shalt  }
0x82: {  	_ =	shalt  }
0x83: {  	_ =	shalt  }
0x84: {  	_ =	shalt  }
0x85: {  	_ =	shalt  }
0x86: {  	_ =	shalt  }
0x87: {  	_ =	shalt  }
.Lfunc_end0:
.L_simem_size_0:
called_computation_lowered:
.L_overlay_start_0:
0x88: {  	s2 =	sld [smem:$0x3FD9]  }
0x89: {  	s3 =	sld [smem:$0x3FFE];
	_ =	sdelay $0x1  }
0x8a: {  	s1 =	srdreg.scid  }
0x8b: {  	s0 =	sand.u32 $0x1, s1  }
0x8c: {  	s17 =	sshll.u32 s0, $0xA;
	s2 =	sadd.s32 s3, s2  }
0x8d: {  	s2 =	sadd.s32 s2, s17  }
0x8e: {  	[smem:$0x3FBE] =	sst s2  }
0x8f: {  	_ = 	snop  }
0x90: {  	(tm) =	ssettm $0x1  }
0x91: {  	s18 =	sld [smem:$0x3FFB];
	_ =	sdelay $0x3  }
0x92: {  	_ =	strace s18  }
0x93: {  	s2 =	sld [smem:$0x3FFC];
	_ =	sdelay $0x3  }
0x94: {  	_ =	strace s2  }
0x95: {  	s2 =	sld [smem:$0x3FFD];
	_ =	sdelay $0x3  }
0x96: {  	_ =	strace s2  }
0x97: {  	_ =	strace $0x8FFFFFFF  }
0x98: {  	s19 =	sld [smem:$0x3FDB];
	_ =	sdelay $0x1  }
0x99: {  	s20 =	simm.s32 $_scs_section_size  }
0x9a: {  	s4 =	simm.s32 $_size__tile_overlayer_lowered;
	s5 =	simm.s32 $_tile_overlayer_lowered  }
0x9b: {  	s6 =	simm.s32 $0x1BFF;
	s21 =	sshll.u32 s5, $0x1;
	s3 =	sadd.s32 s20, s19  }
0x9c: {  	s22 =	simm.s32 $0x0;
	s4 =	sshll.u32 s4, $0x1;
	s5 =	sadd.s32 s21, s3  }
0x9d: {  	[timem:s22], [sflag:s6] =	dma.local [hbm:s5], s4  }
0x9e: {  	_ =	swait.ge [sflag:s6], s4  }
0x9f: {  	s4 =	ssub.s32 $0x0, s4;
	[sflag:s6] =	ssyncset.done $0x0  }
0xa0: {  	[sflag:s6] =	ssyncadd.s32 s4;
	_ =	sdelay $0x1  }
0xa1: {  	s23 =	simm.s32 $0x1B8B  }
0xa2: {  	_ =	swait.ge [sflag:s23], $0x1  }
0xa3: {  	[sflag:s23] =	ssyncset.done $0x0  }
0xa4: {  	[sflag:s23] =	ssyncadd.s32 $0xFFFFFFFF  }
0xa5: {  	s4 =	sld [smem:$0x0]  }
0xa6: {  	s5 =	sand.u32 $0xFFFFFFFE, s1  }
0xa7: {  	p0 =	sne.s32 s1, s5  }
0xa8: {  	s5 =	sshll.u32 @p0 s5, $0xE  }
0xa9: {  	s5 =	sadd.s32 @p0 $0x11B8D, s5;
	s6 =	sshll.u32 @p0 s4, $0x11  }
0xaa: {  	s5 =	sor.u32 @p0 s6, s5  }
0xab: {  	[sflag:s5] =	ssyncadd.remote.s32 @p0 $0x1;
	_ =	sdelay $0x1  }
0xac: {  	s5 =	simm.s32 @p0 $0x1B8D  }
0xad: {  	_ =	swait.eq @p0 [sflag:s5], $0x1  }
0xae: {  	[sflag:s5] =	ssyncadd.s32 @p0 $0xFFFFFFFF  }
0xaf: {  	s6 =	sshll.u32 @!p0 s1, $0xE  }
0xb0: {  	s6 =	sor.u32 @!p0 $0x4000, s6;
	s5 =	simm.s32 @!p0 $0x1B8D  }
0xb1: {  	s4 =	sshll.u32 @!p0 s4, $0x11;
	s6 =	sadd.s32 @!p0 $0x11B8D, s6;
	_ =	swait.eq @!p0 [sflag:s5], $0x1  }
0xb2: {  	s4 =	sor.u32 @!p0 s4, s6;
	[sflag:s5] =	ssyncadd.s32 @!p0 $0xFFFFFFFF  }
0xb3: {  	s25 =	simm.s32 $0x1B8E;
	s24 =	sld [smem:$0x3FFE];
	[sflag:s4] =	ssyncadd.remote.s32 @!p0 $0x1  }
0xb4: {  	s26 =	simm.s32 $execute0_lowered;
	[smem:$0x3FD2] =	sst s25  }
0xb5: {  	s5 =	sshll.u32 s26, $0x1;
	_ =	strace $0x80000049;
	[dreg:$0x1] =	wrdreg $0xFFFFFFFF  }
0xb6: {  	s28 =	simm.s32 $_size_execute0_lowered;
	s3 =	sadd.s32 s3, s5;
	[dreg:$0x0] =	wrdreg $0x0  }
0xb7: {  	s5 =	sshll.u32 s28, $0x1;
	[dreg:$0x2] =	wrdreg s3  }
0xb8: {  	[dreg:$0x3] =	wrdreg s5  }
0xb9: {  	[dreg:$0x4] =	wrdreg $0xC0  }
0xba: {  	_ =	task [dreg:s22], $0x5FFFF  }
0xbb: {  	[dreg:$0x1] =	wrdreg $0xFFFFFFFF  }
0xbc: {  	[dreg:$0x0] =	wrdreg $0x60  }
0xbd: {  	[dreg:$0x2] =	wrdreg s24  }
0xbe: {  	[dreg:$0x3] =	wrdreg $0x0  }
0xbf: {  	[dreg:$0x4] =	wrdreg $0x9  }
0xc0: {  	_ =	task.clear_ibuf [dreg:s22], $0x5FFFF;
	_ =	strace $0x90000049  }
0xc1: {  	s29 =	simm.s32 $0x9;
	_ =	strace $0x8000004B  }
0xc2: {  	_ =	swait.ge [sflag:s29], $0x1  }
0xc3: {  	[sflag:s29] =	ssyncadd.s32 $0xFFFFFFFF  }
0xc4: {  	_ =	strace $0x9000004B  }
0xc5: {  	_ =	sfence  }
0xc6: {  	s30 =	sld [smem:$0x0];
	_ =	sdelay $0x2  }
0xc7: {  	s31 =	sshll.u32 s1, $0xD;
	s1 =	sshrl.u32 s1, $0x2  }
0xc8: {  	s4 =	sand.u32 $0x4000, s31;
	s1 =	sadd.s32 s1, s30  }
0xc9: {  	s0 =	sor.u32 s4, s0;
	s1 =	sshll.u32 s1, $0x11  }
0xca: {  	s0 =	sor.u32 s1, s0  }
0xcb: {  	s0 =	sadd.s32 $0x8F2B, s0  }
0xcc: {  	[sflag:s0] =	ssyncadd.remote.s32 $0x1  }
0xcd: {  	_ =	sfence.sel $0xFFFF  }
0xce: {  	[dreg:$0x0] =	wrdreg $0xFFFFFFFF;
	(pc) =	sbr.abs _section_cstart, $3  }
0xcf: {  	[dreg:$0x1] =	wrdreg $0xFFFFFFFF  }
0xd0: {  	_ =	task.clear_ibuf [dreg:s22], $0x2FFFF;
	_ =	strace $0x9FFFFFFF  }
0xd1: {  	(tm) =	ssettm $0x7FFFFFFF  }
tec
execute0_lowered:
.L_overlay_start_1:
0x0: {  	(tag) =	ssettag $0x1  }
0x1: {  	s0 =	rddreg [dreg:$0x0]  }
0x2: {  	s2 =	rddreg [dreg:$0x1];
	s3 =	simm.s32 $0x0;
	s16 =	stileid.u32  }
0x3: {  	s5 =	srdreg.scid;
	s28 =	simm.s32 $0x14E80;
	s29 =	simm.s32 $0x1  }
0x4: {  	s30 =	simm.s32 $0x28;
	s31 =	simm.s32 $0x2;
	[smem:$0x7FF] =	sst s3  }
0x5: {  	s1 =	smul.u32 $0x13800, s16;
	s4 =	sadd.s32 $0x2600, s0;
	s5 =	sand.u32 $0x1, s5  }
0x6: {  	s8 =	smul.u32 $0x4E000, s16;
	s9 =	sadd.s32 $0xB7A00, s0;
	s10 =	sadd.s32 $0xB7E00, s0  }
0x7: {  	s11 =	sshll.u32 s16, $0x10;
	s17 =	sshll.u32 s16, $0x6;
	p0 =	sne.s32 s16, $0xF  }
0x8: {  	_ =	strace $0x8000004A;
	s14 =	ssub.s32 $0x2, s5;
	[dreg:$0x3] =	wrdreg s9  }
0x9: {  	s12 =	sshll.u32 s5, $0xF;
	s5 =	smul.u32 $0x138800, s5;
	s6 =	sshrl.u32 s1, $0x3  }
0xa: {  	s15 =	sshrl.u32 s14, $0x1;
	s8 =	sshrl.u32 s8, $0x2;
	s7 =	sadd.s32 s6, s0  }
0xb: {  	s13 =	ssub.s32 s14, s15;
	s14 =	sadd.s32 s8, s2;
	s6 =	sor.u32 s12, s11  }
0xc: {  	s8 =	sor.u32 $0x1C0B, s17;
	s0 =	sadd.s32 $0x69600, s0;
	s22 =	sadd.s32 s1, s5  }
0xd: {  	s24 =	sshrl.u32 s5, $0x3;
	s1 =	simm.s32 $0x4;
	s5 =	simm.s32 $0x5  }
0xe: {  	s11 =	simm.s32 $0x8;
	s12 =	simm.s32 $0x9;
	s7 =	sadd.s32 $0x42600, s7  }
0xf: {  	s18 =	sshrl.u32 s6, $0x3;
	[dreg:$0x5] =	wrdreg s0;
	s0 =	sshrl.u32 s22, $0x3  }
0x10: {  	s15 =	sor.u32 $0x400, s6;
	s25 =	sadd.s32 s10, s24;
	s26 =	smax.u32 s13, $0x1  }
0x11: {  	s22 =	simm.s32 $0x13880;
	s24 =	simm.s32 $0x14D00;
	[dreg:$0x4] =	wrdreg s7  }
0x12: {  	s9 =	sadd.s32 s4, s18;
	s0 =	sadd.s32 s10, s0;
	[dreg:$0xc] =	wrdreg s26  }
0x13: {  	s13 =	simm.s32 $0xA;
	s19 =	sadd.s32 $0x10, s9;
	[dreg:$0xa] =	wrdreg s0  }
0x14: {  	s7 =	sadd.s32 $0x138000, s2;
	s20 =	sadd.s32 $0x20, s9;
	[dreg:$0x6] =	wrdreg s19  }
0x15: {  	s26 =	simm.s32 $0x14E00;
	s21 =	sadd.s32 $0x30, s9;
	[dreg:$0x7] =	wrdreg s20  }
.Ltmp0:
0x16: {  	s23 =	sadd.s32 $0x40, s9;
	[dreg:$0x8] =	wrdreg s21;
	(pc) =	sbr.rel .LBB2_1-.Ltmp0, $4  }
0x17: {  	s10 =	simm.s32 $0x7;
	s0 =	sadd.s32 $0x27000, s25;
	[dreg:$0x9] =	wrdreg s23  }
0x18: {  	s25 =	simm.s32 $0x14D80;
	[dreg:$0xb] =	wrdreg s0;
	s19 =	sshrl.u32 s14, $0x3  }
0x19: {  	s20 =	simm.s32 $0xB;
	s21 =	sshrl.u32 @!p0 s7, $0x3;
	s23 =	simm.s32 $0x14C80  }
0x1a: {  	s0 =	simm.s32 $0x3;
	s7 =	simm.s32 $0x6;
	s14 =	simm.s32 $0x0  }
.LBB2_4:
0x1b: {  	_ =	swait.ge [sflag:s10], $0x1400  }
0x1c: {  	[sflag:s10] =	ssyncset.done $0x0  }
0x1d: {  	[sflag:s10] =	ssyncadd.s32 $0xFFFFEC00  }
0x1e: {  	_ =	swait.ge [sflag:s11], $0x1400  }
0x1f: {  	[sflag:s11] =	ssyncset.done $0x0  }
0x20: {  	[sflag:s11] =	ssyncadd.s32 $0xFFFFEC00  }
0x21: {  	_ =	swait.ge [sflag:s12], $0x1400  }
0x22: {  	[sflag:s12] =	ssyncset.done $0x0  }
0x23: {  	[sflag:s12] =	ssyncadd.s32 $0xFFFFEC00  }
0x24: {  	_ =	swait.ge [sflag:s13], $0x1400  }
0x25: {  	[sflag:s13] =	ssyncset.done $0x0  }
0x26: {  	[sflag:s13] =	ssyncadd.s32 $0xFFFFEC00  }
0x27: {  	[bflag:$0x0] =	sbarrier.arrive $0xFFFF  }
0x28: {  	s16 =	rddreg [dreg:$0xa]  }
0x29: {  	[hbm:s16], [sflag:s8] =	dma.local [spmem:s19], $0x2700  }
0x2a: {  	_ =	swait.ge [sflag:s20], $0x2700  }
0x2b: {  	[sflag:s20] =	ssyncset.done $0x0  }
0x2c: {  	s16 =	rddreg [dreg:$0xb];
	[sflag:s20] =	ssyncadd.s32 $0xFFFFD900  }
0x2d: {  	[hbm:s16], [sflag:s8] =	dma.local @!p0 [spmem:s21], $0x100  }
0x2e: {  	s16 =	simm.s32 @!p0 $0xB  }
0x2f: {  	_ =	swait.ge @!p0 [sflag:s16], $0x100  }
0x30: {  	s14 =	sadd.s32 $0x1, s14;
	s17 =	rddreg [dreg:$0xc]  }
0x31: {  	p1 =	sne.s32 s14, s17  }
.Ltmp1:
0x32: {  	_ = 	snop;
	(pc) =	sbr.rel @!p1 .LBB2_5-.Ltmp1, $3  }
0x33: {  	_ =	sdelay $0x1  }
0x34: {  	[sflag:s16] =	ssyncset.done @!p0 $0x0  }
0x35: {  	[sflag:s16] =	ssyncadd.s32 @!p0 $0xFFFFFF00  }
.LBB2_1:
0x36: {  	s16 =	rddreg [dreg:$0x4]  }
0x37: {  	[spmem:s19], [sflag:s8] =	dma.local [hbm:s16], $0x2700  }
0x38: {  	_ =	swait.ge [sflag:s20], $0x2700  }
0x39: {  	[sflag:s20] =	ssyncset.done $0x0  }
0x3a: {  	s16 =	rddreg [dreg:$0x5];
	[sflag:s20] =	ssyncadd.s32 $0xFFFFD900  }
0x3b: {  	[spmem:s21], [sflag:s8] =	dma.local @!p0 [hbm:s16], $0x100  }
0x3c: {  	s16 =	simm.s32 @!p0 $0xB  }
0x3d: {  	_ =	swait.ge @!p0 [sflag:s16], $0x100  }
0x3e: {  	[sflag:s16] =	ssyncset.done @!p0 $0x0  }
0x3f: {  	s18 =	rddreg [dreg:$0x3];
	[sflag:s16] =	ssyncadd.s32 @!p0 $0xFFFFFF00  }
0x40: {  	[tilespmem:s22], [sflag:$0xB] =	stream.linear.gather [hbm4b:s18+s3], $0x1400, $0x38;
	[tilespmem:$0x14F00] =	vst v63  }
0x41: {  	_ =	swait.ge [sflag:s20], $0x1400  }
0x42: {  	[sflag:s20] =	ssyncset.done $0x0  }
0x43: {  	[sflag:s20] =	ssyncadd.s32 $0xFFFFEC00  }
0x44: {  	[bflag:$0x0] =	sbarrier.arrive $0xFFFF  }
0x45: {  	[tilespmem:s23], [sflag:$0x1] =	stream.linear.gather [hbm4b:s9+s3], $0x80, $0x38;
	[tilespmem:$0x14F00] =	vst v63  }
0x46: {  	s17 =	rddreg [dreg:$0x6]  }
0x47: {  	[tilespmem:s24], [sflag:$0x2] =	stream.linear.gather [hbm4b:s17+s3], $0x80, $0x38;
	[tilespmem:$0x14F00] =	vst v63  }
0x48: {  	s18 =	rddreg [dreg:$0x7]  }
0x49: {  	[tilespmem:s25], [sflag:$0x3] =	stream.linear.gather [hbm4b:s18+s3], $0x80, $0x38;
	[tilespmem:$0x14F00] =	vst v63  }
0x4a: {  	s17 =	rddreg [dreg:$0x8]  }
0x4b: {  	[tilespmem:s26], [sflag:$0x4] =	stream.linear.gather [hbm4b:s17+s3], $0x80, $0x38;
	[tilespmem:$0x14F00] =	vst v63  }
0x4c: {  	s16 =	simm.s32 $0x480;
	s18 =	rddreg [dreg:$0x9]  }
0x4d: {  	[tilespmem:s28], [sflag:$0x5] =	stream.linear.gather [hbm4b:s18+s3], $0x80, $0x38;
	[tilespmem:$0x14F00] =	vst v63  }
.LBB2_2:
0x4e: {  	_ =	swait.ge [sflag:s29], $0x80  }
0x4f: {  	[sflag:s29] =	ssyncset.done $0x0  }
0x50: {  	[sflag:s29] =	ssyncadd.s32 $0xFFFFFF80  }
0x51: {  	[spmem:s2] =	stream.indirect.scatter.add.f32 [tilespmem:s22], [sflag:$0x6], $0x80, s23, s30, $0xb8;
	[tilespmem:$0x14F00] =	vst v63  }
0x52: {  	_ =	swait.ge [sflag:s31], $0x80  }
0x53: {  	[sflag:s31] =	ssyncset.done $0x0  }
0x54: {  	[sflag:s31] =	ssyncadd.s32 $0xFFFFFF80  }
0x55: {  	[spmem:s2] =	stream.indirect.scatter.add.f32 [tilespmem:s22], [sflag:$0x7], $0x80, s24, s30, $0xb8;
	[tilespmem:$0x14F00] =	vst v63  }
0x56: {  	_ =	swait.ge [sflag:s0], $0x80  }
0x57: {  	[sflag:s0] =	ssyncset.done $0x0  }
0x58: {  	[sflag:s0] =	ssyncadd.s32 $0xFFFFFF80  }
0x59: {  	[spmem:s2] =	stream.indirect.scatter.add.f32 [tilespmem:s22], [sflag:$0x8], $0x80, s25, s30, $0xb8;
	[tilespmem:$0x14F00] =	vst v63  }
0x5a: {  	_ =	swait.ge [sflag:s1], $0x80  }
0x5b: {  	[sflag:s1] =	ssyncset.done $0x0  }
0x5c: {  	[sflag:s1] =	ssyncadd.s32 $0xFFFFFF80  }
0x5d: {  	[spmem:s2] =	stream.indirect.scatter.add.f32 [tilespmem:s22], [sflag:$0x9], $0x80, s26, s30, $0xb8;
	[tilespmem:$0x14F00] =	vst v63  }
0x5e: {  	_ =	swait.ge [sflag:s5], $0x80  }
0x5f: {  	p1 =	seq.s32 s16, $0x7F00;
	[sflag:s5] =	ssyncset.done $0x0  }
.Ltmp2:
0x60: {  	[sflag:s5] =	ssyncadd.s32 $0xFFFFFF80;
	(pc) =	sbr.rel @p1 .LBB2_4-.Ltmp2, $4  }
0x61: {  	[spmem:s2] =	stream.indirect.scatter.add.f32 [tilespmem:s22], [sflag:$0xA], $0x80, s28, s30, $0xb8;
	[tilespmem:$0x14F00] =	vst v63  }
0x62: {  	_ =	swait.ge [sflag:s7], $0x1400  }
0x63: {  	[sflag:s7] =	ssyncset.done $0x0  }
0x64: {  	[sflag:s7] =	ssyncadd.s32 $0xFFFFEC00  }
0x65: {  	s17 =	sadd.s32 $0xFFFFFE00, s16  }
0x66: {  	s18 =	sand.u32 $0x1FC00, s17  }
0x67: {  	s17 =	sand.u32 $0x380, s17;
	s18 =	sadd.s32 s6, s18  }
0x68: {  	s17 =	sor.u32 s17, s18  }
0x69: {  	s17 =	sshrl.u32 s17, $0x3  }
0x6a: {  	s17 =	sadd.s32 s4, s17  }
0x6b: {  	[tilespmem:s23], [sflag:$0x1] =	stream.linear.gather [hbm4b:s17+s3], $0x80, $0x38;
	[tilespmem:$0x14F00] =	vst v63  }
0x6c: {  	s17 =	sadd.s32 $0xFFFFFE80, s16  }
0x6d: {  	s18 =	sand.u32 $0x1FC00, s17  }
0x6e: {  	s17 =	sand.u32 $0x380, s17;
	s18 =	sadd.s32 s6, s18  }
0x6f: {  	_ =	swait.ge [sflag:s10], $0x1400;
	s17 =	sor.u32 s17, s18  }
0x70: {  	[sflag:s10] =	ssyncset.done $0x0;
	s17 =	sshrl.u32 s17, $0x3  }
0x71: {  	[sflag:s10] =	ssyncadd.s32 $0xFFFFEC00;
	s17 =	sadd.s32 s4, s17  }
0x72: {  	[tilespmem:s24], [sflag:$0x2] =	stream.linear.gather [hbm4b:s17+s3], $0x80, $0x38;
	[tilespmem:$0x14F00] =	vst v63  }
0x73: {  	s17 =	sadd.s32 $0xFFFFFF00, s16  }
0x74: {  	s18 =	sand.u32 $0x1FC00, s17  }
0x75: {  	s17 =	sand.u32 $0x380, s17;
	s18 =	sadd.s32 s6, s18  }
0x76: {  	_ =	swait.ge [sflag:s11], $0x1400;
	s17 =	sor.u32 s17, s18  }
0x77: {  	[sflag:s11] =	ssyncset.done $0x0;
	s17 =	sshrl.u32 s17, $0x3  }
0x78: {  	s18 =	sadd.s32 $0xFFFFFB80, s16;
	[sflag:s11] =	ssyncadd.s32 $0xFFFFEC00;
	s17 =	sadd.s32 s4, s17  }
0x79: {  	[tilespmem:s25], [sflag:$0x3] =	stream.linear.gather [hbm4b:s17+s3], $0x80, $0x38;
	[tilespmem:$0x14F00] =	vst v63  }
0x7a: {  	s17 =	sand.u32 $0xFC00, s18  }
0x7b: {  	s18 =	sand.u32 $0x380, s18;
	s17 =	sadd.s32 s17, s15  }
0x7c: {  	_ =	swait.ge [sflag:s12], $0x1400;
	s17 =	sor.u32 s18, s17  }
0x7d: {  	[sflag:s12] =	ssyncset.done $0x0;
	s17 =	sshrl.u32 s17, $0x3  }
0x7e: {  	s18 =	sand.u32 $0x1FC00, s16;
	[sflag:s12] =	ssyncadd.s32 $0xFFFFEC00;
	s17 =	sadd.s32 s4, s17  }
0x7f: {  	[tilespmem:s26], [sflag:$0x4] =	stream.linear.gather [hbm4b:s17+s3], $0x80, $0x38;
	[tilespmem:$0x14F00] =	vst v63  }
.Ltmp3:
0x80: {  	s17 =	sadd.s32 s6, s18;
	s18 =	sand.u32 $0x380, s16;
	(pc) =	sbr.rel .LBB2_2-.Ltmp3, $4  }
0x81: {  	_ =	swait.ge [sflag:s13], $0x1400;
	s17 =	sor.u32 s18, s17  }
0x82: {  	[sflag:s13] =	ssyncset.done $0x0;
	s17 =	sshrl.u32 s17, $0x3  }
0x83: {  	s16 =	sadd.s32 $0x280, s16;
	[sflag:s13] =	ssyncadd.s32 $0xFFFFEC00;
	s17 =	sadd.s32 s4, s17  }
0x84: {  	[tilespmem:s28], [sflag:$0x5] =	stream.linear.gather [hbm4b:s17+s3], $0x80, $0x38;
	[tilespmem:$0x14F00] =	vst v63  }
.LBB2_5:
0x85: {  	_ =	sfence.sel $0x180000  }
0x86: {  	[bflag:$0x0] =	sbarrier.arrive $0xFFFF  }
0x87: {  	_ =	strace $0x9000004A  }
0x88: {  	s0 =	stileid.u32;
	[bflag:$0x2] =	sbarrier.arrive $0xFFFF  }
0x89: {  	p0 =	sne.s32 s0, $0x0;
	s0 =	rddreg [dreg:$0x2]  }
0x8a: {  	s0 =	sadd.s32 @!p0 $0x100000, s0  }
0x8b: {  	[sflag:s0] =	ssyncadd.tile.s32 @!p0 $0x1;
	_ =	shalt  }
.Lfunc_end2:
_tile_overlayer_lowered:
.L_overlay_start_2:
0x8c: {  	(tag) =	ssettag $0x2  }
0x8d: {  	s0 =	rddreg [dreg:$0x0];
	s2 =	stileid.u32  }
0x8e: {  	s1 =	rddreg [dreg:$0x1];
	p0 =	sne.s32 s2, $0x0  }
0x8f: {  	s3 =	rddreg [dreg:$0x2];
	[bflag:$0x3] =	sbarrier.arrive $0xFFFF;
	s2 =	simm.s32 @!p0 $0x1C0B  }
0x90: {  	[timem:s3], [sflag:s2] =	dma.local @!p0 [hbm:s0], s1  }
0x91: {  	s0 =	simm.s32 @!p0 $0xB  }
0x92: {  	_ =	swait.ge @!p0 [sflag:s0], s1  }
0x93: {  	s1 =	ssub.s32 @!p0 $0x0, s1;
	[sflag:s0] =	ssyncset.done @!p0 $0x0  }
0x94: {  	[sflag:s0] =	ssyncadd.s32 @!p0 s1  }
0x95: {  	[bflag:$0x3] =	sbarrier.arrive $0xFFFF  }
0x96: {  	_ =	shalt  }

</sc_bundles>
